<compile_context>
chip_gen: v7x
topology: tpu7x:2x2x1
jax: 0.10.2.dev20260603
libtpu: 0.0.44.dev20260713+nightly
codegen_flags: <defaults>
</compile_context>

<pallas_src>
import functools

import jax
import jax.numpy as jnp
from jax import lax
from jax.experimental import pallas as pl
from jax.experimental.pallas import tpu as pltpu
from jax.experimental.pallas import tpu_sc as plsc

N_PLAYERS = 1000000
N_COURSES = 100000
EMBED_DIM = 16
BATCH = 16384

NC = 2
NS = 16
NW = NC * NS
BPW = BATCH // NW
CHUNK = 128
NCHUNK = BPW // CHUNK
GROUPS = BPW // 16

P_TILES = (N_PLAYERS + 127) // 128
C_TILES = (N_COURSES + 127) // 128
P_PAD = P_TILES * 128 - N_PLAYERS
C_PAD = C_TILES * 128 - N_COURSES
P_SLAB = P_TILES * 1024
C_SLAB = C_TILES * 1024
P_LEN = (P_TILES - 1) * 1024 + 128
C_LEN = (C_TILES - 1) * 1024 + 128

_mesh = plsc.VectorSubcoreMesh(core_axis_name="c", subcore_axis_name="s")


@functools.partial(
    pl.kernel,
    out_type=jax.ShapeDtypeStruct((BATCH,), jnp.float32),
    mesh=_mesh,
    compiler_params=pltpu.CompilerParams(
        needs_layout_passes=False, use_tc_tiling_on_sc=False),
    scratch_types=[
        pltpu.VMEM((BPW,), jnp.int32),
        pltpu.VMEM((BPW,), jnp.int32),
        pltpu.VMEM((BPW,), jnp.int32),
        pltpu.VMEM((BPW,), jnp.int32),
        pltpu.VMEM((EMBED_DIM * BPW,), jnp.float32),
        pltpu.VMEM((EMBED_DIM * BPW,), jnp.float32),
        pltpu.VMEM((BPW,), jnp.float32),
        pltpu.VMEM((BPW,), jnp.float32),
        pltpu.VMEM((16,), jnp.float32),
        pltpu.VMEM((BPW,), jnp.float32),
        pltpu.SemaphoreType.DMA,
    ],
)
def _sc_kernel(pid_hbm, cid_hbm, pemb_hbm, cemb_hbm, pbias_hbm, cbias_hbm,
               gbias_hbm, out_hbm,
               idx_p, idx_c, up, uc, prow, crow, pbv, cbv, gbv, outv, sem):
    wid = lax.axis_index("s") * NC + lax.axis_index("c")

    pltpu.sync_copy(pid_hbm.at[wid], idx_p)
    pltpu.sync_copy(cid_hbm.at[wid], idx_c)
    pltpu.sync_copy(gbias_hbm, gbv)

    def off_body(m, _):
        sl = pl.ds(pl.multiple_of(m * 16, 16), 16)
        pi = idx_p[sl]
        ci = idx_c[sl]
        up[sl] = ((pi >> 7) << 10) + (pi & 127)
        uc[sl] = ((ci >> 7) << 10) + (ci & 127)
        return 0

    lax.fori_loop(0, GROUPS, off_body, 0)

    copies = []
    for j in range(NCHUNK):
        sl = pl.ds(j * CHUNK, CHUNK)
        copies.append(pltpu.async_copy(pbias_hbm.at[idx_p.at[sl]], pbv.at[sl], sem))
        copies.append(pltpu.async_copy(cbias_hbm.at[idx_c.at[sl]], cbv.at[sl], sem))

    for d in range(EMBED_DIM):
        p_slab = pemb_hbm.at[pl.ds((d // 8) * P_SLAB + (d % 8) * 128, P_LEN)]
        c_slab = cemb_hbm.at[pl.ds((d // 8) * C_SLAB + (d % 8) * 128, C_LEN)]
        for j in range(NCHUNK):
            sl = pl.ds(j * CHUNK, CHUNK)
            dsl = pl.ds(d * BPW + j * CHUNK, CHUNK)
            copies.append(pltpu.async_copy(p_slab.at[up.at[sl]], prow.at[dsl], sem))
            copies.append(pltpu.async_copy(c_slab.at[uc.at[sl]], crow.at[dsl], sem))
    for c in copies:
        c.wait()

    gb = gbv[...]

    def group_body(g, _):
        base = pl.multiple_of(g * 16, 16)
        acc = pbv[pl.ds(base, 16)] + cbv[pl.ds(base, 16)] + gb
        for d in range(EMBED_DIM):
            pv = prow[pl.ds(pl.multiple_of(d * BPW + g * 16, 16), 16)]
            cv = crow[pl.ds(pl.multiple_of(d * BPW + g * 16, 16), 16)]
            acc = acc + pv * cv
        outv[pl.ds(base, 16)] = 1.0 / (1.0 + jnp.exp(-acc))
        return 0

    lax.fori_loop(0, GROUPS, group_body, 0)

    base = pl.multiple_of(wid * BPW, BPW)
    pltpu.sync_copy(outv, out_hbm.at[pl.ds(base, BPW)])


def _bias_flat(bias, granule=1024):
    n = bias.shape[0]
    padded = ((n + granule - 1) // granule) * granule
    return jnp.pad(bias, ((0, padded - n), (0, 0))).T.reshape(-1)


def _physical_flat(table, n_rows, n_tiles, pad):
    t = jnp.pad(table.T, ((0, 0), (0, pad)))
    return t.reshape(2, 8, n_tiles, 128).transpose(0, 2, 1, 3).reshape(-1)


def kernel(player_ids, course_ids, player_embed, course_embed, player_bias,
           course_bias, global_bias):
    pid = player_ids.astype(jnp.int32).reshape(NW, BPW)
    cid = course_ids.astype(jnp.int32).reshape(NW, BPW)
    pemb = _physical_flat(player_embed, N_PLAYERS, P_TILES, P_PAD)
    cemb = _physical_flat(course_embed, N_COURSES, C_TILES, C_PAD)
    pb = _bias_flat(player_bias)
    cb = _bias_flat(course_bias)
    gb = jnp.broadcast_to(global_bias.astype(jnp.float32), (16,))
    return _sc_kernel(pid, cid, pemb, cemb, pb, cb, gb)

# --- scband reference (transcript-rebuilt; emitter-appended) ---
"""Pipeline reference for scband-course-embedding-model-79053168050241 (READ-ONLY COPY).

The authoritative reference and input builder live on the scoring server;
editing this copy changes nothing except your own understanding.
"""

import jax, jax.numpy as jnp
import numpy as np

N_PLAYERS = 1000000
N_COURSES = 100000
EMBED_DIM = 16
BATCH = 16384

def setup_inputs(seed: int = 0) -> dict:
    key = jax.random.key(seed)
    k1, k2, k3, k4, k5, k6 = jax.random.split(key, 6)
    player_ids = jax.random.randint(k1, (BATCH,), 0, N_PLAYERS, dtype=jnp.int64 if jax.config.jax_enable_x64 else jnp.int32)
    course_ids = jax.random.randint(k2, (BATCH,), 0, N_COURSES, dtype=jnp.int64 if jax.config.jax_enable_x64 else jnp.int32)
    player_embed = jax.random.normal(k3, (N_PLAYERS, EMBED_DIM), dtype=jnp.float32) * 0.01
    course_embed = jax.random.normal(k4, (N_COURSES, EMBED_DIM), dtype=jnp.float32) * 0.01
    player_bias = jax.random.normal(k5, (N_PLAYERS, 1), dtype=jnp.float32)
    course_bias = jax.random.normal(k6, (N_COURSES, 1), dtype=jnp.float32)
    global_bias = jnp.zeros((1,), dtype=jnp.float32)
    return {
        "player_ids": player_ids,
        "course_ids": course_ids,
        "player_embed": player_embed,
        "course_embed": course_embed,
        "player_bias": player_bias,
        "course_bias": course_bias,
        "global_bias": global_bias,
    }

def reference(player_ids, course_ids, player_embed, course_embed, player_bias, course_bias, global_bias):
    p = jnp.take(player_embed, player_ids, axis=0)
    c = jnp.take(course_embed, course_ids, axis=0)
    dot = jnp.sum(p * c, axis=1, keepdims=True)
    pb = jnp.take(player_bias, player_ids, axis=0)
    cb = jnp.take(course_bias, course_ids, axis=0)
    pred = jnp.squeeze(dot + pb + cb + global_bias, axis=1)
    return jax.nn.sigmoid(pred)

if __name__ == "__main__":
    import jax
    _d = setup_inputs()
    print(jax.jit(kernel)(*tuple(_d.values())))

</pallas_src>

<mosaic_0001>
#map = affine_map<(d0, d1) -> (0, 0)>
#map1 = affine_map<(d0, d1) -> (0)>
module attributes {stable_mosaic.version = 14 : i64} {
  func.func @_sc_kernel(%arg0: i32, %arg1: i32, %arg2: memref<32x512xi32, #tpu.memory_space<hbm>>, %arg3: memref<32x512xi32, #tpu.memory_space<hbm>>, %arg4: memref<16001024xf32, #tpu.memory_space<hbm>>, %arg5: memref<1601536xf32, #tpu.memory_space<hbm>>, %arg6: memref<1000448xf32, #tpu.memory_space<hbm>>, %arg7: memref<100352xf32, #tpu.memory_space<hbm>>, %arg8: memref<16xf32, #tpu.memory_space<hbm>>, %arg9: memref<16384xf32, #tpu.memory_space<hbm>>, %arg10: memref<512xi32, #tpu.memory_space<vmem>>, %arg11: memref<512xi32, #tpu.memory_space<vmem>>, %arg12: memref<512xi32, #tpu.memory_space<vmem>>, %arg13: memref<512xi32, #tpu.memory_space<vmem>>, %arg14: memref<8192xf32, #tpu.memory_space<vmem>>, %arg15: memref<8192xf32, #tpu.memory_space<vmem>>, %arg16: memref<512xf32, #tpu.memory_space<vmem>>, %arg17: memref<512xf32, #tpu.memory_space<vmem>>, %arg18: memref<16xf32, #tpu.memory_space<vmem>>, %arg19: memref<512xf32, #tpu.memory_space<vmem>>, %arg20: memref<!tpu.dma_semaphore, #tpu.memory_space<semaphore_mem>>) attributes {dimension_semantics = [#tpu.dimension_semantics<core_parallel>, #tpu.dimension_semantics<subcore_parallel>], iteration_bounds = array<i64: 2, 16>, scalar_prefetch = 0 : i64, scratch_operands = 11 : i64, tpu.core_type = #tpu.core_type<sc_vector_subcore>, window_params = [{transform_indices = #map}, {transform_indices = #map}, {transform_indices = #map1}, {transform_indices = #map1}, {transform_indices = #map1}, {transform_indices = #map1}, {transform_indices = #map1}, {transform_indices = #map1}]} {
    %mul3A = arith.constant 2 : i32
    %mul3A_0 = arith.muli %arg1, %mul3A : i32
    %add3A = arith.addi %mul3A_0, %arg0 : i32
    "tpu.region"() ({
      %run_scoped3A = tpu.sem_alloc : memref<!tpu.dma_semaphore, #tpu.memory_space<semaphore_mem>>
      %dma_start3A_2159 = arith.constant 0 : i32
      %dma_start3A_2160 = tpu.memref_slice %arg2[%add3A, %dma_start3A_2159] : memref<32x512xi32, #tpu.memory_space<hbm>> -> memref<1x512xi32, #tpu.memory_space<hbm>>
      %dma_start3A_2161 = tpu.memref_squeeze %dma_start3A_2160 : memref<1x512xi32, #tpu.memory_space<hbm>> -> memref<512xi32, #tpu.memory_space<hbm>>
      %dma_start3A_2162 = arith.constant 0 : i32
      %dma_start3A_2163 = tpu.memref_slice %arg2[%add3A, %dma_start3A_2162] : memref<32x512xi32, #tpu.memory_space<hbm>> -> memref<1x512xi32, #tpu.memory_space<hbm>>
      %dma_start3A_2164 = tpu.memref_squeeze %dma_start3A_2163 : memref<1x512xi32, #tpu.memory_space<hbm>> -> memref<512xi32, #tpu.memory_space<hbm>>
      tpu.enqueue_dma source(%dma_start3A_2164 : memref<512xi32, #tpu.memory_space<hbm>>) target(%arg10 : memref<512xi32, #tpu.memory_space<vmem>>) target_semaphore(%run_scoped3A : memref<!tpu.dma_semaphore, #tpu.memory_space<semaphore_mem>>)
      %dma_wait3A_2165 = arith.constant 0 : i32
      %dma_wait3A_2166 = tpu.memref_slice %arg2[%add3A, %dma_wait3A_2165] : memref<32x512xi32, #tpu.memory_space<hbm>> -> memref<1x512xi32, #tpu.memory_space<hbm>>
      %dma_wait3A_2167 = tpu.memref_squeeze %dma_wait3A_2166 : memref<1x512xi32, #tpu.memory_space<hbm>> -> memref<512xi32, #tpu.memory_space<hbm>>
      %dma_wait3A_2168 = arith.constant 0 : i32
      %dma_wait3A_2169 = tpu.memref_slice %arg2[%add3A, %dma_wait3A_2168] : memref<32x512xi32, #tpu.memory_space<hbm>> -> memref<1x512xi32, #tpu.memory_space<hbm>>
      %dma_wait3A_2170 = tpu.memref_squeeze %dma_wait3A_2169 : memref<1x512xi32, #tpu.memory_space<hbm>> -> memref<512xi32, #tpu.memory_space<hbm>>
      tpu.wait_dma2 semaphore(%run_scoped3A : memref<!tpu.dma_semaphore, #tpu.memory_space<semaphore_mem>>) src(%dma_wait3A_2170 : memref<512xi32, #tpu.memory_space<hbm>>) dst(%arg10 : memref<512xi32, #tpu.memory_space<vmem>>)
      tpu.yield
    }) : () -> ()
    "tpu.region"() ({
      %run_scoped3A = tpu.sem_alloc : memref<!tpu.dma_semaphore, #tpu.memory_space<semaphore_mem>>
      %dma_start3A_2159 = arith.constant 0 : i32
      %dma_start3A_2160 = tpu.memref_slice %arg3[%add3A, %dma_start3A_2159] : memref<32x512xi32, #tpu.memory_space<hbm>> -> memref<1x512xi32, #tpu.memory_space<hbm>>
      %dma_start3A_2161 = tpu.memref_squeeze %dma_start3A_2160 : memref<1x512xi32, #tpu.memory_space<hbm>> -> memref<512xi32, #tpu.memory_space<hbm>>
      %dma_start3A_2162 = arith.constant 0 : i32
      %dma_start3A_2163 = tpu.memref_slice %arg3[%add3A, %dma_start3A_2162] : memref<32x512xi32, #tpu.memory_space<hbm>> -> memref<1x512xi32, #tpu.memory_space<hbm>>
      %dma_start3A_2164 = tpu.memref_squeeze %dma_start3A_2163 : memref<1x512xi32, #tpu.memory_space<hbm>> -> memref<512xi32, #tpu.memory_space<hbm>>
      tpu.enqueue_dma source(%dma_start3A_2164 : memref<512xi32, #tpu.memory_space<hbm>>) target(%arg11 : memref<512xi32, #tpu.memory_space<vmem>>) target_semaphore(%run_scoped3A : memref<!tpu.dma_semaphore, #tpu.memory_space<semaphore_mem>>)
      %dma_wait3A_2165 = arith.constant 0 : i32
      %dma_wait3A_2166 = tpu.memref_slice %arg3[%add3A, %dma_wait3A_2165] : memref<32x512xi32, #tpu.memory_space<hbm>> -> memref<1x512xi32, #tpu.memory_space<hbm>>
      %dma_wait3A_2167 = tpu.memref_squeeze %dma_wait3A_2166 : memref<1x512xi32, #tpu.memory_space<hbm>> -> memref<512xi32, #tpu.memory_space<hbm>>
      %dma_wait3A_2168 = arith.constant 0 : i32
      %dma_wait3A_2169 = tpu.memref_slice %arg3[%add3A, %dma_wait3A_2168] : memref<32x512xi32, #tpu.memory_space<hbm>> -> memref<1x512xi32, #tpu.memory_space<hbm>>
      %dma_wait3A_2170 = tpu.memref_squeeze %dma_wait3A_2169 : memref<1x512xi32, #tpu.memory_space<hbm>> -> memref<512xi32, #tpu.memory_space<hbm>>
      tpu.wait_dma2 semaphore(%run_scoped3A : memref<!tpu.dma_semaphore, #tpu.memory_space<semaphore_mem>>) src(%dma_wait3A_2170 : memref<512xi32, #tpu.memory_space<hbm>>) dst(%arg11 : memref<512xi32, #tpu.memory_space<vmem>>)
      tpu.yield
    }) : () -> ()
    "tpu.region"() ({
      %run_scoped3A = tpu.sem_alloc : memref<!tpu.dma_semaphore, #tpu.memory_space<semaphore_mem>>
      tpu.enqueue_dma source(%arg8 : memref<16xf32, #tpu.memory_space<hbm>>) target(%arg18 : memref<16xf32, #tpu.memory_space<vmem>>) target_semaphore(%run_scoped3A : memref<!tpu.dma_semaphore, #tpu.memory_space<semaphore_mem>>)
      tpu.wait_dma2 semaphore(%run_scoped3A : memref<!tpu.dma_semaphore, #tpu.memory_space<semaphore_mem>>) src(%arg8 : memref<16xf32, #tpu.memory_space<hbm>>) dst(%arg18 : memref<16xf32, #tpu.memory_space<vmem>>)
      tpu.yield
    }) : () -> ()
    %scan3A = arith.constant 0 : i32
    %scan3A_1 = arith.constant 0 : i32
    %scan3A_2 = arith.constant 32 : i32
    %scan3A_3 = arith.addi %scan3A_1, %scan3A_2 : i32
    %scan3A_4 = arith.constant 1 : i32
    %scan3A_5 = scf.for %scan3A_2159 = %scan3A_1 to %scan3A_3 step %scan3A_4 iter_args(%scan3A_2160 = %scan3A) -> (i32)  : i32 {
      %mul3A_2161 = arith.constant 16 : i32
      %mul3A_2162 = arith.muli %scan3A_2159, %mul3A_2161 : i32
      %multiple_of3A_2163 = tpu.assume_multiple %mul3A_2162, 16 : i32
      %get3A_2164 = arith.index_cast %multiple_of3A_2163 : i32 to index
      %get3A_2165 = tpu.vector_load %arg10[%get3A_2164] {strides = array<i32>} : memref<512xi32, #tpu.memory_space<vmem>>, vector<16xi32>,
      %get3A_2166 = arith.index_cast %multiple_of3A_2163 : i32 to index
      %get3A_2167 = tpu.vector_load %arg11[%get3A_2166] {strides = array<i32>} : memref<512xi32, #tpu.memory_space<vmem>>, vector<16xi32>,
      %shift_right_arithmetic3A = arith.constant 7 : i32
      %shift_right_arithmetic3A_2168 = vector.broadcast %shift_right_arithmetic3A : i32 to vector<16xi32>
      %shift_right_arithmetic3A_2169 = arith.shrsi %get3A_2165, %shift_right_arithmetic3A_2168 : vector<16xi32>
      %shift_left3A = arith.constant 10 : i32
      %shift_left3A_2170 = vector.broadcast %shift_left3A : i32 to vector<16xi32>
      %shift_left3A_2171 = arith.shli %shift_right_arithmetic3A_2169, %shift_left3A_2170 : vector<16xi32>
      %and3A = arith.constant 127 : i32
      %and3A_2172 = vector.broadcast %and3A : i32 to vector<16xi32>
      %and3A_2173 = arith.andi %get3A_2165, %and3A_2172 : vector<16xi32>
      %add3A_2174 = arith.addi %shift_left3A_2171, %and3A_2173 : vector<16xi32>
      %swap3A = arith.index_cast %multiple_of3A_2163 : i32 to index
      %swap3A_2175 = tpu.vector_load %arg12[%swap3A] {strides = array<i32>} : memref<512xi32, #tpu.memory_space<vmem>>, vector<16xi32>,
      tpu.vector_store %arg12[%swap3A], %add3A_2174 {strides = array<i32>} : memref<512xi32, #tpu.memory_space<vmem>>, vector<16xi32>,
      %shift_right_arithmetic3A_2176 = arith.constant 7 : i32
      %shift_right_arithmetic3A_2177 = vector.broadcast %shift_right_arithmetic3A_2176 : i32 to vector<16xi32>
      %shift_right_arithmetic3A_2178 = arith.shrsi %get3A_2167, %shift_right_arithmetic3A_2177 : vector<16xi32>
      %shift_left3A_2179 = arith.constant 10 : i32
      %shift_left3A_2180 = vector.broadcast %shift_left3A_2179 : i32 to vector<16xi32>
      %shift_left3A_2181 = arith.shli %shift_right_arithmetic3A_2178, %shift_left3A_2180 : vector<16xi32>
      %and3A_2182 = arith.constant 127 : i32
      %and3A_2183 = vector.broadcast %and3A_2182 : i32 to vector<16xi32>
      %and3A_2184 = arith.andi %get3A_2167, %and3A_2183 : vector<16xi32>
      %add3A_2185 = arith.addi %shift_left3A_2181, %and3A_2184 : vector<16xi32>
      %swap3A_2186 = arith.index_cast %multiple_of3A_2163 : i32 to index
      %swap3A_2187 = tpu.vector_load %arg13[%swap3A_2186] {strides = array<i32>} : memref<512xi32, #tpu.memory_space<vmem>>, vector<16xi32>,
      tpu.vector_store %arg13[%swap3A_2186], %add3A_2185 {strides = array<i32>} : memref<512xi32, #tpu.memory_space<vmem>>, vector<16xi32>,
      %scan3A_2188 = arith.constant 0 : i32
      scf.yield %scan3A_2188 : i32
    }
    %scan3A_6 = arith.constant 32 : i32
    %dma_start3A = arith.constant 0 : i32
    %dma_start3A_7 = tpu.memref_slice %arg16[%dma_start3A] : memref<512xf32, #tpu.memory_space<vmem>> -> memref<128xf32, #tpu.memory_space<vmem>>
    %dma_start3A_8 = arith.constant 0 : i32
    %dma_start3A_9 = tpu.memref_slice %arg10[%dma_start3A_8] : memref<512xi32, #tpu.memory_space<vmem>> -> memref<128xi32, #tpu.memory_space<vmem>>
    %dma_start3A_10 = arith.constant 0 : i32
    %dma_start3A_11 = tpu.memref_slice %arg6[%dma_start3A_10] : memref<1000448xf32, #tpu.memory_space<hbm>> -> memref<1000448xf32, #tpu.memory_space<hbm>>
    tpu.enqueue_indirect_dma source(%dma_start3A_11 : memref<1000448xf32, #tpu.memory_space<hbm>>) target(%dma_start3A_7 : memref<128xf32, #tpu.memory_space<vmem>>) offsets(%dma_start3A_9 : memref<128xi32, #tpu.memory_space<vmem>>) semaphore(%arg20 : memref<!tpu.dma_semaphore, #tpu.memory_space<semaphore_mem>>)
    %dma_start3A_12 = arith.constant 0 : i32
    %dma_start3A_13 = tpu.memref_slice %arg17[%dma_start3A_12] : memref<512xf32, #tpu.memory_space<vmem>> -> memref<128xf32, #tpu.memory_space<vmem>>
    %dma_start3A_14 = arith.constant 0 : i32
    %dma_start3A_15 = tpu.memref_slice %arg11[%dma_start3A_14] : memref<512xi32, #tpu.memory_space<vmem>> -> memref<128xi32, #tpu.memory_space<vmem>>
    %dma_start3A_16 = arith.constant 0 : i32
    %dma_start3A_17 = tpu.memref_slice %arg7[%dma_start3A_16] : memref<100352xf32, #tpu.memory_space<hbm>> -> memref<100352xf32, #tpu.memory_space<hbm>>
    tpu.enqueue_indirect_dma source(%dma_start3A_17 : memref<100352xf32, #tpu.memory_space<hbm>>) target(%dma_start3A_13 : memref<128xf32, #tpu.memory_space<vmem>>) offsets(%dma_start3A_15 : memref<128xi32, #tpu.memory_space<vmem>>) semaphore(%arg20 : memref<!tpu.dma_semaphore, #tpu.memory_space<semaphore_mem>>)
    %dma_start3A_18 = arith.constant 128 : i32
    %dma_start3A_19 = tpu.memref_slice %arg16[%dma_start3A_18] : memref<512xf32, #tpu.memory_space<vmem>> -> memref<128xf32, #tpu.memory_space<vmem>>
    %dma_start3A_20 = arith.constant 128 : i32
    %dma_start3A_21 = tpu.memref_slice %arg10[%dma_start3A_20] : memref<512xi32, #tpu.memory_space<vmem>> -> memref<128xi32, #tpu.memory_space<vmem>>
    %dma_start3A_22 = arith.constant 0 : i32
    %dma_start3A_23 = tpu.memref_slice %arg6[%dma_start3A_22] : memref<1000448xf32, #tpu.memory_space<hbm>> -> memref<1000448xf32, #tpu.memory_space<hbm>>
    tpu.enqueue_indirect_dma source(%dma_start3A_23 : memref<1000448xf32, #tpu.memory_space<hbm>>) target(%dma_start3A_19 : memref<128xf32, #tpu.memory_space<vmem>>) offsets(%dma_start3A_21 : memref<128xi32, #tpu.memory_space<vmem>>) semaphore(%arg20 : memref<!tpu.dma_semaphore, #tpu.memory_space<semaphore_mem>>)
    %dma_start3A_24 = arith.constant 128 : i32
    %dma_start3A_25 = tpu.memref_slice %arg17[%dma_start3A_24] : memref<512xf32, #tpu.memory_space<vmem>> -> memref<128xf32, #tpu.memory_space<vmem>>
    %dma_start3A_26 = arith.constant 128 : i32
    %dma_start3A_27 = tpu.memref_slice %arg11[%dma_start3A_26] : memref<512xi32, #tpu.memory_space<vmem>> -> memref<128xi32, #tpu.memory_space<vmem>>
    %dma_start3A_28 = arith.constant 0 : i32
    %dma_start3A_29 = tpu.memref_slice %arg7[%dma_start3A_28] : memref<100352xf32, #tpu.memory_space<hbm>> -> memref<100352xf32, #tpu.memory_space<hbm>>
    tpu.enqueue_indirect_dma source(%dma_start3A_29 : memref<100352xf32, #tpu.memory_space<hbm>>) target(%dma_start3A_25 : memref<128xf32, #tpu.memory_space<vmem>>) offsets(%dma_start3A_27 : memref<128xi32, #tpu.memory_space<vmem>>) semaphore(%arg20 : memref<!tpu.dma_semaphore, #tpu.memory_space<semaphore_mem>>)
    %dma_start3A_30 = arith.constant 256 : i32
    %dma_start3A_31 = tpu.memref_slice %arg16[%dma_start3A_30] : memref<512xf32, #tpu.memory_space<vmem>> -> memref<128xf32, #tpu.memory_space<vmem>>
    %dma_start3A_32 = arith.constant 256 : i32
    %dma_start3A_33 = tpu.memref_slice %arg10[%dma_start3A_32] : memref<512xi32, #tpu.memory_space<vmem>> -> memref<128xi32, #tpu.memory_space<vmem>>
    %dma_start3A_34 = arith.constant 0 : i32
    %dma_start3A_35 = tpu.memref_slice %arg6[%dma_start3A_34] : memref<1000448xf32, #tpu.memory_space<hbm>> -> memref<1000448xf32, #tpu.memory_space<hbm>>
    tpu.enqueue_indirect_dma source(%dma_start3A_35 : memref<1000448xf32, #tpu.memory_space<hbm>>) target(%dma_start3A_31 : memref<128xf32, #tpu.memory_space<vmem>>) offsets(%dma_start3A_33 : memref<128xi32, #tpu.memory_space<vmem>>) semaphore(%arg20 : memref<!tpu.dma_semaphore, #tpu.memory_space<semaphore_mem>>)
    %dma_start3A_36 = arith.constant 256 : i32
    %dma_start3A_37 = tpu.memref_slice %arg17[%dma_start3A_36] : memref<512xf32, #tpu.memory_space<vmem>> -> memref<128xf32, #tpu.memory_space<vmem>>
    %dma_start3A_38 = arith.constant 256 : i32
    %dma_start3A_39 = tpu.memref_slice %arg11[%dma_start3A_38] : memref<512xi32, #tpu.memory_space<vmem>> -> memref<128xi32, #tpu.memory_space<vmem>>
    %dma_start3A_40 = arith.constant 0 : i32
    %dma_start3A_41 = tpu.memref_slice %arg7[%dma_start3A_40] : memref<100352xf32, #tpu.memory_space<hbm>> -> memref<100352xf32, #tpu.memory_space<hbm>>
    tpu.enqueue_indirect_dma source(%dma_start3A_41 : memref<100352xf32, #tpu.memory_space<hbm>>) target(%dma_start3A_37 : memref<128xf32, #tpu.memory_space<vmem>>) offsets(%dma_start3A_39 : memref<128xi32, #tpu.memory_space<vmem>>) semaphore(%arg20 : memref<!tpu.dma_semaphore, #tpu.memory_space<semaphore_mem>>)
    %dma_start3A_42 = arith.constant 384 : i32
    %dma_start3A_43 = tpu.memref_slice %arg16[%dma_start3A_42] : memref<512xf32, #tpu.memory_space<vmem>> -> memref<128xf32, #tpu.memory_space<vmem>>
    %dma_start3A_44 = arith.constant 384 : i32
    %dma_start3A_45 = tpu.memref_slice %arg10[%dma_start3A_44] : memref<512xi32, #tpu.memory_space<vmem>> -> memref<128xi32, #tpu.memory_space<vmem>>
    %dma_start3A_46 = arith.constant 0 : i32
    %dma_start3A_47 = tpu.memref_slice %arg6[%dma_start3A_46] : memref<1000448xf32, #tpu.memory_space<hbm>> -> memref<1000448xf32, #tpu.memory_space<hbm>>
    tpu.enqueue_indirect_dma source(%dma_start3A_47 : memref<1000448xf32, #tpu.memory_space<hbm>>) target(%dma_start3A_43 : memref<128xf32, #tpu.memory_space<vmem>>) offsets(%dma_start3A_45 : memref<128xi32, #tpu.memory_space<vmem>>) semaphore(%arg20 : memref<!tpu.dma_semaphore, #tpu.memory_space<semaphore_mem>>)
    %dma_start3A_48 = arith.constant 384 : i32
    %dma_start3A_49 = tpu.memref_slice %arg17[%dma_start3A_48] : memref<512xf32, #tpu.memory_space<vmem>> -> memref<128xf32, #tpu.memory_space<vmem>>
    %dma_start3A_50 = arith.constant 384 : i32
    %dma_start3A_51 = tpu.memref_slice %arg11[%dma_start3A_50] : memref<512xi32, #tpu.memory_space<vmem>> -> memref<128xi32, #tpu.memory_space<vmem>>
    %dma_start3A_52 = arith.constant 0 : i32
    %dma_start3A_53 = tpu.memref_slice %arg7[%dma_start3A_52] : memref<100352xf32, #tpu.memory_space<hbm>> -> memref<100352xf32, #tpu.memory_space<hbm>>
    tpu.enqueue_indirect_dma source(%dma_start3A_53 : memref<100352xf32, #tpu.memory_space<hbm>>) target(%dma_start3A_49 : memref<128xf32, #tpu.memory_space<vmem>>) offsets(%dma_start3A_51 : memref<128xi32, #tpu.memory_space<vmem>>) semaphore(%arg20 : memref<!tpu.dma_semaphore, #tpu.memory_space<semaphore_mem>>)
    %dma_start3A_54 = arith.constant 0 : i32
    %dma_start3A_55 = tpu.memref_slice %arg14[%dma_start3A_54] : memref<8192xf32, #tpu.memory_space<vmem>> -> memref<128xf32, #tpu.memory_space<vmem>>
    %dma_start3A_56 = arith.constant 0 : i32
    %dma_start3A_57 = tpu.memref_slice %arg12[%dma_start3A_56] : memref<512xi32, #tpu.memory_space<vmem>> -> memref<128xi32, #tpu.memory_space<vmem>>
    %dma_start3A_58 = arith.constant 0 : i32
    %dma_start3A_59 = tpu.memref_slice %arg4[%dma_start3A_58] : memref<16001024xf32, #tpu.memory_space<hbm>> -> memref<7999616xf32, #tpu.memory_space<hbm>>
    %dma_start3A_60 = arith.constant 0 : i32
    %dma_start3A_61 = tpu.memref_slice %dma_start3A_59[%dma_start3A_60] : memref<7999616xf32, #tpu.memory_space<hbm>> -> memref<7999616xf32, #tpu.memory_space<hbm>>
    tpu.enqueue_indirect_dma source(%dma_start3A_61 : memref<7999616xf32, #tpu.memory_space<hbm>>) target(%dma_start3A_55 : memref<128xf32, #tpu.memory_space<vmem>>) offsets(%dma_start3A_57 : memref<128xi32, #tpu.memory_space<vmem>>) semaphore(%arg20 : memref<!tpu.dma_semaphore, #tpu.memory_space<semaphore_mem>>)
    %dma_start3A_62 = arith.constant 0 : i32
    %dma_start3A_63 = tpu.memref_slice %arg15[%dma_start3A_62] : memref<8192xf32, #tpu.memory_space<vmem>> -> memref<128xf32, #tpu.memory_space<vmem>>
    %dma_start3A_64 = arith.constant 0 : i32
    %dma_start3A_65 = tpu.memref_slice %arg13[%dma_start3A_64] : memref<512xi32, #tpu.memory_space<vmem>> -> memref<128xi32, #tpu.memory_space<vmem>>
    %dma_start3A_66 = arith.constant 0 : i32
    %dma_start3A_67 = tpu.memref_slice %arg5[%dma_start3A_66] : memref<1601536xf32, #tpu.memory_space<hbm>> -> memref<799872xf32, #tpu.memory_space<hbm>>
    %dma_start3A_68 = arith.constant 0 : i32
    %dma_start3A_69 = tpu.memref_slice %dma_start3A_67[%dma_start3A_68] : memref<799872xf32, #tpu.memory_space<hbm>> -> memref<799872xf32, #tpu.memory_space<hbm>>
    tpu.enqueue_indirect_dma source(%dma_start3A_69 : memref<799872xf32, #tpu.memory_space<hbm>>) target(%dma_start3A_63 : memref<128xf32, #tpu.memory_space<vmem>>) offsets(%dma_start3A_65 : memref<128xi32, #tpu.memory_space<vmem>>) semaphore(%arg20 : memref<!tpu.dma_semaphore, #tpu.memory_space<semaphore_mem>>)
    %dma_start3A_70 = arith.constant 128 : i32
    %dma_start3A_71 = tpu.memref_slice %arg14[%dma_start3A_70] : memref<8192xf32, #tpu.memory_space<vmem>> -> memref<128xf32, #tpu.memory_space<vmem>>
    %dma_start3A_72 = arith.constant 128 : i32
    %dma_start3A_73 = tpu.memref_slice %arg12[%dma_start3A_72] : memref<512xi32, #tpu.memory_space<vmem>> -> memref<128xi32, #tpu.memory_space<vmem>>
    %dma_start3A_74 = arith.constant 0 : i32
    %dma_start3A_75 = tpu.memref_slice %arg4[%dma_start3A_74] : memref<16001024xf32, #tpu.memory_space<hbm>> -> memref<7999616xf32, #tpu.memory_space<hbm>>
    %dma_start3A_76 = arith.constant 0 : i32
    %dma_start3A_77 = tpu.memref_slice %dma_start3A_75[%dma_start3A_76] : memref<7999616xf32, #tpu.memory_space<hbm>> -> memref<7999616xf32, #tpu.memory_space<hbm>>
    tpu.enqueue_indirect_dma source(%dma_start3A_77 : memref<7999616xf32, #tpu.memory_space<hbm>>) target(%dma_start3A_71 : memref<128xf32, #tpu.memory_space<vmem>>) offsets(%dma_start3A_73 : memref<128xi32, #tpu.memory_space<vmem>>) semaphore(%arg20 : memref<!tpu.dma_semaphore, #tpu.memory_space<semaphore_mem>>)
    %dma_start3A_78 = arith.constant 128 : i32
    %dma_start3A_79 = tpu.memref_slice %arg15[%dma_start3A_78] : memref<8192xf32, #tpu.memory_space<vmem>> -> memref<128xf32, #tpu.memory_space<vmem>>
    %dma_start3A_80 = arith.constant 128 : i32
    %dma_start3A_81 = tpu.memref_slice %arg13[%dma_start3A_80] : memref<512xi32, #tpu.memory_space<vmem>> -> memref<128xi32, #tpu.memory_space<vmem>>
    %dma_start3A_82 = arith.constant 0 : i32
    %dma_start3A_83 = tpu.memref_slice %arg5[%dma_start3A_82] : memref<1601536xf32, #tpu.memory_space<hbm>> -> memref<799872xf32, #tpu.memory_space<hbm>>
    %dma_start3A_84 = arith.constant 0 : i32
    %dma_start3A_85 = tpu.memref_slice %dma_start3A_83[%dma_start3A_84] : memref<799872xf32, #tpu.memory_space<hbm>> -> memref<799872xf32, #tpu.memory_space<hbm>>
    tpu.enqueue_indirect_dma source(%dma_start3A_85 : memref<799872xf32, #tpu.memory_space<hbm>>) target(%dma_start3A_79 : memref<128xf32, #tpu.memory_space<vmem>>) offsets(%dma_start3A_81 : memref<128xi32, #tpu.memory_space<vmem>>) semaphore(%arg20 : memref<!tpu.dma_semaphore, #tpu.memory_space<semaphore_mem>>)
    %dma_start3A_86 = arith.constant 256 : i32
    %dma_start3A_87 = tpu.memref_slice %arg14[%dma_start3A_86] : memref<8192xf32, #tpu.memory_space<vmem>> -> memref<128xf32, #tpu.memory_space<vmem>>
    %dma_start3A_88 = arith.constant 256 : i32
    %dma_start3A_89 = tpu.memref_slice %arg12[%dma_start3A_88] : memref<512xi32, #tpu.memory_space<vmem>> -> memref<128xi32, #tpu.memory_space<vmem>>
    %dma_start3A_90 = arith.constant 0 : i32
    %dma_start3A_91 = tpu.memref_slice %arg4[%dma_start3A_90] : memref<16001024xf32, #tpu.memory_space<hbm>> -> memref<7999616xf32, #tpu.memory_space<hbm>>
    %dma_start3A_92 = arith.constant 0 : i32
    %dma_start3A_93 = tpu.memref_slice %dma_start3A_91[%dma_start3A_92] : memref<7999616xf32, #tpu.memory_space<hbm>> -> memref<7999616xf32, #tpu.memory_space<hbm>>
    tpu.enqueue_indirect_dma source(%dma_start3A_93 : memref<7999616xf32, #tpu.memory_space<hbm>>) target(%dma_start3A_87 : memref<128xf32, #tpu.memory_space<vmem>>) offsets(%dma_start3A_89 : memref<128xi32, #tpu.memory_space<vmem>>) semaphore(%arg20 : memref<!tpu.dma_semaphore, #tpu.memory_space<semaphore_mem>>)
    %dma_start3A_94 = arith.constant 256 : i32
    %dma_start3A_95 = tpu.memref_slice %arg15[%dma_start3A_94] : memref<8192xf32, #tpu.memory_space<vmem>> -> memref<128xf32, #tpu.memory_space<vmem>>
    %dma_start3A_96 = arith.constant 256 : i32
    %dma_start3A_97 = tpu.memref_slice %arg13[%dma_start3A_96] : memref<512xi32, #tpu.memory_space<vmem>> -> memref<128xi32, #tpu.memory_space<vmem>>
    %dma_start3A_98 = arith.constant 0 : i32
    %dma_start3A_99 = tpu.memref_slice %arg5[%dma_start3A_98] : memref<1601536xf32, #tpu.memory_space<hbm>> -> memref<799872xf32, #tpu.memory_space<hbm>>
    %dma_start3A_100 = arith.constant 0 : i32
    %dma_start3A_101 = tpu.memref_slice %dma_start3A_99[%dma_start3A_100] : memref<799872xf32, #tpu.memory_space<hbm>> -> memref<799872xf32, #tpu.memory_space<hbm>>
    tpu.enqueue_indirect_dma source(%dma_start3A_101 : memref<799872xf32, #tpu.memory_space<hbm>>) target(%dma_start3A_95 : memref<128xf32, #tpu.memory_space<vmem>>) offsets(%dma_start3A_97 : memref<128xi32, #tpu.memory_space<vmem>>) semaphore(%arg20 : memref<!tpu.dma_semaphore, #tpu.memory_space<semaphore_mem>>)
    %dma_start3A_102 = arith.constant 384 : i32
    %dma_start3A_103 = tpu.memref_slice %arg14[%dma_start3A_102] : memref<8192xf32, #tpu.memory_space<vmem>> -> memref<128xf32, #tpu.memory_space<vmem>>
    %dma_start3A_104 = arith.constant 384 : i32
    %dma_start3A_105 = tpu.memref_slice %arg12[%dma_start3A_104] : memref<512xi32, #tpu.memory_space<vmem>> -> memref<128xi32, #tpu.memory_space<vmem>>
    %dma_start3A_106 = arith.constant 0 : i32
    %dma_start3A_107 = tpu.memref_slice %arg4[%dma_start3A_106] : memref<16001024xf32, #tpu.memory_space<hbm>> -> memref<7999616xf32, #tpu.memory_space<hbm>>
    %dma_start3A_108 = arith.constant 0 : i32
    %dma_start3A_109 = tpu.memref_slice %dma_start3A_107[%dma_start3A_108] : memref<7999616xf32, #tpu.memory_space<hbm>> -> memref<7999616xf32, #tpu.memory_space<hbm>>
    tpu.enqueue_indirect_dma source(%dma_start3A_109 : memref<7999616xf32, #tpu.memory_space<hbm>>) target(%dma_start3A_103 : memref<128xf32, #tpu.memory_space<vmem>>) offsets(%dma_start3A_105 : memref<128xi32, #tpu.memory_space<vmem>>) semaphore(%arg20 : memref<!tpu.dma_semaphore, #tpu.memory_space<semaphore_mem>>)
    %dma_start3A_110 = arith.constant 384 : i32
    %dma_start3A_111 = tpu.memref_slice %arg15[%dma_start3A_110] : memref<8192xf32, #tpu.memory_space<vmem>> -> memref<128xf32, #tpu.memory_space<vmem>>
    %dma_start3A_112 = arith.constant 384 : i32
    %dma_start3A_113 = tpu.memref_slice %arg13[%dma_start3A_112] : memref<512xi32, #tpu.memory_space<vmem>> -> memref<128xi32, #tpu.memory_space<vmem>>
    %dma_start3A_114 = arith.constant 0 : i32
    %dma_start3A_115 = tpu.memref_slice %arg5[%dma_start3A_114] : memref<1601536xf32, #tpu.memory_space<hbm>> -> memref<799872xf32, #tpu.memory_space<hbm>>
    %dma_start3A_116 = arith.constant 0 : i32
    %dma_start3A_117 = tpu.memref_slice %dma_start3A_115[%dma_start3A_116] : memref<799872xf32, #tpu.memory_space<hbm>> -> memref<799872xf32, #tpu.memory_space<hbm>>
    tpu.enqueue_indirect_dma source(%dma_start3A_117 : memref<799872xf32, #tpu.memory_space<hbm>>) target(%dma_start3A_111 : memref<128xf32, #tpu.memory_space<vmem>>) offsets(%dma_start3A_113 : memref<128xi32, #tpu.memory_space<vmem>>) semaphore(%arg20 : memref<!tpu.dma_semaphore, #tpu.memory_space<semaphore_mem>>)
    %dma_start3A_118 = arith.constant 512 : i32
    %dma_start3A_119 = tpu.memref_slice %arg14[%dma_start3A_118] : memref<8192xf32, #tpu.memory_space<vmem>> -> memref<128xf32, #tpu.memory_space<vmem>>
    %dma_start3A_120 = arith.constant 0 : i32
    %dma_start3A_121 = tpu.memref_slice %arg12[%dma_start3A_120] : memref<512xi32, #tpu.memory_space<vmem>> -> memref<128xi32, #tpu.memory_space<vmem>>
    %dma_start3A_122 = arith.constant 128 : i32
    %dma_start3A_123 = tpu.memref_slice %arg4[%dma_start3A_122] : memref<16001024xf32, #tpu.memory_space<hbm>> -> memref<7999616xf32, #tpu.memory_space<hbm>>
    %dma_start3A_124 = arith.constant 0 : i32
    %dma_start3A_125 = tpu.memref_slice %dma_start3A_123[%dma_start3A_124] : memref<7999616xf32, #tpu.memory_space<hbm>> -> memref<7999616xf32, #tpu.memory_space<hbm>>
    tpu.enqueue_indirect_dma source(%dma_start3A_125 : memref<7999616xf32, #tpu.memory_space<hbm>>) target(%dma_start3A_119 : memref<128xf32, #tpu.memory_space<vmem>>) offsets(%dma_start3A_121 : memref<128xi32, #tpu.memory_space<vmem>>) semaphore(%arg20 : memref<!tpu.dma_semaphore, #tpu.memory_space<semaphore_mem>>)
    %dma_start3A_126 = arith.constant 512 : i32
    %dma_start3A_127 = tpu.memref_slice %arg15[%dma_start3A_126] : memref<8192xf32, #tpu.memory_space<vmem>> -> memref<128xf32, #tpu.memory_space<vmem>>
    %dma_start3A_128 = arith.constant 0 : i32
    %dma_start3A_129 = tpu.memref_slice %arg13[%dma_start3A_128] : memref<512xi32, #tpu.memory_space<vmem>> -> memref<128xi32, #tpu.memory_space<vmem>>
    %dma_start3A_130 = arith.constant 128 : i32
    %dma_start3A_131 = tpu.memref_slice %arg5[%dma_start3A_130] : memref<1601536xf32, #tpu.memory_space<hbm>> -> memref<799872xf32, #tpu.memory_space<hbm>>
    %dma_start3A_132 = arith.constant 0 : i32
    %dma_start3A_133 = tpu.memref_slice %dma_start3A_131[%dma_start3A_132] : memref<799872xf32, #tpu.memory_space<hbm>> -> memref<799872xf32, #tpu.memory_space<hbm>>
    tpu.enqueue_indirect_dma source(%dma_start3A_133 : memref<799872xf32, #tpu.memory_space<hbm>>) target(%dma_start3A_127 : memref<128xf32, #tpu.memory_space<vmem>>) offsets(%dma_start3A_129 : memref<128xi32, #tpu.memory_space<vmem>>) semaphore(%arg20 : memref<!tpu.dma_semaphore, #tpu.memory_space<semaphore_mem>>)
    %dma_start3A_134 = arith.constant 640 : i32
    %dma_start3A_135 = tpu.memref_slice %arg14[%dma_start3A_134] : memref<8192xf32, #tpu.memory_space<vmem>> -> memref<128xf32, #tpu.memory_space<vmem>>
    %dma_start3A_136 = arith.constant 128 : i32
    %dma_start3A_137 = tpu.memref_slice %arg12[%dma_start3A_136] : memref<512xi32, #tpu.memory_space<vmem>> -> memref<128xi32, #tpu.memory_space<vmem>>
    %dma_start3A_138 = arith.constant 128 : i32
    %dma_start3A_139 = tpu.memref_slice %arg4[%dma_start3A_138] : memref<16001024xf32, #tpu.memory_space<hbm>> -> memref<7999616xf32, #tpu.memory_space<hbm>>
    %dma_start3A_140 = arith.constant 0 : i32
    %dma_start3A_141 = tpu.memref_slice %dma_start3A_139[%dma_start3A_140] : memref<7999616xf32, #tpu.memory_space<hbm>> -> memref<7999616xf32, #tpu.memory_space<hbm>>
    tpu.enqueue_indirect_dma source(%dma_start3A_141 : memref<7999616xf32, #tpu.memory_space<hbm>>) target(%dma_start3A_135 : memref<128xf32, #tpu.memory_space<vmem>>) offsets(%dma_start3A_137 : memref<128xi32, #tpu.memory_space<vmem>>) semaphore(%arg20 : memref<!tpu.dma_semaphore, #tpu.memory_space<semaphore_mem>>)
    %dma_start3A_142 = arith.constant 640 : i32
    %dma_start3A_143 = tpu.memref_slice %arg15[%dma_start3A_142] : memref<8192xf32, #tpu.memory_space<vmem>> -> memref<128xf32, #tpu.memory_space<vmem>>
    %dma_start3A_144 = arith.constant 128 : i32
    %dma_start3A_145 = tpu.memref_slice %arg13[%dma_start3A_144] : memref<512xi32, #tpu.memory_space<vmem>> -> memref<128xi32, #tpu.memory_space<vmem>>
    %dma_start3A_146 = arith.constant 128 : i32
    %dma_start3A_147 = tpu.memref_slice %arg5[%dma_start3A_146] : memref<1601536xf32, #tpu.memory_space<hbm>> -> memref<799872xf32, #tpu.memory_space<hbm>>
    %dma_start3A_148 = arith.constant 0 : i32
    %dma_start3A_149 = tpu.memref_slice %dma_start3A_147[%dma_start3A_148] : memref<799872xf32, #tpu.memory_space<hbm>> -> memref<799872xf32, #tpu.memory_space<hbm>>
    tpu.enqueue_indirect_dma source(%dma_start3A_149 : memref<799872xf32, #tpu.memory_space<hbm>>) target(%dma_start3A_143 : memref<128xf32, #tpu.memory_space<vmem>>) offsets(%dma_start3A_145 : memref<128xi32, #tpu.memory_space<vmem>>) semaphore(%arg20 : memref<!tpu.dma_semaphore, #tpu.memory_space<semaphore_mem>>)
    %dma_start3A_150 = arith.constant 768 : i32
    %dma_start3A_151 = tpu.memref_slice %arg14[%dma_start3A_150] : memref<8192xf32, #tpu.memory_space<vmem>> -> memref<128xf32, #tpu.memory_space<vmem>>
    %dma_start3A_152 = arith.constant 256 : i32
    %dma_start3A_153 = tpu.memref_slice %arg12[%dma_start3A_152] : memref<512xi32, #tpu.memory_space<vmem>> -> memref<128xi32, #tpu.memory_space<vmem>>
    %dma_start3A_154 = arith.constant 128 : i32
    %dma_start3A_155 = tpu.memref_slice %arg4[%dma_start3A_154] : memref<16001024xf32, #tpu.memory_space<hbm>> -> memref<7999616xf32, #tpu.memory_space<hbm>>
    %dma_start3A_156 = arith.constant 0 : i32
    %dma_start3A_157 = tpu.memref_slice %dma_start3A_155[%dma_start3A_156] : memref<7999616xf32, #tpu.memory_space<hbm>> -> memref<7999616xf32, #tpu.memory_space<hbm>>
    tpu.enqueue_indirect_dma source(%dma_start3A_157 : memref<7999616xf32, #tpu.memory_space<hbm>>) target(%dma_start3A_151 : memref<128xf32, #tpu.memory_space<vmem>>) offsets(%dma_start3A_153 : memref<128xi32, #tpu.memory_space<vmem>>) semaphore(%arg20 : memref<!tpu.dma_semaphore, #tpu.memory_space<semaphore_mem>>)
    %dma_start3A_158 = arith.constant 768 : i32
    %dma_start3A_159 = tpu.memref_slice %arg15[%dma_start3A_158] : memref<8192xf32, #tpu.memory_space<vmem>> -> memref<128xf32, #tpu.memory_space<vmem>>
    %dma_start3A_160 = arith.constant 256 : i32
    %dma_start3A_161 = tpu.memref_slice %arg13[%dma_start3A_160] : memref<512xi32, #tpu.memory_space<vmem>> -> memref<128xi32, #tpu.memory_space<vmem>>
    %dma_start3A_162 = arith.constant 128 : i32
    %dma_start3A_163 = tpu.memref_slice %arg5[%dma_start3A_162] : memref<1601536xf32, #tpu.memory_space<hbm>> -> memref<799872xf32, #tpu.memory_space<hbm>>
    %dma_start3A_164 = arith.constant 0 : i32
    %dma_start3A_165 = tpu.memref_slice %dma_start3A_163[%dma_start3A_164] : memref<799872xf32, #tpu.memory_space<hbm>> -> memref<799872xf32, #tpu.memory_space<hbm>>
    tpu.enqueue_indirect_dma source(%dma_start3A_165 : memref<799872xf32, #tpu.memory_space<hbm>>) target(%dma_start3A_159 : memref<128xf32, #tpu.memory_space<vmem>>) offsets(%dma_start3A_161 : memref<128xi32, #tpu.memory_space<vmem>>) semaphore(%arg20 : memref<!tpu.dma_semaphore, #tpu.memory_space<semaphore_mem>>)
    %dma_start3A_166 = arith.constant 896 : i32
    %dma_start3A_167 = tpu.memref_slice %arg14[%dma_start3A_166] : memref<8192xf32, #tpu.memory_space<vmem>> -> memref<128xf32, #tpu.memory_space<vmem>>
    %dma_start3A_168 = arith.constant 384 : i32
    %dma_start3A_169 = tpu.memref_slice %arg12[%dma_start3A_168] : memref<512xi32, #tpu.memory_space<vmem>> -> memref<128xi32, #tpu.memory_space<vmem>>
    %dma_start3A_170 = arith.constant 128 : i32
    %dma_start3A_171 = tpu.memref_slice %arg4[%dma_start3A_170] : memref<16001024xf32, #tpu.memory_space<hbm>> -> memref<7999616xf32, #tpu.memory_space<hbm>>
    %dma_start3A_172 = arith.constant 0 : i32
    %dma_start3A_173 = tpu.memref_slice %dma_start3A_171[%dma_start3A_172] : memref<7999616xf32, #tpu.memory_space<hbm>> -> memref<7999616xf32, #tpu.memory_space<hbm>>
    tpu.enqueue_indirect_dma source(%dma_start3A_173 : memref<7999616xf32, #tpu.memory_space<hbm>>) target(%dma_start3A_167 : memref<128xf32, #tpu.memory_space<vmem>>) offsets(%dma_start3A_169 : memref<128xi32, #tpu.memory_space<vmem>>) semaphore(%arg20 : memref<!tpu.dma_semaphore, #tpu.memory_space<semaphore_mem>>)
    %dma_start3A_174 = arith.constant 896 : i32
    %dma_start3A_175 = tpu.memref_slice %arg15[%dma_start3A_174] : memref<8192xf32, #tpu.memory_space<vmem>> -> memref<128xf32, #tpu.memory_space<vmem>>
    %dma_start3A_176 = arith.constant 384 : i32
    %dma_start3A_177 = tpu.memref_slice %arg13[%dma_start3A_176] : memref<512xi32, #tpu.memory_space<vmem>> -> memref<128xi32, #tpu.memory_space<vmem>>
    %dma_start3A_178 = arith.constant 128 : i32
    %dma_start3A_179 = tpu.memref_slice %arg5[%dma_start3A_178] : memref<1601536xf32, #tpu.memory_space<hbm>> -> memref<799872xf32, #tpu.memory_space<hbm>>
    %dma_start3A_180 = arith.constant 0 : i32
    %dma_start3A_181 = tpu.memref_slice %dma_start3A_179[%dma_start3A_180] : memref<799872xf32, #tpu.memory_space<hbm>> -> memref<799872xf32, #tpu.memory_space<hbm>>
    tpu.enqueue_indirect_dma source(%dma_start3A_181 : memref<799872xf32, #tpu.memory_space<hbm>>) target(%dma_start3A_175 : memref<128xf32, #tpu.memory_space<vmem>>) offsets(%dma_start3A_177 : memref<128xi32, #tpu.memory_space<vmem>>) semaphore(%arg20 : memref<!tpu.dma_semaphore, #tpu.memory_space<semaphore_mem>>)
    %dma_start3A_182 = arith.constant 1024 : i32
    %dma_start3A_183 = tpu.memref_slice %arg14[%dma_start3A_182] : memref<8192xf32, #tpu.memory_space<vmem>> -> memref<128xf32, #tpu.memory_space<vmem>>
    %dma_start3A_184 = arith.constant 0 : i32
    %dma_start3A_185 = tpu.memref_slice %arg12[%dma_start3A_184] : memref<512xi32, #tpu.memory_space<vmem>> -> memref<128xi32, #tpu.memory_space<vmem>>
    %dma_start3A_186 = arith.constant 256 : i32
    %dma_start3A_187 = tpu.memref_slice %arg4[%dma_start3A_186] : memref<16001024xf32, #tpu.memory_space<hbm>> -> memref<7999616xf32, #tpu.memory_space<hbm>>
    %dma_start3A_188 = arith.constant 0 : i32
    %dma_start3A_189 = tpu.memref_slice %dma_start3A_187[%dma_start3A_188] : memref<7999616xf32, #tpu.memory_space<hbm>> -> memref<7999616xf32, #tpu.memory_space<hbm>>
    tpu.enqueue_indirect_dma source(%dma_start3A_189 : memref<7999616xf32, #tpu.memory_space<hbm>>) target(%dma_start3A_183 : memref<128xf32, #tpu.memory_space<vmem>>) offsets(%dma_start3A_185 : memref<128xi32, #tpu.memory_space<vmem>>) semaphore(%arg20 : memref<!tpu.dma_semaphore, #tpu.memory_space<semaphore_mem>>)
    %dma_start3A_190 = arith.constant 1024 : i32
    %dma_start3A_191 = tpu.memref_slice %arg15[%dma_start3A_190] : memref<8192xf32, #tpu.memory_space<vmem>> -> memref<128xf32, #tpu.memory_space<vmem>>
    %dma_start3A_192 = arith.constant 0 : i32
    %dma_start3A_193 = tpu.memref_slice %arg13[%dma_start3A_192] : memref<512xi32, #tpu.memory_space<vmem>> -> memref<128xi32, #tpu.memory_space<vmem>>
    %dma_start3A_194 = arith.constant 256 : i32
    %dma_start3A_195 = tpu.memref_slice %arg5[%dma_start3A_194] : memref<1601536xf32, #tpu.memory_space<hbm>> -> memref<799872xf32, #tpu.memory_space<hbm>>
    %dma_start3A_196 = arith.constant 0 : i32
    %dma_start3A_197 = tpu.memref_slice %dma_start3A_195[%dma_start3A_196] : memref<799872xf32, #tpu.memory_space<hbm>> -> memref<799872xf32, #tpu.memory_space<hbm>>
    tpu.enqueue_indirect_dma source(%dma_start3A_197 : memref<799872xf32, #tpu.memory_space<hbm>>) target(%dma_start3A_191 : memref<128xf32, #tpu.memory_space<vmem>>) offsets(%dma_start3A_193 : memref<128xi32, #tpu.memory_space<vmem>>) semaphore(%arg20 : memref<!tpu.dma_semaphore, #tpu.memory_space<semaphore_mem>>)
    %dma_start3A_198 = arith.constant 1152 : i32
    %dma_start3A_199 = tpu.memref_slice %arg14[%dma_start3A_198] : memref<8192xf32, #tpu.memory_space<vmem>> -> memref<128xf32, #tpu.memory_space<vmem>>
    %dma_start3A_200 = arith.constant 128 : i32
    %dma_start3A_201 = tpu.memref_slice %arg12[%dma_start3A_200] : memref<512xi32, #tpu.memory_space<vmem>> -> memref<128xi32, #tpu.memory_space<vmem>>
    %dma_start3A_202 = arith.constant 256 : i32
    %dma_start3A_203 = tpu.memref_slice %arg4[%dma_start3A_202] : memref<16001024xf32, #tpu.memory_space<hbm>> -> memref<7999616xf32, #tpu.memory_space<hbm>>
    %dma_start3A_204 = arith.constant 0 : i32
    %dma_start3A_205 = tpu.memref_slice %dma_start3A_203[%dma_start3A_204] : memref<7999616xf32, #tpu.memory_space<hbm>> -> memref<7999616xf32, #tpu.memory_space<hbm>>
    tpu.enqueue_indirect_dma source(%dma_start3A_205 : memref<7999616xf32, #tpu.memory_space<hbm>>) target(%dma_start3A_199 : memref<128xf32, #tpu.memory_space<vmem>>) offsets(%dma_start3A_201 : memref<128xi32, #tpu.memory_space<vmem>>) semaphore(%arg20 : memref<!tpu.dma_semaphore, #tpu.memory_space<semaphore_mem>>)
    %dma_start3A_206 = arith.constant 1152 : i32
    %dma_start3A_207 = tpu.memref_slice %arg15[%dma_start3A_206] : memref<8192xf32, #tpu.memory_space<vmem>> -> memref<128xf32, #tpu.memory_space<vmem>>
    %dma_start3A_208 = arith.constant 128 : i32
    %dma_start3A_209 = tpu.memref_slice %arg13[%dma_start3A_208] : memref<512xi32, #tpu.memory_space<vmem>> -> memref<128xi32, #tpu.memory_space<vmem>>
    %dma_start3A_210 = arith.constant 256 : i32
    %dma_start3A_211 = tpu.memref_slice %arg5[%dma_start3A_210] : memref<1601536xf32, #tpu.memory_space<hbm>> -> memref<799872xf32, #tpu.memory_space<hbm>>
    %dma_start3A_212 = arith.constant 0 : i32
    %dma_start3A_213 = tpu.memref_slice %dma_start3A_211[%dma_start3A_212] : memref<799872xf32, #tpu.memory_space<hbm>> -> memref<799872xf32, #tpu.memory_space<hbm>>
    tpu.enqueue_indirect_dma source(%dma_start3A_213 : memref<799872xf32, #tpu.memory_space<hbm>>) target(%dma_start3A_207 : memref<128xf32, #tpu.memory_space<vmem>>) offsets(%dma_start3A_209 : memref<128xi32, #tpu.memory_space<vmem>>) semaphore(%arg20 : memref<!tpu.dma_semaphore, #tpu.memory_space<semaphore_mem>>)
    %dma_start3A_214 = arith.constant 1280 : i32
    %dma_start3A_215 = tpu.memref_slice %arg14[%dma_start3A_214] : memref<8192xf32, #tpu.memory_space<vmem>> -> memref<128xf32, #tpu.memory_space<vmem>>
    %dma_start3A_216 = arith.constant 256 : i32
    %dma_start3A_217 = tpu.memref_slice %arg12[%dma_start3A_216] : memref<512xi32, #tpu.memory_space<vmem>> -> memref<128xi32, #tpu.memory_space<vmem>>
    %dma_start3A_218 = arith.constant 256 : i32
    %dma_start3A_219 = tpu.memref_slice %arg4[%dma_start3A_218] : memref<16001024xf32, #tpu.memory_space<hbm>> -> memref<7999616xf32, #tpu.memory_space<hbm>>
    %dma_start3A_220 = arith.constant 0 : i32
    %dma_start3A_221 = tpu.memref_slice %dma_start3A_219[%dma_start3A_220] : memref<7999616xf32, #tpu.memory_space<hbm>> -> memref<7999616xf32, #tpu.memory_space<hbm>>
    tpu.enqueue_indirect_dma source(%dma_start3A_221 : memref<7999616xf32, #tpu.memory_space<hbm>>) target(%dma_start3A_215 : memref<128xf32, #tpu.memory_space<vmem>>) offsets(%dma_start3A_217 : memref<128xi32, #tpu.memory_space<vmem>>) semaphore(%arg20 : memref<!tpu.dma_semaphore, #tpu.memory_space<semaphore_mem>>)
    %dma_start3A_222 = arith.constant 1280 : i32
    %dma_start3A_223 = tpu.memref_slice %arg15[%dma_start3A_222] : memref<8192xf32, #tpu.memory_space<vmem>> -> memref<128xf32, #tpu.memory_space<vmem>>
    %dma_start3A_224 = arith.constant 256 : i32
    %dma_start3A_225 = tpu.memref_slice %arg13[%dma_start3A_224] : memref<512xi32, #tpu.memory_space<vmem>> -> memref<128xi32, #tpu.memory_space<vmem>>
    %dma_start3A_226 = arith.constant 256 : i32
    %dma_start3A_227 = tpu.memref_slice %arg5[%dma_start3A_226] : memref<1601536xf32, #tpu.memory_space<hbm>> -> memref<799872xf32, #tpu.memory_space<hbm>>
    %dma_start3A_228 = arith.constant 0 : i32
    %dma_start3A_229 = tpu.memref_slice %dma_start3A_227[%dma_start3A_228] : memref<799872xf32, #tpu.memory_space<hbm>> -> memref<799872xf32, #tpu.memory_space<hbm>>
    tpu.enqueue_indirect_dma source(%dma_start3A_229 : memref<799872xf32, #tpu.memory_space<hbm>>) target(%dma_start3A_223 : memref<128xf32, #tpu.memory_space<vmem>>) offsets(%dma_start3A_225 : memref<128xi32, #tpu.memory_space<vmem>>) semaphore(%arg20 : memref<!tpu.dma_semaphore, #tpu.memory_space<semaphore_mem>>)
    %dma_start3A_230 = arith.constant 1408 : i32
    %dma_start3A_231 = tpu.memref_slice %arg14[%dma_start3A_230] : memref<8192xf32, #tpu.memory_space<vmem>> -> memref<128xf32, #tpu.memory_space<vmem>>
    %dma_start3A_232 = arith.constant 384 : i32
    %dma_start3A_233 = tpu.memref_slice %arg12[%dma_start3A_232] : memref<512xi32, #tpu.memory_space<vmem>> -> memref<128xi32, #tpu.memory_space<vmem>>
    %dma_start3A_234 = arith.constant 256 : i32
    %dma_start3A_235 = tpu.memref_slice %arg4[%dma_start3A_234] : memref<16001024xf32, #tpu.memory_space<hbm>> -> memref<7999616xf32, #tpu.memory_space<hbm>>
    %dma_start3A_236 = arith.constant 0 : i32
    %dma_start3A_237 = tpu.memref_slice %dma_start3A_235[%dma_start3A_236] : memref<7999616xf32, #tpu.memory_space<hbm>> -> memref<7999616xf32, #tpu.memory_space<hbm>>
    tpu.enqueue_indirect_dma source(%dma_start3A_237 : memref<7999616xf32, #tpu.memory_space<hbm>>) target(%dma_start3A_231 : memref<128xf32, #tpu.memory_space<vmem>>) offsets(%dma_start3A_233 : memref<128xi32, #tpu.memory_space<vmem>>) semaphore(%arg20 : memref<!tpu.dma_semaphore, #tpu.memory_space<semaphore_mem>>)
    %dma_start3A_238 = arith.constant 1408 : i32
    %dma_start3A_239 = tpu.memref_slice %arg15[%dma_start3A_238] : memref<8192xf32, #tpu.memory_space<vmem>> -> memref<128xf32, #tpu.memory_space<vmem>>
    %dma_start3A_240 = arith.constant 384 : i32
    %dma_start3A_241 = tpu.memref_slice %arg13[%dma_start3A_240] : memref<512xi32, #tpu.memory_space<vmem>> -> memref<128xi32, #tpu.memory_space<vmem>>
    %dma_start3A_242 = arith.constant 256 : i32
    %dma_start3A_243 = tpu.memref_slice %arg5[%dma_start3A_242] : memref<1601536xf32, #tpu.memory_space<hbm>> -> memref<799872xf32, #tpu.memory_space<hbm>>
    %dma_start3A_244 = arith.constant 0 : i32
    %dma_start3A_245 = tpu.memref_slice %dma_start3A_243[%dma_start3A_244] : memref<799872xf32, #tpu.memory_space<hbm>> -> memref<799872xf32, #tpu.memory_space<hbm>>
    tpu.enqueue_indirect_dma source(%dma_start3A_245 : memref<799872xf32, #tpu.memory_space<hbm>>) target(%dma_start3A_239 : memref<128xf32, #tpu.memory_space<vmem>>) offsets(%dma_start3A_241 : memref<128xi32, #tpu.memory_space<vmem>>) semaphore(%arg20 : memref<!tpu.dma_semaphore, #tpu.memory_space<semaphore_mem>>)
    %dma_start3A_246 = arith.constant 1536 : i32
    %dma_start3A_247 = tpu.memref_slice %arg14[%dma_start3A_246] : memref<8192xf32, #tpu.memory_space<vmem>> -> memref<128xf32, #tpu.memory_space<vmem>>
    %dma_start3A_248 = arith.constant 0 : i32
    %dma_start3A_249 = tpu.memref_slice %arg12[%dma_start3A_248] : memref<512xi32, #tpu.memory_space<vmem>> -> memref<128xi32, #tpu.memory_space<vmem>>
    %dma_start3A_250 = arith.constant 384 : i32
    %dma_start3A_251 = tpu.memref_slice %arg4[%dma_start3A_250] : memref<16001024xf32, #tpu.memory_space<hbm>> -> memref<7999616xf32, #tpu.memory_space<hbm>>
    %dma_start3A_252 = arith.constant 0 : i32
    %dma_start3A_253 = tpu.memref_slice %dma_start3A_251[%dma_start3A_252] : memref<7999616xf32, #tpu.memory_space<hbm>> -> memref<7999616xf32, #tpu.memory_space<hbm>>
    tpu.enqueue_indirect_dma source(%dma_start3A_253 : memref<7999616xf32, #tpu.memory_space<hbm>>) target(%dma_start3A_247 : memref<128xf32, #tpu.memory_space<vmem>>) offsets(%dma_start3A_249 : memref<128xi32, #tpu.memory_space<vmem>>) semaphore(%arg20 : memref<!tpu.dma_semaphore, #tpu.memory_space<semaphore_mem>>)
    %dma_start3A_254 = arith.constant 1536 : i32
    %dma_start3A_255 = tpu.memref_slice %arg15[%dma_start3A_254] : memref<8192xf32, #tpu.memory_space<vmem>> -> memref<128xf32, #tpu.memory_space<vmem>>
    %dma_start3A_256 = arith.constant 0 : i32
    %dma_start3A_257 = tpu.memref_slice %arg13[%dma_start3A_256] : memref<512xi32, #tpu.memory_space<vmem>> -> memref<128xi32, #tpu.memory_space<vmem>>
    %dma_start3A_258 = arith.constant 384 : i32
    %dma_start3A_259 = tpu.memref_slice %arg5[%dma_start3A_258] : memref<1601536xf32, #tpu.memory_space<hbm>> -> memref<799872xf32, #tpu.memory_space<hbm>>
    %dma_start3A_260 = arith.constant 0 : i32
    %dma_start3A_261 = tpu.memref_slice %dma_start3A_259[%dma_start3A_260] : memref<799872xf32, #tpu.memory_space<hbm>> -> memref<799872xf32, #tpu.memory_space<hbm>>
    tpu.enqueue_indirect_dma source(%dma_start3A_261 : memref<799872xf32, #tpu.memory_space<hbm>>) target(%dma_start3A_255 : memref<128xf32, #tpu.memory_space<vmem>>) offsets(%dma_start3A_257 : memref<128xi32, #tpu.memory_space<vmem>>) semaphore(%arg20 : memref<!tpu.dma_semaphore, #tpu.memory_space<semaphore_mem>>)
    %dma_start3A_262 = arith.constant 1664 : i32
    %dma_start3A_263 = tpu.memref_slice %arg14[%dma_start3A_262] : memref<8192xf32, #tpu.memory_space<vmem>> -> memref<128xf32, #tpu.memory_space<vmem>>
    %dma_start3A_264 = arith.constant 128 : i32
    %dma_start3A_265 = tpu.memref_slice %arg12[%dma_start3A_264] : memref<512xi32, #tpu.memory_space<vmem>> -> memref<128xi32, #tpu.memory_space<vmem>>
    %dma_start3A_266 = arith.constant 384 : i32
    %dma_start3A_267 = tpu.memref_slice %arg4[%dma_start3A_266] : memref<16001024xf32, #tpu.memory_space<hbm>> -> memref<7999616xf32, #tpu.memory_space<hbm>>
    %dma_start3A_268 = arith.constant 0 : i32
    %dma_start3A_269 = tpu.memref_slice %dma_start3A_267[%dma_start3A_268] : memref<7999616xf32, #tpu.memory_space<hbm>> -> memref<7999616xf32, #tpu.memory_space<hbm>>
    tpu.enqueue_indirect_dma source(%dma_start3A_269 : memref<7999616xf32, #tpu.memory_space<hbm>>) target(%dma_start3A_263 : memref<128xf32, #tpu.memory_space<vmem>>) offsets(%dma_start3A_265 : memref<128xi32, #tpu.memory_space<vmem>>) semaphore(%arg20 : memref<!tpu.dma_semaphore, #tpu.memory_space<semaphore_mem>>)
    %dma_start3A_270 = arith.constant 1664 : i32
    %dma_start3A_271 = tpu.memref_slice %arg15[%dma_start3A_270] : memref<8192xf32, #tpu.memory_space<vmem>> -> memref<128xf32, #tpu.memory_space<vmem>>
    %dma_start3A_272 = arith.constant 128 : i32
    %dma_start3A_273 = tpu.memref_slice %arg13[%dma_start3A_272] : memref<512xi32, #tpu.memory_space<vmem>> -> memref<128xi32, #tpu.memory_space<vmem>>
    %dma_start3A_274 = arith.constant 384 : i32
    %dma_start3A_275 = tpu.memref_slice %arg5[%dma_start3A_274] : memref<1601536xf32, #tpu.memory_space<hbm>> -> memref<799872xf32, #tpu.memory_space<hbm>>
    %dma_start3A_276 = arith.constant 0 : i32
    %dma_start3A_277 = tpu.memref_slice %dma_start3A_275[%dma_start3A_276] : memref<799872xf32, #tpu.memory_space<hbm>> -> memref<799872xf32, #tpu.memory_space<hbm>>
    tpu.enqueue_indirect_dma source(%dma_start3A_277 : memref<799872xf32, #tpu.memory_space<hbm>>) target(%dma_start3A_271 : memref<128xf32, #tpu.memory_space<vmem>>) offsets(%dma_start3A_273 : memref<128xi32, #tpu.memory_space<vmem>>) semaphore(%arg20 : memref<!tpu.dma_semaphore, #tpu.memory_space<semaphore_mem>>)
    %dma_start3A_278 = arith.constant 1792 : i32
    %dma_start3A_279 = tpu.memref_slice %arg14[%dma_start3A_278] : memref<8192xf32, #tpu.memory_space<vmem>> -> memref<128xf32, #tpu.memory_space<vmem>>
    %dma_start3A_280 = arith.constant 256 : i32
    %dma_start3A_281 = tpu.memref_slice %arg12[%dma_start3A_280] : memref<512xi32, #tpu.memory_space<vmem>> -> memref<128xi32, #tpu.memory_space<vmem>>
    %dma_start3A_282 = arith.constant 384 : i32
    %dma_start3A_283 = tpu.memref_slice %arg4[%dma_start3A_282] : memref<16001024xf32, #tpu.memory_space<hbm>> -> memref<7999616xf32, #tpu.memory_space<hbm>>
    %dma_start3A_284 = arith.constant 0 : i32
    %dma_start3A_285 = tpu.memref_slice %dma_start3A_283[%dma_start3A_284] : memref<7999616xf32, #tpu.memory_space<hbm>> -> memref<7999616xf32, #tpu.memory_space<hbm>>
    tpu.enqueue_indirect_dma source(%dma_start3A_285 : memref<7999616xf32, #tpu.memory_space<hbm>>) target(%dma_start3A_279 : memref<128xf32, #tpu.memory_space<vmem>>) offsets(%dma_start3A_281 : memref<128xi32, #tpu.memory_space<vmem>>) semaphore(%arg20 : memref<!tpu.dma_semaphore, #tpu.memory_space<semaphore_mem>>)
    %dma_start3A_286 = arith.constant 1792 : i32
    %dma_start3A_287 = tpu.memref_slice %arg15[%dma_start3A_286] : memref<8192xf32, #tpu.memory_space<vmem>> -> memref<128xf32, #tpu.memory_space<vmem>>
    %dma_start3A_288 = arith.constant 256 : i32
    %dma_start3A_289 = tpu.memref_slice %arg13[%dma_start3A_288] : memref<512xi32, #tpu.memory_space<vmem>> -> memref<128xi32, #tpu.memory_space<vmem>>
    %dma_start3A_290 = arith.constant 384 : i32
    %dma_start3A_291 = tpu.memref_slice %arg5[%dma_start3A_290] : memref<1601536xf32, #tpu.memory_space<hbm>> -> memref<799872xf32, #tpu.memory_space<hbm>>
    %dma_start3A_292 = arith.constant 0 : i32
    %dma_start3A_293 = tpu.memref_slice %dma_start3A_291[%dma_start3A_292] : memref<799872xf32, #tpu.memory_space<hbm>> -> memref<799872xf32, #tpu.memory_space<hbm>>
    tpu.enqueue_indirect_dma source(%dma_start3A_293 : memref<799872xf32, #tpu.memory_space<hbm>>) target(%dma_start3A_287 : memref<128xf32, #tpu.memory_space<vmem>>) offsets(%dma_start3A_289 : memref<128xi32, #tpu.memory_space<vmem>>) semaphore(%arg20 : memref<!tpu.dma_semaphore, #tpu.memory_space<semaphore_mem>>)
    %dma_start3A_294 = arith.constant 1920 : i32
    %dma_start3A_295 = tpu.memref_slice %arg14[%dma_start3A_294] : memref<8192xf32, #tpu.memory_space<vmem>> -> memref<128xf32, #tpu.memory_space<vmem>>
    %dma_start3A_296 = arith.constant 384 : i32
    %dma_start3A_297 = tpu.memref_slice %arg12[%dma_start3A_296] : memref<512xi32, #tpu.memory_space<vmem>> -> memref<128xi32, #tpu.memory_space<vmem>>
    %dma_start3A_298 = arith.constant 384 : i32
    %dma_start3A_299 = tpu.memref_slice %arg4[%dma_start3A_298] : memref<16001024xf32, #tpu.memory_space<hbm>> -> memref<7999616xf32, #tpu.memory_space<hbm>>
    %dma_start3A_300 = arith.constant 0 : i32
    %dma_start3A_301 = tpu.memref_slice %dma_start3A_299[%dma_start3A_300] : memref<7999616xf32, #tpu.memory_space<hbm>> -> memref<7999616xf32, #tpu.memory_space<hbm>>
    tpu.enqueue_indirect_dma source(%dma_start3A_301 : memref<7999616xf32, #tpu.memory_space<hbm>>) target(%dma_start3A_295 : memref<128xf32, #tpu.memory_space<vmem>>) offsets(%dma_start3A_297 : memref<128xi32, #tpu.memory_space<vmem>>) semaphore(%arg20 : memref<!tpu.dma_semaphore, #tpu.memory_space<semaphore_mem>>)
    %dma_start3A_302 = arith.constant 1920 : i32
    %dma_start3A_303 = tpu.memref_slice %arg15[%dma_start3A_302] : memref<8192xf32, #tpu.memory_space<vmem>> -> memref<128xf32, #tpu.memory_space<vmem>>
    %dma_start3A_304 = arith.constant 384 : i32
    %dma_start3A_305 = tpu.memref_slice %arg13[%dma_start3A_304] : memref<512xi32, #tpu.memory_space<vmem>> -> memref<128xi32, #tpu.memory_space<vmem>>
    %dma_start3A_306 = arith.constant 384 : i32
    %dma_start3A_307 = tpu.memref_slice %arg5[%dma_start3A_306] : memref<1601536xf32, #tpu.memory_space<hbm>> -> memref<799872xf32, #tpu.memory_space<hbm>>
    %dma_start3A_308 = arith.constant 0 : i32
    %dma_start3A_309 = tpu.memref_slice %dma_start3A_307[%dma_start3A_308] : memref<799872xf32, #tpu.memory_space<hbm>> -> memref<799872xf32, #tpu.memory_space<hbm>>
    tpu.enqueue_indirect_dma source(%dma_start3A_309 : memref<799872xf32, #tpu.memory_space<hbm>>) target(%dma_start3A_303 : memref<128xf32, #tpu.memory_space<vmem>>) offsets(%dma_start3A_305 : memref<128xi32, #tpu.memory_space<vmem>>) semaphore(%arg20 : memref<!tpu.dma_semaphore, #tpu.memory_space<semaphore_mem>>)
    %dma_start3A_310 = arith.constant 2048 : i32
    %dma_start3A_311 = tpu.memref_slice %arg14[%dma_start3A_310] : memref<8192xf32, #tpu.memory_space<vmem>> -> memref<128xf32, #tpu.memory_space<vmem>>
    %dma_start3A_312 = arith.constant 0 : i32
    %dma_start3A_313 = tpu.memref_slice %arg12[%dma_start3A_312] : memref<512xi32, #tpu.memory_space<vmem>> -> memref<128xi32, #tpu.memory_space<vmem>>
    %dma_start3A_314 = arith.constant 512 : i32
    %dma_start3A_315 = tpu.memref_slice %arg4[%dma_start3A_314] : memref<16001024xf32, #tpu.memory_space<hbm>> -> memref<7999616xf32, #tpu.memory_space<hbm>>
    %dma_start3A_316 = arith.constant 0 : i32
    %dma_start3A_317 = tpu.memref_slice %dma_start3A_315[%dma_start3A_316] : memref<7999616xf32, #tpu.memory_space<hbm>> -> memref<7999616xf32, #tpu.memory_space<hbm>>
    tpu.enqueue_indirect_dma source(%dma_start3A_317 : memref<7999616xf32, #tpu.memory_space<hbm>>) target(%dma_start3A_311 : memref<128xf32, #tpu.memory_space<vmem>>) offsets(%dma_start3A_313 : memref<128xi32, #tpu.memory_space<vmem>>) semaphore(%arg20 : memref<!tpu.dma_semaphore, #tpu.memory_space<semaphore_mem>>)
    %dma_start3A_318 = arith.constant 2048 : i32
    %dma_start3A_319 = tpu.memref_slice %arg15[%dma_start3A_318] : memref<8192xf32, #tpu.memory_space<vmem>> -> memref<128xf32, #tpu.memory_space<vmem>>
    %dma_start3A_320 = arith.constant 0 : i32
    %dma_start3A_321 = tpu.memref_slice %arg13[%dma_start3A_320] : memref<512xi32, #tpu.memory_space<vmem>> -> memref<128xi32, #tpu.memory_space<vmem>>
    %dma_start3A_322 = arith.constant 512 : i32
    %dma_start3A_323 = tpu.memref_slice %arg5[%dma_start3A_322] : memref<1601536xf32, #tpu.memory_space<hbm>> -> memref<799872xf32, #tpu.memory_space<hbm>>
    %dma_start3A_324 = arith.constant 0 : i32
    %dma_start3A_325 = tpu.memref_slice %dma_start3A_323[%dma_start3A_324] : memref<799872xf32, #tpu.memory_space<hbm>> -> memref<799872xf32, #tpu.memory_space<hbm>>
    tpu.enqueue_indirect_dma source(%dma_start3A_325 : memref<799872xf32, #tpu.memory_space<hbm>>) target(%dma_start3A_319 : memref<128xf32, #tpu.memory_space<vmem>>) offsets(%dma_start3A_321 : memref<128xi32, #tpu.memory_space<vmem>>) semaphore(%arg20 : memref<!tpu.dma_semaphore, #tpu.memory_space<semaphore_mem>>)
    %dma_start3A_326 = arith.constant 2176 : i32
    %dma_start3A_327 = tpu.memref_slice %arg14[%dma_start3A_326] : memref<8192xf32, #tpu.memory_space<vmem>> -> memref<128xf32, #tpu.memory_space<vmem>>
    %dma_start3A_328 = arith.constant 128 : i32
    %dma_start3A_329 = tpu.memref_slice %arg12[%dma_start3A_328] : memref<512xi32, #tpu.memory_space<vmem>> -> memref<128xi32, #tpu.memory_space<vmem>>
    %dma_start3A_330 = arith.constant 512 : i32
    %dma_start3A_331 = tpu.memref_slice %arg4[%dma_start3A_330] : memref<16001024xf32, #tpu.memory_space<hbm>> -> memref<7999616xf32, #tpu.memory_space<hbm>>
    %dma_start3A_332 = arith.constant 0 : i32
    %dma_start3A_333 = tpu.memref_slice %dma_start3A_331[%dma_start3A_332] : memref<7999616xf32, #tpu.memory_space<hbm>> -> memref<7999616xf32, #tpu.memory_space<hbm>>
    tpu.enqueue_indirect_dma source(%dma_start3A_333 : memref<7999616xf32, #tpu.memory_space<hbm>>) target(%dma_start3A_327 : memref<128xf32, #tpu.memory_space<vmem>>) offsets(%dma_start3A_329 : memref<128xi32, #tpu.memory_space<vmem>>) semaphore(%arg20 : memref<!tpu.dma_semaphore, #tpu.memory_space<semaphore_mem>>)
    %dma_start3A_334 = arith.constant 2176 : i32
    %dma_start3A_335 = tpu.memref_slice %arg15[%dma_start3A_334] : memref<8192xf32, #tpu.memory_space<vmem>> -> memref<128xf32, #tpu.memory_space<vmem>>
    %dma_start3A_336 = arith.constant 128 : i32
    %dma_start3A_337 = tpu.memref_slice %arg13[%dma_start3A_336] : memref<512xi32, #tpu.memory_space<vmem>> -> memref<128xi32, #tpu.memory_space<vmem>>
    %dma_start3A_338 = arith.constant 512 : i32
    %dma_start3A_339 = tpu.memref_slice %arg5[%dma_start3A_338] : memref<1601536xf32, #tpu.memory_space<hbm>> -> memref<799872xf32, #tpu.memory_space<hbm>>
    %dma_start3A_340 = arith.constant 0 : i32
    %dma_start3A_341 = tpu.memref_slice %dma_start3A_339[%dma_start3A_340] : memref<799872xf32, #tpu.memory_space<hbm>> -> memref<799872xf32, #tpu.memory_space<hbm>>
    tpu.enqueue_indirect_dma source(%dma_start3A_341 : memref<799872xf32, #tpu.memory_space<hbm>>) target(%dma_start3A_335 : memref<128xf32, #tpu.memory_space<vmem>>) offsets(%dma_start3A_337 : memref<128xi32, #tpu.memory_space<vmem>>) semaphore(%arg20 : memref<!tpu.dma_semaphore, #tpu.memory_space<semaphore_mem>>)
    %dma_start3A_342 = arith.constant 2304 : i32
    %dma_start3A_343 = tpu.memref_slice %arg14[%dma_start3A_342] : memref<8192xf32, #tpu.memory_space<vmem>> -> memref<128xf32, #tpu.memory_space<vmem>>
    %dma_start3A_344 = arith.constant 256 : i32
    %dma_start3A_345 = tpu.memref_slice %arg12[%dma_start3A_344] : memref<512xi32, #tpu.memory_space<vmem>> -> memref<128xi32, #tpu.memory_space<vmem>>
    %dma_start3A_346 = arith.constant 512 : i32
    %dma_start3A_347 = tpu.memref_slice %arg4[%dma_start3A_346] : memref<16001024xf32, #tpu.memory_space<hbm>> -> memref<7999616xf32, #tpu.memory_space<hbm>>
    %dma_start3A_348 = arith.constant 0 : i32
    %dma_start3A_349 = tpu.memref_slice %dma_start3A_347[%dma_start3A_348] : memref<7999616xf32, #tpu.memory_space<hbm>> -> memref<7999616xf32, #tpu.memory_space<hbm>>
    tpu.enqueue_indirect_dma source(%dma_start3A_349 : memref<7999616xf32, #tpu.memory_space<hbm>>) target(%dma_start3A_343 : memref<128xf32, #tpu.memory_space<vmem>>) offsets(%dma_start3A_345 : memref<128xi32, #tpu.memory_space<vmem>>) semaphore(%arg20 : memref<!tpu.dma_semaphore, #tpu.memory_space<semaphore_mem>>)
    %dma_start3A_350 = arith.constant 2304 : i32
    %dma_start3A_351 = tpu.memref_slice %arg15[%dma_start3A_350] : memref<8192xf32, #tpu.memory_space<vmem>> -> memref<128xf32, #tpu.memory_space<vmem>>
    %dma_start3A_352 = arith.constant 256 : i32
    %dma_start3A_353 = tpu.memref_slice %arg13[%dma_start3A_352] : memref<512xi32, #tpu.memory_space<vmem>> -> memref<128xi32, #tpu.memory_space<vmem>>
    %dma_start3A_354 = arith.constant 512 : i32
    %dma_start3A_355 = tpu.memref_slice %arg5[%dma_start3A_354] : memref<1601536xf32, #tpu.memory_space<hbm>> -> memref<799872xf32, #tpu.memory_space<hbm>>
    %dma_start3A_356 = arith.constant 0 : i32
    %dma_start3A_357 = tpu.memref_slice %dma_start3A_355[%dma_start3A_356] : memref<799872xf32, #tpu.memory_space<hbm>> -> memref<799872xf32, #tpu.memory_space<hbm>>
    tpu.enqueue_indirect_dma source(%dma_start3A_357 : memref<799872xf32, #tpu.memory_space<hbm>>) target(%dma_start3A_351 : memref<128xf32, #tpu.memory_space<vmem>>) offsets(%dma_start3A_353 : memref<128xi32, #tpu.memory_space<vmem>>) semaphore(%arg20 : memref<!tpu.dma_semaphore, #tpu.memory_space<semaphore_mem>>)
    %dma_start3A_358 = arith.constant 2432 : i32
    %dma_start3A_359 = tpu.memref_slice %arg14[%dma_start3A_358] : memref<8192xf32, #tpu.memory_space<vmem>> -> memref<128xf32, #tpu.memory_space<vmem>>
    %dma_start3A_360 = arith.constant 384 : i32
    %dma_start3A_361 = tpu.memref_slice %arg12[%dma_start3A_360] : memref<512xi32, #tpu.memory_space<vmem>> -> memref<128xi32, #tpu.memory_space<vmem>>
    %dma_start3A_362 = arith.constant 512 : i32
    %dma_start3A_363 = tpu.memref_slice %arg4[%dma_start3A_362] : memref<16001024xf32, #tpu.memory_space<hbm>> -> memref<7999616xf32, #tpu.memory_space<hbm>>
    %dma_start3A_364 = arith.constant 0 : i32
    %dma_start3A_365 = tpu.memref_slice %dma_start3A_363[%dma_start3A_364] : memref<7999616xf32, #tpu.memory_space<hbm>> -> memref<7999616xf32, #tpu.memory_space<hbm>>
    tpu.enqueue_indirect_dma source(%dma_start3A_365 : memref<7999616xf32, #tpu.memory_space<hbm>>) target(%dma_start3A_359 : memref<128xf32, #tpu.memory_space<vmem>>) offsets(%dma_start3A_361 : memref<128xi32, #tpu.memory_space<vmem>>) semaphore(%arg20 : memref<!tpu.dma_semaphore, #tpu.memory_space<semaphore_mem>>)
    %dma_start3A_366 = arith.constant 2432 : i32
    %dma_start3A_367 = tpu.memref_slice %arg15[%dma_start3A_366] : memref<8192xf32, #tpu.memory_space<vmem>> -> memref<128xf32, #tpu.memory_space<vmem>>
    %dma_start3A_368 = arith.constant 384 : i32
    %dma_start3A_369 = tpu.memref_slice %arg13[%dma_start3A_368] : memref<512xi32, #tpu.memory_space<vmem>> -> memref<128xi32, #tpu.memory_space<vmem>>
    %dma_start3A_370 = arith.constant 512 : i32
    %dma_start3A_371 = tpu.memref_slice %arg5[%dma_start3A_370] : memref<1601536xf32, #tpu.memory_space<hbm>> -> memref<799872xf32, #tpu.memory_space<hbm>>
    %dma_start3A_372 = arith.constant 0 : i32
    %dma_start3A_373 = tpu.memref_slice %dma_start3A_371[%dma_start3A_372] : memref<799872xf32, #tpu.memory_space<hbm>> -> memref<799872xf32, #tpu.memory_space<hbm>>
    tpu.enqueue_indirect_dma source(%dma_start3A_373 : memref<799872xf32, #tpu.memory_space<hbm>>) target(%dma_start3A_367 : memref<128xf32, #tpu.memory_space<vmem>>) offsets(%dma_start3A_369 : memref<128xi32, #tpu.memory_space<vmem>>) semaphore(%arg20 : memref<!tpu.dma_semaphore, #tpu.memory_space<semaphore_mem>>)
    %dma_start3A_374 = arith.constant 2560 : i32
    %dma_start3A_375 = tpu.memref_slice %arg14[%dma_start3A_374] : memref<8192xf32, #tpu.memory_space<vmem>> -> memref<128xf32, #tpu.memory_space<vmem>>
    %dma_start3A_376 = arith.constant 0 : i32
    %dma_start3A_377 = tpu.memref_slice %arg12[%dma_start3A_376] : memref<512xi32, #tpu.memory_space<vmem>> -> memref<128xi32, #tpu.memory_space<vmem>>
    %dma_start3A_378 = arith.constant 640 : i32
    %dma_start3A_379 = tpu.memref_slice %arg4[%dma_start3A_378] : memref<16001024xf32, #tpu.memory_space<hbm>> -> memref<7999616xf32, #tpu.memory_space<hbm>>
    %dma_start3A_380 = arith.constant 0 : i32
    %dma_start3A_381 = tpu.memref_slice %dma_start3A_379[%dma_start3A_380] : memref<7999616xf32, #tpu.memory_space<hbm>> -> memref<7999616xf32, #tpu.memory_space<hbm>>
    tpu.enqueue_indirect_dma source(%dma_start3A_381 : memref<7999616xf32, #tpu.memory_space<hbm>>) target(%dma_start3A_375 : memref<128xf32, #tpu.memory_space<vmem>>) offsets(%dma_start3A_377 : memref<128xi32, #tpu.memory_space<vmem>>) semaphore(%arg20 : memref<!tpu.dma_semaphore, #tpu.memory_space<semaphore_mem>>)
    %dma_start3A_382 = arith.constant 2560 : i32
    %dma_start3A_383 = tpu.memref_slice %arg15[%dma_start3A_382] : memref<8192xf32, #tpu.memory_space<vmem>> -> memref<128xf32, #tpu.memory_space<vmem>>
    %dma_start3A_384 = arith.constant 0 : i32
    %dma_start3A_385 = tpu.memref_slice %arg13[%dma_start3A_384] : memref<512xi32, #tpu.memory_space<vmem>> -> memref<128xi32, #tpu.memory_space<vmem>>
    %dma_start3A_386 = arith.constant 640 : i32
    %dma_start3A_387 = tpu.memref_slice %arg5[%dma_start3A_386] : memref<1601536xf32, #tpu.memory_space<hbm>> -> memref<799872xf32, #tpu.memory_space<hbm>>
    %dma_start3A_388 = arith.constant 0 : i32
    %dma_start3A_389 = tpu.memref_slice %dma_start3A_387[%dma_start3A_388] : memref<799872xf32, #tpu.memory_space<hbm>> -> memref<799872xf32, #tpu.memory_space<hbm>>
    tpu.enqueue_indirect_dma source(%dma_start3A_389 : memref<799872xf32, #tpu.memory_space<hbm>>) target(%dma_start3A_383 : memref<128xf32, #tpu.memory_space<vmem>>) offsets(%dma_start3A_385 : memref<128xi32, #tpu.memory_space<vmem>>) semaphore(%arg20 : memref<!tpu.dma_semaphore, #tpu.memory_space<semaphore_mem>>)
    %dma_start3A_390 = arith.constant 2688 : i32
    %dma_start3A_391 = tpu.memref_slice %arg14[%dma_start3A_390] : memref<8192xf32, #tpu.memory_space<vmem>> -> memref<128xf32, #tpu.memory_space<vmem>>
    %dma_start3A_392 = arith.constant 128 : i32
    %dma_start3A_393 = tpu.memref_slice %arg12[%dma_start3A_392] : memref<512xi32, #tpu.memory_space<vmem>> -> memref<128xi32, #tpu.memory_space<vmem>>
    %dma_start3A_394 = arith.constant 640 : i32
    %dma_start3A_395 = tpu.memref_slice %arg4[%dma_start3A_394] : memref<16001024xf32, #tpu.memory_space<hbm>> -> memref<7999616xf32, #tpu.memory_space<hbm>>
    %dma_start3A_396 = arith.constant 0 : i32
    %dma_start3A_397 = tpu.memref_slice %dma_start3A_395[%dma_start3A_396] : memref<7999616xf32, #tpu.memory_space<hbm>> -> memref<7999616xf32, #tpu.memory_space<hbm>>
    tpu.enqueue_indirect_dma source(%dma_start3A_397 : memref<7999616xf32, #tpu.memory_space<hbm>>) target(%dma_start3A_391 : memref<128xf32, #tpu.memory_space<vmem>>) offsets(%dma_start3A_393 : memref<128xi32, #tpu.memory_space<vmem>>) semaphore(%arg20 : memref<!tpu.dma_semaphore, #tpu.memory_space<semaphore_mem>>)
    %dma_start3A_398 = arith.constant 2688 : i32
    %dma_start3A_399 = tpu.memref_slice %arg15[%dma_start3A_398] : memref<8192xf32, #tpu.memory_space<vmem>> -> memref<128xf32, #tpu.memory_space<vmem>>
    %dma_start3A_400 = arith.constant 128 : i32
    %dma_start3A_401 = tpu.memref_slice %arg13[%dma_start3A_400] : memref<512xi32, #tpu.memory_space<vmem>> -> memref<128xi32, #tpu.memory_space<vmem>>
    %dma_start3A_402 = arith.constant 640 : i32
    %dma_start3A_403 = tpu.memref_slice %arg5[%dma_start3A_402] : memref<1601536xf32, #tpu.memory_space<hbm>> -> memref<799872xf32, #tpu.memory_space<hbm>>
    %dma_start3A_404 = arith.constant 0 : i32
    %dma_start3A_405 = tpu.memref_slice %dma_start3A_403[%dma_start3A_404] : memref<799872xf32, #tpu.memory_space<hbm>> -> memref<799872xf32, #tpu.memory_space<hbm>>
    tpu.enqueue_indirect_dma source(%dma_start3A_405 : memref<799872xf32, #tpu.memory_space<hbm>>) target(%dma_start3A_399 : memref<128xf32, #tpu.memory_space<vmem>>) offsets(%dma_start3A_401 : memref<128xi32, #tpu.memory_space<vmem>>) semaphore(%arg20 : memref<!tpu.dma_semaphore, #tpu.memory_space<semaphore_mem>>)
    %dma_start3A_406 = arith.constant 2816 : i32
    %dma_start3A_407 = tpu.memref_slice %arg14[%dma_start3A_406] : memref<8192xf32, #tpu.memory_space<vmem>> -> memref<128xf32, #tpu.memory_space<vmem>>
    %dma_start3A_408 = arith.constant 256 : i32
    %dma_start3A_409 = tpu.memref_slice %arg12[%dma_start3A_408] : memref<512xi32, #tpu.memory_space<vmem>> -> memref<128xi32, #tpu.memory_space<vmem>>
    %dma_start3A_410 = arith.constant 640 : i32
    %dma_start3A_411 = tpu.memref_slice %arg4[%dma_start3A_410] : memref<16001024xf32, #tpu.memory_space<hbm>> -> memref<7999616xf32, #tpu.memory_space<hbm>>
    %dma_start3A_412 = arith.constant 0 : i32
    %dma_start3A_413 = tpu.memref_slice %dma_start3A_411[%dma_start3A_412] : memref<7999616xf32, #tpu.memory_space<hbm>> -> memref<7999616xf32, #tpu.memory_space<hbm>>
    tpu.enqueue_indirect_dma source(%dma_start3A_413 : memref<7999616xf32, #tpu.memory_space<hbm>>) target(%dma_start3A_407 : memref<128xf32, #tpu.memory_space<vmem>>) offsets(%dma_start3A_409 : memref<128xi32, #tpu.memory_space<vmem>>) semaphore(%arg20 : memref<!tpu.dma_semaphore, #tpu.memory_space<semaphore_mem>>)
    %dma_start3A_414 = arith.constant 2816 : i32
    %dma_start3A_415 = tpu.memref_slice %arg15[%dma_start3A_414] : memref<8192xf32, #tpu.memory_space<vmem>> -> memref<128xf32, #tpu.memory_space<vmem>>
    %dma_start3A_416 = arith.constant 256 : i32
    %dma_start3A_417 = tpu.memref_slice %arg13[%dma_start3A_416] : memref<512xi32, #tpu.memory_space<vmem>> -> memref<128xi32, #tpu.memory_space<vmem>>
    %dma_start3A_418 = arith.constant 640 : i32
    %dma_start3A_419 = tpu.memref_slice %arg5[%dma_start3A_418] : memref<1601536xf32, #tpu.memory_space<hbm>> -> memref<799872xf32, #tpu.memory_space<hbm>>
    %dma_start3A_420 = arith.constant 0 : i32
    %dma_start3A_421 = tpu.memref_slice %dma_start3A_419[%dma_start3A_420] : memref<799872xf32, #tpu.memory_space<hbm>> -> memref<799872xf32, #tpu.memory_space<hbm>>
    tpu.enqueue_indirect_dma source(%dma_start3A_421 : memref<799872xf32, #tpu.memory_space<hbm>>) target(%dma_start3A_415 : memref<128xf32, #tpu.memory_space<vmem>>) offsets(%dma_start3A_417 : memref<128xi32, #tpu.memory_space<vmem>>) semaphore(%arg20 : memref<!tpu.dma_semaphore, #tpu.memory_space<semaphore_mem>>)
    %dma_start3A_422 = arith.constant 2944 : i32
    %dma_start3A_423 = tpu.memref_slice %arg14[%dma_start3A_422] : memref<8192xf32, #tpu.memory_space<vmem>> -> memref<128xf32, #tpu.memory_space<vmem>>
    %dma_start3A_424 = arith.constant 384 : i32
    %dma_start3A_425 = tpu.memref_slice %arg12[%dma_start3A_424] : memref<512xi32, #tpu.memory_space<vmem>> -> memref<128xi32, #tpu.memory_space<vmem>>
    %dma_start3A_426 = arith.constant 640 : i32
    %dma_start3A_427 = tpu.memref_slice %arg4[%dma_start3A_426] : memref<16001024xf32, #tpu.memory_space<hbm>> -> memref<7999616xf32, #tpu.memory_space<hbm>>
    %dma_start3A_428 = arith.constant 0 : i32
    %dma_start3A_429 = tpu.memref_slice %dma_start3A_427[%dma_start3A_428] : memref<7999616xf32, #tpu.memory_space<hbm>> -> memref<7999616xf32, #tpu.memory_space<hbm>>
    tpu.enqueue_indirect_dma source(%dma_start3A_429 : memref<7999616xf32, #tpu.memory_space<hbm>>) target(%dma_start3A_423 : memref<128xf32, #tpu.memory_space<vmem>>) offsets(%dma_start3A_425 : memref<128xi32, #tpu.memory_space<vmem>>) semaphore(%arg20 : memref<!tpu.dma_semaphore, #tpu.memory_space<semaphore_mem>>)
    %dma_start3A_430 = arith.constant 2944 : i32
    %dma_start3A_431 = tpu.memref_slice %arg15[%dma_start3A_430] : memref<8192xf32, #tpu.memory_space<vmem>> -> memref<128xf32, #tpu.memory_space<vmem>>
    %dma_start3A_432 = arith.constant 384 : i32
    %dma_start3A_433 = tpu.memref_slice %arg13[%dma_start3A_432] : memref<512xi32, #tpu.memory_space<vmem>> -> memref<128xi32, #tpu.memory_space<vmem>>
    %dma_start3A_434 = arith.constant 640 : i32
    %dma_start3A_435 = tpu.memref_slice %arg5[%dma_start3A_434] : memref<1601536xf32, #tpu.memory_space<hbm>> -> memref<799872xf32, #tpu.memory_space<hbm>>
    %dma_start3A_436 = arith.constant 0 : i32
    %dma_start3A_437 = tpu.memref_slice %dma_start3A_435[%dma_start3A_436] : memref<799872xf32, #tpu.memory_space<hbm>> -> memref<799872xf32, #tpu.memory_space<hbm>>
    tpu.enqueue_indirect_dma source(%dma_start3A_437 : memref<799872xf32, #tpu.memory_space<hbm>>) target(%dma_start3A_431 : memref<128xf32, #tpu.memory_space<vmem>>) offsets(%dma_start3A_433 : memref<128xi32, #tpu.memory_space<vmem>>) semaphore(%arg20 : memref<!tpu.dma_semaphore, #tpu.memory_space<semaphore_mem>>)
    %dma_start3A_438 = arith.constant 3072 : i32
    %dma_start3A_439 = tpu.memref_slice %arg14[%dma_start3A_438] : memref<8192xf32, #tpu.memory_space<vmem>> -> memref<128xf32, #tpu.memory_space<vmem>>
    %dma_start3A_440 = arith.constant 0 : i32
    %dma_start3A_441 = tpu.memref_slice %arg12[%dma_start3A_440] : memref<512xi32, #tpu.memory_space<vmem>> -> memref<128xi32, #tpu.memory_space<vmem>>
    %dma_start3A_442 = arith.constant 768 : i32
    %dma_start3A_443 = tpu.memref_slice %arg4[%dma_start3A_442] : memref<16001024xf32, #tpu.memory_space<hbm>> -> memref<7999616xf32, #tpu.memory_space<hbm>>
    %dma_start3A_444 = arith.constant 0 : i32
    %dma_start3A_445 = tpu.memref_slice %dma_start3A_443[%dma_start3A_444] : memref<7999616xf32, #tpu.memory_space<hbm>> -> memref<7999616xf32, #tpu.memory_space<hbm>>
    tpu.enqueue_indirect_dma source(%dma_start3A_445 : memref<7999616xf32, #tpu.memory_space<hbm>>) target(%dma_start3A_439 : memref<128xf32, #tpu.memory_space<vmem>>) offsets(%dma_start3A_441 : memref<128xi32, #tpu.memory_space<vmem>>) semaphore(%arg20 : memref<!tpu.dma_semaphore, #tpu.memory_space<semaphore_mem>>)
    %dma_start3A_446 = arith.constant 3072 : i32
    %dma_start3A_447 = tpu.memref_slice %arg15[%dma_start3A_446] : memref<8192xf32, #tpu.memory_space<vmem>> -> memref<128xf32, #tpu.memory_space<vmem>>
    %dma_start3A_448 = arith.constant 0 : i32
    %dma_start3A_449 = tpu.memref_slice %arg13[%dma_start3A_448] : memref<512xi32, #tpu.memory_space<vmem>> -> memref<128xi32, #tpu.memory_space<vmem>>
    %dma_start3A_450 = arith.constant 768 : i32
    %dma_start3A_451 = tpu.memref_slice %arg5[%dma_start3A_450] : memref<1601536xf32, #tpu.memory_space<hbm>> -> memref<799872xf32, #tpu.memory_space<hbm>>
    %dma_start3A_452 = arith.constant 0 : i32
    %dma_start3A_453 = tpu.memref_slice %dma_start3A_451[%dma_start3A_452] : memref<799872xf32, #tpu.memory_space<hbm>> -> memref<799872xf32, #tpu.memory_space<hbm>>
    tpu.enqueue_indirect_dma source(%dma_start3A_453 : memref<799872xf32, #tpu.memory_space<hbm>>) target(%dma_start3A_447 : memref<128xf32, #tpu.memory_space<vmem>>) offsets(%dma_start3A_449 : memref<128xi32, #tpu.memory_space<vmem>>) semaphore(%arg20 : memref<!tpu.dma_semaphore, #tpu.memory_space<semaphore_mem>>)
    %dma_start3A_454 = arith.constant 3200 : i32
    %dma_start3A_455 = tpu.memref_slice %arg14[%dma_start3A_454] : memref<8192xf32, #tpu.memory_space<vmem>> -> memref<128xf32, #tpu.memory_space<vmem>>
    %dma_start3A_456 = arith.constant 128 : i32
    %dma_start3A_457 = tpu.memref_slice %arg12[%dma_start3A_456] : memref<512xi32, #tpu.memory_space<vmem>> -> memref<128xi32, #tpu.memory_space<vmem>>
    %dma_start3A_458 = arith.constant 768 : i32
    %dma_start3A_459 = tpu.memref_slice %arg4[%dma_start3A_458] : memref<16001024xf32, #tpu.memory_space<hbm>> -> memref<7999616xf32, #tpu.memory_space<hbm>>
    %dma_start3A_460 = arith.constant 0 : i32
    %dma_start3A_461 = tpu.memref_slice %dma_start3A_459[%dma_start3A_460] : memref<7999616xf32, #tpu.memory_space<hbm>> -> memref<7999616xf32, #tpu.memory_space<hbm>>
    tpu.enqueue_indirect_dma source(%dma_start3A_461 : memref<7999616xf32, #tpu.memory_space<hbm>>) target(%dma_start3A_455 : memref<128xf32, #tpu.memory_space<vmem>>) offsets(%dma_start3A_457 : memref<128xi32, #tpu.memory_space<vmem>>) semaphore(%arg20 : memref<!tpu.dma_semaphore, #tpu.memory_space<semaphore_mem>>)
    %dma_start3A_462 = arith.constant 3200 : i32
    %dma_start3A_463 = tpu.memref_slice %arg15[%dma_start3A_462] : memref<8192xf32, #tpu.memory_space<vmem>> -> memref<128xf32, #tpu.memory_space<vmem>>
    %dma_start3A_464 = arith.constant 128 : i32
    %dma_start3A_465 = tpu.memref_slice %arg13[%dma_start3A_464] : memref<512xi32, #tpu.memory_space<vmem>> -> memref<128xi32, #tpu.memory_space<vmem>>
    %dma_start3A_466 = arith.constant 768 : i32
    %dma_start3A_467 = tpu.memref_slice %arg5[%dma_start3A_466] : memref<1601536xf32, #tpu.memory_space<hbm>> -> memref<799872xf32, #tpu.memory_space<hbm>>
    %dma_start3A_468 = arith.constant 0 : i32
    %dma_start3A_469 = tpu.memref_slice %dma_start3A_467[%dma_start3A_468] : memref<799872xf32, #tpu.memory_space<hbm>> -> memref<799872xf32, #tpu.memory_space<hbm>>
    tpu.enqueue_indirect_dma source(%dma_start3A_469 : memref<799872xf32, #tpu.memory_space<hbm>>) target(%dma_start3A_463 : memref<128xf32, #tpu.memory_space<vmem>>) offsets(%dma_start3A_465 : memref<128xi32, #tpu.memory_space<vmem>>) semaphore(%arg20 : memref<!tpu.dma_semaphore, #tpu.memory_space<semaphore_mem>>)
    %dma_start3A_470 = arith.constant 3328 : i32
    %dma_start3A_471 = tpu.memref_slice %arg14[%dma_start3A_470] : memref<8192xf32, #tpu.memory_space<vmem>> -> memref<128xf32, #tpu.memory_space<vmem>>
    %dma_start3A_472 = arith.constant 256 : i32
    %dma_start3A_473 = tpu.memref_slice %arg12[%dma_start3A_472] : memref<512xi32, #tpu.memory_space<vmem>> -> memref<128xi32, #tpu.memory_space<vmem>>
    %dma_start3A_474 = arith.constant 768 : i32
    %dma_start3A_475 = tpu.memref_slice %arg4[%dma_start3A_474] : memref<16001024xf32, #tpu.memory_space<hbm>> -> memref<7999616xf32, #tpu.memory_space<hbm>>
    %dma_start3A_476 = arith.constant 0 : i32
    %dma_start3A_477 = tpu.memref_slice %dma_start3A_475[%dma_start3A_476] : memref<7999616xf32, #tpu.memory_space<hbm>> -> memref<7999616xf32, #tpu.memory_space<hbm>>
    tpu.enqueue_indirect_dma source(%dma_start3A_477 : memref<7999616xf32, #tpu.memory_space<hbm>>) target(%dma_start3A_471 : memref<128xf32, #tpu.memory_space<vmem>>) offsets(%dma_start3A_473 : memref<128xi32, #tpu.memory_space<vmem>>) semaphore(%arg20 : memref<!tpu.dma_semaphore, #tpu.memory_space<semaphore_mem>>)
    %dma_start3A_478 = arith.constant 3328 : i32
    %dma_start3A_479 = tpu.memref_slice %arg15[%dma_start3A_478] : memref<8192xf32, #tpu.memory_space<vmem>> -> memref<128xf32, #tpu.memory_space<vmem>>
    %dma_start3A_480 = arith.constant 256 : i32
    %dma_start3A_481 = tpu.memref_slice %arg13[%dma_start3A_480] : memref<512xi32, #tpu.memory_space<vmem>> -> memref<128xi32, #tpu.memory_space<vmem>>
    %dma_start3A_482 = arith.constant 768 : i32
    %dma_start3A_483 = tpu.memref_slice %arg5[%dma_start3A_482] : memref<1601536xf32, #tpu.memory_space<hbm>> -> memref<799872xf32, #tpu.memory_space<hbm>>
    %dma_start3A_484 = arith.constant 0 : i32
    %dma_start3A_485 = tpu.memref_slice %dma_start3A_483[%dma_start3A_484] : memref<799872xf32, #tpu.memory_space<hbm>> -> memref<799872xf32, #tpu.memory_space<hbm>>
    tpu.enqueue_indirect_dma source(%dma_start3A_485 : memref<799872xf32, #tpu.memory_space<hbm>>) target(%dma_start3A_479 : memref<128xf32, #tpu.memory_space<vmem>>) offsets(%dma_start3A_481 : memref<128xi32, #tpu.memory_space<vmem>>) semaphore(%arg20 : memref<!tpu.dma_semaphore, #tpu.memory_space<semaphore_mem>>)
    %dma_start3A_486 = arith.constant 3456 : i32
    %dma_start3A_487 = tpu.memref_slice %arg14[%dma_start3A_486] : memref<8192xf32, #tpu.memory_space<vmem>> -> memref<128xf32, #tpu.memory_space<vmem>>
    %dma_start3A_488 = arith.constant 384 : i32
    %dma_start3A_489 = tpu.memref_slice %arg12[%dma_start3A_488] : memref<512xi32, #tpu.memory_space<vmem>> -> memref<128xi32, #tpu.memory_space<vmem>>
    %dma_start3A_490 = arith.constant 768 : i32
    %dma_start3A_491 = tpu.memref_slice %arg4[%dma_start3A_490] : memref<16001024xf32, #tpu.memory_space<hbm>> -> memref<7999616xf32, #tpu.memory_space<hbm>>
    %dma_start3A_492 = arith.constant 0 : i32
    %dma_start3A_493 = tpu.memref_slice %dma_start3A_491[%dma_start3A_492] : memref<7999616xf32, #tpu.memory_space<hbm>> -> memref<7999616xf32, #tpu.memory_space<hbm>>
    tpu.enqueue_indirect_dma source(%dma_start3A_493 : memref<7999616xf32, #tpu.memory_space<hbm>>) target(%dma_start3A_487 : memref<128xf32, #tpu.memory_space<vmem>>) offsets(%dma_start3A_489 : memref<128xi32, #tpu.memory_space<vmem>>) semaphore(%arg20 : memref<!tpu.dma_semaphore, #tpu.memory_space<semaphore_mem>>)
    %dma_start3A_494 = arith.constant 3456 : i32
    %dma_start3A_495 = tpu.memref_slice %arg15[%dma_start3A_494] : memref<8192xf32, #tpu.memory_space<vmem>> -> memref<128xf32, #tpu.memory_space<vmem>>
    %dma_start3A_496 = arith.constant 384 : i32
    %dma_start3A_497 = tpu.memref_slice %arg13[%dma_start3A_496] : memref<512xi32, #tpu.memory_space<vmem>> -> memref<128xi32, #tpu.memory_space<vmem>>
    %dma_start3A_498 = arith.constant 768 : i32
    %dma_start3A_499 = tpu.memref_slice %arg5[%dma_start3A_498] : memref<1601536xf32, #tpu.memory_space<hbm>> -> memref<799872xf32, #tpu.memory_space<hbm>>
    %dma_start3A_500 = arith.constant 0 : i32
    %dma_start3A_501 = tpu.memref_slice %dma_start3A_499[%dma_start3A_500] : memref<799872xf32, #tpu.memory_space<hbm>> -> memref<799872xf32, #tpu.memory_space<hbm>>
    tpu.enqueue_indirect_dma source(%dma_start3A_501 : memref<799872xf32, #tpu.memory_space<hbm>>) target(%dma_start3A_495 : memref<128xf32, #tpu.memory_space<vmem>>) offsets(%dma_start3A_497 : memref<128xi32, #tpu.memory_space<vmem>>) semaphore(%arg20 : memref<!tpu.dma_semaphore, #tpu.memory_space<semaphore_mem>>)
    %dma_start3A_502 = arith.constant 3584 : i32
    %dma_start3A_503 = tpu.memref_slice %arg14[%dma_start3A_502] : memref<8192xf32, #tpu.memory_space<vmem>> -> memref<128xf32, #tpu.memory_space<vmem>>
    %dma_start3A_504 = arith.constant 0 : i32
    %dma_start3A_505 = tpu.memref_slice %arg12[%dma_start3A_504] : memref<512xi32, #tpu.memory_space<vmem>> -> memref<128xi32, #tpu.memory_space<vmem>>
    %dma_start3A_506 = arith.constant 896 : i32
    %dma_start3A_507 = tpu.memref_slice %arg4[%dma_start3A_506] : memref<16001024xf32, #tpu.memory_space<hbm>> -> memref<7999616xf32, #tpu.memory_space<hbm>>
    %dma_start3A_508 = arith.constant 0 : i32
    %dma_start3A_509 = tpu.memref_slice %dma_start3A_507[%dma_start3A_508] : memref<7999616xf32, #tpu.memory_space<hbm>> -> memref<7999616xf32, #tpu.memory_space<hbm>>
    tpu.enqueue_indirect_dma source(%dma_start3A_509 : memref<7999616xf32, #tpu.memory_space<hbm>>) target(%dma_start3A_503 : memref<128xf32, #tpu.memory_space<vmem>>) offsets(%dma_start3A_505 : memref<128xi32, #tpu.memory_space<vmem>>) semaphore(%arg20 : memref<!tpu.dma_semaphore, #tpu.memory_space<semaphore_mem>>)
    %dma_start3A_510 = arith.constant 3584 : i32
    %dma_start3A_511 = tpu.memref_slice %arg15[%dma_start3A_510] : memref<8192xf32, #tpu.memory_space<vmem>> -> memref<128xf32, #tpu.memory_space<vmem>>
    %dma_start3A_512 = arith.constant 0 : i32
    %dma_start3A_513 = tpu.memref_slice %arg13[%dma_start3A_512] : memref<512xi32, #tpu.memory_space<vmem>> -> memref<128xi32, #tpu.memory_space<vmem>>
    %dma_start3A_514 = arith.constant 896 : i32
    %dma_start3A_515 = tpu.memref_slice %arg5[%dma_start3A_514] : memref<1601536xf32, #tpu.memory_space<hbm>> -> memref<799872xf32, #tpu.memory_space<hbm>>
    %dma_start3A_516 = arith.constant 0 : i32
    %dma_start3A_517 = tpu.memref_slice %dma_start3A_515[%dma_start3A_516] : memref<799872xf32, #tpu.memory_space<hbm>> -> memref<799872xf32, #tpu.memory_space<hbm>>
    tpu.enqueue_indirect_dma source(%dma_start3A_517 : memref<799872xf32, #tpu.memory_space<hbm>>) target(%dma_start3A_511 : memref<128xf32, #tpu.memory_space<vmem>>) offsets(%dma_start3A_513 : memref<128xi32, #tpu.memory_space<vmem>>) semaphore(%arg20 : memref<!tpu.dma_semaphore, #tpu.memory_space<semaphore_mem>>)
    %dma_start3A_518 = arith.constant 3712 : i32
    %dma_start3A_519 = tpu.memref_slice %arg14[%dma_start3A_518] : memref<8192xf32, #tpu.memory_space<vmem>> -> memref<128xf32, #tpu.memory_space<vmem>>
    %dma_start3A_520 = arith.constant 128 : i32
    %dma_start3A_521 = tpu.memref_slice %arg12[%dma_start3A_520] : memref<512xi32, #tpu.memory_space<vmem>> -> memref<128xi32, #tpu.memory_space<vmem>>
    %dma_start3A_522 = arith.constant 896 : i32
    %dma_start3A_523 = tpu.memref_slice %arg4[%dma_start3A_522] : memref<16001024xf32, #tpu.memory_space<hbm>> -> memref<7999616xf32, #tpu.memory_space<hbm>>
    %dma_start3A_524 = arith.constant 0 : i32
    %dma_start3A_525 = tpu.memref_slice %dma_start3A_523[%dma_start3A_524] : memref<7999616xf32, #tpu.memory_space<hbm>> -> memref<7999616xf32, #tpu.memory_space<hbm>>
    tpu.enqueue_indirect_dma source(%dma_start3A_525 : memref<7999616xf32, #tpu.memory_space<hbm>>) target(%dma_start3A_519 : memref<128xf32, #tpu.memory_space<vmem>>) offsets(%dma_start3A_521 : memref<128xi32, #tpu.memory_space<vmem>>) semaphore(%arg20 : memref<!tpu.dma_semaphore, #tpu.memory_space<semaphore_mem>>)
    %dma_start3A_526 = arith.constant 3712 : i32
    %dma_start3A_527 = tpu.memref_slice %arg15[%dma_start3A_526] : memref<8192xf32, #tpu.memory_space<vmem>> -> memref<128xf32, #tpu.memory_space<vmem>>
    %dma_start3A_528 = arith.constant 128 : i32
    %dma_start3A_529 = tpu.memref_slice %arg13[%dma_start3A_528] : memref<512xi32, #tpu.memory_space<vmem>> -> memref<128xi32, #tpu.memory_space<vmem>>
    %dma_start3A_530 = arith.constant 896 : i32
    %dma_start3A_531 = tpu.memref_slice %arg5[%dma_start3A_530] : memref<1601536xf32, #tpu.memory_space<hbm>> -> memref<799872xf32, #tpu.memory_space<hbm>>
    %dma_start3A_532 = arith.constant 0 : i32
    %dma_start3A_533 = tpu.memref_slice %dma_start3A_531[%dma_start3A_532] : memref<799872xf32, #tpu.memory_space<hbm>> -> memref<799872xf32, #tpu.memory_space<hbm>>
    tpu.enqueue_indirect_dma source(%dma_start3A_533 : memref<799872xf32, #tpu.memory_space<hbm>>) target(%dma_start3A_527 : memref<128xf32, #tpu.memory_space<vmem>>) offsets(%dma_start3A_529 : memref<128xi32, #tpu.memory_space<vmem>>) semaphore(%arg20 : memref<!tpu.dma_semaphore, #tpu.memory_space<semaphore_mem>>)
    %dma_start3A_534 = arith.constant 3840 : i32
    %dma_start3A_535 = tpu.memref_slice %arg14[%dma_start3A_534] : memref<8192xf32, #tpu.memory_space<vmem>> -> memref<128xf32, #tpu.memory_space<vmem>>
    %dma_start3A_536 = arith.constant 256 : i32
    %dma_start3A_537 = tpu.memref_slice %arg12[%dma_start3A_536] : memref<512xi32, #tpu.memory_space<vmem>> -> memref<128xi32, #tpu.memory_space<vmem>>
    %dma_start3A_538 = arith.constant 896 : i32
    %dma_start3A_539 = tpu.memref_slice %arg4[%dma_start3A_538] : memref<16001024xf32, #tpu.memory_space<hbm>> -> memref<7999616xf32, #tpu.memory_space<hbm>>
    %dma_start3A_540 = arith.constant 0 : i32
    %dma_start3A_541 = tpu.memref_slice %dma_start3A_539[%dma_start3A_540] : memref<7999616xf32, #tpu.memory_space<hbm>> -> memref<7999616xf32, #tpu.memory_space<hbm>>
    tpu.enqueue_indirect_dma source(%dma_start3A_541 : memref<7999616xf32, #tpu.memory_space<hbm>>) target(%dma_start3A_535 : memref<128xf32, #tpu.memory_space<vmem>>) offsets(%dma_start3A_537 : memref<128xi32, #tpu.memory_space<vmem>>) semaphore(%arg20 : memref<!tpu.dma_semaphore, #tpu.memory_space<semaphore_mem>>)
    %dma_start3A_542 = arith.constant 3840 : i32
    %dma_start3A_543 = tpu.memref_slice %arg15[%dma_start3A_542] : memref<8192xf32, #tpu.memory_space<vmem>> -> memref<128xf32, #tpu.memory_space<vmem>>
    %dma_start3A_544 = arith.constant 256 : i32
    %dma_start3A_545 = tpu.memref_slice %arg13[%dma_start3A_544] : memref<512xi32, #tpu.memory_space<vmem>> -> memref<128xi32, #tpu.memory_space<vmem>>
    %dma_start3A_546 = arith.constant 896 : i32
    %dma_start3A_547 = tpu.memref_slice %arg5[%dma_start3A_546] : memref<1601536xf32, #tpu.memory_space<hbm>> -> memref<799872xf32, #tpu.memory_space<hbm>>
    %dma_start3A_548 = arith.constant 0 : i32
    %dma_start3A_549 = tpu.memref_slice %dma_start3A_547[%dma_start3A_548] : memref<799872xf32, #tpu.memory_space<hbm>> -> memref<799872xf32, #tpu.memory_space<hbm>>
    tpu.enqueue_indirect_dma source(%dma_start3A_549 : memref<799872xf32, #tpu.memory_space<hbm>>) target(%dma_start3A_543 : memref<128xf32, #tpu.memory_space<vmem>>) offsets(%dma_start3A_545 : memref<128xi32, #tpu.memory_space<vmem>>) semaphore(%arg20 : memref<!tpu.dma_semaphore, #tpu.memory_space<semaphore_mem>>)
    %dma_start3A_550 = arith.constant 3968 : i32
    %dma_start3A_551 = tpu.memref_slice %arg14[%dma_start3A_550] : memref<8192xf32, #tpu.memory_space<vmem>> -> memref<128xf32, #tpu.memory_space<vmem>>
    %dma_start3A_552 = arith.constant 384 : i32
    %dma_start3A_553 = tpu.memref_slice %arg12[%dma_start3A_552] : memref<512xi32, #tpu.memory_space<vmem>> -> memref<128xi32, #tpu.memory_space<vmem>>
    %dma_start3A_554 = arith.constant 896 : i32
    %dma_start3A_555 = tpu.memref_slice %arg4[%dma_start3A_554] : memref<16001024xf32, #tpu.memory_space<hbm>> -> memref<7999616xf32, #tpu.memory_space<hbm>>
    %dma_start3A_556 = arith.constant 0 : i32
    %dma_start3A_557 = tpu.memref_slice %dma_start3A_555[%dma_start3A_556] : memref<7999616xf32, #tpu.memory_space<hbm>> -> memref<7999616xf32, #tpu.memory_space<hbm>>
    tpu.enqueue_indirect_dma source(%dma_start3A_557 : memref<7999616xf32, #tpu.memory_space<hbm>>) target(%dma_start3A_551 : memref<128xf32, #tpu.memory_space<vmem>>) offsets(%dma_start3A_553 : memref<128xi32, #tpu.memory_space<vmem>>) semaphore(%arg20 : memref<!tpu.dma_semaphore, #tpu.memory_space<semaphore_mem>>)
    %dma_start3A_558 = arith.constant 3968 : i32
    %dma_start3A_559 = tpu.memref_slice %arg15[%dma_start3A_558] : memref<8192xf32, #tpu.memory_space<vmem>> -> memref<128xf32, #tpu.memory_space<vmem>>
    %dma_start3A_560 = arith.constant 384 : i32
    %dma_start3A_561 = tpu.memref_slice %arg13[%dma_start3A_560] : memref<512xi32, #tpu.memory_space<vmem>> -> memref<128xi32, #tpu.memory_space<vmem>>
    %dma_start3A_562 = arith.constant 896 : i32
    %dma_start3A_563 = tpu.memref_slice %arg5[%dma_start3A_562] : memref<1601536xf32, #tpu.memory_space<hbm>> -> memref<799872xf32, #tpu.memory_space<hbm>>
    %dma_start3A_564 = arith.constant 0 : i32
    %dma_start3A_565 = tpu.memref_slice %dma_start3A_563[%dma_start3A_564] : memref<799872xf32, #tpu.memory_space<hbm>> -> memref<799872xf32, #tpu.memory_space<hbm>>
    tpu.enqueue_indirect_dma source(%dma_start3A_565 : memref<799872xf32, #tpu.memory_space<hbm>>) target(%dma_start3A_559 : memref<128xf32, #tpu.memory_space<vmem>>) offsets(%dma_start3A_561 : memref<128xi32, #tpu.memory_space<vmem>>) semaphore(%arg20 : memref<!tpu.dma_semaphore, #tpu.memory_space<semaphore_mem>>)
    %dma_start3A_566 = arith.constant 4096 : i32
    %dma_start3A_567 = tpu.memref_slice %arg14[%dma_start3A_566] : memref<8192xf32, #tpu.memory_space<vmem>> -> memref<128xf32, #tpu.memory_space<vmem>>
    %dma_start3A_568 = arith.constant 0 : i32
    %dma_start3A_569 = tpu.memref_slice %arg12[%dma_start3A_568] : memref<512xi32, #tpu.memory_space<vmem>> -> memref<128xi32, #tpu.memory_space<vmem>>
    %dma_start3A_570 = arith.constant 8000512 : i32
    %dma_start3A_571 = tpu.memref_slice %arg4[%dma_start3A_570] : memref<16001024xf32, #tpu.memory_space<hbm>> -> memref<7999616xf32, #tpu.memory_space<hbm>>
    %dma_start3A_572 = arith.constant 0 : i32
    %dma_start3A_573 = tpu.memref_slice %dma_start3A_571[%dma_start3A_572] : memref<7999616xf32, #tpu.memory_space<hbm>> -> memref<7999616xf32, #tpu.memory_space<hbm>>
    tpu.enqueue_indirect_dma source(%dma_start3A_573 : memref<7999616xf32, #tpu.memory_space<hbm>>) target(%dma_start3A_567 : memref<128xf32, #tpu.memory_space<vmem>>) offsets(%dma_start3A_569 : memref<128xi32, #tpu.memory_space<vmem>>) semaphore(%arg20 : memref<!tpu.dma_semaphore, #tpu.memory_space<semaphore_mem>>)
    %dma_start3A_574 = arith.constant 4096 : i32
    %dma_start3A_575 = tpu.memref_slice %arg15[%dma_start3A_574] : memref<8192xf32, #tpu.memory_space<vmem>> -> memref<128xf32, #tpu.memory_space<vmem>>
    %dma_start3A_576 = arith.constant 0 : i32
    %dma_start3A_577 = tpu.memref_slice %arg13[%dma_start3A_576] : memref<512xi32, #tpu.memory_space<vmem>> -> memref<128xi32, #tpu.memory_space<vmem>>
    %dma_start3A_578 = arith.constant 800768 : i32
    %dma_start3A_579 = tpu.memref_slice %arg5[%dma_start3A_578] : memref<1601536xf32, #tpu.memory_space<hbm>> -> memref<799872xf32, #tpu.memory_space<hbm>>
    %dma_start3A_580 = arith.constant 0 : i32
    %dma_start3A_581 = tpu.memref_slice %dma_start3A_579[%dma_start3A_580] : memref<799872xf32, #tpu.memory_space<hbm>> -> memref<799872xf32, #tpu.memory_space<hbm>>
    tpu.enqueue_indirect_dma source(%dma_start3A_581 : memref<799872xf32, #tpu.memory_space<hbm>>) target(%dma_start3A_575 : memref<128xf32, #tpu.memory_space<vmem>>) offsets(%dma_start3A_577 : memref<128xi32, #tpu.memory_space<vmem>>) semaphore(%arg20 : memref<!tpu.dma_semaphore, #tpu.memory_space<semaphore_mem>>)
    %dma_start3A_582 = arith.constant 4224 : i32
    %dma_start3A_583 = tpu.memref_slice %arg14[%dma_start3A_582] : memref<8192xf32, #tpu.memory_space<vmem>> -> memref<128xf32, #tpu.memory_space<vmem>>
    %dma_start3A_584 = arith.constant 128 : i32
    %dma_start3A_585 = tpu.memref_slice %arg12[%dma_start3A_584] : memref<512xi32, #tpu.memory_space<vmem>> -> memref<128xi32, #tpu.memory_space<vmem>>
    %dma_start3A_586 = arith.constant 8000512 : i32
    %dma_start3A_587 = tpu.memref_slice %arg4[%dma_start3A_586] : memref<16001024xf32, #tpu.memory_space<hbm>> -> memref<7999616xf32, #tpu.memory_space<hbm>>
    %dma_start3A_588 = arith.constant 0 : i32
    %dma_start3A_589 = tpu.memref_slice %dma_start3A_587[%dma_start3A_588] : memref<7999616xf32, #tpu.memory_space<hbm>> -> memref<7999616xf32, #tpu.memory_space<hbm>>
    tpu.enqueue_indirect_dma source(%dma_start3A_589 : memref<7999616xf32, #tpu.memory_space<hbm>>) target(%dma_start3A_583 : memref<128xf32, #tpu.memory_space<vmem>>) offsets(%dma_start3A_585 : memref<128xi32, #tpu.memory_space<vmem>>) semaphore(%arg20 : memref<!tpu.dma_semaphore, #tpu.memory_space<semaphore_mem>>)
    %dma_start3A_590 = arith.constant 4224 : i32
    %dma_start3A_591 = tpu.memref_slice %arg15[%dma_start3A_590] : memref<8192xf32, #tpu.memory_space<vmem>> -> memref<128xf32, #tpu.memory_space<vmem>>
    %dma_start3A_592 = arith.constant 128 : i32
    %dma_start3A_593 = tpu.memref_slice %arg13[%dma_start3A_592] : memref<512xi32, #tpu.memory_space<vmem>> -> memref<128xi32, #tpu.memory_space<vmem>>
    %dma_start3A_594 = arith.constant 800768 : i32
    %dma_start3A_595 = tpu.memref_slice %arg5[%dma_start3A_594] : memref<1601536xf32, #tpu.memory_space<hbm>> -> memref<799872xf32, #tpu.memory_space<hbm>>
    %dma_start3A_596 = arith.constant 0 : i32
    %dma_start3A_597 = tpu.memref_slice %dma_start3A_595[%dma_start3A_596] : memref<799872xf32, #tpu.memory_space<hbm>> -> memref<799872xf32, #tpu.memory_space<hbm>>
    tpu.enqueue_indirect_dma source(%dma_start3A_597 : memref<799872xf32, #tpu.memory_space<hbm>>) target(%dma_start3A_591 : memref<128xf32, #tpu.memory_space<vmem>>) offsets(%dma_start3A_593 : memref<128xi32, #tpu.memory_space<vmem>>) semaphore(%arg20 : memref<!tpu.dma_semaphore, #tpu.memory_space<semaphore_mem>>)
    %dma_start3A_598 = arith.constant 4352 : i32
    %dma_start3A_599 = tpu.memref_slice %arg14[%dma_start3A_598] : memref<8192xf32, #tpu.memory_space<vmem>> -> memref<128xf32, #tpu.memory_space<vmem>>
    %dma_start3A_600 = arith.constant 256 : i32
    %dma_start3A_601 = tpu.memref_slice %arg12[%dma_start3A_600] : memref<512xi32, #tpu.memory_space<vmem>> -> memref<128xi32, #tpu.memory_space<vmem>>
    %dma_start3A_602 = arith.constant 8000512 : i32
    %dma_start3A_603 = tpu.memref_slice %arg4[%dma_start3A_602] : memref<16001024xf32, #tpu.memory_space<hbm>> -> memref<7999616xf32, #tpu.memory_space<hbm>>
    %dma_start3A_604 = arith.constant 0 : i32
    %dma_start3A_605 = tpu.memref_slice %dma_start3A_603[%dma_start3A_604] : memref<7999616xf32, #tpu.memory_space<hbm>> -> memref<7999616xf32, #tpu.memory_space<hbm>>
    tpu.enqueue_indirect_dma source(%dma_start3A_605 : memref<7999616xf32, #tpu.memory_space<hbm>>) target(%dma_start3A_599 : memref<128xf32, #tpu.memory_space<vmem>>) offsets(%dma_start3A_601 : memref<128xi32, #tpu.memory_space<vmem>>) semaphore(%arg20 : memref<!tpu.dma_semaphore, #tpu.memory_space<semaphore_mem>>)
    %dma_start3A_606 = arith.constant 4352 : i32
    %dma_start3A_607 = tpu.memref_slice %arg15[%dma_start3A_606] : memref<8192xf32, #tpu.memory_space<vmem>> -> memref<128xf32, #tpu.memory_space<vmem>>
    %dma_start3A_608 = arith.constant 256 : i32
    %dma_start3A_609 = tpu.memref_slice %arg13[%dma_start3A_608] : memref<512xi32, #tpu.memory_space<vmem>> -> memref<128xi32, #tpu.memory_space<vmem>>
    %dma_start3A_610 = arith.constant 800768 : i32
    %dma_start3A_611 = tpu.memref_slice %arg5[%dma_start3A_610] : memref<1601536xf32, #tpu.memory_space<hbm>> -> memref<799872xf32, #tpu.memory_space<hbm>>
    %dma_start3A_612 = arith.constant 0 : i32
    %dma_start3A_613 = tpu.memref_slice %dma_start3A_611[%dma_start3A_612] : memref<799872xf32, #tpu.memory_space<hbm>> -> memref<799872xf32, #tpu.memory_space<hbm>>
    tpu.enqueue_indirect_dma source(%dma_start3A_613 : memref<799872xf32, #tpu.memory_space<hbm>>) target(%dma_start3A_607 : memref<128xf32, #tpu.memory_space<vmem>>) offsets(%dma_start3A_609 : memref<128xi32, #tpu.memory_space<vmem>>) semaphore(%arg20 : memref<!tpu.dma_semaphore, #tpu.memory_space<semaphore_mem>>)
    %dma_start3A_614 = arith.constant 4480 : i32
    %dma_start3A_615 = tpu.memref_slice %arg14[%dma_start3A_614] : memref<8192xf32, #tpu.memory_space<vmem>> -> memref<128xf32, #tpu.memory_space<vmem>>
    %dma_start3A_616 = arith.constant 384 : i32
    %dma_start3A_617 = tpu.memref_slice %arg12[%dma_start3A_616] : memref<512xi32, #tpu.memory_space<vmem>> -> memref<128xi32, #tpu.memory_space<vmem>>
    %dma_start3A_618 = arith.constant 8000512 : i32
    %dma_start3A_619 = tpu.memref_slice %arg4[%dma_start3A_618] : memref<16001024xf32, #tpu.memory_space<hbm>> -> memref<7999616xf32, #tpu.memory_space<hbm>>
    %dma_start3A_620 = arith.constant 0 : i32
    %dma_start3A_621 = tpu.memref_slice %dma_start3A_619[%dma_start3A_620] : memref<7999616xf32, #tpu.memory_space<hbm>> -> memref<7999616xf32, #tpu.memory_space<hbm>>
    tpu.enqueue_indirect_dma source(%dma_start3A_621 : memref<7999616xf32, #tpu.memory_space<hbm>>) target(%dma_start3A_615 : memref<128xf32, #tpu.memory_space<vmem>>) offsets(%dma_start3A_617 : memref<128xi32, #tpu.memory_space<vmem>>) semaphore(%arg20 : memref<!tpu.dma_semaphore, #tpu.memory_space<semaphore_mem>>)
    %dma_start3A_622 = arith.constant 4480 : i32
    %dma_start3A_623 = tpu.memref_slice %arg15[%dma_start3A_622] : memref<8192xf32, #tpu.memory_space<vmem>> -> memref<128xf32, #tpu.memory_space<vmem>>
    %dma_start3A_624 = arith.constant 384 : i32
    %dma_start3A_625 = tpu.memref_slice %arg13[%dma_start3A_624] : memref<512xi32, #tpu.memory_space<vmem>> -> memref<128xi32, #tpu.memory_space<vmem>>
    %dma_start3A_626 = arith.constant 800768 : i32
    %dma_start3A_627 = tpu.memref_slice %arg5[%dma_start3A_626] : memref<1601536xf32, #tpu.memory_space<hbm>> -> memref<799872xf32, #tpu.memory_space<hbm>>
    %dma_start3A_628 = arith.constant 0 : i32
    %dma_start3A_629 = tpu.memref_slice %dma_start3A_627[%dma_start3A_628] : memref<799872xf32, #tpu.memory_space<hbm>> -> memref<799872xf32, #tpu.memory_space<hbm>>
    tpu.enqueue_indirect_dma source(%dma_start3A_629 : memref<799872xf32, #tpu.memory_space<hbm>>) target(%dma_start3A_623 : memref<128xf32, #tpu.memory_space<vmem>>) offsets(%dma_start3A_625 : memref<128xi32, #tpu.memory_space<vmem>>) semaphore(%arg20 : memref<!tpu.dma_semaphore, #tpu.memory_space<semaphore_mem>>)
    %dma_start3A_630 = arith.constant 4608 : i32
    %dma_start3A_631 = tpu.memref_slice %arg14[%dma_start3A_630] : memref<8192xf32, #tpu.memory_space<vmem>> -> memref<128xf32, #tpu.memory_space<vmem>>
    %dma_start3A_632 = arith.constant 0 : i32
    %dma_start3A_633 = tpu.memref_slice %arg12[%dma_start3A_632] : memref<512xi32, #tpu.memory_space<vmem>> -> memref<128xi32, #tpu.memory_space<vmem>>
    %dma_start3A_634 = arith.constant 8000640 : i32
    %dma_start3A_635 = tpu.memref_slice %arg4[%dma_start3A_634] : memref<16001024xf32, #tpu.memory_space<hbm>> -> memref<7999616xf32, #tpu.memory_space<hbm>>
    %dma_start3A_636 = arith.constant 0 : i32
    %dma_start3A_637 = tpu.memref_slice %dma_start3A_635[%dma_start3A_636] : memref<7999616xf32, #tpu.memory_space<hbm>> -> memref<7999616xf32, #tpu.memory_space<hbm>>
    tpu.enqueue_indirect_dma source(%dma_start3A_637 : memref<7999616xf32, #tpu.memory_space<hbm>>) target(%dma_start3A_631 : memref<128xf32, #tpu.memory_space<vmem>>) offsets(%dma_start3A_633 : memref<128xi32, #tpu.memory_space<vmem>>) semaphore(%arg20 : memref<!tpu.dma_semaphore, #tpu.memory_space<semaphore_mem>>)
    %dma_start3A_638 = arith.constant 4608 : i32
    %dma_start3A_639 = tpu.memref_slice %arg15[%dma_start3A_638] : memref<8192xf32, #tpu.memory_space<vmem>> -> memref<128xf32, #tpu.memory_space<vmem>>
    %dma_start3A_640 = arith.constant 0 : i32
    %dma_start3A_641 = tpu.memref_slice %arg13[%dma_start3A_640] : memref<512xi32, #tpu.memory_space<vmem>> -> memref<128xi32, #tpu.memory_space<vmem>>
    %dma_start3A_642 = arith.constant 800896 : i32
    %dma_start3A_643 = tpu.memref_slice %arg5[%dma_start3A_642] : memref<1601536xf32, #tpu.memory_space<hbm>> -> memref<799872xf32, #tpu.memory_space<hbm>>
    %dma_start3A_644 = arith.constant 0 : i32
    %dma_start3A_645 = tpu.memref_slice %dma_start3A_643[%dma_start3A_644] : memref<799872xf32, #tpu.memory_space<hbm>> -> memref<799872xf32, #tpu.memory_space<hbm>>
    tpu.enqueue_indirect_dma source(%dma_start3A_645 : memref<799872xf32, #tpu.memory_space<hbm>>) target(%dma_start3A_639 : memref<128xf32, #tpu.memory_space<vmem>>) offsets(%dma_start3A_641 : memref<128xi32, #tpu.memory_space<vmem>>) semaphore(%arg20 : memref<!tpu.dma_semaphore, #tpu.memory_space<semaphore_mem>>)
    %dma_start3A_646 = arith.constant 4736 : i32
    %dma_start3A_647 = tpu.memref_slice %arg14[%dma_start3A_646] : memref<8192xf32, #tpu.memory_space<vmem>> -> memref<128xf32, #tpu.memory_space<vmem>>
    %dma_start3A_648 = arith.constant 128 : i32
    %dma_start3A_649 = tpu.memref_slice %arg12[%dma_start3A_648] : memref<512xi32, #tpu.memory_space<vmem>> -> memref<128xi32, #tpu.memory_space<vmem>>
    %dma_start3A_650 = arith.constant 8000640 : i32
    %dma_start3A_651 = tpu.memref_slice %arg4[%dma_start3A_650] : memref<16001024xf32, #tpu.memory_space<hbm>> -> memref<7999616xf32, #tpu.memory_space<hbm>>
    %dma_start3A_652 = arith.constant 0 : i32
    %dma_start3A_653 = tpu.memref_slice %dma_start3A_651[%dma_start3A_652] : memref<7999616xf32, #tpu.memory_space<hbm>> -> memref<7999616xf32, #tpu.memory_space<hbm>>
    tpu.enqueue_indirect_dma source(%dma_start3A_653 : memref<7999616xf32, #tpu.memory_space<hbm>>) target(%dma_start3A_647 : memref<128xf32, #tpu.memory_space<vmem>>) offsets(%dma_start3A_649 : memref<128xi32, #tpu.memory_space<vmem>>) semaphore(%arg20 : memref<!tpu.dma_semaphore, #tpu.memory_space<semaphore_mem>>)
    %dma_start3A_654 = arith.constant 4736 : i32
    %dma_start3A_655 = tpu.memref_slice %arg15[%dma_start3A_654] : memref<8192xf32, #tpu.memory_space<vmem>> -> memref<128xf32, #tpu.memory_space<vmem>>
    %dma_start3A_656 = arith.constant 128 : i32
    %dma_start3A_657 = tpu.memref_slice %arg13[%dma_start3A_656] : memref<512xi32, #tpu.memory_space<vmem>> -> memref<128xi32, #tpu.memory_space<vmem>>
    %dma_start3A_658 = arith.constant 800896 : i32
    %dma_start3A_659 = tpu.memref_slice %arg5[%dma_start3A_658] : memref<1601536xf32, #tpu.memory_space<hbm>> -> memref<799872xf32, #tpu.memory_space<hbm>>
    %dma_start3A_660 = arith.constant 0 : i32
    %dma_start3A_661 = tpu.memref_slice %dma_start3A_659[%dma_start3A_660] : memref<799872xf32, #tpu.memory_space<hbm>> -> memref<799872xf32, #tpu.memory_space<hbm>>
    tpu.enqueue_indirect_dma source(%dma_start3A_661 : memref<799872xf32, #tpu.memory_space<hbm>>) target(%dma_start3A_655 : memref<128xf32, #tpu.memory_space<vmem>>) offsets(%dma_start3A_657 : memref<128xi32, #tpu.memory_space<vmem>>) semaphore(%arg20 : memref<!tpu.dma_semaphore, #tpu.memory_space<semaphore_mem>>)
    %dma_start3A_662 = arith.constant 4864 : i32
    %dma_start3A_663 = tpu.memref_slice %arg14[%dma_start3A_662] : memref<8192xf32, #tpu.memory_space<vmem>> -> memref<128xf32, #tpu.memory_space<vmem>>
    %dma_start3A_664 = arith.constant 256 : i32
    %dma_start3A_665 = tpu.memref_slice %arg12[%dma_start3A_664] : memref<512xi32, #tpu.memory_space<vmem>> -> memref<128xi32, #tpu.memory_space<vmem>>
    %dma_start3A_666 = arith.constant 8000640 : i32
    %dma_start3A_667 = tpu.memref_slice %arg4[%dma_start3A_666] : memref<16001024xf32, #tpu.memory_space<hbm>> -> memref<7999616xf32, #tpu.memory_space<hbm>>
    %dma_start3A_668 = arith.constant 0 : i32
    %dma_start3A_669 = tpu.memref_slice %dma_start3A_667[%dma_start3A_668] : memref<7999616xf32, #tpu.memory_space<hbm>> -> memref<7999616xf32, #tpu.memory_space<hbm>>
    tpu.enqueue_indirect_dma source(%dma_start3A_669 : memref<7999616xf32, #tpu.memory_space<hbm>>) target(%dma_start3A_663 : memref<128xf32, #tpu.memory_space<vmem>>) offsets(%dma_start3A_665 : memref<128xi32, #tpu.memory_space<vmem>>) semaphore(%arg20 : memref<!tpu.dma_semaphore, #tpu.memory_space<semaphore_mem>>)
    %dma_start3A_670 = arith.constant 4864 : i32
    %dma_start3A_671 = tpu.memref_slice %arg15[%dma_start3A_670] : memref<8192xf32, #tpu.memory_space<vmem>> -> memref<128xf32, #tpu.memory_space<vmem>>
    %dma_start3A_672 = arith.constant 256 : i32
    %dma_start3A_673 = tpu.memref_slice %arg13[%dma_start3A_672] : memref<512xi32, #tpu.memory_space<vmem>> -> memref<128xi32, #tpu.memory_space<vmem>>
    %dma_start3A_674 = arith.constant 800896 : i32
    %dma_start3A_675 = tpu.memref_slice %arg5[%dma_start3A_674] : memref<1601536xf32, #tpu.memory_space<hbm>> -> memref<799872xf32, #tpu.memory_space<hbm>>
    %dma_start3A_676 = arith.constant 0 : i32
    %dma_start3A_677 = tpu.memref_slice %dma_start3A_675[%dma_start3A_676] : memref<799872xf32, #tpu.memory_space<hbm>> -> memref<799872xf32, #tpu.memory_space<hbm>>
    tpu.enqueue_indirect_dma source(%dma_start3A_677 : memref<799872xf32, #tpu.memory_space<hbm>>) target(%dma_start3A_671 : memref<128xf32, #tpu.memory_space<vmem>>) offsets(%dma_start3A_673 : memref<128xi32, #tpu.memory_space<vmem>>) semaphore(%arg20 : memref<!tpu.dma_semaphore, #tpu.memory_space<semaphore_mem>>)
    %dma_start3A_678 = arith.constant 4992 : i32
    %dma_start3A_679 = tpu.memref_slice %arg14[%dma_start3A_678] : memref<8192xf32, #tpu.memory_space<vmem>> -> memref<128xf32, #tpu.memory_space<vmem>>
    %dma_start3A_680 = arith.constant 384 : i32
    %dma_start3A_681 = tpu.memref_slice %arg12[%dma_start3A_680] : memref<512xi32, #tpu.memory_space<vmem>> -> memref<128xi32, #tpu.memory_space<vmem>>
    %dma_start3A_682 = arith.constant 8000640 : i32
    %dma_start3A_683 = tpu.memref_slice %arg4[%dma_start3A_682] : memref<16001024xf32, #tpu.memory_space<hbm>> -> memref<7999616xf32, #tpu.memory_space<hbm>>
    %dma_start3A_684 = arith.constant 0 : i32
    %dma_start3A_685 = tpu.memref_slice %dma_start3A_683[%dma_start3A_684] : memref<7999616xf32, #tpu.memory_space<hbm>> -> memref<7999616xf32, #tpu.memory_space<hbm>>
    tpu.enqueue_indirect_dma source(%dma_start3A_685 : memref<7999616xf32, #tpu.memory_space<hbm>>) target(%dma_start3A_679 : memref<128xf32, #tpu.memory_space<vmem>>) offsets(%dma_start3A_681 : memref<128xi32, #tpu.memory_space<vmem>>) semaphore(%arg20 : memref<!tpu.dma_semaphore, #tpu.memory_space<semaphore_mem>>)
    %dma_start3A_686 = arith.constant 4992 : i32
    %dma_start3A_687 = tpu.memref_slice %arg15[%dma_start3A_686] : memref<8192xf32, #tpu.memory_space<vmem>> -> memref<128xf32, #tpu.memory_space<vmem>>
    %dma_start3A_688 = arith.constant 384 : i32
    %dma_start3A_689 = tpu.memref_slice %arg13[%dma_start3A_688] : memref<512xi32, #tpu.memory_space<vmem>> -> memref<128xi32, #tpu.memory_space<vmem>>
    %dma_start3A_690 = arith.constant 800896 : i32
    %dma_start3A_691 = tpu.memref_slice %arg5[%dma_start3A_690] : memref<1601536xf32, #tpu.memory_space<hbm>> -> memref<799872xf32, #tpu.memory_space<hbm>>
    %dma_start3A_692 = arith.constant 0 : i32
    %dma_start3A_693 = tpu.memref_slice %dma_start3A_691[%dma_start3A_692] : memref<799872xf32, #tpu.memory_space<hbm>> -> memref<799872xf32, #tpu.memory_space<hbm>>
    tpu.enqueue_indirect_dma source(%dma_start3A_693 : memref<799872xf32, #tpu.memory_space<hbm>>) target(%dma_start3A_687 : memref<128xf32, #tpu.memory_space<vmem>>) offsets(%dma_start3A_689 : memref<128xi32, #tpu.memory_space<vmem>>) semaphore(%arg20 : memref<!tpu.dma_semaphore, #tpu.memory_space<semaphore_mem>>)
    %dma_start3A_694 = arith.constant 5120 : i32
    %dma_start3A_695 = tpu.memref_slice %arg14[%dma_start3A_694] : memref<8192xf32, #tpu.memory_space<vmem>> -> memref<128xf32, #tpu.memory_space<vmem>>
    %dma_start3A_696 = arith.constant 0 : i32
    %dma_start3A_697 = tpu.memref_slice %arg12[%dma_start3A_696] : memref<512xi32, #tpu.memory_space<vmem>> -> memref<128xi32, #tpu.memory_space<vmem>>
    %dma_start3A_698 = arith.constant 8000768 : i32
    %dma_start3A_699 = tpu.memref_slice %arg4[%dma_start3A_698] : memref<16001024xf32, #tpu.memory_space<hbm>> -> memref<7999616xf32, #tpu.memory_space<hbm>>
    %dma_start3A_700 = arith.constant 0 : i32
    %dma_start3A_701 = tpu.memref_slice %dma_start3A_699[%dma_start3A_700] : memref<7999616xf32, #tpu.memory_space<hbm>> -> memref<7999616xf32, #tpu.memory_space<hbm>>
    tpu.enqueue_indirect_dma source(%dma_start3A_701 : memref<7999616xf32, #tpu.memory_space<hbm>>) target(%dma_start3A_695 : memref<128xf32, #tpu.memory_space<vmem>>) offsets(%dma_start3A_697 : memref<128xi32, #tpu.memory_space<vmem>>) semaphore(%arg20 : memref<!tpu.dma_semaphore, #tpu.memory_space<semaphore_mem>>)
    %dma_start3A_702 = arith.constant 5120 : i32
    %dma_start3A_703 = tpu.memref_slice %arg15[%dma_start3A_702] : memref<8192xf32, #tpu.memory_space<vmem>> -> memref<128xf32, #tpu.memory_space<vmem>>
    %dma_start3A_704 = arith.constant 0 : i32
    %dma_start3A_705 = tpu.memref_slice %arg13[%dma_start3A_704] : memref<512xi32, #tpu.memory_space<vmem>> -> memref<128xi32, #tpu.memory_space<vmem>>
    %dma_start3A_706 = arith.constant 801024 : i32
    %dma_start3A_707 = tpu.memref_slice %arg5[%dma_start3A_706] : memref<1601536xf32, #tpu.memory_space<hbm>> -> memref<799872xf32, #tpu.memory_space<hbm>>
    %dma_start3A_708 = arith.constant 0 : i32
    %dma_start3A_709 = tpu.memref_slice %dma_start3A_707[%dma_start3A_708] : memref<799872xf32, #tpu.memory_space<hbm>> -> memref<799872xf32, #tpu.memory_space<hbm>>
    tpu.enqueue_indirect_dma source(%dma_start3A_709 : memref<799872xf32, #tpu.memory_space<hbm>>) target(%dma_start3A_703 : memref<128xf32, #tpu.memory_space<vmem>>) offsets(%dma_start3A_705 : memref<128xi32, #tpu.memory_space<vmem>>) semaphore(%arg20 : memref<!tpu.dma_semaphore, #tpu.memory_space<semaphore_mem>>)
    %dma_start3A_710 = arith.constant 5248 : i32
    %dma_start3A_711 = tpu.memref_slice %arg14[%dma_start3A_710] : memref<8192xf32, #tpu.memory_space<vmem>> -> memref<128xf32, #tpu.memory_space<vmem>>
    %dma_start3A_712 = arith.constant 128 : i32
    %dma_start3A_713 = tpu.memref_slice %arg12[%dma_start3A_712] : memref<512xi32, #tpu.memory_space<vmem>> -> memref<128xi32, #tpu.memory_space<vmem>>
    %dma_start3A_714 = arith.constant 8000768 : i32
    %dma_start3A_715 = tpu.memref_slice %arg4[%dma_start3A_714] : memref<16001024xf32, #tpu.memory_space<hbm>> -> memref<7999616xf32, #tpu.memory_space<hbm>>
    %dma_start3A_716 = arith.constant 0 : i32
    %dma_start3A_717 = tpu.memref_slice %dma_start3A_715[%dma_start3A_716] : memref<7999616xf32, #tpu.memory_space<hbm>> -> memref<7999616xf32, #tpu.memory_space<hbm>>
    tpu.enqueue_indirect_dma source(%dma_start3A_717 : memref<7999616xf32, #tpu.memory_space<hbm>>) target(%dma_start3A_711 : memref<128xf32, #tpu.memory_space<vmem>>) offsets(%dma_start3A_713 : memref<128xi32, #tpu.memory_space<vmem>>) semaphore(%arg20 : memref<!tpu.dma_semaphore, #tpu.memory_space<semaphore_mem>>)
    %dma_start3A_718 = arith.constant 5248 : i32
    %dma_start3A_719 = tpu.memref_slice %arg15[%dma_start3A_718] : memref<8192xf32, #tpu.memory_space<vmem>> -> memref<128xf32, #tpu.memory_space<vmem>>
    %dma_start3A_720 = arith.constant 128 : i32
    %dma_start3A_721 = tpu.memref_slice %arg13[%dma_start3A_720] : memref<512xi32, #tpu.memory_space<vmem>> -> memref<128xi32, #tpu.memory_space<vmem>>
    %dma_start3A_722 = arith.constant 801024 : i32
    %dma_start3A_723 = tpu.memref_slice %arg5[%dma_start3A_722] : memref<1601536xf32, #tpu.memory_space<hbm>> -> memref<799872xf32, #tpu.memory_space<hbm>>
    %dma_start3A_724 = arith.constant 0 : i32
    %dma_start3A_725 = tpu.memref_slice %dma_start3A_723[%dma_start3A_724] : memref<799872xf32, #tpu.memory_space<hbm>> -> memref<799872xf32, #tpu.memory_space<hbm>>
    tpu.enqueue_indirect_dma source(%dma_start3A_725 : memref<799872xf32, #tpu.memory_space<hbm>>) target(%dma_start3A_719 : memref<128xf32, #tpu.memory_space<vmem>>) offsets(%dma_start3A_721 : memref<128xi32, #tpu.memory_space<vmem>>) semaphore(%arg20 : memref<!tpu.dma_semaphore, #tpu.memory_space<semaphore_mem>>)
    %dma_start3A_726 = arith.constant 5376 : i32
    %dma_start3A_727 = tpu.memref_slice %arg14[%dma_start3A_726] : memref<8192xf32, #tpu.memory_space<vmem>> -> memref<128xf32, #tpu.memory_space<vmem>>
    %dma_start3A_728 = arith.constant 256 : i32
    %dma_start3A_729 = tpu.memref_slice %arg12[%dma_start3A_728] : memref<512xi32, #tpu.memory_space<vmem>> -> memref<128xi32, #tpu.memory_space<vmem>>
    %dma_start3A_730 = arith.constant 8000768 : i32
    %dma_start3A_731 = tpu.memref_slice %arg4[%dma_start3A_730] : memref<16001024xf32, #tpu.memory_space<hbm>> -> memref<7999616xf32, #tpu.memory_space<hbm>>
    %dma_start3A_732 = arith.constant 0 : i32
    %dma_start3A_733 = tpu.memref_slice %dma_start3A_731[%dma_start3A_732] : memref<7999616xf32, #tpu.memory_space<hbm>> -> memref<7999616xf32, #tpu.memory_space<hbm>>
    tpu.enqueue_indirect_dma source(%dma_start3A_733 : memref<7999616xf32, #tpu.memory_space<hbm>>) target(%dma_start3A_727 : memref<128xf32, #tpu.memory_space<vmem>>) offsets(%dma_start3A_729 : memref<128xi32, #tpu.memory_space<vmem>>) semaphore(%arg20 : memref<!tpu.dma_semaphore, #tpu.memory_space<semaphore_mem>>)
    %dma_start3A_734 = arith.constant 5376 : i32
    %dma_start3A_735 = tpu.memref_slice %arg15[%dma_start3A_734] : memref<8192xf32, #tpu.memory_space<vmem>> -> memref<128xf32, #tpu.memory_space<vmem>>
    %dma_start3A_736 = arith.constant 256 : i32
    %dma_start3A_737 = tpu.memref_slice %arg13[%dma_start3A_736] : memref<512xi32, #tpu.memory_space<vmem>> -> memref<128xi32, #tpu.memory_space<vmem>>
    %dma_start3A_738 = arith.constant 801024 : i32
    %dma_start3A_739 = tpu.memref_slice %arg5[%dma_start3A_738] : memref<1601536xf32, #tpu.memory_space<hbm>> -> memref<799872xf32, #tpu.memory_space<hbm>>
    %dma_start3A_740 = arith.constant 0 : i32
    %dma_start3A_741 = tpu.memref_slice %dma_start3A_739[%dma_start3A_740] : memref<799872xf32, #tpu.memory_space<hbm>> -> memref<799872xf32, #tpu.memory_space<hbm>>
    tpu.enqueue_indirect_dma source(%dma_start3A_741 : memref<799872xf32, #tpu.memory_space<hbm>>) target(%dma_start3A_735 : memref<128xf32, #tpu.memory_space<vmem>>) offsets(%dma_start3A_737 : memref<128xi32, #tpu.memory_space<vmem>>) semaphore(%arg20 : memref<!tpu.dma_semaphore, #tpu.memory_space<semaphore_mem>>)
    %dma_start3A_742 = arith.constant 5504 : i32
    %dma_start3A_743 = tpu.memref_slice %arg14[%dma_start3A_742] : memref<8192xf32, #tpu.memory_space<vmem>> -> memref<128xf32, #tpu.memory_space<vmem>>
    %dma_start3A_744 = arith.constant 384 : i32
    %dma_start3A_745 = tpu.memref_slice %arg12[%dma_start3A_744] : memref<512xi32, #tpu.memory_space<vmem>> -> memref<128xi32, #tpu.memory_space<vmem>>
    %dma_start3A_746 = arith.constant 8000768 : i32
    %dma_start3A_747 = tpu.memref_slice %arg4[%dma_start3A_746] : memref<16001024xf32, #tpu.memory_space<hbm>> -> memref<7999616xf32, #tpu.memory_space<hbm>>
    %dma_start3A_748 = arith.constant 0 : i32
    %dma_start3A_749 = tpu.memref_slice %dma_start3A_747[%dma_start3A_748] : memref<7999616xf32, #tpu.memory_space<hbm>> -> memref<7999616xf32, #tpu.memory_space<hbm>>
    tpu.enqueue_indirect_dma source(%dma_start3A_749 : memref<7999616xf32, #tpu.memory_space<hbm>>) target(%dma_start3A_743 : memref<128xf32, #tpu.memory_space<vmem>>) offsets(%dma_start3A_745 : memref<128xi32, #tpu.memory_space<vmem>>) semaphore(%arg20 : memref<!tpu.dma_semaphore, #tpu.memory_space<semaphore_mem>>)
    %dma_start3A_750 = arith.constant 5504 : i32
    %dma_start3A_751 = tpu.memref_slice %arg15[%dma_start3A_750] : memref<8192xf32, #tpu.memory_space<vmem>> -> memref<128xf32, #tpu.memory_space<vmem>>
    %dma_start3A_752 = arith.constant 384 : i32
    %dma_start3A_753 = tpu.memref_slice %arg13[%dma_start3A_752] : memref<512xi32, #tpu.memory_space<vmem>> -> memref<128xi32, #tpu.memory_space<vmem>>
    %dma_start3A_754 = arith.constant 801024 : i32
    %dma_start3A_755 = tpu.memref_slice %arg5[%dma_start3A_754] : memref<1601536xf32, #tpu.memory_space<hbm>> -> memref<799872xf32, #tpu.memory_space<hbm>>
    %dma_start3A_756 = arith.constant 0 : i32
    %dma_start3A_757 = tpu.memref_slice %dma_start3A_755[%dma_start3A_756] : memref<799872xf32, #tpu.memory_space<hbm>> -> memref<799872xf32, #tpu.memory_space<hbm>>
    tpu.enqueue_indirect_dma source(%dma_start3A_757 : memref<799872xf32, #tpu.memory_space<hbm>>) target(%dma_start3A_751 : memref<128xf32, #tpu.memory_space<vmem>>) offsets(%dma_start3A_753 : memref<128xi32, #tpu.memory_space<vmem>>) semaphore(%arg20 : memref<!tpu.dma_semaphore, #tpu.memory_space<semaphore_mem>>)
    %dma_start3A_758 = arith.constant 5632 : i32
    %dma_start3A_759 = tpu.memref_slice %arg14[%dma_start3A_758] : memref<8192xf32, #tpu.memory_space<vmem>> -> memref<128xf32, #tpu.memory_space<vmem>>
    %dma_start3A_760 = arith.constant 0 : i32
    %dma_start3A_761 = tpu.memref_slice %arg12[%dma_start3A_760] : memref<512xi32, #tpu.memory_space<vmem>> -> memref<128xi32, #tpu.memory_space<vmem>>
    %dma_start3A_762 = arith.constant 8000896 : i32
    %dma_start3A_763 = tpu.memref_slice %arg4[%dma_start3A_762] : memref<16001024xf32, #tpu.memory_space<hbm>> -> memref<7999616xf32, #tpu.memory_space<hbm>>
    %dma_start3A_764 = arith.constant 0 : i32
    %dma_start3A_765 = tpu.memref_slice %dma_start3A_763[%dma_start3A_764] : memref<7999616xf32, #tpu.memory_space<hbm>> -> memref<7999616xf32, #tpu.memory_space<hbm>>
    tpu.enqueue_indirect_dma source(%dma_start3A_765 : memref<7999616xf32, #tpu.memory_space<hbm>>) target(%dma_start3A_759 : memref<128xf32, #tpu.memory_space<vmem>>) offsets(%dma_start3A_761 : memref<128xi32, #tpu.memory_space<vmem>>) semaphore(%arg20 : memref<!tpu.dma_semaphore, #tpu.memory_space<semaphore_mem>>)
    %dma_start3A_766 = arith.constant 5632 : i32
    %dma_start3A_767 = tpu.memref_slice %arg15[%dma_start3A_766] : memref<8192xf32, #tpu.memory_space<vmem>> -> memref<128xf32, #tpu.memory_space<vmem>>
    %dma_start3A_768 = arith.constant 0 : i32
    %dma_start3A_769 = tpu.memref_slice %arg13[%dma_start3A_768] : memref<512xi32, #tpu.memory_space<vmem>> -> memref<128xi32, #tpu.memory_space<vmem>>
    %dma_start3A_770 = arith.constant 801152 : i32
    %dma_start3A_771 = tpu.memref_slice %arg5[%dma_start3A_770] : memref<1601536xf32, #tpu.memory_space<hbm>> -> memref<799872xf32, #tpu.memory_space<hbm>>
    %dma_start3A_772 = arith.constant 0 : i32
    %dma_start3A_773 = tpu.memref_slice %dma_start3A_771[%dma_start3A_772] : memref<799872xf32, #tpu.memory_space<hbm>> -> memref<799872xf32, #tpu.memory_space<hbm>>
    tpu.enqueue_indirect_dma source(%dma_start3A_773 : memref<799872xf32, #tpu.memory_space<hbm>>) target(%dma_start3A_767 : memref<128xf32, #tpu.memory_space<vmem>>) offsets(%dma_start3A_769 : memref<128xi32, #tpu.memory_space<vmem>>) semaphore(%arg20 : memref<!tpu.dma_semaphore, #tpu.memory_space<semaphore_mem>>)
    %dma_start3A_774 = arith.constant 5760 : i32
    %dma_start3A_775 = tpu.memref_slice %arg14[%dma_start3A_774] : memref<8192xf32, #tpu.memory_space<vmem>> -> memref<128xf32, #tpu.memory_space<vmem>>
    %dma_start3A_776 = arith.constant 128 : i32
    %dma_start3A_777 = tpu.memref_slice %arg12[%dma_start3A_776] : memref<512xi32, #tpu.memory_space<vmem>> -> memref<128xi32, #tpu.memory_space<vmem>>
    %dma_start3A_778 = arith.constant 8000896 : i32
    %dma_start3A_779 = tpu.memref_slice %arg4[%dma_start3A_778] : memref<16001024xf32, #tpu.memory_space<hbm>> -> memref<7999616xf32, #tpu.memory_space<hbm>>
    %dma_start3A_780 = arith.constant 0 : i32
    %dma_start3A_781 = tpu.memref_slice %dma_start3A_779[%dma_start3A_780] : memref<7999616xf32, #tpu.memory_space<hbm>> -> memref<7999616xf32, #tpu.memory_space<hbm>>
    tpu.enqueue_indirect_dma source(%dma_start3A_781 : memref<7999616xf32, #tpu.memory_space<hbm>>) target(%dma_start3A_775 : memref<128xf32, #tpu.memory_space<vmem>>) offsets(%dma_start3A_777 : memref<128xi32, #tpu.memory_space<vmem>>) semaphore(%arg20 : memref<!tpu.dma_semaphore, #tpu.memory_space<semaphore_mem>>)
    %dma_start3A_782 = arith.constant 5760 : i32
    %dma_start3A_783 = tpu.memref_slice %arg15[%dma_start3A_782] : memref<8192xf32, #tpu.memory_space<vmem>> -> memref<128xf32, #tpu.memory_space<vmem>>
    %dma_start3A_784 = arith.constant 128 : i32
    %dma_start3A_785 = tpu.memref_slice %arg13[%dma_start3A_784] : memref<512xi32, #tpu.memory_space<vmem>> -> memref<128xi32, #tpu.memory_space<vmem>>
    %dma_start3A_786 = arith.constant 801152 : i32
    %dma_start3A_787 = tpu.memref_slice %arg5[%dma_start3A_786] : memref<1601536xf32, #tpu.memory_space<hbm>> -> memref<799872xf32, #tpu.memory_space<hbm>>
    %dma_start3A_788 = arith.constant 0 : i32
    %dma_start3A_789 = tpu.memref_slice %dma_start3A_787[%dma_start3A_788] : memref<799872xf32, #tpu.memory_space<hbm>> -> memref<799872xf32, #tpu.memory_space<hbm>>
    tpu.enqueue_indirect_dma source(%dma_start3A_789 : memref<799872xf32, #tpu.memory_space<hbm>>) target(%dma_start3A_783 : memref<128xf32, #tpu.memory_space<vmem>>) offsets(%dma_start3A_785 : memref<128xi32, #tpu.memory_space<vmem>>) semaphore(%arg20 : memref<!tpu.dma_semaphore, #tpu.memory_space<semaphore_mem>>)
    %dma_start3A_790 = arith.constant 5888 : i32
    %dma_start3A_791 = tpu.memref_slice %arg14[%dma_start3A_790] : memref<8192xf32, #tpu.memory_space<vmem>> -> memref<128xf32, #tpu.memory_space<vmem>>
    %dma_start3A_792 = arith.constant 256 : i32
    %dma_start3A_793 = tpu.memref_slice %arg12[%dma_start3A_792] : memref<512xi32, #tpu.memory_space<vmem>> -> memref<128xi32, #tpu.memory_space<vmem>>
    %dma_start3A_794 = arith.constant 8000896 : i32
    %dma_start3A_795 = tpu.memref_slice %arg4[%dma_start3A_794] : memref<16001024xf32, #tpu.memory_space<hbm>> -> memref<7999616xf32, #tpu.memory_space<hbm>>
    %dma_start3A_796 = arith.constant 0 : i32
    %dma_start3A_797 = tpu.memref_slice %dma_start3A_795[%dma_start3A_796] : memref<7999616xf32, #tpu.memory_space<hbm>> -> memref<7999616xf32, #tpu.memory_space<hbm>>
    tpu.enqueue_indirect_dma source(%dma_start3A_797 : memref<7999616xf32, #tpu.memory_space<hbm>>) target(%dma_start3A_791 : memref<128xf32, #tpu.memory_space<vmem>>) offsets(%dma_start3A_793 : memref<128xi32, #tpu.memory_space<vmem>>) semaphore(%arg20 : memref<!tpu.dma_semaphore, #tpu.memory_space<semaphore_mem>>)
    %dma_start3A_798 = arith.constant 5888 : i32
    %dma_start3A_799 = tpu.memref_slice %arg15[%dma_start3A_798] : memref<8192xf32, #tpu.memory_space<vmem>> -> memref<128xf32, #tpu.memory_space<vmem>>
    %dma_start3A_800 = arith.constant 256 : i32
    %dma_start3A_801 = tpu.memref_slice %arg13[%dma_start3A_800] : memref<512xi32, #tpu.memory_space<vmem>> -> memref<128xi32, #tpu.memory_space<vmem>>
    %dma_start3A_802 = arith.constant 801152 : i32
    %dma_start3A_803 = tpu.memref_slice %arg5[%dma_start3A_802] : memref<1601536xf32, #tpu.memory_space<hbm>> -> memref<799872xf32, #tpu.memory_space<hbm>>
    %dma_start3A_804 = arith.constant 0 : i32
    %dma_start3A_805 = tpu.memref_slice %dma_start3A_803[%dma_start3A_804] : memref<799872xf32, #tpu.memory_space<hbm>> -> memref<799872xf32, #tpu.memory_space<hbm>>
    tpu.enqueue_indirect_dma source(%dma_start3A_805 : memref<799872xf32, #tpu.memory_space<hbm>>) target(%dma_start3A_799 : memref<128xf32, #tpu.memory_space<vmem>>) offsets(%dma_start3A_801 : memref<128xi32, #tpu.memory_space<vmem>>) semaphore(%arg20 : memref<!tpu.dma_semaphore, #tpu.memory_space<semaphore_mem>>)
    %dma_start3A_806 = arith.constant 6016 : i32
    %dma_start3A_807 = tpu.memref_slice %arg14[%dma_start3A_806] : memref<8192xf32, #tpu.memory_space<vmem>> -> memref<128xf32, #tpu.memory_space<vmem>>
    %dma_start3A_808 = arith.constant 384 : i32
    %dma_start3A_809 = tpu.memref_slice %arg12[%dma_start3A_808] : memref<512xi32, #tpu.memory_space<vmem>> -> memref<128xi32, #tpu.memory_space<vmem>>
    %dma_start3A_810 = arith.constant 8000896 : i32
    %dma_start3A_811 = tpu.memref_slice %arg4[%dma_start3A_810] : memref<16001024xf32, #tpu.memory_space<hbm>> -> memref<7999616xf32, #tpu.memory_space<hbm>>
    %dma_start3A_812 = arith.constant 0 : i32
    %dma_start3A_813 = tpu.memref_slice %dma_start3A_811[%dma_start3A_812] : memref<7999616xf32, #tpu.memory_space<hbm>> -> memref<7999616xf32, #tpu.memory_space<hbm>>
    tpu.enqueue_indirect_dma source(%dma_start3A_813 : memref<7999616xf32, #tpu.memory_space<hbm>>) target(%dma_start3A_807 : memref<128xf32, #tpu.memory_space<vmem>>) offsets(%dma_start3A_809 : memref<128xi32, #tpu.memory_space<vmem>>) semaphore(%arg20 : memref<!tpu.dma_semaphore, #tpu.memory_space<semaphore_mem>>)
    %dma_start3A_814 = arith.constant 6016 : i32
    %dma_start3A_815 = tpu.memref_slice %arg15[%dma_start3A_814] : memref<8192xf32, #tpu.memory_space<vmem>> -> memref<128xf32, #tpu.memory_space<vmem>>
    %dma_start3A_816 = arith.constant 384 : i32
    %dma_start3A_817 = tpu.memref_slice %arg13[%dma_start3A_816] : memref<512xi32, #tpu.memory_space<vmem>> -> memref<128xi32, #tpu.memory_space<vmem>>
    %dma_start3A_818 = arith.constant 801152 : i32
    %dma_start3A_819 = tpu.memref_slice %arg5[%dma_start3A_818] : memref<1601536xf32, #tpu.memory_space<hbm>> -> memref<799872xf32, #tpu.memory_space<hbm>>
    %dma_start3A_820 = arith.constant 0 : i32
    %dma_start3A_821 = tpu.memref_slice %dma_start3A_819[%dma_start3A_820] : memref<799872xf32, #tpu.memory_space<hbm>> -> memref<799872xf32, #tpu.memory_space<hbm>>
    tpu.enqueue_indirect_dma source(%dma_start3A_821 : memref<799872xf32, #tpu.memory_space<hbm>>) target(%dma_start3A_815 : memref<128xf32, #tpu.memory_space<vmem>>) offsets(%dma_start3A_817 : memref<128xi32, #tpu.memory_space<vmem>>) semaphore(%arg20 : memref<!tpu.dma_semaphore, #tpu.memory_space<semaphore_mem>>)
    %dma_start3A_822 = arith.constant 6144 : i32
    %dma_start3A_823 = tpu.memref_slice %arg14[%dma_start3A_822] : memref<8192xf32, #tpu.memory_space<vmem>> -> memref<128xf32, #tpu.memory_space<vmem>>
    %dma_start3A_824 = arith.constant 0 : i32
    %dma_start3A_825 = tpu.memref_slice %arg12[%dma_start3A_824] : memref<512xi32, #tpu.memory_space<vmem>> -> memref<128xi32, #tpu.memory_space<vmem>>
    %dma_start3A_826 = arith.constant 8001024 : i32
    %dma_start3A_827 = tpu.memref_slice %arg4[%dma_start3A_826] : memref<16001024xf32, #tpu.memory_space<hbm>> -> memref<7999616xf32, #tpu.memory_space<hbm>>
    %dma_start3A_828 = arith.constant 0 : i32
    %dma_start3A_829 = tpu.memref_slice %dma_start3A_827[%dma_start3A_828] : memref<7999616xf32, #tpu.memory_space<hbm>> -> memref<7999616xf32, #tpu.memory_space<hbm>>
    tpu.enqueue_indirect_dma source(%dma_start3A_829 : memref<7999616xf32, #tpu.memory_space<hbm>>) target(%dma_start3A_823 : memref<128xf32, #tpu.memory_space<vmem>>) offsets(%dma_start3A_825 : memref<128xi32, #tpu.memory_space<vmem>>) semaphore(%arg20 : memref<!tpu.dma_semaphore, #tpu.memory_space<semaphore_mem>>)
    %dma_start3A_830 = arith.constant 6144 : i32
    %dma_start3A_831 = tpu.memref_slice %arg15[%dma_start3A_830] : memref<8192xf32, #tpu.memory_space<vmem>> -> memref<128xf32, #tpu.memory_space<vmem>>
    %dma_start3A_832 = arith.constant 0 : i32
    %dma_start3A_833 = tpu.memref_slice %arg13[%dma_start3A_832] : memref<512xi32, #tpu.memory_space<vmem>> -> memref<128xi32, #tpu.memory_space<vmem>>
    %dma_start3A_834 = arith.constant 801280 : i32
    %dma_start3A_835 = tpu.memref_slice %arg5[%dma_start3A_834] : memref<1601536xf32, #tpu.memory_space<hbm>> -> memref<799872xf32, #tpu.memory_space<hbm>>
    %dma_start3A_836 = arith.constant 0 : i32
    %dma_start3A_837 = tpu.memref_slice %dma_start3A_835[%dma_start3A_836] : memref<799872xf32, #tpu.memory_space<hbm>> -> memref<799872xf32, #tpu.memory_space<hbm>>
    tpu.enqueue_indirect_dma source(%dma_start3A_837 : memref<799872xf32, #tpu.memory_space<hbm>>) target(%dma_start3A_831 : memref<128xf32, #tpu.memory_space<vmem>>) offsets(%dma_start3A_833 : memref<128xi32, #tpu.memory_space<vmem>>) semaphore(%arg20 : memref<!tpu.dma_semaphore, #tpu.memory_space<semaphore_mem>>)
    %dma_start3A_838 = arith.constant 6272 : i32
    %dma_start3A_839 = tpu.memref_slice %arg14[%dma_start3A_838] : memref<8192xf32, #tpu.memory_space<vmem>> -> memref<128xf32, #tpu.memory_space<vmem>>
    %dma_start3A_840 = arith.constant 128 : i32
    %dma_start3A_841 = tpu.memref_slice %arg12[%dma_start3A_840] : memref<512xi32, #tpu.memory_space<vmem>> -> memref<128xi32, #tpu.memory_space<vmem>>
    %dma_start3A_842 = arith.constant 8001024 : i32
    %dma_start3A_843 = tpu.memref_slice %arg4[%dma_start3A_842] : memref<16001024xf32, #tpu.memory_space<hbm>> -> memref<7999616xf32, #tpu.memory_space<hbm>>
    %dma_start3A_844 = arith.constant 0 : i32
    %dma_start3A_845 = tpu.memref_slice %dma_start3A_843[%dma_start3A_844] : memref<7999616xf32, #tpu.memory_space<hbm>> -> memref<7999616xf32, #tpu.memory_space<hbm>>
    tpu.enqueue_indirect_dma source(%dma_start3A_845 : memref<7999616xf32, #tpu.memory_space<hbm>>) target(%dma_start3A_839 : memref<128xf32, #tpu.memory_space<vmem>>) offsets(%dma_start3A_841 : memref<128xi32, #tpu.memory_space<vmem>>) semaphore(%arg20 : memref<!tpu.dma_semaphore, #tpu.memory_space<semaphore_mem>>)
    %dma_start3A_846 = arith.constant 6272 : i32
    %dma_start3A_847 = tpu.memref_slice %arg15[%dma_start3A_846] : memref<8192xf32, #tpu.memory_space<vmem>> -> memref<128xf32, #tpu.memory_space<vmem>>
    %dma_start3A_848 = arith.constant 128 : i32
    %dma_start3A_849 = tpu.memref_slice %arg13[%dma_start3A_848] : memref<512xi32, #tpu.memory_space<vmem>> -> memref<128xi32, #tpu.memory_space<vmem>>
    %dma_start3A_850 = arith.constant 801280 : i32
    %dma_start3A_851 = tpu.memref_slice %arg5[%dma_start3A_850] : memref<1601536xf32, #tpu.memory_space<hbm>> -> memref<799872xf32, #tpu.memory_space<hbm>>
    %dma_start3A_852 = arith.constant 0 : i32
    %dma_start3A_853 = tpu.memref_slice %dma_start3A_851[%dma_start3A_852] : memref<799872xf32, #tpu.memory_space<hbm>> -> memref<799872xf32, #tpu.memory_space<hbm>>
    tpu.enqueue_indirect_dma source(%dma_start3A_853 : memref<799872xf32, #tpu.memory_space<hbm>>) target(%dma_start3A_847 : memref<128xf32, #tpu.memory_space<vmem>>) offsets(%dma_start3A_849 : memref<128xi32, #tpu.memory_space<vmem>>) semaphore(%arg20 : memref<!tpu.dma_semaphore, #tpu.memory_space<semaphore_mem>>)
    %dma_start3A_854 = arith.constant 6400 : i32
    %dma_start3A_855 = tpu.memref_slice %arg14[%dma_start3A_854] : memref<8192xf32, #tpu.memory_space<vmem>> -> memref<128xf32, #tpu.memory_space<vmem>>
    %dma_start3A_856 = arith.constant 256 : i32
    %dma_start3A_857 = tpu.memref_slice %arg12[%dma_start3A_856] : memref<512xi32, #tpu.memory_space<vmem>> -> memref<128xi32, #tpu.memory_space<vmem>>
    %dma_start3A_858 = arith.constant 8001024 : i32
    %dma_start3A_859 = tpu.memref_slice %arg4[%dma_start3A_858] : memref<16001024xf32, #tpu.memory_space<hbm>> -> memref<7999616xf32, #tpu.memory_space<hbm>>
    %dma_start3A_860 = arith.constant 0 : i32
    %dma_start3A_861 = tpu.memref_slice %dma_start3A_859[%dma_start3A_860] : memref<7999616xf32, #tpu.memory_space<hbm>> -> memref<7999616xf32, #tpu.memory_space<hbm>>
    tpu.enqueue_indirect_dma source(%dma_start3A_861 : memref<7999616xf32, #tpu.memory_space<hbm>>) target(%dma_start3A_855 : memref<128xf32, #tpu.memory_space<vmem>>) offsets(%dma_start3A_857 : memref<128xi32, #tpu.memory_space<vmem>>) semaphore(%arg20 : memref<!tpu.dma_semaphore, #tpu.memory_space<semaphore_mem>>)
    %dma_start3A_862 = arith.constant 6400 : i32
    %dma_start3A_863 = tpu.memref_slice %arg15[%dma_start3A_862] : memref<8192xf32, #tpu.memory_space<vmem>> -> memref<128xf32, #tpu.memory_space<vmem>>
    %dma_start3A_864 = arith.constant 256 : i32
    %dma_start3A_865 = tpu.memref_slice %arg13[%dma_start3A_864] : memref<512xi32, #tpu.memory_space<vmem>> -> memref<128xi32, #tpu.memory_space<vmem>>
    %dma_start3A_866 = arith.constant 801280 : i32
    %dma_start3A_867 = tpu.memref_slice %arg5[%dma_start3A_866] : memref<1601536xf32, #tpu.memory_space<hbm>> -> memref<799872xf32, #tpu.memory_space<hbm>>
    %dma_start3A_868 = arith.constant 0 : i32
    %dma_start3A_869 = tpu.memref_slice %dma_start3A_867[%dma_start3A_868] : memref<799872xf32, #tpu.memory_space<hbm>> -> memref<799872xf32, #tpu.memory_space<hbm>>
    tpu.enqueue_indirect_dma source(%dma_start3A_869 : memref<799872xf32, #tpu.memory_space<hbm>>) target(%dma_start3A_863 : memref<128xf32, #tpu.memory_space<vmem>>) offsets(%dma_start3A_865 : memref<128xi32, #tpu.memory_space<vmem>>) semaphore(%arg20 : memref<!tpu.dma_semaphore, #tpu.memory_space<semaphore_mem>>)
    %dma_start3A_870 = arith.constant 6528 : i32
    %dma_start3A_871 = tpu.memref_slice %arg14[%dma_start3A_870] : memref<8192xf32, #tpu.memory_space<vmem>> -> memref<128xf32, #tpu.memory_space<vmem>>
    %dma_start3A_872 = arith.constant 384 : i32
    %dma_start3A_873 = tpu.memref_slice %arg12[%dma_start3A_872] : memref<512xi32, #tpu.memory_space<vmem>> -> memref<128xi32, #tpu.memory_space<vmem>>
    %dma_start3A_874 = arith.constant 8001024 : i32
    %dma_start3A_875 = tpu.memref_slice %arg4[%dma_start3A_874] : memref<16001024xf32, #tpu.memory_space<hbm>> -> memref<7999616xf32, #tpu.memory_space<hbm>>
    %dma_start3A_876 = arith.constant 0 : i32
    %dma_start3A_877 = tpu.memref_slice %dma_start3A_875[%dma_start3A_876] : memref<7999616xf32, #tpu.memory_space<hbm>> -> memref<7999616xf32, #tpu.memory_space<hbm>>
    tpu.enqueue_indirect_dma source(%dma_start3A_877 : memref<7999616xf32, #tpu.memory_space<hbm>>) target(%dma_start3A_871 : memref<128xf32, #tpu.memory_space<vmem>>) offsets(%dma_start3A_873 : memref<128xi32, #tpu.memory_space<vmem>>) semaphore(%arg20 : memref<!tpu.dma_semaphore, #tpu.memory_space<semaphore_mem>>)
    %dma_start3A_878 = arith.constant 6528 : i32
    %dma_start3A_879 = tpu.memref_slice %arg15[%dma_start3A_878] : memref<8192xf32, #tpu.memory_space<vmem>> -> memref<128xf32, #tpu.memory_space<vmem>>
    %dma_start3A_880 = arith.constant 384 : i32
    %dma_start3A_881 = tpu.memref_slice %arg13[%dma_start3A_880] : memref<512xi32, #tpu.memory_space<vmem>> -> memref<128xi32, #tpu.memory_space<vmem>>
    %dma_start3A_882 = arith.constant 801280 : i32
    %dma_start3A_883 = tpu.memref_slice %arg5[%dma_start3A_882] : memref<1601536xf32, #tpu.memory_space<hbm>> -> memref<799872xf32, #tpu.memory_space<hbm>>
    %dma_start3A_884 = arith.constant 0 : i32
    %dma_start3A_885 = tpu.memref_slice %dma_start3A_883[%dma_start3A_884] : memref<799872xf32, #tpu.memory_space<hbm>> -> memref<799872xf32, #tpu.memory_space<hbm>>
    tpu.enqueue_indirect_dma source(%dma_start3A_885 : memref<799872xf32, #tpu.memory_space<hbm>>) target(%dma_start3A_879 : memref<128xf32, #tpu.memory_space<vmem>>) offsets(%dma_start3A_881 : memref<128xi32, #tpu.memory_space<vmem>>) semaphore(%arg20 : memref<!tpu.dma_semaphore, #tpu.memory_space<semaphore_mem>>)
    %dma_start3A_886 = arith.constant 6656 : i32
    %dma_start3A_887 = tpu.memref_slice %arg14[%dma_start3A_886] : memref<8192xf32, #tpu.memory_space<vmem>> -> memref<128xf32, #tpu.memory_space<vmem>>
    %dma_start3A_888 = arith.constant 0 : i32
    %dma_start3A_889 = tpu.memref_slice %arg12[%dma_start3A_888] : memref<512xi32, #tpu.memory_space<vmem>> -> memref<128xi32, #tpu.memory_space<vmem>>
    %dma_start3A_890 = arith.constant 8001152 : i32
    %dma_start3A_891 = tpu.memref_slice %arg4[%dma_start3A_890] : memref<16001024xf32, #tpu.memory_space<hbm>> -> memref<7999616xf32, #tpu.memory_space<hbm>>
    %dma_start3A_892 = arith.constant 0 : i32
    %dma_start3A_893 = tpu.memref_slice %dma_start3A_891[%dma_start3A_892] : memref<7999616xf32, #tpu.memory_space<hbm>> -> memref<7999616xf32, #tpu.memory_space<hbm>>
    tpu.enqueue_indirect_dma source(%dma_start3A_893 : memref<7999616xf32, #tpu.memory_space<hbm>>) target(%dma_start3A_887 : memref<128xf32, #tpu.memory_space<vmem>>) offsets(%dma_start3A_889 : memref<128xi32, #tpu.memory_space<vmem>>) semaphore(%arg20 : memref<!tpu.dma_semaphore, #tpu.memory_space<semaphore_mem>>)
    %dma_start3A_894 = arith.constant 6656 : i32
    %dma_start3A_895 = tpu.memref_slice %arg15[%dma_start3A_894] : memref<8192xf32, #tpu.memory_space<vmem>> -> memref<128xf32, #tpu.memory_space<vmem>>
    %dma_start3A_896 = arith.constant 0 : i32
    %dma_start3A_897 = tpu.memref_slice %arg13[%dma_start3A_896] : memref<512xi32, #tpu.memory_space<vmem>> -> memref<128xi32, #tpu.memory_space<vmem>>
    %dma_start3A_898 = arith.constant 801408 : i32
    %dma_start3A_899 = tpu.memref_slice %arg5[%dma_start3A_898] : memref<1601536xf32, #tpu.memory_space<hbm>> -> memref<799872xf32, #tpu.memory_space<hbm>>
    %dma_start3A_900 = arith.constant 0 : i32
    %dma_start3A_901 = tpu.memref_slice %dma_start3A_899[%dma_start3A_900] : memref<799872xf32, #tpu.memory_space<hbm>> -> memref<799872xf32, #tpu.memory_space<hbm>>
    tpu.enqueue_indirect_dma source(%dma_start3A_901 : memref<799872xf32, #tpu.memory_space<hbm>>) target(%dma_start3A_895 : memref<128xf32, #tpu.memory_space<vmem>>) offsets(%dma_start3A_897 : memref<128xi32, #tpu.memory_space<vmem>>) semaphore(%arg20 : memref<!tpu.dma_semaphore, #tpu.memory_space<semaphore_mem>>)
    %dma_start3A_902 = arith.constant 6784 : i32
    %dma_start3A_903 = tpu.memref_slice %arg14[%dma_start3A_902] : memref<8192xf32, #tpu.memory_space<vmem>> -> memref<128xf32, #tpu.memory_space<vmem>>
    %dma_start3A_904 = arith.constant 128 : i32
    %dma_start3A_905 = tpu.memref_slice %arg12[%dma_start3A_904] : memref<512xi32, #tpu.memory_space<vmem>> -> memref<128xi32, #tpu.memory_space<vmem>>
    %dma_start3A_906 = arith.constant 8001152 : i32
    %dma_start3A_907 = tpu.memref_slice %arg4[%dma_start3A_906] : memref<16001024xf32, #tpu.memory_space<hbm>> -> memref<7999616xf32, #tpu.memory_space<hbm>>
    %dma_start3A_908 = arith.constant 0 : i32
    %dma_start3A_909 = tpu.memref_slice %dma_start3A_907[%dma_start3A_908] : memref<7999616xf32, #tpu.memory_space<hbm>> -> memref<7999616xf32, #tpu.memory_space<hbm>>
    tpu.enqueue_indirect_dma source(%dma_start3A_909 : memref<7999616xf32, #tpu.memory_space<hbm>>) target(%dma_start3A_903 : memref<128xf32, #tpu.memory_space<vmem>>) offsets(%dma_start3A_905 : memref<128xi32, #tpu.memory_space<vmem>>) semaphore(%arg20 : memref<!tpu.dma_semaphore, #tpu.memory_space<semaphore_mem>>)
    %dma_start3A_910 = arith.constant 6784 : i32
    %dma_start3A_911 = tpu.memref_slice %arg15[%dma_start3A_910] : memref<8192xf32, #tpu.memory_space<vmem>> -> memref<128xf32, #tpu.memory_space<vmem>>
    %dma_start3A_912 = arith.constant 128 : i32
    %dma_start3A_913 = tpu.memref_slice %arg13[%dma_start3A_912] : memref<512xi32, #tpu.memory_space<vmem>> -> memref<128xi32, #tpu.memory_space<vmem>>
    %dma_start3A_914 = arith.constant 801408 : i32
    %dma_start3A_915 = tpu.memref_slice %arg5[%dma_start3A_914] : memref<1601536xf32, #tpu.memory_space<hbm>> -> memref<799872xf32, #tpu.memory_space<hbm>>
    %dma_start3A_916 = arith.constant 0 : i32
    %dma_start3A_917 = tpu.memref_slice %dma_start3A_915[%dma_start3A_916] : memref<799872xf32, #tpu.memory_space<hbm>> -> memref<799872xf32, #tpu.memory_space<hbm>>
    tpu.enqueue_indirect_dma source(%dma_start3A_917 : memref<799872xf32, #tpu.memory_space<hbm>>) target(%dma_start3A_911 : memref<128xf32, #tpu.memory_space<vmem>>) offsets(%dma_start3A_913 : memref<128xi32, #tpu.memory_space<vmem>>) semaphore(%arg20 : memref<!tpu.dma_semaphore, #tpu.memory_space<semaphore_mem>>)
    %dma_start3A_918 = arith.constant 6912 : i32
    %dma_start3A_919 = tpu.memref_slice %arg14[%dma_start3A_918] : memref<8192xf32, #tpu.memory_space<vmem>> -> memref<128xf32, #tpu.memory_space<vmem>>
    %dma_start3A_920 = arith.constant 256 : i32
    %dma_start3A_921 = tpu.memref_slice %arg12[%dma_start3A_920] : memref<512xi32, #tpu.memory_space<vmem>> -> memref<128xi32, #tpu.memory_space<vmem>>
    %dma_start3A_922 = arith.constant 8001152 : i32
    %dma_start3A_923 = tpu.memref_slice %arg4[%dma_start3A_922] : memref<16001024xf32, #tpu.memory_space<hbm>> -> memref<7999616xf32, #tpu.memory_space<hbm>>
    %dma_start3A_924 = arith.constant 0 : i32
    %dma_start3A_925 = tpu.memref_slice %dma_start3A_923[%dma_start3A_924] : memref<7999616xf32, #tpu.memory_space<hbm>> -> memref<7999616xf32, #tpu.memory_space<hbm>>
    tpu.enqueue_indirect_dma source(%dma_start3A_925 : memref<7999616xf32, #tpu.memory_space<hbm>>) target(%dma_start3A_919 : memref<128xf32, #tpu.memory_space<vmem>>) offsets(%dma_start3A_921 : memref<128xi32, #tpu.memory_space<vmem>>) semaphore(%arg20 : memref<!tpu.dma_semaphore, #tpu.memory_space<semaphore_mem>>)
    %dma_start3A_926 = arith.constant 6912 : i32
    %dma_start3A_927 = tpu.memref_slice %arg15[%dma_start3A_926] : memref<8192xf32, #tpu.memory_space<vmem>> -> memref<128xf32, #tpu.memory_space<vmem>>
    %dma_start3A_928 = arith.constant 256 : i32
    %dma_start3A_929 = tpu.memref_slice %arg13[%dma_start3A_928] : memref<512xi32, #tpu.memory_space<vmem>> -> memref<128xi32, #tpu.memory_space<vmem>>
    %dma_start3A_930 = arith.constant 801408 : i32
    %dma_start3A_931 = tpu.memref_slice %arg5[%dma_start3A_930] : memref<1601536xf32, #tpu.memory_space<hbm>> -> memref<799872xf32, #tpu.memory_space<hbm>>
    %dma_start3A_932 = arith.constant 0 : i32
    %dma_start3A_933 = tpu.memref_slice %dma_start3A_931[%dma_start3A_932] : memref<799872xf32, #tpu.memory_space<hbm>> -> memref<799872xf32, #tpu.memory_space<hbm>>
    tpu.enqueue_indirect_dma source(%dma_start3A_933 : memref<799872xf32, #tpu.memory_space<hbm>>) target(%dma_start3A_927 : memref<128xf32, #tpu.memory_space<vmem>>) offsets(%dma_start3A_929 : memref<128xi32, #tpu.memory_space<vmem>>) semaphore(%arg20 : memref<!tpu.dma_semaphore, #tpu.memory_space<semaphore_mem>>)
    %dma_start3A_934 = arith.constant 7040 : i32
    %dma_start3A_935 = tpu.memref_slice %arg14[%dma_start3A_934] : memref<8192xf32, #tpu.memory_space<vmem>> -> memref<128xf32, #tpu.memory_space<vmem>>
    %dma_start3A_936 = arith.constant 384 : i32
    %dma_start3A_937 = tpu.memref_slice %arg12[%dma_start3A_936] : memref<512xi32, #tpu.memory_space<vmem>> -> memref<128xi32, #tpu.memory_space<vmem>>
    %dma_start3A_938 = arith.constant 8001152 : i32
    %dma_start3A_939 = tpu.memref_slice %arg4[%dma_start3A_938] : memref<16001024xf32, #tpu.memory_space<hbm>> -> memref<7999616xf32, #tpu.memory_space<hbm>>
    %dma_start3A_940 = arith.constant 0 : i32
    %dma_start3A_941 = tpu.memref_slice %dma_start3A_939[%dma_start3A_940] : memref<7999616xf32, #tpu.memory_space<hbm>> -> memref<7999616xf32, #tpu.memory_space<hbm>>
    tpu.enqueue_indirect_dma source(%dma_start3A_941 : memref<7999616xf32, #tpu.memory_space<hbm>>) target(%dma_start3A_935 : memref<128xf32, #tpu.memory_space<vmem>>) offsets(%dma_start3A_937 : memref<128xi32, #tpu.memory_space<vmem>>) semaphore(%arg20 : memref<!tpu.dma_semaphore, #tpu.memory_space<semaphore_mem>>)
    %dma_start3A_942 = arith.constant 7040 : i32
    %dma_start3A_943 = tpu.memref_slice %arg15[%dma_start3A_942] : memref<8192xf32, #tpu.memory_space<vmem>> -> memref<128xf32, #tpu.memory_space<vmem>>
    %dma_start3A_944 = arith.constant 384 : i32
    %dma_start3A_945 = tpu.memref_slice %arg13[%dma_start3A_944] : memref<512xi32, #tpu.memory_space<vmem>> -> memref<128xi32, #tpu.memory_space<vmem>>
    %dma_start3A_946 = arith.constant 801408 : i32
    %dma_start3A_947 = tpu.memref_slice %arg5[%dma_start3A_946] : memref<1601536xf32, #tpu.memory_space<hbm>> -> memref<799872xf32, #tpu.memory_space<hbm>>
    %dma_start3A_948 = arith.constant 0 : i32
    %dma_start3A_949 = tpu.memref_slice %dma_start3A_947[%dma_start3A_948] : memref<799872xf32, #tpu.memory_space<hbm>> -> memref<799872xf32, #tpu.memory_space<hbm>>
    tpu.enqueue_indirect_dma source(%dma_start3A_949 : memref<799872xf32, #tpu.memory_space<hbm>>) target(%dma_start3A_943 : memref<128xf32, #tpu.memory_space<vmem>>) offsets(%dma_start3A_945 : memref<128xi32, #tpu.memory_space<vmem>>) semaphore(%arg20 : memref<!tpu.dma_semaphore, #tpu.memory_space<semaphore_mem>>)
    %dma_start3A_950 = arith.constant 7168 : i32
    %dma_start3A_951 = tpu.memref_slice %arg14[%dma_start3A_950] : memref<8192xf32, #tpu.memory_space<vmem>> -> memref<128xf32, #tpu.memory_space<vmem>>
    %dma_start3A_952 = arith.constant 0 : i32
    %dma_start3A_953 = tpu.memref_slice %arg12[%dma_start3A_952] : memref<512xi32, #tpu.memory_space<vmem>> -> memref<128xi32, #tpu.memory_space<vmem>>
    %dma_start3A_954 = arith.constant 8001280 : i32
    %dma_start3A_955 = tpu.memref_slice %arg4[%dma_start3A_954] : memref<16001024xf32, #tpu.memory_space<hbm>> -> memref<7999616xf32, #tpu.memory_space<hbm>>
    %dma_start3A_956 = arith.constant 0 : i32
    %dma_start3A_957 = tpu.memref_slice %dma_start3A_955[%dma_start3A_956] : memref<7999616xf32, #tpu.memory_space<hbm>> -> memref<7999616xf32, #tpu.memory_space<hbm>>
    tpu.enqueue_indirect_dma source(%dma_start3A_957 : memref<7999616xf32, #tpu.memory_space<hbm>>) target(%dma_start3A_951 : memref<128xf32, #tpu.memory_space<vmem>>) offsets(%dma_start3A_953 : memref<128xi32, #tpu.memory_space<vmem>>) semaphore(%arg20 : memref<!tpu.dma_semaphore, #tpu.memory_space<semaphore_mem>>)
    %dma_start3A_958 = arith.constant 7168 : i32
    %dma_start3A_959 = tpu.memref_slice %arg15[%dma_start3A_958] : memref<8192xf32, #tpu.memory_space<vmem>> -> memref<128xf32, #tpu.memory_space<vmem>>
    %dma_start3A_960 = arith.constant 0 : i32
    %dma_start3A_961 = tpu.memref_slice %arg13[%dma_start3A_960] : memref<512xi32, #tpu.memory_space<vmem>> -> memref<128xi32, #tpu.memory_space<vmem>>
    %dma_start3A_962 = arith.constant 801536 : i32
    %dma_start3A_963 = tpu.memref_slice %arg5[%dma_start3A_962] : memref<1601536xf32, #tpu.memory_space<hbm>> -> memref<799872xf32, #tpu.memory_space<hbm>>
    %dma_start3A_964 = arith.constant 0 : i32
    %dma_start3A_965 = tpu.memref_slice %dma_start3A_963[%dma_start3A_964] : memref<799872xf32, #tpu.memory_space<hbm>> -> memref<799872xf32, #tpu.memory_space<hbm>>
    tpu.enqueue_indirect_dma source(%dma_start3A_965 : memref<799872xf32, #tpu.memory_space<hbm>>) target(%dma_start3A_959 : memref<128xf32, #tpu.memory_space<vmem>>) offsets(%dma_start3A_961 : memref<128xi32, #tpu.memory_space<vmem>>) semaphore(%arg20 : memref<!tpu.dma_semaphore, #tpu.memory_space<semaphore_mem>>)
    %dma_start3A_966 = arith.constant 7296 : i32
    %dma_start3A_967 = tpu.memref_slice %arg14[%dma_start3A_966] : memref<8192xf32, #tpu.memory_space<vmem>> -> memref<128xf32, #tpu.memory_space<vmem>>
    %dma_start3A_968 = arith.constant 128 : i32
    %dma_start3A_969 = tpu.memref_slice %arg12[%dma_start3A_968] : memref<512xi32, #tpu.memory_space<vmem>> -> memref<128xi32, #tpu.memory_space<vmem>>
    %dma_start3A_970 = arith.constant 8001280 : i32
    %dma_start3A_971 = tpu.memref_slice %arg4[%dma_start3A_970] : memref<16001024xf32, #tpu.memory_space<hbm>> -> memref<7999616xf32, #tpu.memory_space<hbm>>
    %dma_start3A_972 = arith.constant 0 : i32
    %dma_start3A_973 = tpu.memref_slice %dma_start3A_971[%dma_start3A_972] : memref<7999616xf32, #tpu.memory_space<hbm>> -> memref<7999616xf32, #tpu.memory_space<hbm>>
    tpu.enqueue_indirect_dma source(%dma_start3A_973 : memref<7999616xf32, #tpu.memory_space<hbm>>) target(%dma_start3A_967 : memref<128xf32, #tpu.memory_space<vmem>>) offsets(%dma_start3A_969 : memref<128xi32, #tpu.memory_space<vmem>>) semaphore(%arg20 : memref<!tpu.dma_semaphore, #tpu.memory_space<semaphore_mem>>)
    %dma_start3A_974 = arith.constant 7296 : i32
    %dma_start3A_975 = tpu.memref_slice %arg15[%dma_start3A_974] : memref<8192xf32, #tpu.memory_space<vmem>> -> memref<128xf32, #tpu.memory_space<vmem>>
    %dma_start3A_976 = arith.constant 128 : i32
    %dma_start3A_977 = tpu.memref_slice %arg13[%dma_start3A_976] : memref<512xi32, #tpu.memory_space<vmem>> -> memref<128xi32, #tpu.memory_space<vmem>>
    %dma_start3A_978 = arith.constant 801536 : i32
    %dma_start3A_979 = tpu.memref_slice %arg5[%dma_start3A_978] : memref<1601536xf32, #tpu.memory_space<hbm>> -> memref<799872xf32, #tpu.memory_space<hbm>>
    %dma_start3A_980 = arith.constant 0 : i32
    %dma_start3A_981 = tpu.memref_slice %dma_start3A_979[%dma_start3A_980] : memref<799872xf32, #tpu.memory_space<hbm>> -> memref<799872xf32, #tpu.memory_space<hbm>>
    tpu.enqueue_indirect_dma source(%dma_start3A_981 : memref<799872xf32, #tpu.memory_space<hbm>>) target(%dma_start3A_975 : memref<128xf32, #tpu.memory_space<vmem>>) offsets(%dma_start3A_977 : memref<128xi32, #tpu.memory_space<vmem>>) semaphore(%arg20 : memref<!tpu.dma_semaphore, #tpu.memory_space<semaphore_mem>>)
    %dma_start3A_982 = arith.constant 7424 : i32
    %dma_start3A_983 = tpu.memref_slice %arg14[%dma_start3A_982] : memref<8192xf32, #tpu.memory_space<vmem>> -> memref<128xf32, #tpu.memory_space<vmem>>
    %dma_start3A_984 = arith.constant 256 : i32
    %dma_start3A_985 = tpu.memref_slice %arg12[%dma_start3A_984] : memref<512xi32, #tpu.memory_space<vmem>> -> memref<128xi32, #tpu.memory_space<vmem>>
    %dma_start3A_986 = arith.constant 8001280 : i32
    %dma_start3A_987 = tpu.memref_slice %arg4[%dma_start3A_986] : memref<16001024xf32, #tpu.memory_space<hbm>> -> memref<7999616xf32, #tpu.memory_space<hbm>>
    %dma_start3A_988 = arith.constant 0 : i32
    %dma_start3A_989 = tpu.memref_slice %dma_start3A_987[%dma_start3A_988] : memref<7999616xf32, #tpu.memory_space<hbm>> -> memref<7999616xf32, #tpu.memory_space<hbm>>
    tpu.enqueue_indirect_dma source(%dma_start3A_989 : memref<7999616xf32, #tpu.memory_space<hbm>>) target(%dma_start3A_983 : memref<128xf32, #tpu.memory_space<vmem>>) offsets(%dma_start3A_985 : memref<128xi32, #tpu.memory_space<vmem>>) semaphore(%arg20 : memref<!tpu.dma_semaphore, #tpu.memory_space<semaphore_mem>>)
    %dma_start3A_990 = arith.constant 7424 : i32
    %dma_start3A_991 = tpu.memref_slice %arg15[%dma_start3A_990] : memref<8192xf32, #tpu.memory_space<vmem>> -> memref<128xf32, #tpu.memory_space<vmem>>
    %dma_start3A_992 = arith.constant 256 : i32
    %dma_start3A_993 = tpu.memref_slice %arg13[%dma_start3A_992] : memref<512xi32, #tpu.memory_space<vmem>> -> memref<128xi32, #tpu.memory_space<vmem>>
    %dma_start3A_994 = arith.constant 801536 : i32
    %dma_start3A_995 = tpu.memref_slice %arg5[%dma_start3A_994] : memref<1601536xf32, #tpu.memory_space<hbm>> -> memref<799872xf32, #tpu.memory_space<hbm>>
    %dma_start3A_996 = arith.constant 0 : i32
    %dma_start3A_997 = tpu.memref_slice %dma_start3A_995[%dma_start3A_996] : memref<799872xf32, #tpu.memory_space<hbm>> -> memref<799872xf32, #tpu.memory_space<hbm>>
    tpu.enqueue_indirect_dma source(%dma_start3A_997 : memref<799872xf32, #tpu.memory_space<hbm>>) target(%dma_start3A_991 : memref<128xf32, #tpu.memory_space<vmem>>) offsets(%dma_start3A_993 : memref<128xi32, #tpu.memory_space<vmem>>) semaphore(%arg20 : memref<!tpu.dma_semaphore, #tpu.memory_space<semaphore_mem>>)
    %dma_start3A_998 = arith.constant 7552 : i32
    %dma_start3A_999 = tpu.memref_slice %arg14[%dma_start3A_998] : memref<8192xf32, #tpu.memory_space<vmem>> -> memref<128xf32, #tpu.memory_space<vmem>>
    %dma_start3A_1000 = arith.constant 384 : i32
    %dma_start3A_1001 = tpu.memref_slice %arg12[%dma_start3A_1000] : memref<512xi32, #tpu.memory_space<vmem>> -> memref<128xi32, #tpu.memory_space<vmem>>
    %dma_start3A_1002 = arith.constant 8001280 : i32
    %dma_start3A_1003 = tpu.memref_slice %arg4[%dma_start3A_1002] : memref<16001024xf32, #tpu.memory_space<hbm>> -> memref<7999616xf32, #tpu.memory_space<hbm>>
    %dma_start3A_1004 = arith.constant 0 : i32
    %dma_start3A_1005 = tpu.memref_slice %dma_start3A_1003[%dma_start3A_1004] : memref<7999616xf32, #tpu.memory_space<hbm>> -> memref<7999616xf32, #tpu.memory_space<hbm>>
    tpu.enqueue_indirect_dma source(%dma_start3A_1005 : memref<7999616xf32, #tpu.memory_space<hbm>>) target(%dma_start3A_999 : memref<128xf32, #tpu.memory_space<vmem>>) offsets(%dma_start3A_1001 : memref<128xi32, #tpu.memory_space<vmem>>) semaphore(%arg20 : memref<!tpu.dma_semaphore, #tpu.memory_space<semaphore_mem>>)
    %dma_start3A_1006 = arith.constant 7552 : i32
    %dma_start3A_1007 = tpu.memref_slice %arg15[%dma_start3A_1006] : memref<8192xf32, #tpu.memory_space<vmem>> -> memref<128xf32, #tpu.memory_space<vmem>>
    %dma_start3A_1008 = arith.constant 384 : i32
    %dma_start3A_1009 = tpu.memref_slice %arg13[%dma_start3A_1008] : memref<512xi32, #tpu.memory_space<vmem>> -> memref<128xi32, #tpu.memory_space<vmem>>
    %dma_start3A_1010 = arith.constant 801536 : i32
    %dma_start3A_1011 = tpu.memref_slice %arg5[%dma_start3A_1010] : memref<1601536xf32, #tpu.memory_space<hbm>> -> memref<799872xf32, #tpu.memory_space<hbm>>
    %dma_start3A_1012 = arith.constant 0 : i32
    %dma_start3A_1013 = tpu.memref_slice %dma_start3A_1011[%dma_start3A_1012] : memref<799872xf32, #tpu.memory_space<hbm>> -> memref<799872xf32, #tpu.memory_space<hbm>>
    tpu.enqueue_indirect_dma source(%dma_start3A_1013 : memref<799872xf32, #tpu.memory_space<hbm>>) target(%dma_start3A_1007 : memref<128xf32, #tpu.memory_space<vmem>>) offsets(%dma_start3A_1009 : memref<128xi32, #tpu.memory_space<vmem>>) semaphore(%arg20 : memref<!tpu.dma_semaphore, #tpu.memory_space<semaphore_mem>>)
    %dma_start3A_1014 = arith.constant 7680 : i32
    %dma_start3A_1015 = tpu.memref_slice %arg14[%dma_start3A_1014] : memref<8192xf32, #tpu.memory_space<vmem>> -> memref<128xf32, #tpu.memory_space<vmem>>
    %dma_start3A_1016 = arith.constant 0 : i32
    %dma_start3A_1017 = tpu.memref_slice %arg12[%dma_start3A_1016] : memref<512xi32, #tpu.memory_space<vmem>> -> memref<128xi32, #tpu.memory_space<vmem>>
    %dma_start3A_1018 = arith.constant 8001408 : i32
    %dma_start3A_1019 = tpu.memref_slice %arg4[%dma_start3A_1018] : memref<16001024xf32, #tpu.memory_space<hbm>> -> memref<7999616xf32, #tpu.memory_space<hbm>>
    %dma_start3A_1020 = arith.constant 0 : i32
    %dma_start3A_1021 = tpu.memref_slice %dma_start3A_1019[%dma_start3A_1020] : memref<7999616xf32, #tpu.memory_space<hbm>> -> memref<7999616xf32, #tpu.memory_space<hbm>>
    tpu.enqueue_indirect_dma source(%dma_start3A_1021 : memref<7999616xf32, #tpu.memory_space<hbm>>) target(%dma_start3A_1015 : memref<128xf32, #tpu.memory_space<vmem>>) offsets(%dma_start3A_1017 : memref<128xi32, #tpu.memory_space<vmem>>) semaphore(%arg20 : memref<!tpu.dma_semaphore, #tpu.memory_space<semaphore_mem>>)
    %dma_start3A_1022 = arith.constant 7680 : i32
    %dma_start3A_1023 = tpu.memref_slice %arg15[%dma_start3A_1022] : memref<8192xf32, #tpu.memory_space<vmem>> -> memref<128xf32, #tpu.memory_space<vmem>>
    %dma_start3A_1024 = arith.constant 0 : i32
    %dma_start3A_1025 = tpu.memref_slice %arg13[%dma_start3A_1024] : memref<512xi32, #tpu.memory_space<vmem>> -> memref<128xi32, #tpu.memory_space<vmem>>
    %dma_start3A_1026 = arith.constant 801664 : i32
    %dma_start3A_1027 = tpu.memref_slice %arg5[%dma_start3A_1026] : memref<1601536xf32, #tpu.memory_space<hbm>> -> memref<799872xf32, #tpu.memory_space<hbm>>
    %dma_start3A_1028 = arith.constant 0 : i32
    %dma_start3A_1029 = tpu.memref_slice %dma_start3A_1027[%dma_start3A_1028] : memref<799872xf32, #tpu.memory_space<hbm>> -> memref<799872xf32, #tpu.memory_space<hbm>>
    tpu.enqueue_indirect_dma source(%dma_start3A_1029 : memref<799872xf32, #tpu.memory_space<hbm>>) target(%dma_start3A_1023 : memref<128xf32, #tpu.memory_space<vmem>>) offsets(%dma_start3A_1025 : memref<128xi32, #tpu.memory_space<vmem>>) semaphore(%arg20 : memref<!tpu.dma_semaphore, #tpu.memory_space<semaphore_mem>>)
    %dma_start3A_1030 = arith.constant 7808 : i32
    %dma_start3A_1031 = tpu.memref_slice %arg14[%dma_start3A_1030] : memref<8192xf32, #tpu.memory_space<vmem>> -> memref<128xf32, #tpu.memory_space<vmem>>
    %dma_start3A_1032 = arith.constant 128 : i32
    %dma_start3A_1033 = tpu.memref_slice %arg12[%dma_start3A_1032] : memref<512xi32, #tpu.memory_space<vmem>> -> memref<128xi32, #tpu.memory_space<vmem>>
    %dma_start3A_1034 = arith.constant 8001408 : i32
    %dma_start3A_1035 = tpu.memref_slice %arg4[%dma_start3A_1034] : memref<16001024xf32, #tpu.memory_space<hbm>> -> memref<7999616xf32, #tpu.memory_space<hbm>>
    %dma_start3A_1036 = arith.constant 0 : i32
    %dma_start3A_1037 = tpu.memref_slice %dma_start3A_1035[%dma_start3A_1036] : memref<7999616xf32, #tpu.memory_space<hbm>> -> memref<7999616xf32, #tpu.memory_space<hbm>>
    tpu.enqueue_indirect_dma source(%dma_start3A_1037 : memref<7999616xf32, #tpu.memory_space<hbm>>) target(%dma_start3A_1031 : memref<128xf32, #tpu.memory_space<vmem>>) offsets(%dma_start3A_1033 : memref<128xi32, #tpu.memory_space<vmem>>) semaphore(%arg20 : memref<!tpu.dma_semaphore, #tpu.memory_space<semaphore_mem>>)
    %dma_start3A_1038 = arith.constant 7808 : i32
    %dma_start3A_1039 = tpu.memref_slice %arg15[%dma_start3A_1038] : memref<8192xf32, #tpu.memory_space<vmem>> -> memref<128xf32, #tpu.memory_space<vmem>>
    %dma_start3A_1040 = arith.constant 128 : i32
    %dma_start3A_1041 = tpu.memref_slice %arg13[%dma_start3A_1040] : memref<512xi32, #tpu.memory_space<vmem>> -> memref<128xi32, #tpu.memory_space<vmem>>
    %dma_start3A_1042 = arith.constant 801664 : i32
    %dma_start3A_1043 = tpu.memref_slice %arg5[%dma_start3A_1042] : memref<1601536xf32, #tpu.memory_space<hbm>> -> memref<799872xf32, #tpu.memory_space<hbm>>
    %dma_start3A_1044 = arith.constant 0 : i32
    %dma_start3A_1045 = tpu.memref_slice %dma_start3A_1043[%dma_start3A_1044] : memref<799872xf32, #tpu.memory_space<hbm>> -> memref<799872xf32, #tpu.memory_space<hbm>>
    tpu.enqueue_indirect_dma source(%dma_start3A_1045 : memref<799872xf32, #tpu.memory_space<hbm>>) target(%dma_start3A_1039 : memref<128xf32, #tpu.memory_space<vmem>>) offsets(%dma_start3A_1041 : memref<128xi32, #tpu.memory_space<vmem>>) semaphore(%arg20 : memref<!tpu.dma_semaphore, #tpu.memory_space<semaphore_mem>>)
    %dma_start3A_1046 = arith.constant 7936 : i32
    %dma_start3A_1047 = tpu.memref_slice %arg14[%dma_start3A_1046] : memref<8192xf32, #tpu.memory_space<vmem>> -> memref<128xf32, #tpu.memory_space<vmem>>
    %dma_start3A_1048 = arith.constant 256 : i32
    %dma_start3A_1049 = tpu.memref_slice %arg12[%dma_start3A_1048] : memref<512xi32, #tpu.memory_space<vmem>> -> memref<128xi32, #tpu.memory_space<vmem>>
    %dma_start3A_1050 = arith.constant 8001408 : i32
    %dma_start3A_1051 = tpu.memref_slice %arg4[%dma_start3A_1050] : memref<16001024xf32, #tpu.memory_space<hbm>> -> memref<7999616xf32, #tpu.memory_space<hbm>>
    %dma_start3A_1052 = arith.constant 0 : i32
    %dma_start3A_1053 = tpu.memref_slice %dma_start3A_1051[%dma_start3A_1052] : memref<7999616xf32, #tpu.memory_space<hbm>> -> memref<7999616xf32, #tpu.memory_space<hbm>>
    tpu.enqueue_indirect_dma source(%dma_start3A_1053 : memref<7999616xf32, #tpu.memory_space<hbm>>) target(%dma_start3A_1047 : memref<128xf32, #tpu.memory_space<vmem>>) offsets(%dma_start3A_1049 : memref<128xi32, #tpu.memory_space<vmem>>) semaphore(%arg20 : memref<!tpu.dma_semaphore, #tpu.memory_space<semaphore_mem>>)
    %dma_start3A_1054 = arith.constant 7936 : i32
    %dma_start3A_1055 = tpu.memref_slice %arg15[%dma_start3A_1054] : memref<8192xf32, #tpu.memory_space<vmem>> -> memref<128xf32, #tpu.memory_space<vmem>>
    %dma_start3A_1056 = arith.constant 256 : i32
    %dma_start3A_1057 = tpu.memref_slice %arg13[%dma_start3A_1056] : memref<512xi32, #tpu.memory_space<vmem>> -> memref<128xi32, #tpu.memory_space<vmem>>
    %dma_start3A_1058 = arith.constant 801664 : i32
    %dma_start3A_1059 = tpu.memref_slice %arg5[%dma_start3A_1058] : memref<1601536xf32, #tpu.memory_space<hbm>> -> memref<799872xf32, #tpu.memory_space<hbm>>
    %dma_start3A_1060 = arith.constant 0 : i32
    %dma_start3A_1061 = tpu.memref_slice %dma_start3A_1059[%dma_start3A_1060] : memref<799872xf32, #tpu.memory_space<hbm>> -> memref<799872xf32, #tpu.memory_space<hbm>>
    tpu.enqueue_indirect_dma source(%dma_start3A_1061 : memref<799872xf32, #tpu.memory_space<hbm>>) target(%dma_start3A_1055 : memref<128xf32, #tpu.memory_space<vmem>>) offsets(%dma_start3A_1057 : memref<128xi32, #tpu.memory_space<vmem>>) semaphore(%arg20 : memref<!tpu.dma_semaphore, #tpu.memory_space<semaphore_mem>>)
    %dma_start3A_1062 = arith.constant 8064 : i32
    %dma_start3A_1063 = tpu.memref_slice %arg14[%dma_start3A_1062] : memref<8192xf32, #tpu.memory_space<vmem>> -> memref<128xf32, #tpu.memory_space<vmem>>
    %dma_start3A_1064 = arith.constant 384 : i32
    %dma_start3A_1065 = tpu.memref_slice %arg12[%dma_start3A_1064] : memref<512xi32, #tpu.memory_space<vmem>> -> memref<128xi32, #tpu.memory_space<vmem>>
    %dma_start3A_1066 = arith.constant 8001408 : i32
    %dma_start3A_1067 = tpu.memref_slice %arg4[%dma_start3A_1066] : memref<16001024xf32, #tpu.memory_space<hbm>> -> memref<7999616xf32, #tpu.memory_space<hbm>>
    %dma_start3A_1068 = arith.constant 0 : i32
    %dma_start3A_1069 = tpu.memref_slice %dma_start3A_1067[%dma_start3A_1068] : memref<7999616xf32, #tpu.memory_space<hbm>> -> memref<7999616xf32, #tpu.memory_space<hbm>>
    tpu.enqueue_indirect_dma source(%dma_start3A_1069 : memref<7999616xf32, #tpu.memory_space<hbm>>) target(%dma_start3A_1063 : memref<128xf32, #tpu.memory_space<vmem>>) offsets(%dma_start3A_1065 : memref<128xi32, #tpu.memory_space<vmem>>) semaphore(%arg20 : memref<!tpu.dma_semaphore, #tpu.memory_space<semaphore_mem>>)
    %dma_start3A_1070 = arith.constant 8064 : i32
    %dma_start3A_1071 = tpu.memref_slice %arg15[%dma_start3A_1070] : memref<8192xf32, #tpu.memory_space<vmem>> -> memref<128xf32, #tpu.memory_space<vmem>>
    %dma_start3A_1072 = arith.constant 384 : i32
    %dma_start3A_1073 = tpu.memref_slice %arg13[%dma_start3A_1072] : memref<512xi32, #tpu.memory_space<vmem>> -> memref<128xi32, #tpu.memory_space<vmem>>
    %dma_start3A_1074 = arith.constant 801664 : i32
    %dma_start3A_1075 = tpu.memref_slice %arg5[%dma_start3A_1074] : memref<1601536xf32, #tpu.memory_space<hbm>> -> memref<799872xf32, #tpu.memory_space<hbm>>
    %dma_start3A_1076 = arith.constant 0 : i32
    %dma_start3A_1077 = tpu.memref_slice %dma_start3A_1075[%dma_start3A_1076] : memref<799872xf32, #tpu.memory_space<hbm>> -> memref<799872xf32, #tpu.memory_space<hbm>>
    tpu.enqueue_indirect_dma source(%dma_start3A_1077 : memref<799872xf32, #tpu.memory_space<hbm>>) target(%dma_start3A_1071 : memref<128xf32, #tpu.memory_space<vmem>>) offsets(%dma_start3A_1073 : memref<128xi32, #tpu.memory_space<vmem>>) semaphore(%arg20 : memref<!tpu.dma_semaphore, #tpu.memory_space<semaphore_mem>>)
    %dma_wait3A = arith.constant 0 : i32
    %dma_wait3A_1078 = tpu.memref_slice %arg16[%dma_wait3A] : memref<512xf32, #tpu.memory_space<vmem>> -> memref<128xf32, #tpu.memory_space<vmem>>
    %dma_wait3A_1079 = arith.constant 0 : i32
    %dma_wait3A_1080 = tpu.memref_slice %arg10[%dma_wait3A_1079] : memref<512xi32, #tpu.memory_space<vmem>> -> memref<128xi32, #tpu.memory_space<vmem>>
    %dma_wait3A_1081 = arith.constant 0 : i32
    %dma_wait3A_1082 = tpu.memref_slice %arg6[%dma_wait3A_1081] : memref<1000448xf32, #tpu.memory_space<hbm>> -> memref<1000448xf32, #tpu.memory_space<hbm>>
    tpu.wait_indirect_dma semaphore(%arg20 : memref<!tpu.dma_semaphore, #tpu.memory_space<semaphore_mem>>) src(%dma_wait3A_1082 : memref<1000448xf32, #tpu.memory_space<hbm>>) dst(%dma_wait3A_1078 : memref<128xf32, #tpu.memory_space<vmem>>)
    %dma_wait3A_1083 = arith.constant 0 : i32
    %dma_wait3A_1084 = tpu.memref_slice %arg17[%dma_wait3A_1083] : memref<512xf32, #tpu.memory_space<vmem>> -> memref<128xf32, #tpu.memory_space<vmem>>
    %dma_wait3A_1085 = arith.constant 0 : i32
    %dma_wait3A_1086 = tpu.memref_slice %arg11[%dma_wait3A_1085] : memref<512xi32, #tpu.memory_space<vmem>> -> memref<128xi32, #tpu.memory_space<vmem>>
    %dma_wait3A_1087 = arith.constant 0 : i32
    %dma_wait3A_1088 = tpu.memref_slice %arg7[%dma_wait3A_1087] : memref<100352xf32, #tpu.memory_space<hbm>> -> memref<100352xf32, #tpu.memory_space<hbm>>
    tpu.wait_indirect_dma semaphore(%arg20 : memref<!tpu.dma_semaphore, #tpu.memory_space<semaphore_mem>>) src(%dma_wait3A_1088 : memref<100352xf32, #tpu.memory_space<hbm>>) dst(%dma_wait3A_1084 : memref<128xf32, #tpu.memory_space<vmem>>)
    %dma_wait3A_1089 = arith.constant 128 : i32
    %dma_wait3A_1090 = tpu.memref_slice %arg16[%dma_wait3A_1089] : memref<512xf32, #tpu.memory_space<vmem>> -> memref<128xf32, #tpu.memory_space<vmem>>
    %dma_wait3A_1091 = arith.constant 128 : i32
    %dma_wait3A_1092 = tpu.memref_slice %arg10[%dma_wait3A_1091] : memref<512xi32, #tpu.memory_space<vmem>> -> memref<128xi32, #tpu.memory_space<vmem>>
    %dma_wait3A_1093 = arith.constant 0 : i32
    %dma_wait3A_1094 = tpu.memref_slice %arg6[%dma_wait3A_1093] : memref<1000448xf32, #tpu.memory_space<hbm>> -> memref<1000448xf32, #tpu.memory_space<hbm>>
    tpu.wait_indirect_dma semaphore(%arg20 : memref<!tpu.dma_semaphore, #tpu.memory_space<semaphore_mem>>) src(%dma_wait3A_1094 : memref<1000448xf32, #tpu.memory_space<hbm>>) dst(%dma_wait3A_1090 : memref<128xf32, #tpu.memory_space<vmem>>)
    %dma_wait3A_1095 = arith.constant 128 : i32
    %dma_wait3A_1096 = tpu.memref_slice %arg17[%dma_wait3A_1095] : memref<512xf32, #tpu.memory_space<vmem>> -> memref<128xf32, #tpu.memory_space<vmem>>
    %dma_wait3A_1097 = arith.constant 128 : i32
    %dma_wait3A_1098 = tpu.memref_slice %arg11[%dma_wait3A_1097] : memref<512xi32, #tpu.memory_space<vmem>> -> memref<128xi32, #tpu.memory_space<vmem>>
    %dma_wait3A_1099 = arith.constant 0 : i32
    %dma_wait3A_1100 = tpu.memref_slice %arg7[%dma_wait3A_1099] : memref<100352xf32, #tpu.memory_space<hbm>> -> memref<100352xf32, #tpu.memory_space<hbm>>
    tpu.wait_indirect_dma semaphore(%arg20 : memref<!tpu.dma_semaphore, #tpu.memory_space<semaphore_mem>>) src(%dma_wait3A_1100 : memref<100352xf32, #tpu.memory_space<hbm>>) dst(%dma_wait3A_1096 : memref<128xf32, #tpu.memory_space<vmem>>)
    %dma_wait3A_1101 = arith.constant 256 : i32
    %dma_wait3A_1102 = tpu.memref_slice %arg16[%dma_wait3A_1101] : memref<512xf32, #tpu.memory_space<vmem>> -> memref<128xf32, #tpu.memory_space<vmem>>
    %dma_wait3A_1103 = arith.constant 256 : i32
    %dma_wait3A_1104 = tpu.memref_slice %arg10[%dma_wait3A_1103] : memref<512xi32, #tpu.memory_space<vmem>> -> memref<128xi32, #tpu.memory_space<vmem>>
    %dma_wait3A_1105 = arith.constant 0 : i32
    %dma_wait3A_1106 = tpu.memref_slice %arg6[%dma_wait3A_1105] : memref<1000448xf32, #tpu.memory_space<hbm>> -> memref<1000448xf32, #tpu.memory_space<hbm>>
    tpu.wait_indirect_dma semaphore(%arg20 : memref<!tpu.dma_semaphore, #tpu.memory_space<semaphore_mem>>) src(%dma_wait3A_1106 : memref<1000448xf32, #tpu.memory_space<hbm>>) dst(%dma_wait3A_1102 : memref<128xf32, #tpu.memory_space<vmem>>)
    %dma_wait3A_1107 = arith.constant 256 : i32
    %dma_wait3A_1108 = tpu.memref_slice %arg17[%dma_wait3A_1107] : memref<512xf32, #tpu.memory_space<vmem>> -> memref<128xf32, #tpu.memory_space<vmem>>
    %dma_wait3A_1109 = arith.constant 256 : i32
    %dma_wait3A_1110 = tpu.memref_slice %arg11[%dma_wait3A_1109] : memref<512xi32, #tpu.memory_space<vmem>> -> memref<128xi32, #tpu.memory_space<vmem>>
    %dma_wait3A_1111 = arith.constant 0 : i32
    %dma_wait3A_1112 = tpu.memref_slice %arg7[%dma_wait3A_1111] : memref<100352xf32, #tpu.memory_space<hbm>> -> memref<100352xf32, #tpu.memory_space<hbm>>
    tpu.wait_indirect_dma semaphore(%arg20 : memref<!tpu.dma_semaphore, #tpu.memory_space<semaphore_mem>>) src(%dma_wait3A_1112 : memref<100352xf32, #tpu.memory_space<hbm>>) dst(%dma_wait3A_1108 : memref<128xf32, #tpu.memory_space<vmem>>)
    %dma_wait3A_1113 = arith.constant 384 : i32
    %dma_wait3A_1114 = tpu.memref_slice %arg16[%dma_wait3A_1113] : memref<512xf32, #tpu.memory_space<vmem>> -> memref<128xf32, #tpu.memory_space<vmem>>
    %dma_wait3A_1115 = arith.constant 384 : i32
    %dma_wait3A_1116 = tpu.memref_slice %arg10[%dma_wait3A_1115] : memref<512xi32, #tpu.memory_space<vmem>> -> memref<128xi32, #tpu.memory_space<vmem>>
    %dma_wait3A_1117 = arith.constant 0 : i32
    %dma_wait3A_1118 = tpu.memref_slice %arg6[%dma_wait3A_1117] : memref<1000448xf32, #tpu.memory_space<hbm>> -> memref<1000448xf32, #tpu.memory_space<hbm>>
    tpu.wait_indirect_dma semaphore(%arg20 : memref<!tpu.dma_semaphore, #tpu.memory_space<semaphore_mem>>) src(%dma_wait3A_1118 : memref<1000448xf32, #tpu.memory_space<hbm>>) dst(%dma_wait3A_1114 : memref<128xf32, #tpu.memory_space<vmem>>)
    %dma_wait3A_1119 = arith.constant 384 : i32
    %dma_wait3A_1120 = tpu.memref_slice %arg17[%dma_wait3A_1119] : memref<512xf32, #tpu.memory_space<vmem>> -> memref<128xf32, #tpu.memory_space<vmem>>
    %dma_wait3A_1121 = arith.constant 384 : i32
    %dma_wait3A_1122 = tpu.memref_slice %arg11[%dma_wait3A_1121] : memref<512xi32, #tpu.memory_space<vmem>> -> memref<128xi32, #tpu.memory_space<vmem>>
    %dma_wait3A_1123 = arith.constant 0 : i32
    %dma_wait3A_1124 = tpu.memref_slice %arg7[%dma_wait3A_1123] : memref<100352xf32, #tpu.memory_space<hbm>> -> memref<100352xf32, #tpu.memory_space<hbm>>
    tpu.wait_indirect_dma semaphore(%arg20 : memref<!tpu.dma_semaphore, #tpu.memory_space<semaphore_mem>>) src(%dma_wait3A_1124 : memref<100352xf32, #tpu.memory_space<hbm>>) dst(%dma_wait3A_1120 : memref<128xf32, #tpu.memory_space<vmem>>)
    %dma_wait3A_1125 = arith.constant 0 : i32
    %dma_wait3A_1126 = tpu.memref_slice %arg14[%dma_wait3A_1125] : memref<8192xf32, #tpu.memory_space<vmem>> -> memref<128xf32, #tpu.memory_space<vmem>>
    %dma_wait3A_1127 = arith.constant 0 : i32
    %dma_wait3A_1128 = tpu.memref_slice %arg12[%dma_wait3A_1127] : memref<512xi32, #tpu.memory_space<vmem>> -> memref<128xi32, #tpu.memory_space<vmem>>
    %dma_wait3A_1129 = arith.constant 0 : i32
    %dma_wait3A_1130 = tpu.memref_slice %arg4[%dma_wait3A_1129] : memref<16001024xf32, #tpu.memory_space<hbm>> -> memref<7999616xf32, #tpu.memory_space<hbm>>
    %dma_wait3A_1131 = arith.constant 0 : i32
    %dma_wait3A_1132 = tpu.memref_slice %dma_wait3A_1130[%dma_wait3A_1131] : memref<7999616xf32, #tpu.memory_space<hbm>> -> memref<7999616xf32, #tpu.memory_space<hbm>>
    tpu.wait_indirect_dma semaphore(%arg20 : memref<!tpu.dma_semaphore, #tpu.memory_space<semaphore_mem>>) src(%dma_wait3A_1132 : memref<7999616xf32, #tpu.memory_space<hbm>>) dst(%dma_wait3A_1126 : memref<128xf32, #tpu.memory_space<vmem>>)
    %dma_wait3A_1133 = arith.constant 0 : i32
    %dma_wait3A_1134 = tpu.memref_slice %arg15[%dma_wait3A_1133] : memref<8192xf32, #tpu.memory_space<vmem>> -> memref<128xf32, #tpu.memory_space<vmem>>
    %dma_wait3A_1135 = arith.constant 0 : i32
    %dma_wait3A_1136 = tpu.memref_slice %arg13[%dma_wait3A_1135] : memref<512xi32, #tpu.memory_space<vmem>> -> memref<128xi32, #tpu.memory_space<vmem>>
    %dma_wait3A_1137 = arith.constant 0 : i32
    %dma_wait3A_1138 = tpu.memref_slice %arg5[%dma_wait3A_1137] : memref<1601536xf32, #tpu.memory_space<hbm>> -> memref<799872xf32, #tpu.memory_space<hbm>>
    %dma_wait3A_1139 = arith.constant 0 : i32
    %dma_wait3A_1140 = tpu.memref_slice %dma_wait3A_1138[%dma_wait3A_1139] : memref<799872xf32, #tpu.memory_space<hbm>> -> memref<799872xf32, #tpu.memory_space<hbm>>
    tpu.wait_indirect_dma semaphore(%arg20 : memref<!tpu.dma_semaphore, #tpu.memory_space<semaphore_mem>>) src(%dma_wait3A_1140 : memref<799872xf32, #tpu.memory_space<hbm>>) dst(%dma_wait3A_1134 : memref<128xf32, #tpu.memory_space<vmem>>)
    %dma_wait3A_1141 = arith.constant 128 : i32
    %dma_wait3A_1142 = tpu.memref_slice %arg14[%dma_wait3A_1141] : memref<8192xf32, #tpu.memory_space<vmem>> -> memref<128xf32, #tpu.memory_space<vmem>>
    %dma_wait3A_1143 = arith.constant 128 : i32
    %dma_wait3A_1144 = tpu.memref_slice %arg12[%dma_wait3A_1143] : memref<512xi32, #tpu.memory_space<vmem>> -> memref<128xi32, #tpu.memory_space<vmem>>
    %dma_wait3A_1145 = arith.constant 0 : i32
    %dma_wait3A_1146 = tpu.memref_slice %arg4[%dma_wait3A_1145] : memref<16001024xf32, #tpu.memory_space<hbm>> -> memref<7999616xf32, #tpu.memory_space<hbm>>
    %dma_wait3A_1147 = arith.constant 0 : i32
    %dma_wait3A_1148 = tpu.memref_slice %dma_wait3A_1146[%dma_wait3A_1147] : memref<7999616xf32, #tpu.memory_space<hbm>> -> memref<7999616xf32, #tpu.memory_space<hbm>>
    tpu.wait_indirect_dma semaphore(%arg20 : memref<!tpu.dma_semaphore, #tpu.memory_space<semaphore_mem>>) src(%dma_wait3A_1148 : memref<7999616xf32, #tpu.memory_space<hbm>>) dst(%dma_wait3A_1142 : memref<128xf32, #tpu.memory_space<vmem>>)
    %dma_wait3A_1149 = arith.constant 128 : i32
    %dma_wait3A_1150 = tpu.memref_slice %arg15[%dma_wait3A_1149] : memref<8192xf32, #tpu.memory_space<vmem>> -> memref<128xf32, #tpu.memory_space<vmem>>
    %dma_wait3A_1151 = arith.constant 128 : i32
    %dma_wait3A_1152 = tpu.memref_slice %arg13[%dma_wait3A_1151] : memref<512xi32, #tpu.memory_space<vmem>> -> memref<128xi32, #tpu.memory_space<vmem>>
    %dma_wait3A_1153 = arith.constant 0 : i32
    %dma_wait3A_1154 = tpu.memref_slice %arg5[%dma_wait3A_1153] : memref<1601536xf32, #tpu.memory_space<hbm>> -> memref<799872xf32, #tpu.memory_space<hbm>>
    %dma_wait3A_1155 = arith.constant 0 : i32
    %dma_wait3A_1156 = tpu.memref_slice %dma_wait3A_1154[%dma_wait3A_1155] : memref<799872xf32, #tpu.memory_space<hbm>> -> memref<799872xf32, #tpu.memory_space<hbm>>
    tpu.wait_indirect_dma semaphore(%arg20 : memref<!tpu.dma_semaphore, #tpu.memory_space<semaphore_mem>>) src(%dma_wait3A_1156 : memref<799872xf32, #tpu.memory_space<hbm>>) dst(%dma_wait3A_1150 : memref<128xf32, #tpu.memory_space<vmem>>)
    %dma_wait3A_1157 = arith.constant 256 : i32
    %dma_wait3A_1158 = tpu.memref_slice %arg14[%dma_wait3A_1157] : memref<8192xf32, #tpu.memory_space<vmem>> -> memref<128xf32, #tpu.memory_space<vmem>>
    %dma_wait3A_1159 = arith.constant 256 : i32
    %dma_wait3A_1160 = tpu.memref_slice %arg12[%dma_wait3A_1159] : memref<512xi32, #tpu.memory_space<vmem>> -> memref<128xi32, #tpu.memory_space<vmem>>
    %dma_wait3A_1161 = arith.constant 0 : i32
    %dma_wait3A_1162 = tpu.memref_slice %arg4[%dma_wait3A_1161] : memref<16001024xf32, #tpu.memory_space<hbm>> -> memref<7999616xf32, #tpu.memory_space<hbm>>
    %dma_wait3A_1163 = arith.constant 0 : i32
    %dma_wait3A_1164 = tpu.memref_slice %dma_wait3A_1162[%dma_wait3A_1163] : memref<7999616xf32, #tpu.memory_space<hbm>> -> memref<7999616xf32, #tpu.memory_space<hbm>>
    tpu.wait_indirect_dma semaphore(%arg20 : memref<!tpu.dma_semaphore, #tpu.memory_space<semaphore_mem>>) src(%dma_wait3A_1164 : memref<7999616xf32, #tpu.memory_space<hbm>>) dst(%dma_wait3A_1158 : memref<128xf32, #tpu.memory_space<vmem>>)
    %dma_wait3A_1165 = arith.constant 256 : i32
    %dma_wait3A_1166 = tpu.memref_slice %arg15[%dma_wait3A_1165] : memref<8192xf32, #tpu.memory_space<vmem>> -> memref<128xf32, #tpu.memory_space<vmem>>
    %dma_wait3A_1167 = arith.constant 256 : i32
    %dma_wait3A_1168 = tpu.memref_slice %arg13[%dma_wait3A_1167] : memref<512xi32, #tpu.memory_space<vmem>> -> memref<128xi32, #tpu.memory_space<vmem>>
    %dma_wait3A_1169 = arith.constant 0 : i32
    %dma_wait3A_1170 = tpu.memref_slice %arg5[%dma_wait3A_1169] : memref<1601536xf32, #tpu.memory_space<hbm>> -> memref<799872xf32, #tpu.memory_space<hbm>>
    %dma_wait3A_1171 = arith.constant 0 : i32
    %dma_wait3A_1172 = tpu.memref_slice %dma_wait3A_1170[%dma_wait3A_1171] : memref<799872xf32, #tpu.memory_space<hbm>> -> memref<799872xf32, #tpu.memory_space<hbm>>
    tpu.wait_indirect_dma semaphore(%arg20 : memref<!tpu.dma_semaphore, #tpu.memory_space<semaphore_mem>>) src(%dma_wait3A_1172 : memref<799872xf32, #tpu.memory_space<hbm>>) dst(%dma_wait3A_1166 : memref<128xf32, #tpu.memory_space<vmem>>)
    %dma_wait3A_1173 = arith.constant 384 : i32
    %dma_wait3A_1174 = tpu.memref_slice %arg14[%dma_wait3A_1173] : memref<8192xf32, #tpu.memory_space<vmem>> -> memref<128xf32, #tpu.memory_space<vmem>>
    %dma_wait3A_1175 = arith.constant 384 : i32
    %dma_wait3A_1176 = tpu.memref_slice %arg12[%dma_wait3A_1175] : memref<512xi32, #tpu.memory_space<vmem>> -> memref<128xi32, #tpu.memory_space<vmem>>
    %dma_wait3A_1177 = arith.constant 0 : i32
    %dma_wait3A_1178 = tpu.memref_slice %arg4[%dma_wait3A_1177] : memref<16001024xf32, #tpu.memory_space<hbm>> -> memref<7999616xf32, #tpu.memory_space<hbm>>
    %dma_wait3A_1179 = arith.constant 0 : i32
    %dma_wait3A_1180 = tpu.memref_slice %dma_wait3A_1178[%dma_wait3A_1179] : memref<7999616xf32, #tpu.memory_space<hbm>> -> memref<7999616xf32, #tpu.memory_space<hbm>>
    tpu.wait_indirect_dma semaphore(%arg20 : memref<!tpu.dma_semaphore, #tpu.memory_space<semaphore_mem>>) src(%dma_wait3A_1180 : memref<7999616xf32, #tpu.memory_space<hbm>>) dst(%dma_wait3A_1174 : memref<128xf32, #tpu.memory_space<vmem>>)
    %dma_wait3A_1181 = arith.constant 384 : i32
    %dma_wait3A_1182 = tpu.memref_slice %arg15[%dma_wait3A_1181] : memref<8192xf32, #tpu.memory_space<vmem>> -> memref<128xf32, #tpu.memory_space<vmem>>
    %dma_wait3A_1183 = arith.constant 384 : i32
    %dma_wait3A_1184 = tpu.memref_slice %arg13[%dma_wait3A_1183] : memref<512xi32, #tpu.memory_space<vmem>> -> memref<128xi32, #tpu.memory_space<vmem>>
    %dma_wait3A_1185 = arith.constant 0 : i32
    %dma_wait3A_1186 = tpu.memref_slice %arg5[%dma_wait3A_1185] : memref<1601536xf32, #tpu.memory_space<hbm>> -> memref<799872xf32, #tpu.memory_space<hbm>>
    %dma_wait3A_1187 = arith.constant 0 : i32
    %dma_wait3A_1188 = tpu.memref_slice %dma_wait3A_1186[%dma_wait3A_1187] : memref<799872xf32, #tpu.memory_space<hbm>> -> memref<799872xf32, #tpu.memory_space<hbm>>
    tpu.wait_indirect_dma semaphore(%arg20 : memref<!tpu.dma_semaphore, #tpu.memory_space<semaphore_mem>>) src(%dma_wait3A_1188 : memref<799872xf32, #tpu.memory_space<hbm>>) dst(%dma_wait3A_1182 : memref<128xf32, #tpu.memory_space<vmem>>)
    %dma_wait3A_1189 = arith.constant 512 : i32
    %dma_wait3A_1190 = tpu.memref_slice %arg14[%dma_wait3A_1189] : memref<8192xf32, #tpu.memory_space<vmem>> -> memref<128xf32, #tpu.memory_space<vmem>>
    %dma_wait3A_1191 = arith.constant 0 : i32
    %dma_wait3A_1192 = tpu.memref_slice %arg12[%dma_wait3A_1191] : memref<512xi32, #tpu.memory_space<vmem>> -> memref<128xi32, #tpu.memory_space<vmem>>
    %dma_wait3A_1193 = arith.constant 128 : i32
    %dma_wait3A_1194 = tpu.memref_slice %arg4[%dma_wait3A_1193] : memref<16001024xf32, #tpu.memory_space<hbm>> -> memref<7999616xf32, #tpu.memory_space<hbm>>
    %dma_wait3A_1195 = arith.constant 0 : i32
    %dma_wait3A_1196 = tpu.memref_slice %dma_wait3A_1194[%dma_wait3A_1195] : memref<7999616xf32, #tpu.memory_space<hbm>> -> memref<7999616xf32, #tpu.memory_space<hbm>>
    tpu.wait_indirect_dma semaphore(%arg20 : memref<!tpu.dma_semaphore, #tpu.memory_space<semaphore_mem>>) src(%dma_wait3A_1196 : memref<7999616xf32, #tpu.memory_space<hbm>>) dst(%dma_wait3A_1190 : memref<128xf32, #tpu.memory_space<vmem>>)
    %dma_wait3A_1197 = arith.constant 512 : i32
    %dma_wait3A_1198 = tpu.memref_slice %arg15[%dma_wait3A_1197] : memref<8192xf32, #tpu.memory_space<vmem>> -> memref<128xf32, #tpu.memory_space<vmem>>
    %dma_wait3A_1199 = arith.constant 0 : i32
    %dma_wait3A_1200 = tpu.memref_slice %arg13[%dma_wait3A_1199] : memref<512xi32, #tpu.memory_space<vmem>> -> memref<128xi32, #tpu.memory_space<vmem>>
    %dma_wait3A_1201 = arith.constant 128 : i32
    %dma_wait3A_1202 = tpu.memref_slice %arg5[%dma_wait3A_1201] : memref<1601536xf32, #tpu.memory_space<hbm>> -> memref<799872xf32, #tpu.memory_space<hbm>>
    %dma_wait3A_1203 = arith.constant 0 : i32
    %dma_wait3A_1204 = tpu.memref_slice %dma_wait3A_1202[%dma_wait3A_1203] : memref<799872xf32, #tpu.memory_space<hbm>> -> memref<799872xf32, #tpu.memory_space<hbm>>
    tpu.wait_indirect_dma semaphore(%arg20 : memref<!tpu.dma_semaphore, #tpu.memory_space<semaphore_mem>>) src(%dma_wait3A_1204 : memref<799872xf32, #tpu.memory_space<hbm>>) dst(%dma_wait3A_1198 : memref<128xf32, #tpu.memory_space<vmem>>)
    %dma_wait3A_1205 = arith.constant 640 : i32
    %dma_wait3A_1206 = tpu.memref_slice %arg14[%dma_wait3A_1205] : memref<8192xf32, #tpu.memory_space<vmem>> -> memref<128xf32, #tpu.memory_space<vmem>>
    %dma_wait3A_1207 = arith.constant 128 : i32
    %dma_wait3A_1208 = tpu.memref_slice %arg12[%dma_wait3A_1207] : memref<512xi32, #tpu.memory_space<vmem>> -> memref<128xi32, #tpu.memory_space<vmem>>
    %dma_wait3A_1209 = arith.constant 128 : i32
    %dma_wait3A_1210 = tpu.memref_slice %arg4[%dma_wait3A_1209] : memref<16001024xf32, #tpu.memory_space<hbm>> -> memref<7999616xf32, #tpu.memory_space<hbm>>
    %dma_wait3A_1211 = arith.constant 0 : i32
    %dma_wait3A_1212 = tpu.memref_slice %dma_wait3A_1210[%dma_wait3A_1211] : memref<7999616xf32, #tpu.memory_space<hbm>> -> memref<7999616xf32, #tpu.memory_space<hbm>>
    tpu.wait_indirect_dma semaphore(%arg20 : memref<!tpu.dma_semaphore, #tpu.memory_space<semaphore_mem>>) src(%dma_wait3A_1212 : memref<7999616xf32, #tpu.memory_space<hbm>>) dst(%dma_wait3A_1206 : memref<128xf32, #tpu.memory_space<vmem>>)
    %dma_wait3A_1213 = arith.constant 640 : i32
    %dma_wait3A_1214 = tpu.memref_slice %arg15[%dma_wait3A_1213] : memref<8192xf32, #tpu.memory_space<vmem>> -> memref<128xf32, #tpu.memory_space<vmem>>
    %dma_wait3A_1215 = arith.constant 128 : i32
    %dma_wait3A_1216 = tpu.memref_slice %arg13[%dma_wait3A_1215] : memref<512xi32, #tpu.memory_space<vmem>> -> memref<128xi32, #tpu.memory_space<vmem>>
    %dma_wait3A_1217 = arith.constant 128 : i32
    %dma_wait3A_1218 = tpu.memref_slice %arg5[%dma_wait3A_1217] : memref<1601536xf32, #tpu.memory_space<hbm>> -> memref<799872xf32, #tpu.memory_space<hbm>>
    %dma_wait3A_1219 = arith.constant 0 : i32
    %dma_wait3A_1220 = tpu.memref_slice %dma_wait3A_1218[%dma_wait3A_1219] : memref<799872xf32, #tpu.memory_space<hbm>> -> memref<799872xf32, #tpu.memory_space<hbm>>
    tpu.wait_indirect_dma semaphore(%arg20 : memref<!tpu.dma_semaphore, #tpu.memory_space<semaphore_mem>>) src(%dma_wait3A_1220 : memref<799872xf32, #tpu.memory_space<hbm>>) dst(%dma_wait3A_1214 : memref<128xf32, #tpu.memory_space<vmem>>)
    %dma_wait3A_1221 = arith.constant 768 : i32
    %dma_wait3A_1222 = tpu.memref_slice %arg14[%dma_wait3A_1221] : memref<8192xf32, #tpu.memory_space<vmem>> -> memref<128xf32, #tpu.memory_space<vmem>>
    %dma_wait3A_1223 = arith.constant 256 : i32
    %dma_wait3A_1224 = tpu.memref_slice %arg12[%dma_wait3A_1223] : memref<512xi32, #tpu.memory_space<vmem>> -> memref<128xi32, #tpu.memory_space<vmem>>
    %dma_wait3A_1225 = arith.constant 128 : i32
    %dma_wait3A_1226 = tpu.memref_slice %arg4[%dma_wait3A_1225] : memref<16001024xf32, #tpu.memory_space<hbm>> -> memref<7999616xf32, #tpu.memory_space<hbm>>
    %dma_wait3A_1227 = arith.constant 0 : i32
    %dma_wait3A_1228 = tpu.memref_slice %dma_wait3A_1226[%dma_wait3A_1227] : memref<7999616xf32, #tpu.memory_space<hbm>> -> memref<7999616xf32, #tpu.memory_space<hbm>>
    tpu.wait_indirect_dma semaphore(%arg20 : memref<!tpu.dma_semaphore, #tpu.memory_space<semaphore_mem>>) src(%dma_wait3A_1228 : memref<7999616xf32, #tpu.memory_space<hbm>>) dst(%dma_wait3A_1222 : memref<128xf32, #tpu.memory_space<vmem>>)
    %dma_wait3A_1229 = arith.constant 768 : i32
    %dma_wait3A_1230 = tpu.memref_slice %arg15[%dma_wait3A_1229] : memref<8192xf32, #tpu.memory_space<vmem>> -> memref<128xf32, #tpu.memory_space<vmem>>
    %dma_wait3A_1231 = arith.constant 256 : i32
    %dma_wait3A_1232 = tpu.memref_slice %arg13[%dma_wait3A_1231] : memref<512xi32, #tpu.memory_space<vmem>> -> memref<128xi32, #tpu.memory_space<vmem>>
    %dma_wait3A_1233 = arith.constant 128 : i32
    %dma_wait3A_1234 = tpu.memref_slice %arg5[%dma_wait3A_1233] : memref<1601536xf32, #tpu.memory_space<hbm>> -> memref<799872xf32, #tpu.memory_space<hbm>>
    %dma_wait3A_1235 = arith.constant 0 : i32
    %dma_wait3A_1236 = tpu.memref_slice %dma_wait3A_1234[%dma_wait3A_1235] : memref<799872xf32, #tpu.memory_space<hbm>> -> memref<799872xf32, #tpu.memory_space<hbm>>
    tpu.wait_indirect_dma semaphore(%arg20 : memref<!tpu.dma_semaphore, #tpu.memory_space<semaphore_mem>>) src(%dma_wait3A_1236 : memref<799872xf32, #tpu.memory_space<hbm>>) dst(%dma_wait3A_1230 : memref<128xf32, #tpu.memory_space<vmem>>)
    %dma_wait3A_1237 = arith.constant 896 : i32
    %dma_wait3A_1238 = tpu.memref_slice %arg14[%dma_wait3A_1237] : memref<8192xf32, #tpu.memory_space<vmem>> -> memref<128xf32, #tpu.memory_space<vmem>>
    %dma_wait3A_1239 = arith.constant 384 : i32
    %dma_wait3A_1240 = tpu.memref_slice %arg12[%dma_wait3A_1239] : memref<512xi32, #tpu.memory_space<vmem>> -> memref<128xi32, #tpu.memory_space<vmem>>
    %dma_wait3A_1241 = arith.constant 128 : i32
    %dma_wait3A_1242 = tpu.memref_slice %arg4[%dma_wait3A_1241] : memref<16001024xf32, #tpu.memory_space<hbm>> -> memref<7999616xf32, #tpu.memory_space<hbm>>
    %dma_wait3A_1243 = arith.constant 0 : i32
    %dma_wait3A_1244 = tpu.memref_slice %dma_wait3A_1242[%dma_wait3A_1243] : memref<7999616xf32, #tpu.memory_space<hbm>> -> memref<7999616xf32, #tpu.memory_space<hbm>>
    tpu.wait_indirect_dma semaphore(%arg20 : memref<!tpu.dma_semaphore, #tpu.memory_space<semaphore_mem>>) src(%dma_wait3A_1244 : memref<7999616xf32, #tpu.memory_space<hbm>>) dst(%dma_wait3A_1238 : memref<128xf32, #tpu.memory_space<vmem>>)
    %dma_wait3A_1245 = arith.constant 896 : i32
    %dma_wait3A_1246 = tpu.memref_slice %arg15[%dma_wait3A_1245] : memref<8192xf32, #tpu.memory_space<vmem>> -> memref<128xf32, #tpu.memory_space<vmem>>
    %dma_wait3A_1247 = arith.constant 384 : i32
    %dma_wait3A_1248 = tpu.memref_slice %arg13[%dma_wait3A_1247] : memref<512xi32, #tpu.memory_space<vmem>> -> memref<128xi32, #tpu.memory_space<vmem>>
    %dma_wait3A_1249 = arith.constant 128 : i32
    %dma_wait3A_1250 = tpu.memref_slice %arg5[%dma_wait3A_1249] : memref<1601536xf32, #tpu.memory_space<hbm>> -> memref<799872xf32, #tpu.memory_space<hbm>>
    %dma_wait3A_1251 = arith.constant 0 : i32
    %dma_wait3A_1252 = tpu.memref_slice %dma_wait3A_1250[%dma_wait3A_1251] : memref<799872xf32, #tpu.memory_space<hbm>> -> memref<799872xf32, #tpu.memory_space<hbm>>
    tpu.wait_indirect_dma semaphore(%arg20 : memref<!tpu.dma_semaphore, #tpu.memory_space<semaphore_mem>>) src(%dma_wait3A_1252 : memref<799872xf32, #tpu.memory_space<hbm>>) dst(%dma_wait3A_1246 : memref<128xf32, #tpu.memory_space<vmem>>)
    %dma_wait3A_1253 = arith.constant 1024 : i32
    %dma_wait3A_1254 = tpu.memref_slice %arg14[%dma_wait3A_1253] : memref<8192xf32, #tpu.memory_space<vmem>> -> memref<128xf32, #tpu.memory_space<vmem>>
    %dma_wait3A_1255 = arith.constant 0 : i32
    %dma_wait3A_1256 = tpu.memref_slice %arg12[%dma_wait3A_1255] : memref<512xi32, #tpu.memory_space<vmem>> -> memref<128xi32, #tpu.memory_space<vmem>>
    %dma_wait3A_1257 = arith.constant 256 : i32
    %dma_wait3A_1258 = tpu.memref_slice %arg4[%dma_wait3A_1257] : memref<16001024xf32, #tpu.memory_space<hbm>> -> memref<7999616xf32, #tpu.memory_space<hbm>>
    %dma_wait3A_1259 = arith.constant 0 : i32
    %dma_wait3A_1260 = tpu.memref_slice %dma_wait3A_1258[%dma_wait3A_1259] : memref<7999616xf32, #tpu.memory_space<hbm>> -> memref<7999616xf32, #tpu.memory_space<hbm>>
    tpu.wait_indirect_dma semaphore(%arg20 : memref<!tpu.dma_semaphore, #tpu.memory_space<semaphore_mem>>) src(%dma_wait3A_1260 : memref<7999616xf32, #tpu.memory_space<hbm>>) dst(%dma_wait3A_1254 : memref<128xf32, #tpu.memory_space<vmem>>)
    %dma_wait3A_1261 = arith.constant 1024 : i32
    %dma_wait3A_1262 = tpu.memref_slice %arg15[%dma_wait3A_1261] : memref<8192xf32, #tpu.memory_space<vmem>> -> memref<128xf32, #tpu.memory_space<vmem>>
    %dma_wait3A_1263 = arith.constant 0 : i32
    %dma_wait3A_1264 = tpu.memref_slice %arg13[%dma_wait3A_1263] : memref<512xi32, #tpu.memory_space<vmem>> -> memref<128xi32, #tpu.memory_space<vmem>>
    %dma_wait3A_1265 = arith.constant 256 : i32
    %dma_wait3A_1266 = tpu.memref_slice %arg5[%dma_wait3A_1265] : memref<1601536xf32, #tpu.memory_space<hbm>> -> memref<799872xf32, #tpu.memory_space<hbm>>
    %dma_wait3A_1267 = arith.constant 0 : i32
    %dma_wait3A_1268 = tpu.memref_slice %dma_wait3A_1266[%dma_wait3A_1267] : memref<799872xf32, #tpu.memory_space<hbm>> -> memref<799872xf32, #tpu.memory_space<hbm>>
    tpu.wait_indirect_dma semaphore(%arg20 : memref<!tpu.dma_semaphore, #tpu.memory_space<semaphore_mem>>) src(%dma_wait3A_1268 : memref<799872xf32, #tpu.memory_space<hbm>>) dst(%dma_wait3A_1262 : memref<128xf32, #tpu.memory_space<vmem>>)
    %dma_wait3A_1269 = arith.constant 1152 : i32
    %dma_wait3A_1270 = tpu.memref_slice %arg14[%dma_wait3A_1269] : memref<8192xf32, #tpu.memory_space<vmem>> -> memref<128xf32, #tpu.memory_space<vmem>>
    %dma_wait3A_1271 = arith.constant 128 : i32
    %dma_wait3A_1272 = tpu.memref_slice %arg12[%dma_wait3A_1271] : memref<512xi32, #tpu.memory_space<vmem>> -> memref<128xi32, #tpu.memory_space<vmem>>
    %dma_wait3A_1273 = arith.constant 256 : i32
    %dma_wait3A_1274 = tpu.memref_slice %arg4[%dma_wait3A_1273] : memref<16001024xf32, #tpu.memory_space<hbm>> -> memref<7999616xf32, #tpu.memory_space<hbm>>
    %dma_wait3A_1275 = arith.constant 0 : i32
    %dma_wait3A_1276 = tpu.memref_slice %dma_wait3A_1274[%dma_wait3A_1275] : memref<7999616xf32, #tpu.memory_space<hbm>> -> memref<7999616xf32, #tpu.memory_space<hbm>>
    tpu.wait_indirect_dma semaphore(%arg20 : memref<!tpu.dma_semaphore, #tpu.memory_space<semaphore_mem>>) src(%dma_wait3A_1276 : memref<7999616xf32, #tpu.memory_space<hbm>>) dst(%dma_wait3A_1270 : memref<128xf32, #tpu.memory_space<vmem>>)
    %dma_wait3A_1277 = arith.constant 1152 : i32
    %dma_wait3A_1278 = tpu.memref_slice %arg15[%dma_wait3A_1277] : memref<8192xf32, #tpu.memory_space<vmem>> -> memref<128xf32, #tpu.memory_space<vmem>>
    %dma_wait3A_1279 = arith.constant 128 : i32
    %dma_wait3A_1280 = tpu.memref_slice %arg13[%dma_wait3A_1279] : memref<512xi32, #tpu.memory_space<vmem>> -> memref<128xi32, #tpu.memory_space<vmem>>
    %dma_wait3A_1281 = arith.constant 256 : i32
    %dma_wait3A_1282 = tpu.memref_slice %arg5[%dma_wait3A_1281] : memref<1601536xf32, #tpu.memory_space<hbm>> -> memref<799872xf32, #tpu.memory_space<hbm>>
    %dma_wait3A_1283 = arith.constant 0 : i32
    %dma_wait3A_1284 = tpu.memref_slice %dma_wait3A_1282[%dma_wait3A_1283] : memref<799872xf32, #tpu.memory_space<hbm>> -> memref<799872xf32, #tpu.memory_space<hbm>>
    tpu.wait_indirect_dma semaphore(%arg20 : memref<!tpu.dma_semaphore, #tpu.memory_space<semaphore_mem>>) src(%dma_wait3A_1284 : memref<799872xf32, #tpu.memory_space<hbm>>) dst(%dma_wait3A_1278 : memref<128xf32, #tpu.memory_space<vmem>>)
    %dma_wait3A_1285 = arith.constant 1280 : i32
    %dma_wait3A_1286 = tpu.memref_slice %arg14[%dma_wait3A_1285] : memref<8192xf32, #tpu.memory_space<vmem>> -> memref<128xf32, #tpu.memory_space<vmem>>
    %dma_wait3A_1287 = arith.constant 256 : i32
    %dma_wait3A_1288 = tpu.memref_slice %arg12[%dma_wait3A_1287] : memref<512xi32, #tpu.memory_space<vmem>> -> memref<128xi32, #tpu.memory_space<vmem>>
    %dma_wait3A_1289 = arith.constant 256 : i32
    %dma_wait3A_1290 = tpu.memref_slice %arg4[%dma_wait3A_1289] : memref<16001024xf32, #tpu.memory_space<hbm>> -> memref<7999616xf32, #tpu.memory_space<hbm>>
    %dma_wait3A_1291 = arith.constant 0 : i32
    %dma_wait3A_1292 = tpu.memref_slice %dma_wait3A_1290[%dma_wait3A_1291] : memref<7999616xf32, #tpu.memory_space<hbm>> -> memref<7999616xf32, #tpu.memory_space<hbm>>
    tpu.wait_indirect_dma semaphore(%arg20 : memref<!tpu.dma_semaphore, #tpu.memory_space<semaphore_mem>>) src(%dma_wait3A_1292 : memref<7999616xf32, #tpu.memory_space<hbm>>) dst(%dma_wait3A_1286 : memref<128xf32, #tpu.memory_space<vmem>>)
    %dma_wait3A_1293 = arith.constant 1280 : i32
    %dma_wait3A_1294 = tpu.memref_slice %arg15[%dma_wait3A_1293] : memref<8192xf32, #tpu.memory_space<vmem>> -> memref<128xf32, #tpu.memory_space<vmem>>
    %dma_wait3A_1295 = arith.constant 256 : i32
    %dma_wait3A_1296 = tpu.memref_slice %arg13[%dma_wait3A_1295] : memref<512xi32, #tpu.memory_space<vmem>> -> memref<128xi32, #tpu.memory_space<vmem>>
    %dma_wait3A_1297 = arith.constant 256 : i32
    %dma_wait3A_1298 = tpu.memref_slice %arg5[%dma_wait3A_1297] : memref<1601536xf32, #tpu.memory_space<hbm>> -> memref<799872xf32, #tpu.memory_space<hbm>>
    %dma_wait3A_1299 = arith.constant 0 : i32
    %dma_wait3A_1300 = tpu.memref_slice %dma_wait3A_1298[%dma_wait3A_1299] : memref<799872xf32, #tpu.memory_space<hbm>> -> memref<799872xf32, #tpu.memory_space<hbm>>
    tpu.wait_indirect_dma semaphore(%arg20 : memref<!tpu.dma_semaphore, #tpu.memory_space<semaphore_mem>>) src(%dma_wait3A_1300 : memref<799872xf32, #tpu.memory_space<hbm>>) dst(%dma_wait3A_1294 : memref<128xf32, #tpu.memory_space<vmem>>)
    %dma_wait3A_1301 = arith.constant 1408 : i32
    %dma_wait3A_1302 = tpu.memref_slice %arg14[%dma_wait3A_1301] : memref<8192xf32, #tpu.memory_space<vmem>> -> memref<128xf32, #tpu.memory_space<vmem>>
    %dma_wait3A_1303 = arith.constant 384 : i32
    %dma_wait3A_1304 = tpu.memref_slice %arg12[%dma_wait3A_1303] : memref<512xi32, #tpu.memory_space<vmem>> -> memref<128xi32, #tpu.memory_space<vmem>>
    %dma_wait3A_1305 = arith.constant 256 : i32
    %dma_wait3A_1306 = tpu.memref_slice %arg4[%dma_wait3A_1305] : memref<16001024xf32, #tpu.memory_space<hbm>> -> memref<7999616xf32, #tpu.memory_space<hbm>>
    %dma_wait3A_1307 = arith.constant 0 : i32
    %dma_wait3A_1308 = tpu.memref_slice %dma_wait3A_1306[%dma_wait3A_1307] : memref<7999616xf32, #tpu.memory_space<hbm>> -> memref<7999616xf32, #tpu.memory_space<hbm>>
    tpu.wait_indirect_dma semaphore(%arg20 : memref<!tpu.dma_semaphore, #tpu.memory_space<semaphore_mem>>) src(%dma_wait3A_1308 : memref<7999616xf32, #tpu.memory_space<hbm>>) dst(%dma_wait3A_1302 : memref<128xf32, #tpu.memory_space<vmem>>)
    %dma_wait3A_1309 = arith.constant 1408 : i32
    %dma_wait3A_1310 = tpu.memref_slice %arg15[%dma_wait3A_1309] : memref<8192xf32, #tpu.memory_space<vmem>> -> memref<128xf32, #tpu.memory_space<vmem>>
    %dma_wait3A_1311 = arith.constant 384 : i32
    %dma_wait3A_1312 = tpu.memref_slice %arg13[%dma_wait3A_1311] : memref<512xi32, #tpu.memory_space<vmem>> -> memref<128xi32, #tpu.memory_space<vmem>>
    %dma_wait3A_1313 = arith.constant 256 : i32
    %dma_wait3A_1314 = tpu.memref_slice %arg5[%dma_wait3A_1313] : memref<1601536xf32, #tpu.memory_space<hbm>> -> memref<799872xf32, #tpu.memory_space<hbm>>
    %dma_wait3A_1315 = arith.constant 0 : i32
    %dma_wait3A_1316 = tpu.memref_slice %dma_wait3A_1314[%dma_wait3A_1315] : memref<799872xf32, #tpu.memory_space<hbm>> -> memref<799872xf32, #tpu.memory_space<hbm>>
    tpu.wait_indirect_dma semaphore(%arg20 : memref<!tpu.dma_semaphore, #tpu.memory_space<semaphore_mem>>) src(%dma_wait3A_1316 : memref<799872xf32, #tpu.memory_space<hbm>>) dst(%dma_wait3A_1310 : memref<128xf32, #tpu.memory_space<vmem>>)
    %dma_wait3A_1317 = arith.constant 1536 : i32
    %dma_wait3A_1318 = tpu.memref_slice %arg14[%dma_wait3A_1317] : memref<8192xf32, #tpu.memory_space<vmem>> -> memref<128xf32, #tpu.memory_space<vmem>>
    %dma_wait3A_1319 = arith.constant 0 : i32
    %dma_wait3A_1320 = tpu.memref_slice %arg12[%dma_wait3A_1319] : memref<512xi32, #tpu.memory_space<vmem>> -> memref<128xi32, #tpu.memory_space<vmem>>
    %dma_wait3A_1321 = arith.constant 384 : i32
    %dma_wait3A_1322 = tpu.memref_slice %arg4[%dma_wait3A_1321] : memref<16001024xf32, #tpu.memory_space<hbm>> -> memref<7999616xf32, #tpu.memory_space<hbm>>
    %dma_wait3A_1323 = arith.constant 0 : i32
    %dma_wait3A_1324 = tpu.memref_slice %dma_wait3A_1322[%dma_wait3A_1323] : memref<7999616xf32, #tpu.memory_space<hbm>> -> memref<7999616xf32, #tpu.memory_space<hbm>>
    tpu.wait_indirect_dma semaphore(%arg20 : memref<!tpu.dma_semaphore, #tpu.memory_space<semaphore_mem>>) src(%dma_wait3A_1324 : memref<7999616xf32, #tpu.memory_space<hbm>>) dst(%dma_wait3A_1318 : memref<128xf32, #tpu.memory_space<vmem>>)
    %dma_wait3A_1325 = arith.constant 1536 : i32
    %dma_wait3A_1326 = tpu.memref_slice %arg15[%dma_wait3A_1325] : memref<8192xf32, #tpu.memory_space<vmem>> -> memref<128xf32, #tpu.memory_space<vmem>>
    %dma_wait3A_1327 = arith.constant 0 : i32
    %dma_wait3A_1328 = tpu.memref_slice %arg13[%dma_wait3A_1327] : memref<512xi32, #tpu.memory_space<vmem>> -> memref<128xi32, #tpu.memory_space<vmem>>
    %dma_wait3A_1329 = arith.constant 384 : i32
    %dma_wait3A_1330 = tpu.memref_slice %arg5[%dma_wait3A_1329] : memref<1601536xf32, #tpu.memory_space<hbm>> -> memref<799872xf32, #tpu.memory_space<hbm>>
    %dma_wait3A_1331 = arith.constant 0 : i32
    %dma_wait3A_1332 = tpu.memref_slice %dma_wait3A_1330[%dma_wait3A_1331] : memref<799872xf32, #tpu.memory_space<hbm>> -> memref<799872xf32, #tpu.memory_space<hbm>>
    tpu.wait_indirect_dma semaphore(%arg20 : memref<!tpu.dma_semaphore, #tpu.memory_space<semaphore_mem>>) src(%dma_wait3A_1332 : memref<799872xf32, #tpu.memory_space<hbm>>) dst(%dma_wait3A_1326 : memref<128xf32, #tpu.memory_space<vmem>>)
    %dma_wait3A_1333 = arith.constant 1664 : i32
    %dma_wait3A_1334 = tpu.memref_slice %arg14[%dma_wait3A_1333] : memref<8192xf32, #tpu.memory_space<vmem>> -> memref<128xf32, #tpu.memory_space<vmem>>
    %dma_wait3A_1335 = arith.constant 128 : i32
    %dma_wait3A_1336 = tpu.memref_slice %arg12[%dma_wait3A_1335] : memref<512xi32, #tpu.memory_space<vmem>> -> memref<128xi32, #tpu.memory_space<vmem>>
    %dma_wait3A_1337 = arith.constant 384 : i32
    %dma_wait3A_1338 = tpu.memref_slice %arg4[%dma_wait3A_1337] : memref<16001024xf32, #tpu.memory_space<hbm>> -> memref<7999616xf32, #tpu.memory_space<hbm>>
    %dma_wait3A_1339 = arith.constant 0 : i32
    %dma_wait3A_1340 = tpu.memref_slice %dma_wait3A_1338[%dma_wait3A_1339] : memref<7999616xf32, #tpu.memory_space<hbm>> -> memref<7999616xf32, #tpu.memory_space<hbm>>
    tpu.wait_indirect_dma semaphore(%arg20 : memref<!tpu.dma_semaphore, #tpu.memory_space<semaphore_mem>>) src(%dma_wait3A_1340 : memref<7999616xf32, #tpu.memory_space<hbm>>) dst(%dma_wait3A_1334 : memref<128xf32, #tpu.memory_space<vmem>>)
    %dma_wait3A_1341 = arith.constant 1664 : i32
    %dma_wait3A_1342 = tpu.memref_slice %arg15[%dma_wait3A_1341] : memref<8192xf32, #tpu.memory_space<vmem>> -> memref<128xf32, #tpu.memory_space<vmem>>
    %dma_wait3A_1343 = arith.constant 128 : i32
    %dma_wait3A_1344 = tpu.memref_slice %arg13[%dma_wait3A_1343] : memref<512xi32, #tpu.memory_space<vmem>> -> memref<128xi32, #tpu.memory_space<vmem>>
    %dma_wait3A_1345 = arith.constant 384 : i32
    %dma_wait3A_1346 = tpu.memref_slice %arg5[%dma_wait3A_1345] : memref<1601536xf32, #tpu.memory_space<hbm>> -> memref<799872xf32, #tpu.memory_space<hbm>>
    %dma_wait3A_1347 = arith.constant 0 : i32
    %dma_wait3A_1348 = tpu.memref_slice %dma_wait3A_1346[%dma_wait3A_1347] : memref<799872xf32, #tpu.memory_space<hbm>> -> memref<799872xf32, #tpu.memory_space<hbm>>
    tpu.wait_indirect_dma semaphore(%arg20 : memref<!tpu.dma_semaphore, #tpu.memory_space<semaphore_mem>>) src(%dma_wait3A_1348 : memref<799872xf32, #tpu.memory_space<hbm>>) dst(%dma_wait3A_1342 : memref<128xf32, #tpu.memory_space<vmem>>)
    %dma_wait3A_1349 = arith.constant 1792 : i32
    %dma_wait3A_1350 = tpu.memref_slice %arg14[%dma_wait3A_1349] : memref<8192xf32, #tpu.memory_space<vmem>> -> memref<128xf32, #tpu.memory_space<vmem>>
    %dma_wait3A_1351 = arith.constant 256 : i32
    %dma_wait3A_1352 = tpu.memref_slice %arg12[%dma_wait3A_1351] : memref<512xi32, #tpu.memory_space<vmem>> -> memref<128xi32, #tpu.memory_space<vmem>>
    %dma_wait3A_1353 = arith.constant 384 : i32
    %dma_wait3A_1354 = tpu.memref_slice %arg4[%dma_wait3A_1353] : memref<16001024xf32, #tpu.memory_space<hbm>> -> memref<7999616xf32, #tpu.memory_space<hbm>>
    %dma_wait3A_1355 = arith.constant 0 : i32
    %dma_wait3A_1356 = tpu.memref_slice %dma_wait3A_1354[%dma_wait3A_1355] : memref<7999616xf32, #tpu.memory_space<hbm>> -> memref<7999616xf32, #tpu.memory_space<hbm>>
    tpu.wait_indirect_dma semaphore(%arg20 : memref<!tpu.dma_semaphore, #tpu.memory_space<semaphore_mem>>) src(%dma_wait3A_1356 : memref<7999616xf32, #tpu.memory_space<hbm>>) dst(%dma_wait3A_1350 : memref<128xf32, #tpu.memory_space<vmem>>)
    %dma_wait3A_1357 = arith.constant 1792 : i32
    %dma_wait3A_1358 = tpu.memref_slice %arg15[%dma_wait3A_1357] : memref<8192xf32, #tpu.memory_space<vmem>> -> memref<128xf32, #tpu.memory_space<vmem>>
    %dma_wait3A_1359 = arith.constant 256 : i32
    %dma_wait3A_1360 = tpu.memref_slice %arg13[%dma_wait3A_1359] : memref<512xi32, #tpu.memory_space<vmem>> -> memref<128xi32, #tpu.memory_space<vmem>>
    %dma_wait3A_1361 = arith.constant 384 : i32
    %dma_wait3A_1362 = tpu.memref_slice %arg5[%dma_wait3A_1361] : memref<1601536xf32, #tpu.memory_space<hbm>> -> memref<799872xf32, #tpu.memory_space<hbm>>
    %dma_wait3A_1363 = arith.constant 0 : i32
    %dma_wait3A_1364 = tpu.memref_slice %dma_wait3A_1362[%dma_wait3A_1363] : memref<799872xf32, #tpu.memory_space<hbm>> -> memref<799872xf32, #tpu.memory_space<hbm>>
    tpu.wait_indirect_dma semaphore(%arg20 : memref<!tpu.dma_semaphore, #tpu.memory_space<semaphore_mem>>) src(%dma_wait3A_1364 : memref<799872xf32, #tpu.memory_space<hbm>>) dst(%dma_wait3A_1358 : memref<128xf32, #tpu.memory_space<vmem>>)
    %dma_wait3A_1365 = arith.constant 1920 : i32
    %dma_wait3A_1366 = tpu.memref_slice %arg14[%dma_wait3A_1365] : memref<8192xf32, #tpu.memory_space<vmem>> -> memref<128xf32, #tpu.memory_space<vmem>>
    %dma_wait3A_1367 = arith.constant 384 : i32
    %dma_wait3A_1368 = tpu.memref_slice %arg12[%dma_wait3A_1367] : memref<512xi32, #tpu.memory_space<vmem>> -> memref<128xi32, #tpu.memory_space<vmem>>
    %dma_wait3A_1369 = arith.constant 384 : i32
    %dma_wait3A_1370 = tpu.memref_slice %arg4[%dma_wait3A_1369] : memref<16001024xf32, #tpu.memory_space<hbm>> -> memref<7999616xf32, #tpu.memory_space<hbm>>
    %dma_wait3A_1371 = arith.constant 0 : i32
    %dma_wait3A_1372 = tpu.memref_slice %dma_wait3A_1370[%dma_wait3A_1371] : memref<7999616xf32, #tpu.memory_space<hbm>> -> memref<7999616xf32, #tpu.memory_space<hbm>>
    tpu.wait_indirect_dma semaphore(%arg20 : memref<!tpu.dma_semaphore, #tpu.memory_space<semaphore_mem>>) src(%dma_wait3A_1372 : memref<7999616xf32, #tpu.memory_space<hbm>>) dst(%dma_wait3A_1366 : memref<128xf32, #tpu.memory_space<vmem>>)
    %dma_wait3A_1373 = arith.constant 1920 : i32
    %dma_wait3A_1374 = tpu.memref_slice %arg15[%dma_wait3A_1373] : memref<8192xf32, #tpu.memory_space<vmem>> -> memref<128xf32, #tpu.memory_space<vmem>>
    %dma_wait3A_1375 = arith.constant 384 : i32
    %dma_wait3A_1376 = tpu.memref_slice %arg13[%dma_wait3A_1375] : memref<512xi32, #tpu.memory_space<vmem>> -> memref<128xi32, #tpu.memory_space<vmem>>
    %dma_wait3A_1377 = arith.constant 384 : i32
    %dma_wait3A_1378 = tpu.memref_slice %arg5[%dma_wait3A_1377] : memref<1601536xf32, #tpu.memory_space<hbm>> -> memref<799872xf32, #tpu.memory_space<hbm>>
    %dma_wait3A_1379 = arith.constant 0 : i32
    %dma_wait3A_1380 = tpu.memref_slice %dma_wait3A_1378[%dma_wait3A_1379] : memref<799872xf32, #tpu.memory_space<hbm>> -> memref<799872xf32, #tpu.memory_space<hbm>>
    tpu.wait_indirect_dma semaphore(%arg20 : memref<!tpu.dma_semaphore, #tpu.memory_space<semaphore_mem>>) src(%dma_wait3A_1380 : memref<799872xf32, #tpu.memory_space<hbm>>) dst(%dma_wait3A_1374 : memref<128xf32, #tpu.memory_space<vmem>>)
    %dma_wait3A_1381 = arith.constant 2048 : i32
    %dma_wait3A_1382 = tpu.memref_slice %arg14[%dma_wait3A_1381] : memref<8192xf32, #tpu.memory_space<vmem>> -> memref<128xf32, #tpu.memory_space<vmem>>
    %dma_wait3A_1383 = arith.constant 0 : i32
    %dma_wait3A_1384 = tpu.memref_slice %arg12[%dma_wait3A_1383] : memref<512xi32, #tpu.memory_space<vmem>> -> memref<128xi32, #tpu.memory_space<vmem>>
    %dma_wait3A_1385 = arith.constant 512 : i32
    %dma_wait3A_1386 = tpu.memref_slice %arg4[%dma_wait3A_1385] : memref<16001024xf32, #tpu.memory_space<hbm>> -> memref<7999616xf32, #tpu.memory_space<hbm>>
    %dma_wait3A_1387 = arith.constant 0 : i32
    %dma_wait3A_1388 = tpu.memref_slice %dma_wait3A_1386[%dma_wait3A_1387] : memref<7999616xf32, #tpu.memory_space<hbm>> -> memref<7999616xf32, #tpu.memory_space<hbm>>
    tpu.wait_indirect_dma semaphore(%arg20 : memref<!tpu.dma_semaphore, #tpu.memory_space<semaphore_mem>>) src(%dma_wait3A_1388 : memref<7999616xf32, #tpu.memory_space<hbm>>) dst(%dma_wait3A_1382 : memref<128xf32, #tpu.memory_space<vmem>>)
    %dma_wait3A_1389 = arith.constant 2048 : i32
    %dma_wait3A_1390 = tpu.memref_slice %arg15[%dma_wait3A_1389] : memref<8192xf32, #tpu.memory_space<vmem>> -> memref<128xf32, #tpu.memory_space<vmem>>
    %dma_wait3A_1391 = arith.constant 0 : i32
    %dma_wait3A_1392 = tpu.memref_slice %arg13[%dma_wait3A_1391] : memref<512xi32, #tpu.memory_space<vmem>> -> memref<128xi32, #tpu.memory_space<vmem>>
    %dma_wait3A_1393 = arith.constant 512 : i32
    %dma_wait3A_1394 = tpu.memref_slice %arg5[%dma_wait3A_1393] : memref<1601536xf32, #tpu.memory_space<hbm>> -> memref<799872xf32, #tpu.memory_space<hbm>>
    %dma_wait3A_1395 = arith.constant 0 : i32
    %dma_wait3A_1396 = tpu.memref_slice %dma_wait3A_1394[%dma_wait3A_1395] : memref<799872xf32, #tpu.memory_space<hbm>> -> memref<799872xf32, #tpu.memory_space<hbm>>
    tpu.wait_indirect_dma semaphore(%arg20 : memref<!tpu.dma_semaphore, #tpu.memory_space<semaphore_mem>>) src(%dma_wait3A_1396 : memref<799872xf32, #tpu.memory_space<hbm>>) dst(%dma_wait3A_1390 : memref<128xf32, #tpu.memory_space<vmem>>)
    %dma_wait3A_1397 = arith.constant 2176 : i32
    %dma_wait3A_1398 = tpu.memref_slice %arg14[%dma_wait3A_1397] : memref<8192xf32, #tpu.memory_space<vmem>> -> memref<128xf32, #tpu.memory_space<vmem>>
    %dma_wait3A_1399 = arith.constant 128 : i32
    %dma_wait3A_1400 = tpu.memref_slice %arg12[%dma_wait3A_1399] : memref<512xi32, #tpu.memory_space<vmem>> -> memref<128xi32, #tpu.memory_space<vmem>>
    %dma_wait3A_1401 = arith.constant 512 : i32
    %dma_wait3A_1402 = tpu.memref_slice %arg4[%dma_wait3A_1401] : memref<16001024xf32, #tpu.memory_space<hbm>> -> memref<7999616xf32, #tpu.memory_space<hbm>>
    %dma_wait3A_1403 = arith.constant 0 : i32
    %dma_wait3A_1404 = tpu.memref_slice %dma_wait3A_1402[%dma_wait3A_1403] : memref<7999616xf32, #tpu.memory_space<hbm>> -> memref<7999616xf32, #tpu.memory_space<hbm>>
    tpu.wait_indirect_dma semaphore(%arg20 : memref<!tpu.dma_semaphore, #tpu.memory_space<semaphore_mem>>) src(%dma_wait3A_1404 : memref<7999616xf32, #tpu.memory_space<hbm>>) dst(%dma_wait3A_1398 : memref<128xf32, #tpu.memory_space<vmem>>)
    %dma_wait3A_1405 = arith.constant 2176 : i32
    %dma_wait3A_1406 = tpu.memref_slice %arg15[%dma_wait3A_1405] : memref<8192xf32, #tpu.memory_space<vmem>> -> memref<128xf32, #tpu.memory_space<vmem>>
    %dma_wait3A_1407 = arith.constant 128 : i32
    %dma_wait3A_1408 = tpu.memref_slice %arg13[%dma_wait3A_1407] : memref<512xi32, #tpu.memory_space<vmem>> -> memref<128xi32, #tpu.memory_space<vmem>>
    %dma_wait3A_1409 = arith.constant 512 : i32
    %dma_wait3A_1410 = tpu.memref_slice %arg5[%dma_wait3A_1409] : memref<1601536xf32, #tpu.memory_space<hbm>> -> memref<799872xf32, #tpu.memory_space<hbm>>
    %dma_wait3A_1411 = arith.constant 0 : i32
    %dma_wait3A_1412 = tpu.memref_slice %dma_wait3A_1410[%dma_wait3A_1411] : memref<799872xf32, #tpu.memory_space<hbm>> -> memref<799872xf32, #tpu.memory_space<hbm>>
    tpu.wait_indirect_dma semaphore(%arg20 : memref<!tpu.dma_semaphore, #tpu.memory_space<semaphore_mem>>) src(%dma_wait3A_1412 : memref<799872xf32, #tpu.memory_space<hbm>>) dst(%dma_wait3A_1406 : memref<128xf32, #tpu.memory_space<vmem>>)
    %dma_wait3A_1413 = arith.constant 2304 : i32
    %dma_wait3A_1414 = tpu.memref_slice %arg14[%dma_wait3A_1413] : memref<8192xf32, #tpu.memory_space<vmem>> -> memref<128xf32, #tpu.memory_space<vmem>>
    %dma_wait3A_1415 = arith.constant 256 : i32
    %dma_wait3A_1416 = tpu.memref_slice %arg12[%dma_wait3A_1415] : memref<512xi32, #tpu.memory_space<vmem>> -> memref<128xi32, #tpu.memory_space<vmem>>
    %dma_wait3A_1417 = arith.constant 512 : i32
    %dma_wait3A_1418 = tpu.memref_slice %arg4[%dma_wait3A_1417] : memref<16001024xf32, #tpu.memory_space<hbm>> -> memref<7999616xf32, #tpu.memory_space<hbm>>
    %dma_wait3A_1419 = arith.constant 0 : i32
    %dma_wait3A_1420 = tpu.memref_slice %dma_wait3A_1418[%dma_wait3A_1419] : memref<7999616xf32, #tpu.memory_space<hbm>> -> memref<7999616xf32, #tpu.memory_space<hbm>>
    tpu.wait_indirect_dma semaphore(%arg20 : memref<!tpu.dma_semaphore, #tpu.memory_space<semaphore_mem>>) src(%dma_wait3A_1420 : memref<7999616xf32, #tpu.memory_space<hbm>>) dst(%dma_wait3A_1414 : memref<128xf32, #tpu.memory_space<vmem>>)
    %dma_wait3A_1421 = arith.constant 2304 : i32
    %dma_wait3A_1422 = tpu.memref_slice %arg15[%dma_wait3A_1421] : memref<8192xf32, #tpu.memory_space<vmem>> -> memref<128xf32, #tpu.memory_space<vmem>>
    %dma_wait3A_1423 = arith.constant 256 : i32
    %dma_wait3A_1424 = tpu.memref_slice %arg13[%dma_wait3A_1423] : memref<512xi32, #tpu.memory_space<vmem>> -> memref<128xi32, #tpu.memory_space<vmem>>
    %dma_wait3A_1425 = arith.constant 512 : i32
    %dma_wait3A_1426 = tpu.memref_slice %arg5[%dma_wait3A_1425] : memref<1601536xf32, #tpu.memory_space<hbm>> -> memref<799872xf32, #tpu.memory_space<hbm>>
    %dma_wait3A_1427 = arith.constant 0 : i32
    %dma_wait3A_1428 = tpu.memref_slice %dma_wait3A_1426[%dma_wait3A_1427] : memref<799872xf32, #tpu.memory_space<hbm>> -> memref<799872xf32, #tpu.memory_space<hbm>>
    tpu.wait_indirect_dma semaphore(%arg20 : memref<!tpu.dma_semaphore, #tpu.memory_space<semaphore_mem>>) src(%dma_wait3A_1428 : memref<799872xf32, #tpu.memory_space<hbm>>) dst(%dma_wait3A_1422 : memref<128xf32, #tpu.memory_space<vmem>>)
    %dma_wait3A_1429 = arith.constant 2432 : i32
    %dma_wait3A_1430 = tpu.memref_slice %arg14[%dma_wait3A_1429] : memref<8192xf32, #tpu.memory_space<vmem>> -> memref<128xf32, #tpu.memory_space<vmem>>
    %dma_wait3A_1431 = arith.constant 384 : i32
    %dma_wait3A_1432 = tpu.memref_slice %arg12[%dma_wait3A_1431] : memref<512xi32, #tpu.memory_space<vmem>> -> memref<128xi32, #tpu.memory_space<vmem>>
    %dma_wait3A_1433 = arith.constant 512 : i32
    %dma_wait3A_1434 = tpu.memref_slice %arg4[%dma_wait3A_1433] : memref<16001024xf32, #tpu.memory_space<hbm>> -> memref<7999616xf32, #tpu.memory_space<hbm>>
    %dma_wait3A_1435 = arith.constant 0 : i32
    %dma_wait3A_1436 = tpu.memref_slice %dma_wait3A_1434[%dma_wait3A_1435] : memref<7999616xf32, #tpu.memory_space<hbm>> -> memref<7999616xf32, #tpu.memory_space<hbm>>
    tpu.wait_indirect_dma semaphore(%arg20 : memref<!tpu.dma_semaphore, #tpu.memory_space<semaphore_mem>>) src(%dma_wait3A_1436 : memref<7999616xf32, #tpu.memory_space<hbm>>) dst(%dma_wait3A_1430 : memref<128xf32, #tpu.memory_space<vmem>>)
    %dma_wait3A_1437 = arith.constant 2432 : i32
    %dma_wait3A_1438 = tpu.memref_slice %arg15[%dma_wait3A_1437] : memref<8192xf32, #tpu.memory_space<vmem>> -> memref<128xf32, #tpu.memory_space<vmem>>
    %dma_wait3A_1439 = arith.constant 384 : i32
    %dma_wait3A_1440 = tpu.memref_slice %arg13[%dma_wait3A_1439] : memref<512xi32, #tpu.memory_space<vmem>> -> memref<128xi32, #tpu.memory_space<vmem>>
    %dma_wait3A_1441 = arith.constant 512 : i32
    %dma_wait3A_1442 = tpu.memref_slice %arg5[%dma_wait3A_1441] : memref<1601536xf32, #tpu.memory_space<hbm>> -> memref<799872xf32, #tpu.memory_space<hbm>>
    %dma_wait3A_1443 = arith.constant 0 : i32
    %dma_wait3A_1444 = tpu.memref_slice %dma_wait3A_1442[%dma_wait3A_1443] : memref<799872xf32, #tpu.memory_space<hbm>> -> memref<799872xf32, #tpu.memory_space<hbm>>
    tpu.wait_indirect_dma semaphore(%arg20 : memref<!tpu.dma_semaphore, #tpu.memory_space<semaphore_mem>>) src(%dma_wait3A_1444 : memref<799872xf32, #tpu.memory_space<hbm>>) dst(%dma_wait3A_1438 : memref<128xf32, #tpu.memory_space<vmem>>)
    %dma_wait3A_1445 = arith.constant 2560 : i32
    %dma_wait3A_1446 = tpu.memref_slice %arg14[%dma_wait3A_1445] : memref<8192xf32, #tpu.memory_space<vmem>> -> memref<128xf32, #tpu.memory_space<vmem>>
    %dma_wait3A_1447 = arith.constant 0 : i32
    %dma_wait3A_1448 = tpu.memref_slice %arg12[%dma_wait3A_1447] : memref<512xi32, #tpu.memory_space<vmem>> -> memref<128xi32, #tpu.memory_space<vmem>>
    %dma_wait3A_1449 = arith.constant 640 : i32
    %dma_wait3A_1450 = tpu.memref_slice %arg4[%dma_wait3A_1449] : memref<16001024xf32, #tpu.memory_space<hbm>> -> memref<7999616xf32, #tpu.memory_space<hbm>>
    %dma_wait3A_1451 = arith.constant 0 : i32
    %dma_wait3A_1452 = tpu.memref_slice %dma_wait3A_1450[%dma_wait3A_1451] : memref<7999616xf32, #tpu.memory_space<hbm>> -> memref<7999616xf32, #tpu.memory_space<hbm>>
    tpu.wait_indirect_dma semaphore(%arg20 : memref<!tpu.dma_semaphore, #tpu.memory_space<semaphore_mem>>) src(%dma_wait3A_1452 : memref<7999616xf32, #tpu.memory_space<hbm>>) dst(%dma_wait3A_1446 : memref<128xf32, #tpu.memory_space<vmem>>)
    %dma_wait3A_1453 = arith.constant 2560 : i32
    %dma_wait3A_1454 = tpu.memref_slice %arg15[%dma_wait3A_1453] : memref<8192xf32, #tpu.memory_space<vmem>> -> memref<128xf32, #tpu.memory_space<vmem>>
    %dma_wait3A_1455 = arith.constant 0 : i32
    %dma_wait3A_1456 = tpu.memref_slice %arg13[%dma_wait3A_1455] : memref<512xi32, #tpu.memory_space<vmem>> -> memref<128xi32, #tpu.memory_space<vmem>>
    %dma_wait3A_1457 = arith.constant 640 : i32
    %dma_wait3A_1458 = tpu.memref_slice %arg5[%dma_wait3A_1457] : memref<1601536xf32, #tpu.memory_space<hbm>> -> memref<799872xf32, #tpu.memory_space<hbm>>
    %dma_wait3A_1459 = arith.constant 0 : i32
    %dma_wait3A_1460 = tpu.memref_slice %dma_wait3A_1458[%dma_wait3A_1459] : memref<799872xf32, #tpu.memory_space<hbm>> -> memref<799872xf32, #tpu.memory_space<hbm>>
    tpu.wait_indirect_dma semaphore(%arg20 : memref<!tpu.dma_semaphore, #tpu.memory_space<semaphore_mem>>) src(%dma_wait3A_1460 : memref<799872xf32, #tpu.memory_space<hbm>>) dst(%dma_wait3A_1454 : memref<128xf32, #tpu.memory_space<vmem>>)
    %dma_wait3A_1461 = arith.constant 2688 : i32
    %dma_wait3A_1462 = tpu.memref_slice %arg14[%dma_wait3A_1461] : memref<8192xf32, #tpu.memory_space<vmem>> -> memref<128xf32, #tpu.memory_space<vmem>>
    %dma_wait3A_1463 = arith.constant 128 : i32
    %dma_wait3A_1464 = tpu.memref_slice %arg12[%dma_wait3A_1463] : memref<512xi32, #tpu.memory_space<vmem>> -> memref<128xi32, #tpu.memory_space<vmem>>
    %dma_wait3A_1465 = arith.constant 640 : i32
    %dma_wait3A_1466 = tpu.memref_slice %arg4[%dma_wait3A_1465] : memref<16001024xf32, #tpu.memory_space<hbm>> -> memref<7999616xf32, #tpu.memory_space<hbm>>
    %dma_wait3A_1467 = arith.constant 0 : i32
    %dma_wait3A_1468 = tpu.memref_slice %dma_wait3A_1466[%dma_wait3A_1467] : memref<7999616xf32, #tpu.memory_space<hbm>> -> memref<7999616xf32, #tpu.memory_space<hbm>>
    tpu.wait_indirect_dma semaphore(%arg20 : memref<!tpu.dma_semaphore, #tpu.memory_space<semaphore_mem>>) src(%dma_wait3A_1468 : memref<7999616xf32, #tpu.memory_space<hbm>>) dst(%dma_wait3A_1462 : memref<128xf32, #tpu.memory_space<vmem>>)
    %dma_wait3A_1469 = arith.constant 2688 : i32
    %dma_wait3A_1470 = tpu.memref_slice %arg15[%dma_wait3A_1469] : memref<8192xf32, #tpu.memory_space<vmem>> -> memref<128xf32, #tpu.memory_space<vmem>>
    %dma_wait3A_1471 = arith.constant 128 : i32
    %dma_wait3A_1472 = tpu.memref_slice %arg13[%dma_wait3A_1471] : memref<512xi32, #tpu.memory_space<vmem>> -> memref<128xi32, #tpu.memory_space<vmem>>
    %dma_wait3A_1473 = arith.constant 640 : i32
    %dma_wait3A_1474 = tpu.memref_slice %arg5[%dma_wait3A_1473] : memref<1601536xf32, #tpu.memory_space<hbm>> -> memref<799872xf32, #tpu.memory_space<hbm>>
    %dma_wait3A_1475 = arith.constant 0 : i32
    %dma_wait3A_1476 = tpu.memref_slice %dma_wait3A_1474[%dma_wait3A_1475] : memref<799872xf32, #tpu.memory_space<hbm>> -> memref<799872xf32, #tpu.memory_space<hbm>>
    tpu.wait_indirect_dma semaphore(%arg20 : memref<!tpu.dma_semaphore, #tpu.memory_space<semaphore_mem>>) src(%dma_wait3A_1476 : memref<799872xf32, #tpu.memory_space<hbm>>) dst(%dma_wait3A_1470 : memref<128xf32, #tpu.memory_space<vmem>>)
    %dma_wait3A_1477 = arith.constant 2816 : i32
    %dma_wait3A_1478 = tpu.memref_slice %arg14[%dma_wait3A_1477] : memref<8192xf32, #tpu.memory_space<vmem>> -> memref<128xf32, #tpu.memory_space<vmem>>
    %dma_wait3A_1479 = arith.constant 256 : i32
    %dma_wait3A_1480 = tpu.memref_slice %arg12[%dma_wait3A_1479] : memref<512xi32, #tpu.memory_space<vmem>> -> memref<128xi32, #tpu.memory_space<vmem>>
    %dma_wait3A_1481 = arith.constant 640 : i32
    %dma_wait3A_1482 = tpu.memref_slice %arg4[%dma_wait3A_1481] : memref<16001024xf32, #tpu.memory_space<hbm>> -> memref<7999616xf32, #tpu.memory_space<hbm>>
    %dma_wait3A_1483 = arith.constant 0 : i32
    %dma_wait3A_1484 = tpu.memref_slice %dma_wait3A_1482[%dma_wait3A_1483] : memref<7999616xf32, #tpu.memory_space<hbm>> -> memref<7999616xf32, #tpu.memory_space<hbm>>
    tpu.wait_indirect_dma semaphore(%arg20 : memref<!tpu.dma_semaphore, #tpu.memory_space<semaphore_mem>>) src(%dma_wait3A_1484 : memref<7999616xf32, #tpu.memory_space<hbm>>) dst(%dma_wait3A_1478 : memref<128xf32, #tpu.memory_space<vmem>>)
    %dma_wait3A_1485 = arith.constant 2816 : i32
    %dma_wait3A_1486 = tpu.memref_slice %arg15[%dma_wait3A_1485] : memref<8192xf32, #tpu.memory_space<vmem>> -> memref<128xf32, #tpu.memory_space<vmem>>
    %dma_wait3A_1487 = arith.constant 256 : i32
    %dma_wait3A_1488 = tpu.memref_slice %arg13[%dma_wait3A_1487] : memref<512xi32, #tpu.memory_space<vmem>> -> memref<128xi32, #tpu.memory_space<vmem>>
    %dma_wait3A_1489 = arith.constant 640 : i32
    %dma_wait3A_1490 = tpu.memref_slice %arg5[%dma_wait3A_1489] : memref<1601536xf32, #tpu.memory_space<hbm>> -> memref<799872xf32, #tpu.memory_space<hbm>>
    %dma_wait3A_1491 = arith.constant 0 : i32
    %dma_wait3A_1492 = tpu.memref_slice %dma_wait3A_1490[%dma_wait3A_1491] : memref<799872xf32, #tpu.memory_space<hbm>> -> memref<799872xf32, #tpu.memory_space<hbm>>
    tpu.wait_indirect_dma semaphore(%arg20 : memref<!tpu.dma_semaphore, #tpu.memory_space<semaphore_mem>>) src(%dma_wait3A_1492 : memref<799872xf32, #tpu.memory_space<hbm>>) dst(%dma_wait3A_1486 : memref<128xf32, #tpu.memory_space<vmem>>)
    %dma_wait3A_1493 = arith.constant 2944 : i32
    %dma_wait3A_1494 = tpu.memref_slice %arg14[%dma_wait3A_1493] : memref<8192xf32, #tpu.memory_space<vmem>> -> memref<128xf32, #tpu.memory_space<vmem>>
    %dma_wait3A_1495 = arith.constant 384 : i32
    %dma_wait3A_1496 = tpu.memref_slice %arg12[%dma_wait3A_1495] : memref<512xi32, #tpu.memory_space<vmem>> -> memref<128xi32, #tpu.memory_space<vmem>>
    %dma_wait3A_1497 = arith.constant 640 : i32
    %dma_wait3A_1498 = tpu.memref_slice %arg4[%dma_wait3A_1497] : memref<16001024xf32, #tpu.memory_space<hbm>> -> memref<7999616xf32, #tpu.memory_space<hbm>>
    %dma_wait3A_1499 = arith.constant 0 : i32
    %dma_wait3A_1500 = tpu.memref_slice %dma_wait3A_1498[%dma_wait3A_1499] : memref<7999616xf32, #tpu.memory_space<hbm>> -> memref<7999616xf32, #tpu.memory_space<hbm>>
    tpu.wait_indirect_dma semaphore(%arg20 : memref<!tpu.dma_semaphore, #tpu.memory_space<semaphore_mem>>) src(%dma_wait3A_1500 : memref<7999616xf32, #tpu.memory_space<hbm>>) dst(%dma_wait3A_1494 : memref<128xf32, #tpu.memory_space<vmem>>)
    %dma_wait3A_1501 = arith.constant 2944 : i32
    %dma_wait3A_1502 = tpu.memref_slice %arg15[%dma_wait3A_1501] : memref<8192xf32, #tpu.memory_space<vmem>> -> memref<128xf32, #tpu.memory_space<vmem>>
    %dma_wait3A_1503 = arith.constant 384 : i32
    %dma_wait3A_1504 = tpu.memref_slice %arg13[%dma_wait3A_1503] : memref<512xi32, #tpu.memory_space<vmem>> -> memref<128xi32, #tpu.memory_space<vmem>>
    %dma_wait3A_1505 = arith.constant 640 : i32
    %dma_wait3A_1506 = tpu.memref_slice %arg5[%dma_wait3A_1505] : memref<1601536xf32, #tpu.memory_space<hbm>> -> memref<799872xf32, #tpu.memory_space<hbm>>
    %dma_wait3A_1507 = arith.constant 0 : i32
    %dma_wait3A_1508 = tpu.memref_slice %dma_wait3A_1506[%dma_wait3A_1507] : memref<799872xf32, #tpu.memory_space<hbm>> -> memref<799872xf32, #tpu.memory_space<hbm>>
    tpu.wait_indirect_dma semaphore(%arg20 : memref<!tpu.dma_semaphore, #tpu.memory_space<semaphore_mem>>) src(%dma_wait3A_1508 : memref<799872xf32, #tpu.memory_space<hbm>>) dst(%dma_wait3A_1502 : memref<128xf32, #tpu.memory_space<vmem>>)
    %dma_wait3A_1509 = arith.constant 3072 : i32
    %dma_wait3A_1510 = tpu.memref_slice %arg14[%dma_wait3A_1509] : memref<8192xf32, #tpu.memory_space<vmem>> -> memref<128xf32, #tpu.memory_space<vmem>>
    %dma_wait3A_1511 = arith.constant 0 : i32
    %dma_wait3A_1512 = tpu.memref_slice %arg12[%dma_wait3A_1511] : memref<512xi32, #tpu.memory_space<vmem>> -> memref<128xi32, #tpu.memory_space<vmem>>
    %dma_wait3A_1513 = arith.constant 768 : i32
    %dma_wait3A_1514 = tpu.memref_slice %arg4[%dma_wait3A_1513] : memref<16001024xf32, #tpu.memory_space<hbm>> -> memref<7999616xf32, #tpu.memory_space<hbm>>
    %dma_wait3A_1515 = arith.constant 0 : i32
    %dma_wait3A_1516 = tpu.memref_slice %dma_wait3A_1514[%dma_wait3A_1515] : memref<7999616xf32, #tpu.memory_space<hbm>> -> memref<7999616xf32, #tpu.memory_space<hbm>>
    tpu.wait_indirect_dma semaphore(%arg20 : memref<!tpu.dma_semaphore, #tpu.memory_space<semaphore_mem>>) src(%dma_wait3A_1516 : memref<7999616xf32, #tpu.memory_space<hbm>>) dst(%dma_wait3A_1510 : memref<128xf32, #tpu.memory_space<vmem>>)
    %dma_wait3A_1517 = arith.constant 3072 : i32
    %dma_wait3A_1518 = tpu.memref_slice %arg15[%dma_wait3A_1517] : memref<8192xf32, #tpu.memory_space<vmem>> -> memref<128xf32, #tpu.memory_space<vmem>>
    %dma_wait3A_1519 = arith.constant 0 : i32
    %dma_wait3A_1520 = tpu.memref_slice %arg13[%dma_wait3A_1519] : memref<512xi32, #tpu.memory_space<vmem>> -> memref<128xi32, #tpu.memory_space<vmem>>
    %dma_wait3A_1521 = arith.constant 768 : i32
    %dma_wait3A_1522 = tpu.memref_slice %arg5[%dma_wait3A_1521] : memref<1601536xf32, #tpu.memory_space<hbm>> -> memref<799872xf32, #tpu.memory_space<hbm>>
    %dma_wait3A_1523 = arith.constant 0 : i32
    %dma_wait3A_1524 = tpu.memref_slice %dma_wait3A_1522[%dma_wait3A_1523] : memref<799872xf32, #tpu.memory_space<hbm>> -> memref<799872xf32, #tpu.memory_space<hbm>>
    tpu.wait_indirect_dma semaphore(%arg20 : memref<!tpu.dma_semaphore, #tpu.memory_space<semaphore_mem>>) src(%dma_wait3A_1524 : memref<799872xf32, #tpu.memory_space<hbm>>) dst(%dma_wait3A_1518 : memref<128xf32, #tpu.memory_space<vmem>>)
    %dma_wait3A_1525 = arith.constant 3200 : i32
    %dma_wait3A_1526 = tpu.memref_slice %arg14[%dma_wait3A_1525] : memref<8192xf32, #tpu.memory_space<vmem>> -> memref<128xf32, #tpu.memory_space<vmem>>
    %dma_wait3A_1527 = arith.constant 128 : i32
    %dma_wait3A_1528 = tpu.memref_slice %arg12[%dma_wait3A_1527] : memref<512xi32, #tpu.memory_space<vmem>> -> memref<128xi32, #tpu.memory_space<vmem>>
    %dma_wait3A_1529 = arith.constant 768 : i32
    %dma_wait3A_1530 = tpu.memref_slice %arg4[%dma_wait3A_1529] : memref<16001024xf32, #tpu.memory_space<hbm>> -> memref<7999616xf32, #tpu.memory_space<hbm>>
    %dma_wait3A_1531 = arith.constant 0 : i32
    %dma_wait3A_1532 = tpu.memref_slice %dma_wait3A_1530[%dma_wait3A_1531] : memref<7999616xf32, #tpu.memory_space<hbm>> -> memref<7999616xf32, #tpu.memory_space<hbm>>
    tpu.wait_indirect_dma semaphore(%arg20 : memref<!tpu.dma_semaphore, #tpu.memory_space<semaphore_mem>>) src(%dma_wait3A_1532 : memref<7999616xf32, #tpu.memory_space<hbm>>) dst(%dma_wait3A_1526 : memref<128xf32, #tpu.memory_space<vmem>>)
    %dma_wait3A_1533 = arith.constant 3200 : i32
    %dma_wait3A_1534 = tpu.memref_slice %arg15[%dma_wait3A_1533] : memref<8192xf32, #tpu.memory_space<vmem>> -> memref<128xf32, #tpu.memory_space<vmem>>
    %dma_wait3A_1535 = arith.constant 128 : i32
    %dma_wait3A_1536 = tpu.memref_slice %arg13[%dma_wait3A_1535] : memref<512xi32, #tpu.memory_space<vmem>> -> memref<128xi32, #tpu.memory_space<vmem>>
    %dma_wait3A_1537 = arith.constant 768 : i32
    %dma_wait3A_1538 = tpu.memref_slice %arg5[%dma_wait3A_1537] : memref<1601536xf32, #tpu.memory_space<hbm>> -> memref<799872xf32, #tpu.memory_space<hbm>>
    %dma_wait3A_1539 = arith.constant 0 : i32
    %dma_wait3A_1540 = tpu.memref_slice %dma_wait3A_1538[%dma_wait3A_1539] : memref<799872xf32, #tpu.memory_space<hbm>> -> memref<799872xf32, #tpu.memory_space<hbm>>
    tpu.wait_indirect_dma semaphore(%arg20 : memref<!tpu.dma_semaphore, #tpu.memory_space<semaphore_mem>>) src(%dma_wait3A_1540 : memref<799872xf32, #tpu.memory_space<hbm>>) dst(%dma_wait3A_1534 : memref<128xf32, #tpu.memory_space<vmem>>)
    %dma_wait3A_1541 = arith.constant 3328 : i32
    %dma_wait3A_1542 = tpu.memref_slice %arg14[%dma_wait3A_1541] : memref<8192xf32, #tpu.memory_space<vmem>> -> memref<128xf32, #tpu.memory_space<vmem>>
    %dma_wait3A_1543 = arith.constant 256 : i32
    %dma_wait3A_1544 = tpu.memref_slice %arg12[%dma_wait3A_1543] : memref<512xi32, #tpu.memory_space<vmem>> -> memref<128xi32, #tpu.memory_space<vmem>>
    %dma_wait3A_1545 = arith.constant 768 : i32
    %dma_wait3A_1546 = tpu.memref_slice %arg4[%dma_wait3A_1545] : memref<16001024xf32, #tpu.memory_space<hbm>> -> memref<7999616xf32, #tpu.memory_space<hbm>>
    %dma_wait3A_1547 = arith.constant 0 : i32
    %dma_wait3A_1548 = tpu.memref_slice %dma_wait3A_1546[%dma_wait3A_1547] : memref<7999616xf32, #tpu.memory_space<hbm>> -> memref<7999616xf32, #tpu.memory_space<hbm>>
    tpu.wait_indirect_dma semaphore(%arg20 : memref<!tpu.dma_semaphore, #tpu.memory_space<semaphore_mem>>) src(%dma_wait3A_1548 : memref<7999616xf32, #tpu.memory_space<hbm>>) dst(%dma_wait3A_1542 : memref<128xf32, #tpu.memory_space<vmem>>)
    %dma_wait3A_1549 = arith.constant 3328 : i32
    %dma_wait3A_1550 = tpu.memref_slice %arg15[%dma_wait3A_1549] : memref<8192xf32, #tpu.memory_space<vmem>> -> memref<128xf32, #tpu.memory_space<vmem>>
    %dma_wait3A_1551 = arith.constant 256 : i32
    %dma_wait3A_1552 = tpu.memref_slice %arg13[%dma_wait3A_1551] : memref<512xi32, #tpu.memory_space<vmem>> -> memref<128xi32, #tpu.memory_space<vmem>>
    %dma_wait3A_1553 = arith.constant 768 : i32
    %dma_wait3A_1554 = tpu.memref_slice %arg5[%dma_wait3A_1553] : memref<1601536xf32, #tpu.memory_space<hbm>> -> memref<799872xf32, #tpu.memory_space<hbm>>
    %dma_wait3A_1555 = arith.constant 0 : i32
    %dma_wait3A_1556 = tpu.memref_slice %dma_wait3A_1554[%dma_wait3A_1555] : memref<799872xf32, #tpu.memory_space<hbm>> -> memref<799872xf32, #tpu.memory_space<hbm>>
    tpu.wait_indirect_dma semaphore(%arg20 : memref<!tpu.dma_semaphore, #tpu.memory_space<semaphore_mem>>) src(%dma_wait3A_1556 : memref<799872xf32, #tpu.memory_space<hbm>>) dst(%dma_wait3A_1550 : memref<128xf32, #tpu.memory_space<vmem>>)
    %dma_wait3A_1557 = arith.constant 3456 : i32
    %dma_wait3A_1558 = tpu.memref_slice %arg14[%dma_wait3A_1557] : memref<8192xf32, #tpu.memory_space<vmem>> -> memref<128xf32, #tpu.memory_space<vmem>>
    %dma_wait3A_1559 = arith.constant 384 : i32
    %dma_wait3A_1560 = tpu.memref_slice %arg12[%dma_wait3A_1559] : memref<512xi32, #tpu.memory_space<vmem>> -> memref<128xi32, #tpu.memory_space<vmem>>
    %dma_wait3A_1561 = arith.constant 768 : i32
    %dma_wait3A_1562 = tpu.memref_slice %arg4[%dma_wait3A_1561] : memref<16001024xf32, #tpu.memory_space<hbm>> -> memref<7999616xf32, #tpu.memory_space<hbm>>
    %dma_wait3A_1563 = arith.constant 0 : i32
    %dma_wait3A_1564 = tpu.memref_slice %dma_wait3A_1562[%dma_wait3A_1563] : memref<7999616xf32, #tpu.memory_space<hbm>> -> memref<7999616xf32, #tpu.memory_space<hbm>>
    tpu.wait_indirect_dma semaphore(%arg20 : memref<!tpu.dma_semaphore, #tpu.memory_space<semaphore_mem>>) src(%dma_wait3A_1564 : memref<7999616xf32, #tpu.memory_space<hbm>>) dst(%dma_wait3A_1558 : memref<128xf32, #tpu.memory_space<vmem>>)
    %dma_wait3A_1565 = arith.constant 3456 : i32
    %dma_wait3A_1566 = tpu.memref_slice %arg15[%dma_wait3A_1565] : memref<8192xf32, #tpu.memory_space<vmem>> -> memref<128xf32, #tpu.memory_space<vmem>>
    %dma_wait3A_1567 = arith.constant 384 : i32
    %dma_wait3A_1568 = tpu.memref_slice %arg13[%dma_wait3A_1567] : memref<512xi32, #tpu.memory_space<vmem>> -> memref<128xi32, #tpu.memory_space<vmem>>
    %dma_wait3A_1569 = arith.constant 768 : i32
    %dma_wait3A_1570 = tpu.memref_slice %arg5[%dma_wait3A_1569] : memref<1601536xf32, #tpu.memory_space<hbm>> -> memref<799872xf32, #tpu.memory_space<hbm>>
    %dma_wait3A_1571 = arith.constant 0 : i32
    %dma_wait3A_1572 = tpu.memref_slice %dma_wait3A_1570[%dma_wait3A_1571] : memref<799872xf32, #tpu.memory_space<hbm>> -> memref<799872xf32, #tpu.memory_space<hbm>>
    tpu.wait_indirect_dma semaphore(%arg20 : memref<!tpu.dma_semaphore, #tpu.memory_space<semaphore_mem>>) src(%dma_wait3A_1572 : memref<799872xf32, #tpu.memory_space<hbm>>) dst(%dma_wait3A_1566 : memref<128xf32, #tpu.memory_space<vmem>>)
    %dma_wait3A_1573 = arith.constant 3584 : i32
    %dma_wait3A_1574 = tpu.memref_slice %arg14[%dma_wait3A_1573] : memref<8192xf32, #tpu.memory_space<vmem>> -> memref<128xf32, #tpu.memory_space<vmem>>
    %dma_wait3A_1575 = arith.constant 0 : i32
    %dma_wait3A_1576 = tpu.memref_slice %arg12[%dma_wait3A_1575] : memref<512xi32, #tpu.memory_space<vmem>> -> memref<128xi32, #tpu.memory_space<vmem>>
    %dma_wait3A_1577 = arith.constant 896 : i32
    %dma_wait3A_1578 = tpu.memref_slice %arg4[%dma_wait3A_1577] : memref<16001024xf32, #tpu.memory_space<hbm>> -> memref<7999616xf32, #tpu.memory_space<hbm>>
    %dma_wait3A_1579 = arith.constant 0 : i32
    %dma_wait3A_1580 = tpu.memref_slice %dma_wait3A_1578[%dma_wait3A_1579] : memref<7999616xf32, #tpu.memory_space<hbm>> -> memref<7999616xf32, #tpu.memory_space<hbm>>
    tpu.wait_indirect_dma semaphore(%arg20 : memref<!tpu.dma_semaphore, #tpu.memory_space<semaphore_mem>>) src(%dma_wait3A_1580 : memref<7999616xf32, #tpu.memory_space<hbm>>) dst(%dma_wait3A_1574 : memref<128xf32, #tpu.memory_space<vmem>>)
    %dma_wait3A_1581 = arith.constant 3584 : i32
    %dma_wait3A_1582 = tpu.memref_slice %arg15[%dma_wait3A_1581] : memref<8192xf32, #tpu.memory_space<vmem>> -> memref<128xf32, #tpu.memory_space<vmem>>
    %dma_wait3A_1583 = arith.constant 0 : i32
    %dma_wait3A_1584 = tpu.memref_slice %arg13[%dma_wait3A_1583] : memref<512xi32, #tpu.memory_space<vmem>> -> memref<128xi32, #tpu.memory_space<vmem>>
    %dma_wait3A_1585 = arith.constant 896 : i32
    %dma_wait3A_1586 = tpu.memref_slice %arg5[%dma_wait3A_1585] : memref<1601536xf32, #tpu.memory_space<hbm>> -> memref<799872xf32, #tpu.memory_space<hbm>>
    %dma_wait3A_1587 = arith.constant 0 : i32
    %dma_wait3A_1588 = tpu.memref_slice %dma_wait3A_1586[%dma_wait3A_1587] : memref<799872xf32, #tpu.memory_space<hbm>> -> memref<799872xf32, #tpu.memory_space<hbm>>
    tpu.wait_indirect_dma semaphore(%arg20 : memref<!tpu.dma_semaphore, #tpu.memory_space<semaphore_mem>>) src(%dma_wait3A_1588 : memref<799872xf32, #tpu.memory_space<hbm>>) dst(%dma_wait3A_1582 : memref<128xf32, #tpu.memory_space<vmem>>)
    %dma_wait3A_1589 = arith.constant 3712 : i32
    %dma_wait3A_1590 = tpu.memref_slice %arg14[%dma_wait3A_1589] : memref<8192xf32, #tpu.memory_space<vmem>> -> memref<128xf32, #tpu.memory_space<vmem>>
    %dma_wait3A_1591 = arith.constant 128 : i32
    %dma_wait3A_1592 = tpu.memref_slice %arg12[%dma_wait3A_1591] : memref<512xi32, #tpu.memory_space<vmem>> -> memref<128xi32, #tpu.memory_space<vmem>>
    %dma_wait3A_1593 = arith.constant 896 : i32
    %dma_wait3A_1594 = tpu.memref_slice %arg4[%dma_wait3A_1593] : memref<16001024xf32, #tpu.memory_space<hbm>> -> memref<7999616xf32, #tpu.memory_space<hbm>>
    %dma_wait3A_1595 = arith.constant 0 : i32
    %dma_wait3A_1596 = tpu.memref_slice %dma_wait3A_1594[%dma_wait3A_1595] : memref<7999616xf32, #tpu.memory_space<hbm>> -> memref<7999616xf32, #tpu.memory_space<hbm>>
    tpu.wait_indirect_dma semaphore(%arg20 : memref<!tpu.dma_semaphore, #tpu.memory_space<semaphore_mem>>) src(%dma_wait3A_1596 : memref<7999616xf32, #tpu.memory_space<hbm>>) dst(%dma_wait3A_1590 : memref<128xf32, #tpu.memory_space<vmem>>)
    %dma_wait3A_1597 = arith.constant 3712 : i32
    %dma_wait3A_1598 = tpu.memref_slice %arg15[%dma_wait3A_1597] : memref<8192xf32, #tpu.memory_space<vmem>> -> memref<128xf32, #tpu.memory_space<vmem>>
    %dma_wait3A_1599 = arith.constant 128 : i32
    %dma_wait3A_1600 = tpu.memref_slice %arg13[%dma_wait3A_1599] : memref<512xi32, #tpu.memory_space<vmem>> -> memref<128xi32, #tpu.memory_space<vmem>>
    %dma_wait3A_1601 = arith.constant 896 : i32
    %dma_wait3A_1602 = tpu.memref_slice %arg5[%dma_wait3A_1601] : memref<1601536xf32, #tpu.memory_space<hbm>> -> memref<799872xf32, #tpu.memory_space<hbm>>
    %dma_wait3A_1603 = arith.constant 0 : i32
    %dma_wait3A_1604 = tpu.memref_slice %dma_wait3A_1602[%dma_wait3A_1603] : memref<799872xf32, #tpu.memory_space<hbm>> -> memref<799872xf32, #tpu.memory_space<hbm>>
    tpu.wait_indirect_dma semaphore(%arg20 : memref<!tpu.dma_semaphore, #tpu.memory_space<semaphore_mem>>) src(%dma_wait3A_1604 : memref<799872xf32, #tpu.memory_space<hbm>>) dst(%dma_wait3A_1598 : memref<128xf32, #tpu.memory_space<vmem>>)
    %dma_wait3A_1605 = arith.constant 3840 : i32
    %dma_wait3A_1606 = tpu.memref_slice %arg14[%dma_wait3A_1605] : memref<8192xf32, #tpu.memory_space<vmem>> -> memref<128xf32, #tpu.memory_space<vmem>>
    %dma_wait3A_1607 = arith.constant 256 : i32
    %dma_wait3A_1608 = tpu.memref_slice %arg12[%dma_wait3A_1607] : memref<512xi32, #tpu.memory_space<vmem>> -> memref<128xi32, #tpu.memory_space<vmem>>
    %dma_wait3A_1609 = arith.constant 896 : i32
    %dma_wait3A_1610 = tpu.memref_slice %arg4[%dma_wait3A_1609] : memref<16001024xf32, #tpu.memory_space<hbm>> -> memref<7999616xf32, #tpu.memory_space<hbm>>
    %dma_wait3A_1611 = arith.constant 0 : i32
    %dma_wait3A_1612 = tpu.memref_slice %dma_wait3A_1610[%dma_wait3A_1611] : memref<7999616xf32, #tpu.memory_space<hbm>> -> memref<7999616xf32, #tpu.memory_space<hbm>>
    tpu.wait_indirect_dma semaphore(%arg20 : memref<!tpu.dma_semaphore, #tpu.memory_space<semaphore_mem>>) src(%dma_wait3A_1612 : memref<7999616xf32, #tpu.memory_space<hbm>>) dst(%dma_wait3A_1606 : memref<128xf32, #tpu.memory_space<vmem>>)
    %dma_wait3A_1613 = arith.constant 3840 : i32
    %dma_wait3A_1614 = tpu.memref_slice %arg15[%dma_wait3A_1613] : memref<8192xf32, #tpu.memory_space<vmem>> -> memref<128xf32, #tpu.memory_space<vmem>>
    %dma_wait3A_1615 = arith.constant 256 : i32
    %dma_wait3A_1616 = tpu.memref_slice %arg13[%dma_wait3A_1615] : memref<512xi32, #tpu.memory_space<vmem>> -> memref<128xi32, #tpu.memory_space<vmem>>
    %dma_wait3A_1617 = arith.constant 896 : i32
    %dma_wait3A_1618 = tpu.memref_slice %arg5[%dma_wait3A_1617] : memref<1601536xf32, #tpu.memory_space<hbm>> -> memref<799872xf32, #tpu.memory_space<hbm>>
    %dma_wait3A_1619 = arith.constant 0 : i32
    %dma_wait3A_1620 = tpu.memref_slice %dma_wait3A_1618[%dma_wait3A_1619] : memref<799872xf32, #tpu.memory_space<hbm>> -> memref<799872xf32, #tpu.memory_space<hbm>>
    tpu.wait_indirect_dma semaphore(%arg20 : memref<!tpu.dma_semaphore, #tpu.memory_space<semaphore_mem>>) src(%dma_wait3A_1620 : memref<799872xf32, #tpu.memory_space<hbm>>) dst(%dma_wait3A_1614 : memref<128xf32, #tpu.memory_space<vmem>>)
    %dma_wait3A_1621 = arith.constant 3968 : i32
    %dma_wait3A_1622 = tpu.memref_slice %arg14[%dma_wait3A_1621] : memref<8192xf32, #tpu.memory_space<vmem>> -> memref<128xf32, #tpu.memory_space<vmem>>
    %dma_wait3A_1623 = arith.constant 384 : i32
    %dma_wait3A_1624 = tpu.memref_slice %arg12[%dma_wait3A_1623] : memref<512xi32, #tpu.memory_space<vmem>> -> memref<128xi32, #tpu.memory_space<vmem>>
    %dma_wait3A_1625 = arith.constant 896 : i32
    %dma_wait3A_1626 = tpu.memref_slice %arg4[%dma_wait3A_1625] : memref<16001024xf32, #tpu.memory_space<hbm>> -> memref<7999616xf32, #tpu.memory_space<hbm>>
    %dma_wait3A_1627 = arith.constant 0 : i32
    %dma_wait3A_1628 = tpu.memref_slice %dma_wait3A_1626[%dma_wait3A_1627] : memref<7999616xf32, #tpu.memory_space<hbm>> -> memref<7999616xf32, #tpu.memory_space<hbm>>
    tpu.wait_indirect_dma semaphore(%arg20 : memref<!tpu.dma_semaphore, #tpu.memory_space<semaphore_mem>>) src(%dma_wait3A_1628 : memref<7999616xf32, #tpu.memory_space<hbm>>) dst(%dma_wait3A_1622 : memref<128xf32, #tpu.memory_space<vmem>>)
    %dma_wait3A_1629 = arith.constant 3968 : i32
    %dma_wait3A_1630 = tpu.memref_slice %arg15[%dma_wait3A_1629] : memref<8192xf32, #tpu.memory_space<vmem>> -> memref<128xf32, #tpu.memory_space<vmem>>
    %dma_wait3A_1631 = arith.constant 384 : i32
    %dma_wait3A_1632 = tpu.memref_slice %arg13[%dma_wait3A_1631] : memref<512xi32, #tpu.memory_space<vmem>> -> memref<128xi32, #tpu.memory_space<vmem>>
    %dma_wait3A_1633 = arith.constant 896 : i32
    %dma_wait3A_1634 = tpu.memref_slice %arg5[%dma_wait3A_1633] : memref<1601536xf32, #tpu.memory_space<hbm>> -> memref<799872xf32, #tpu.memory_space<hbm>>
    %dma_wait3A_1635 = arith.constant 0 : i32
    %dma_wait3A_1636 = tpu.memref_slice %dma_wait3A_1634[%dma_wait3A_1635] : memref<799872xf32, #tpu.memory_space<hbm>> -> memref<799872xf32, #tpu.memory_space<hbm>>
    tpu.wait_indirect_dma semaphore(%arg20 : memref<!tpu.dma_semaphore, #tpu.memory_space<semaphore_mem>>) src(%dma_wait3A_1636 : memref<799872xf32, #tpu.memory_space<hbm>>) dst(%dma_wait3A_1630 : memref<128xf32, #tpu.memory_space<vmem>>)
    %dma_wait3A_1637 = arith.constant 4096 : i32
    %dma_wait3A_1638 = tpu.memref_slice %arg14[%dma_wait3A_1637] : memref<8192xf32, #tpu.memory_space<vmem>> -> memref<128xf32, #tpu.memory_space<vmem>>
    %dma_wait3A_1639 = arith.constant 0 : i32
    %dma_wait3A_1640 = tpu.memref_slice %arg12[%dma_wait3A_1639] : memref<512xi32, #tpu.memory_space<vmem>> -> memref<128xi32, #tpu.memory_space<vmem>>
    %dma_wait3A_1641 = arith.constant 8000512 : i32
    %dma_wait3A_1642 = tpu.memref_slice %arg4[%dma_wait3A_1641] : memref<16001024xf32, #tpu.memory_space<hbm>> -> memref<7999616xf32, #tpu.memory_space<hbm>>
    %dma_wait3A_1643 = arith.constant 0 : i32
    %dma_wait3A_1644 = tpu.memref_slice %dma_wait3A_1642[%dma_wait3A_1643] : memref<7999616xf32, #tpu.memory_space<hbm>> -> memref<7999616xf32, #tpu.memory_space<hbm>>
    tpu.wait_indirect_dma semaphore(%arg20 : memref<!tpu.dma_semaphore, #tpu.memory_space<semaphore_mem>>) src(%dma_wait3A_1644 : memref<7999616xf32, #tpu.memory_space<hbm>>) dst(%dma_wait3A_1638 : memref<128xf32, #tpu.memory_space<vmem>>)
    %dma_wait3A_1645 = arith.constant 4096 : i32
    %dma_wait3A_1646 = tpu.memref_slice %arg15[%dma_wait3A_1645] : memref<8192xf32, #tpu.memory_space<vmem>> -> memref<128xf32, #tpu.memory_space<vmem>>
    %dma_wait3A_1647 = arith.constant 0 : i32
    %dma_wait3A_1648 = tpu.memref_slice %arg13[%dma_wait3A_1647] : memref<512xi32, #tpu.memory_space<vmem>> -> memref<128xi32, #tpu.memory_space<vmem>>
    %dma_wait3A_1649 = arith.constant 800768 : i32
    %dma_wait3A_1650 = tpu.memref_slice %arg5[%dma_wait3A_1649] : memref<1601536xf32, #tpu.memory_space<hbm>> -> memref<799872xf32, #tpu.memory_space<hbm>>
    %dma_wait3A_1651 = arith.constant 0 : i32
    %dma_wait3A_1652 = tpu.memref_slice %dma_wait3A_1650[%dma_wait3A_1651] : memref<799872xf32, #tpu.memory_space<hbm>> -> memref<799872xf32, #tpu.memory_space<hbm>>
    tpu.wait_indirect_dma semaphore(%arg20 : memref<!tpu.dma_semaphore, #tpu.memory_space<semaphore_mem>>) src(%dma_wait3A_1652 : memref<799872xf32, #tpu.memory_space<hbm>>) dst(%dma_wait3A_1646 : memref<128xf32, #tpu.memory_space<vmem>>)
    %dma_wait3A_1653 = arith.constant 4224 : i32
    %dma_wait3A_1654 = tpu.memref_slice %arg14[%dma_wait3A_1653] : memref<8192xf32, #tpu.memory_space<vmem>> -> memref<128xf32, #tpu.memory_space<vmem>>
    %dma_wait3A_1655 = arith.constant 128 : i32
    %dma_wait3A_1656 = tpu.memref_slice %arg12[%dma_wait3A_1655] : memref<512xi32, #tpu.memory_space<vmem>> -> memref<128xi32, #tpu.memory_space<vmem>>
    %dma_wait3A_1657 = arith.constant 8000512 : i32
    %dma_wait3A_1658 = tpu.memref_slice %arg4[%dma_wait3A_1657] : memref<16001024xf32, #tpu.memory_space<hbm>> -> memref<7999616xf32, #tpu.memory_space<hbm>>
    %dma_wait3A_1659 = arith.constant 0 : i32
    %dma_wait3A_1660 = tpu.memref_slice %dma_wait3A_1658[%dma_wait3A_1659] : memref<7999616xf32, #tpu.memory_space<hbm>> -> memref<7999616xf32, #tpu.memory_space<hbm>>
    tpu.wait_indirect_dma semaphore(%arg20 : memref<!tpu.dma_semaphore, #tpu.memory_space<semaphore_mem>>) src(%dma_wait3A_1660 : memref<7999616xf32, #tpu.memory_space<hbm>>) dst(%dma_wait3A_1654 : memref<128xf32, #tpu.memory_space<vmem>>)
    %dma_wait3A_1661 = arith.constant 4224 : i32
    %dma_wait3A_1662 = tpu.memref_slice %arg15[%dma_wait3A_1661] : memref<8192xf32, #tpu.memory_space<vmem>> -> memref<128xf32, #tpu.memory_space<vmem>>
    %dma_wait3A_1663 = arith.constant 128 : i32
    %dma_wait3A_1664 = tpu.memref_slice %arg13[%dma_wait3A_1663] : memref<512xi32, #tpu.memory_space<vmem>> -> memref<128xi32, #tpu.memory_space<vmem>>
    %dma_wait3A_1665 = arith.constant 800768 : i32
    %dma_wait3A_1666 = tpu.memref_slice %arg5[%dma_wait3A_1665] : memref<1601536xf32, #tpu.memory_space<hbm>> -> memref<799872xf32, #tpu.memory_space<hbm>>
    %dma_wait3A_1667 = arith.constant 0 : i32
    %dma_wait3A_1668 = tpu.memref_slice %dma_wait3A_1666[%dma_wait3A_1667] : memref<799872xf32, #tpu.memory_space<hbm>> -> memref<799872xf32, #tpu.memory_space<hbm>>
    tpu.wait_indirect_dma semaphore(%arg20 : memref<!tpu.dma_semaphore, #tpu.memory_space<semaphore_mem>>) src(%dma_wait3A_1668 : memref<799872xf32, #tpu.memory_space<hbm>>) dst(%dma_wait3A_1662 : memref<128xf32, #tpu.memory_space<vmem>>)
    %dma_wait3A_1669 = arith.constant 4352 : i32
    %dma_wait3A_1670 = tpu.memref_slice %arg14[%dma_wait3A_1669] : memref<8192xf32, #tpu.memory_space<vmem>> -> memref<128xf32, #tpu.memory_space<vmem>>
    %dma_wait3A_1671 = arith.constant 256 : i32
    %dma_wait3A_1672 = tpu.memref_slice %arg12[%dma_wait3A_1671] : memref<512xi32, #tpu.memory_space<vmem>> -> memref<128xi32, #tpu.memory_space<vmem>>
    %dma_wait3A_1673 = arith.constant 8000512 : i32
    %dma_wait3A_1674 = tpu.memref_slice %arg4[%dma_wait3A_1673] : memref<16001024xf32, #tpu.memory_space<hbm>> -> memref<7999616xf32, #tpu.memory_space<hbm>>
    %dma_wait3A_1675 = arith.constant 0 : i32
    %dma_wait3A_1676 = tpu.memref_slice %dma_wait3A_1674[%dma_wait3A_1675] : memref<7999616xf32, #tpu.memory_space<hbm>> -> memref<7999616xf32, #tpu.memory_space<hbm>>
    tpu.wait_indirect_dma semaphore(%arg20 : memref<!tpu.dma_semaphore, #tpu.memory_space<semaphore_mem>>) src(%dma_wait3A_1676 : memref<7999616xf32, #tpu.memory_space<hbm>>) dst(%dma_wait3A_1670 : memref<128xf32, #tpu.memory_space<vmem>>)
    %dma_wait3A_1677 = arith.constant 4352 : i32
    %dma_wait3A_1678 = tpu.memref_slice %arg15[%dma_wait3A_1677] : memref<8192xf32, #tpu.memory_space<vmem>> -> memref<128xf32, #tpu.memory_space<vmem>>
    %dma_wait3A_1679 = arith.constant 256 : i32
    %dma_wait3A_1680 = tpu.memref_slice %arg13[%dma_wait3A_1679] : memref<512xi32, #tpu.memory_space<vmem>> -> memref<128xi32, #tpu.memory_space<vmem>>
    %dma_wait3A_1681 = arith.constant 800768 : i32
    %dma_wait3A_1682 = tpu.memref_slice %arg5[%dma_wait3A_1681] : memref<1601536xf32, #tpu.memory_space<hbm>> -> memref<799872xf32, #tpu.memory_space<hbm>>
    %dma_wait3A_1683 = arith.constant 0 : i32
    %dma_wait3A_1684 = tpu.memref_slice %dma_wait3A_1682[%dma_wait3A_1683] : memref<799872xf32, #tpu.memory_space<hbm>> -> memref<799872xf32, #tpu.memory_space<hbm>>
    tpu.wait_indirect_dma semaphore(%arg20 : memref<!tpu.dma_semaphore, #tpu.memory_space<semaphore_mem>>) src(%dma_wait3A_1684 : memref<799872xf32, #tpu.memory_space<hbm>>) dst(%dma_wait3A_1678 : memref<128xf32, #tpu.memory_space<vmem>>)
    %dma_wait3A_1685 = arith.constant 4480 : i32
    %dma_wait3A_1686 = tpu.memref_slice %arg14[%dma_wait3A_1685] : memref<8192xf32, #tpu.memory_space<vmem>> -> memref<128xf32, #tpu.memory_space<vmem>>
    %dma_wait3A_1687 = arith.constant 384 : i32
    %dma_wait3A_1688 = tpu.memref_slice %arg12[%dma_wait3A_1687] : memref<512xi32, #tpu.memory_space<vmem>> -> memref<128xi32, #tpu.memory_space<vmem>>
    %dma_wait3A_1689 = arith.constant 8000512 : i32
    %dma_wait3A_1690 = tpu.memref_slice %arg4[%dma_wait3A_1689] : memref<16001024xf32, #tpu.memory_space<hbm>> -> memref<7999616xf32, #tpu.memory_space<hbm>>
    %dma_wait3A_1691 = arith.constant 0 : i32
    %dma_wait3A_1692 = tpu.memref_slice %dma_wait3A_1690[%dma_wait3A_1691] : memref<7999616xf32, #tpu.memory_space<hbm>> -> memref<7999616xf32, #tpu.memory_space<hbm>>
    tpu.wait_indirect_dma semaphore(%arg20 : memref<!tpu.dma_semaphore, #tpu.memory_space<semaphore_mem>>) src(%dma_wait3A_1692 : memref<7999616xf32, #tpu.memory_space<hbm>>) dst(%dma_wait3A_1686 : memref<128xf32, #tpu.memory_space<vmem>>)
    %dma_wait3A_1693 = arith.constant 4480 : i32
    %dma_wait3A_1694 = tpu.memref_slice %arg15[%dma_wait3A_1693] : memref<8192xf32, #tpu.memory_space<vmem>> -> memref<128xf32, #tpu.memory_space<vmem>>
    %dma_wait3A_1695 = arith.constant 384 : i32
    %dma_wait3A_1696 = tpu.memref_slice %arg13[%dma_wait3A_1695] : memref<512xi32, #tpu.memory_space<vmem>> -> memref<128xi32, #tpu.memory_space<vmem>>
    %dma_wait3A_1697 = arith.constant 800768 : i32
    %dma_wait3A_1698 = tpu.memref_slice %arg5[%dma_wait3A_1697] : memref<1601536xf32, #tpu.memory_space<hbm>> -> memref<799872xf32, #tpu.memory_space<hbm>>
    %dma_wait3A_1699 = arith.constant 0 : i32
    %dma_wait3A_1700 = tpu.memref_slice %dma_wait3A_1698[%dma_wait3A_1699] : memref<799872xf32, #tpu.memory_space<hbm>> -> memref<799872xf32, #tpu.memory_space<hbm>>
    tpu.wait_indirect_dma semaphore(%arg20 : memref<!tpu.dma_semaphore, #tpu.memory_space<semaphore_mem>>) src(%dma_wait3A_1700 : memref<799872xf32, #tpu.memory_space<hbm>>) dst(%dma_wait3A_1694 : memref<128xf32, #tpu.memory_space<vmem>>)
    %dma_wait3A_1701 = arith.constant 4608 : i32
    %dma_wait3A_1702 = tpu.memref_slice %arg14[%dma_wait3A_1701] : memref<8192xf32, #tpu.memory_space<vmem>> -> memref<128xf32, #tpu.memory_space<vmem>>
    %dma_wait3A_1703 = arith.constant 0 : i32
    %dma_wait3A_1704 = tpu.memref_slice %arg12[%dma_wait3A_1703] : memref<512xi32, #tpu.memory_space<vmem>> -> memref<128xi32, #tpu.memory_space<vmem>>
    %dma_wait3A_1705 = arith.constant 8000640 : i32
    %dma_wait3A_1706 = tpu.memref_slice %arg4[%dma_wait3A_1705] : memref<16001024xf32, #tpu.memory_space<hbm>> -> memref<7999616xf32, #tpu.memory_space<hbm>>
    %dma_wait3A_1707 = arith.constant 0 : i32
    %dma_wait3A_1708 = tpu.memref_slice %dma_wait3A_1706[%dma_wait3A_1707] : memref<7999616xf32, #tpu.memory_space<hbm>> -> memref<7999616xf32, #tpu.memory_space<hbm>>
    tpu.wait_indirect_dma semaphore(%arg20 : memref<!tpu.dma_semaphore, #tpu.memory_space<semaphore_mem>>) src(%dma_wait3A_1708 : memref<7999616xf32, #tpu.memory_space<hbm>>) dst(%dma_wait3A_1702 : memref<128xf32, #tpu.memory_space<vmem>>)
    %dma_wait3A_1709 = arith.constant 4608 : i32
    %dma_wait3A_1710 = tpu.memref_slice %arg15[%dma_wait3A_1709] : memref<8192xf32, #tpu.memory_space<vmem>> -> memref<128xf32, #tpu.memory_space<vmem>>
    %dma_wait3A_1711 = arith.constant 0 : i32
    %dma_wait3A_1712 = tpu.memref_slice %arg13[%dma_wait3A_1711] : memref<512xi32, #tpu.memory_space<vmem>> -> memref<128xi32, #tpu.memory_space<vmem>>
    %dma_wait3A_1713 = arith.constant 800896 : i32
    %dma_wait3A_1714 = tpu.memref_slice %arg5[%dma_wait3A_1713] : memref<1601536xf32, #tpu.memory_space<hbm>> -> memref<799872xf32, #tpu.memory_space<hbm>>
    %dma_wait3A_1715 = arith.constant 0 : i32
    %dma_wait3A_1716 = tpu.memref_slice %dma_wait3A_1714[%dma_wait3A_1715] : memref<799872xf32, #tpu.memory_space<hbm>> -> memref<799872xf32, #tpu.memory_space<hbm>>
    tpu.wait_indirect_dma semaphore(%arg20 : memref<!tpu.dma_semaphore, #tpu.memory_space<semaphore_mem>>) src(%dma_wait3A_1716 : memref<799872xf32, #tpu.memory_space<hbm>>) dst(%dma_wait3A_1710 : memref<128xf32, #tpu.memory_space<vmem>>)
    %dma_wait3A_1717 = arith.constant 4736 : i32
    %dma_wait3A_1718 = tpu.memref_slice %arg14[%dma_wait3A_1717] : memref<8192xf32, #tpu.memory_space<vmem>> -> memref<128xf32, #tpu.memory_space<vmem>>
    %dma_wait3A_1719 = arith.constant 128 : i32
    %dma_wait3A_1720 = tpu.memref_slice %arg12[%dma_wait3A_1719] : memref<512xi32, #tpu.memory_space<vmem>> -> memref<128xi32, #tpu.memory_space<vmem>>
    %dma_wait3A_1721 = arith.constant 8000640 : i32
    %dma_wait3A_1722 = tpu.memref_slice %arg4[%dma_wait3A_1721] : memref<16001024xf32, #tpu.memory_space<hbm>> -> memref<7999616xf32, #tpu.memory_space<hbm>>
    %dma_wait3A_1723 = arith.constant 0 : i32
    %dma_wait3A_1724 = tpu.memref_slice %dma_wait3A_1722[%dma_wait3A_1723] : memref<7999616xf32, #tpu.memory_space<hbm>> -> memref<7999616xf32, #tpu.memory_space<hbm>>
    tpu.wait_indirect_dma semaphore(%arg20 : memref<!tpu.dma_semaphore, #tpu.memory_space<semaphore_mem>>) src(%dma_wait3A_1724 : memref<7999616xf32, #tpu.memory_space<hbm>>) dst(%dma_wait3A_1718 : memref<128xf32, #tpu.memory_space<vmem>>)
    %dma_wait3A_1725 = arith.constant 4736 : i32
    %dma_wait3A_1726 = tpu.memref_slice %arg15[%dma_wait3A_1725] : memref<8192xf32, #tpu.memory_space<vmem>> -> memref<128xf32, #tpu.memory_space<vmem>>
    %dma_wait3A_1727 = arith.constant 128 : i32
    %dma_wait3A_1728 = tpu.memref_slice %arg13[%dma_wait3A_1727] : memref<512xi32, #tpu.memory_space<vmem>> -> memref<128xi32, #tpu.memory_space<vmem>>
    %dma_wait3A_1729 = arith.constant 800896 : i32
    %dma_wait3A_1730 = tpu.memref_slice %arg5[%dma_wait3A_1729] : memref<1601536xf32, #tpu.memory_space<hbm>> -> memref<799872xf32, #tpu.memory_space<hbm>>
    %dma_wait3A_1731 = arith.constant 0 : i32
    %dma_wait3A_1732 = tpu.memref_slice %dma_wait3A_1730[%dma_wait3A_1731] : memref<799872xf32, #tpu.memory_space<hbm>> -> memref<799872xf32, #tpu.memory_space<hbm>>
    tpu.wait_indirect_dma semaphore(%arg20 : memref<!tpu.dma_semaphore, #tpu.memory_space<semaphore_mem>>) src(%dma_wait3A_1732 : memref<799872xf32, #tpu.memory_space<hbm>>) dst(%dma_wait3A_1726 : memref<128xf32, #tpu.memory_space<vmem>>)
    %dma_wait3A_1733 = arith.constant 4864 : i32
    %dma_wait3A_1734 = tpu.memref_slice %arg14[%dma_wait3A_1733] : memref<8192xf32, #tpu.memory_space<vmem>> -> memref<128xf32, #tpu.memory_space<vmem>>
    %dma_wait3A_1735 = arith.constant 256 : i32
    %dma_wait3A_1736 = tpu.memref_slice %arg12[%dma_wait3A_1735] : memref<512xi32, #tpu.memory_space<vmem>> -> memref<128xi32, #tpu.memory_space<vmem>>
    %dma_wait3A_1737 = arith.constant 8000640 : i32
    %dma_wait3A_1738 = tpu.memref_slice %arg4[%dma_wait3A_1737] : memref<16001024xf32, #tpu.memory_space<hbm>> -> memref<7999616xf32, #tpu.memory_space<hbm>>
    %dma_wait3A_1739 = arith.constant 0 : i32
    %dma_wait3A_1740 = tpu.memref_slice %dma_wait3A_1738[%dma_wait3A_1739] : memref<7999616xf32, #tpu.memory_space<hbm>> -> memref<7999616xf32, #tpu.memory_space<hbm>>
    tpu.wait_indirect_dma semaphore(%arg20 : memref<!tpu.dma_semaphore, #tpu.memory_space<semaphore_mem>>) src(%dma_wait3A_1740 : memref<7999616xf32, #tpu.memory_space<hbm>>) dst(%dma_wait3A_1734 : memref<128xf32, #tpu.memory_space<vmem>>)
    %dma_wait3A_1741 = arith.constant 4864 : i32
    %dma_wait3A_1742 = tpu.memref_slice %arg15[%dma_wait3A_1741] : memref<8192xf32, #tpu.memory_space<vmem>> -> memref<128xf32, #tpu.memory_space<vmem>>
    %dma_wait3A_1743 = arith.constant 256 : i32
    %dma_wait3A_1744 = tpu.memref_slice %arg13[%dma_wait3A_1743] : memref<512xi32, #tpu.memory_space<vmem>> -> memref<128xi32, #tpu.memory_space<vmem>>
    %dma_wait3A_1745 = arith.constant 800896 : i32
    %dma_wait3A_1746 = tpu.memref_slice %arg5[%dma_wait3A_1745] : memref<1601536xf32, #tpu.memory_space<hbm>> -> memref<799872xf32, #tpu.memory_space<hbm>>
    %dma_wait3A_1747 = arith.constant 0 : i32
    %dma_wait3A_1748 = tpu.memref_slice %dma_wait3A_1746[%dma_wait3A_1747] : memref<799872xf32, #tpu.memory_space<hbm>> -> memref<799872xf32, #tpu.memory_space<hbm>>
    tpu.wait_indirect_dma semaphore(%arg20 : memref<!tpu.dma_semaphore, #tpu.memory_space<semaphore_mem>>) src(%dma_wait3A_1748 : memref<799872xf32, #tpu.memory_space<hbm>>) dst(%dma_wait3A_1742 : memref<128xf32, #tpu.memory_space<vmem>>)
    %dma_wait3A_1749 = arith.constant 4992 : i32
    %dma_wait3A_1750 = tpu.memref_slice %arg14[%dma_wait3A_1749] : memref<8192xf32, #tpu.memory_space<vmem>> -> memref<128xf32, #tpu.memory_space<vmem>>
    %dma_wait3A_1751 = arith.constant 384 : i32
    %dma_wait3A_1752 = tpu.memref_slice %arg12[%dma_wait3A_1751] : memref<512xi32, #tpu.memory_space<vmem>> -> memref<128xi32, #tpu.memory_space<vmem>>
    %dma_wait3A_1753 = arith.constant 8000640 : i32
    %dma_wait3A_1754 = tpu.memref_slice %arg4[%dma_wait3A_1753] : memref<16001024xf32, #tpu.memory_space<hbm>> -> memref<7999616xf32, #tpu.memory_space<hbm>>
    %dma_wait3A_1755 = arith.constant 0 : i32
    %dma_wait3A_1756 = tpu.memref_slice %dma_wait3A_1754[%dma_wait3A_1755] : memref<7999616xf32, #tpu.memory_space<hbm>> -> memref<7999616xf32, #tpu.memory_space<hbm>>
    tpu.wait_indirect_dma semaphore(%arg20 : memref<!tpu.dma_semaphore, #tpu.memory_space<semaphore_mem>>) src(%dma_wait3A_1756 : memref<7999616xf32, #tpu.memory_space<hbm>>) dst(%dma_wait3A_1750 : memref<128xf32, #tpu.memory_space<vmem>>)
    %dma_wait3A_1757 = arith.constant 4992 : i32
    %dma_wait3A_1758 = tpu.memref_slice %arg15[%dma_wait3A_1757] : memref<8192xf32, #tpu.memory_space<vmem>> -> memref<128xf32, #tpu.memory_space<vmem>>
    %dma_wait3A_1759 = arith.constant 384 : i32
    %dma_wait3A_1760 = tpu.memref_slice %arg13[%dma_wait3A_1759] : memref<512xi32, #tpu.memory_space<vmem>> -> memref<128xi32, #tpu.memory_space<vmem>>
    %dma_wait3A_1761 = arith.constant 800896 : i32
    %dma_wait3A_1762 = tpu.memref_slice %arg5[%dma_wait3A_1761] : memref<1601536xf32, #tpu.memory_space<hbm>> -> memref<799872xf32, #tpu.memory_space<hbm>>
    %dma_wait3A_1763 = arith.constant 0 : i32
    %dma_wait3A_1764 = tpu.memref_slice %dma_wait3A_1762[%dma_wait3A_1763] : memref<799872xf32, #tpu.memory_space<hbm>> -> memref<799872xf32, #tpu.memory_space<hbm>>
    tpu.wait_indirect_dma semaphore(%arg20 : memref<!tpu.dma_semaphore, #tpu.memory_space<semaphore_mem>>) src(%dma_wait3A_1764 : memref<799872xf32, #tpu.memory_space<hbm>>) dst(%dma_wait3A_1758 : memref<128xf32, #tpu.memory_space<vmem>>)
    %dma_wait3A_1765 = arith.constant 5120 : i32
    %dma_wait3A_1766 = tpu.memref_slice %arg14[%dma_wait3A_1765] : memref<8192xf32, #tpu.memory_space<vmem>> -> memref<128xf32, #tpu.memory_space<vmem>>
    %dma_wait3A_1767 = arith.constant 0 : i32
    %dma_wait3A_1768 = tpu.memref_slice %arg12[%dma_wait3A_1767] : memref<512xi32, #tpu.memory_space<vmem>> -> memref<128xi32, #tpu.memory_space<vmem>>
    %dma_wait3A_1769 = arith.constant 8000768 : i32
    %dma_wait3A_1770 = tpu.memref_slice %arg4[%dma_wait3A_1769] : memref<16001024xf32, #tpu.memory_space<hbm>> -> memref<7999616xf32, #tpu.memory_space<hbm>>
    %dma_wait3A_1771 = arith.constant 0 : i32
    %dma_wait3A_1772 = tpu.memref_slice %dma_wait3A_1770[%dma_wait3A_1771] : memref<7999616xf32, #tpu.memory_space<hbm>> -> memref<7999616xf32, #tpu.memory_space<hbm>>
    tpu.wait_indirect_dma semaphore(%arg20 : memref<!tpu.dma_semaphore, #tpu.memory_space<semaphore_mem>>) src(%dma_wait3A_1772 : memref<7999616xf32, #tpu.memory_space<hbm>>) dst(%dma_wait3A_1766 : memref<128xf32, #tpu.memory_space<vmem>>)
    %dma_wait3A_1773 = arith.constant 5120 : i32
    %dma_wait3A_1774 = tpu.memref_slice %arg15[%dma_wait3A_1773] : memref<8192xf32, #tpu.memory_space<vmem>> -> memref<128xf32, #tpu.memory_space<vmem>>
    %dma_wait3A_1775 = arith.constant 0 : i32
    %dma_wait3A_1776 = tpu.memref_slice %arg13[%dma_wait3A_1775] : memref<512xi32, #tpu.memory_space<vmem>> -> memref<128xi32, #tpu.memory_space<vmem>>
    %dma_wait3A_1777 = arith.constant 801024 : i32
    %dma_wait3A_1778 = tpu.memref_slice %arg5[%dma_wait3A_1777] : memref<1601536xf32, #tpu.memory_space<hbm>> -> memref<799872xf32, #tpu.memory_space<hbm>>
    %dma_wait3A_1779 = arith.constant 0 : i32
    %dma_wait3A_1780 = tpu.memref_slice %dma_wait3A_1778[%dma_wait3A_1779] : memref<799872xf32, #tpu.memory_space<hbm>> -> memref<799872xf32, #tpu.memory_space<hbm>>
    tpu.wait_indirect_dma semaphore(%arg20 : memref<!tpu.dma_semaphore, #tpu.memory_space<semaphore_mem>>) src(%dma_wait3A_1780 : memref<799872xf32, #tpu.memory_space<hbm>>) dst(%dma_wait3A_1774 : memref<128xf32, #tpu.memory_space<vmem>>)
    %dma_wait3A_1781 = arith.constant 5248 : i32
    %dma_wait3A_1782 = tpu.memref_slice %arg14[%dma_wait3A_1781] : memref<8192xf32, #tpu.memory_space<vmem>> -> memref<128xf32, #tpu.memory_space<vmem>>
    %dma_wait3A_1783 = arith.constant 128 : i32
    %dma_wait3A_1784 = tpu.memref_slice %arg12[%dma_wait3A_1783] : memref<512xi32, #tpu.memory_space<vmem>> -> memref<128xi32, #tpu.memory_space<vmem>>
    %dma_wait3A_1785 = arith.constant 8000768 : i32
    %dma_wait3A_1786 = tpu.memref_slice %arg4[%dma_wait3A_1785] : memref<16001024xf32, #tpu.memory_space<hbm>> -> memref<7999616xf32, #tpu.memory_space<hbm>>
    %dma_wait3A_1787 = arith.constant 0 : i32
    %dma_wait3A_1788 = tpu.memref_slice %dma_wait3A_1786[%dma_wait3A_1787] : memref<7999616xf32, #tpu.memory_space<hbm>> -> memref<7999616xf32, #tpu.memory_space<hbm>>
    tpu.wait_indirect_dma semaphore(%arg20 : memref<!tpu.dma_semaphore, #tpu.memory_space<semaphore_mem>>) src(%dma_wait3A_1788 : memref<7999616xf32, #tpu.memory_space<hbm>>) dst(%dma_wait3A_1782 : memref<128xf32, #tpu.memory_space<vmem>>)
    %dma_wait3A_1789 = arith.constant 5248 : i32
    %dma_wait3A_1790 = tpu.memref_slice %arg15[%dma_wait3A_1789] : memref<8192xf32, #tpu.memory_space<vmem>> -> memref<128xf32, #tpu.memory_space<vmem>>
    %dma_wait3A_1791 = arith.constant 128 : i32
    %dma_wait3A_1792 = tpu.memref_slice %arg13[%dma_wait3A_1791] : memref<512xi32, #tpu.memory_space<vmem>> -> memref<128xi32, #tpu.memory_space<vmem>>
    %dma_wait3A_1793 = arith.constant 801024 : i32
    %dma_wait3A_1794 = tpu.memref_slice %arg5[%dma_wait3A_1793] : memref<1601536xf32, #tpu.memory_space<hbm>> -> memref<799872xf32, #tpu.memory_space<hbm>>
    %dma_wait3A_1795 = arith.constant 0 : i32
    %dma_wait3A_1796 = tpu.memref_slice %dma_wait3A_1794[%dma_wait3A_1795] : memref<799872xf32, #tpu.memory_space<hbm>> -> memref<799872xf32, #tpu.memory_space<hbm>>
    tpu.wait_indirect_dma semaphore(%arg20 : memref<!tpu.dma_semaphore, #tpu.memory_space<semaphore_mem>>) src(%dma_wait3A_1796 : memref<799872xf32, #tpu.memory_space<hbm>>) dst(%dma_wait3A_1790 : memref<128xf32, #tpu.memory_space<vmem>>)
    %dma_wait3A_1797 = arith.constant 5376 : i32
    %dma_wait3A_1798 = tpu.memref_slice %arg14[%dma_wait3A_1797] : memref<8192xf32, #tpu.memory_space<vmem>> -> memref<128xf32, #tpu.memory_space<vmem>>
    %dma_wait3A_1799 = arith.constant 256 : i32
    %dma_wait3A_1800 = tpu.memref_slice %arg12[%dma_wait3A_1799] : memref<512xi32, #tpu.memory_space<vmem>> -> memref<128xi32, #tpu.memory_space<vmem>>
    %dma_wait3A_1801 = arith.constant 8000768 : i32
    %dma_wait3A_1802 = tpu.memref_slice %arg4[%dma_wait3A_1801] : memref<16001024xf32, #tpu.memory_space<hbm>> -> memref<7999616xf32, #tpu.memory_space<hbm>>
    %dma_wait3A_1803 = arith.constant 0 : i32
    %dma_wait3A_1804 = tpu.memref_slice %dma_wait3A_1802[%dma_wait3A_1803] : memref<7999616xf32, #tpu.memory_space<hbm>> -> memref<7999616xf32, #tpu.memory_space<hbm>>
    tpu.wait_indirect_dma semaphore(%arg20 : memref<!tpu.dma_semaphore, #tpu.memory_space<semaphore_mem>>) src(%dma_wait3A_1804 : memref<7999616xf32, #tpu.memory_space<hbm>>) dst(%dma_wait3A_1798 : memref<128xf32, #tpu.memory_space<vmem>>)
    %dma_wait3A_1805 = arith.constant 5376 : i32
    %dma_wait3A_1806 = tpu.memref_slice %arg15[%dma_wait3A_1805] : memref<8192xf32, #tpu.memory_space<vmem>> -> memref<128xf32, #tpu.memory_space<vmem>>
    %dma_wait3A_1807 = arith.constant 256 : i32
    %dma_wait3A_1808 = tpu.memref_slice %arg13[%dma_wait3A_1807] : memref<512xi32, #tpu.memory_space<vmem>> -> memref<128xi32, #tpu.memory_space<vmem>>
    %dma_wait3A_1809 = arith.constant 801024 : i32
    %dma_wait3A_1810 = tpu.memref_slice %arg5[%dma_wait3A_1809] : memref<1601536xf32, #tpu.memory_space<hbm>> -> memref<799872xf32, #tpu.memory_space<hbm>>
    %dma_wait3A_1811 = arith.constant 0 : i32
    %dma_wait3A_1812 = tpu.memref_slice %dma_wait3A_1810[%dma_wait3A_1811] : memref<799872xf32, #tpu.memory_space<hbm>> -> memref<799872xf32, #tpu.memory_space<hbm>>
    tpu.wait_indirect_dma semaphore(%arg20 : memref<!tpu.dma_semaphore, #tpu.memory_space<semaphore_mem>>) src(%dma_wait3A_1812 : memref<799872xf32, #tpu.memory_space<hbm>>) dst(%dma_wait3A_1806 : memref<128xf32, #tpu.memory_space<vmem>>)
    %dma_wait3A_1813 = arith.constant 5504 : i32
    %dma_wait3A_1814 = tpu.memref_slice %arg14[%dma_wait3A_1813] : memref<8192xf32, #tpu.memory_space<vmem>> -> memref<128xf32, #tpu.memory_space<vmem>>
    %dma_wait3A_1815 = arith.constant 384 : i32
    %dma_wait3A_1816 = tpu.memref_slice %arg12[%dma_wait3A_1815] : memref<512xi32, #tpu.memory_space<vmem>> -> memref<128xi32, #tpu.memory_space<vmem>>
    %dma_wait3A_1817 = arith.constant 8000768 : i32
    %dma_wait3A_1818 = tpu.memref_slice %arg4[%dma_wait3A_1817] : memref<16001024xf32, #tpu.memory_space<hbm>> -> memref<7999616xf32, #tpu.memory_space<hbm>>
    %dma_wait3A_1819 = arith.constant 0 : i32
    %dma_wait3A_1820 = tpu.memref_slice %dma_wait3A_1818[%dma_wait3A_1819] : memref<7999616xf32, #tpu.memory_space<hbm>> -> memref<7999616xf32, #tpu.memory_space<hbm>>
    tpu.wait_indirect_dma semaphore(%arg20 : memref<!tpu.dma_semaphore, #tpu.memory_space<semaphore_mem>>) src(%dma_wait3A_1820 : memref<7999616xf32, #tpu.memory_space<hbm>>) dst(%dma_wait3A_1814 : memref<128xf32, #tpu.memory_space<vmem>>)
    %dma_wait3A_1821 = arith.constant 5504 : i32
    %dma_wait3A_1822 = tpu.memref_slice %arg15[%dma_wait3A_1821] : memref<8192xf32, #tpu.memory_space<vmem>> -> memref<128xf32, #tpu.memory_space<vmem>>
    %dma_wait3A_1823 = arith.constant 384 : i32
    %dma_wait3A_1824 = tpu.memref_slice %arg13[%dma_wait3A_1823] : memref<512xi32, #tpu.memory_space<vmem>> -> memref<128xi32, #tpu.memory_space<vmem>>
    %dma_wait3A_1825 = arith.constant 801024 : i32
    %dma_wait3A_1826 = tpu.memref_slice %arg5[%dma_wait3A_1825] : memref<1601536xf32, #tpu.memory_space<hbm>> -> memref<799872xf32, #tpu.memory_space<hbm>>
    %dma_wait3A_1827 = arith.constant 0 : i32
    %dma_wait3A_1828 = tpu.memref_slice %dma_wait3A_1826[%dma_wait3A_1827] : memref<799872xf32, #tpu.memory_space<hbm>> -> memref<799872xf32, #tpu.memory_space<hbm>>
    tpu.wait_indirect_dma semaphore(%arg20 : memref<!tpu.dma_semaphore, #tpu.memory_space<semaphore_mem>>) src(%dma_wait3A_1828 : memref<799872xf32, #tpu.memory_space<hbm>>) dst(%dma_wait3A_1822 : memref<128xf32, #tpu.memory_space<vmem>>)
    %dma_wait3A_1829 = arith.constant 5632 : i32
    %dma_wait3A_1830 = tpu.memref_slice %arg14[%dma_wait3A_1829] : memref<8192xf32, #tpu.memory_space<vmem>> -> memref<128xf32, #tpu.memory_space<vmem>>
    %dma_wait3A_1831 = arith.constant 0 : i32
    %dma_wait3A_1832 = tpu.memref_slice %arg12[%dma_wait3A_1831] : memref<512xi32, #tpu.memory_space<vmem>> -> memref<128xi32, #tpu.memory_space<vmem>>
    %dma_wait3A_1833 = arith.constant 8000896 : i32
    %dma_wait3A_1834 = tpu.memref_slice %arg4[%dma_wait3A_1833] : memref<16001024xf32, #tpu.memory_space<hbm>> -> memref<7999616xf32, #tpu.memory_space<hbm>>
    %dma_wait3A_1835 = arith.constant 0 : i32
    %dma_wait3A_1836 = tpu.memref_slice %dma_wait3A_1834[%dma_wait3A_1835] : memref<7999616xf32, #tpu.memory_space<hbm>> -> memref<7999616xf32, #tpu.memory_space<hbm>>
    tpu.wait_indirect_dma semaphore(%arg20 : memref<!tpu.dma_semaphore, #tpu.memory_space<semaphore_mem>>) src(%dma_wait3A_1836 : memref<7999616xf32, #tpu.memory_space<hbm>>) dst(%dma_wait3A_1830 : memref<128xf32, #tpu.memory_space<vmem>>)
    %dma_wait3A_1837 = arith.constant 5632 : i32
    %dma_wait3A_1838 = tpu.memref_slice %arg15[%dma_wait3A_1837] : memref<8192xf32, #tpu.memory_space<vmem>> -> memref<128xf32, #tpu.memory_space<vmem>>
    %dma_wait3A_1839 = arith.constant 0 : i32
    %dma_wait3A_1840 = tpu.memref_slice %arg13[%dma_wait3A_1839] : memref<512xi32, #tpu.memory_space<vmem>> -> memref<128xi32, #tpu.memory_space<vmem>>
    %dma_wait3A_1841 = arith.constant 801152 : i32
    %dma_wait3A_1842 = tpu.memref_slice %arg5[%dma_wait3A_1841] : memref<1601536xf32, #tpu.memory_space<hbm>> -> memref<799872xf32, #tpu.memory_space<hbm>>
    %dma_wait3A_1843 = arith.constant 0 : i32
    %dma_wait3A_1844 = tpu.memref_slice %dma_wait3A_1842[%dma_wait3A_1843] : memref<799872xf32, #tpu.memory_space<hbm>> -> memref<799872xf32, #tpu.memory_space<hbm>>
    tpu.wait_indirect_dma semaphore(%arg20 : memref<!tpu.dma_semaphore, #tpu.memory_space<semaphore_mem>>) src(%dma_wait3A_1844 : memref<799872xf32, #tpu.memory_space<hbm>>) dst(%dma_wait3A_1838 : memref<128xf32, #tpu.memory_space<vmem>>)
    %dma_wait3A_1845 = arith.constant 5760 : i32
    %dma_wait3A_1846 = tpu.memref_slice %arg14[%dma_wait3A_1845] : memref<8192xf32, #tpu.memory_space<vmem>> -> memref<128xf32, #tpu.memory_space<vmem>>
    %dma_wait3A_1847 = arith.constant 128 : i32
    %dma_wait3A_1848 = tpu.memref_slice %arg12[%dma_wait3A_1847] : memref<512xi32, #tpu.memory_space<vmem>> -> memref<128xi32, #tpu.memory_space<vmem>>
    %dma_wait3A_1849 = arith.constant 8000896 : i32
    %dma_wait3A_1850 = tpu.memref_slice %arg4[%dma_wait3A_1849] : memref<16001024xf32, #tpu.memory_space<hbm>> -> memref<7999616xf32, #tpu.memory_space<hbm>>
    %dma_wait3A_1851 = arith.constant 0 : i32
    %dma_wait3A_1852 = tpu.memref_slice %dma_wait3A_1850[%dma_wait3A_1851] : memref<7999616xf32, #tpu.memory_space<hbm>> -> memref<7999616xf32, #tpu.memory_space<hbm>>
    tpu.wait_indirect_dma semaphore(%arg20 : memref<!tpu.dma_semaphore, #tpu.memory_space<semaphore_mem>>) src(%dma_wait3A_1852 : memref<7999616xf32, #tpu.memory_space<hbm>>) dst(%dma_wait3A_1846 : memref<128xf32, #tpu.memory_space<vmem>>)
    %dma_wait3A_1853 = arith.constant 5760 : i32
    %dma_wait3A_1854 = tpu.memref_slice %arg15[%dma_wait3A_1853] : memref<8192xf32, #tpu.memory_space<vmem>> -> memref<128xf32, #tpu.memory_space<vmem>>
    %dma_wait3A_1855 = arith.constant 128 : i32
    %dma_wait3A_1856 = tpu.memref_slice %arg13[%dma_wait3A_1855] : memref<512xi32, #tpu.memory_space<vmem>> -> memref<128xi32, #tpu.memory_space<vmem>>
    %dma_wait3A_1857 = arith.constant 801152 : i32
    %dma_wait3A_1858 = tpu.memref_slice %arg5[%dma_wait3A_1857] : memref<1601536xf32, #tpu.memory_space<hbm>> -> memref<799872xf32, #tpu.memory_space<hbm>>
    %dma_wait3A_1859 = arith.constant 0 : i32
    %dma_wait3A_1860 = tpu.memref_slice %dma_wait3A_1858[%dma_wait3A_1859] : memref<799872xf32, #tpu.memory_space<hbm>> -> memref<799872xf32, #tpu.memory_space<hbm>>
    tpu.wait_indirect_dma semaphore(%arg20 : memref<!tpu.dma_semaphore, #tpu.memory_space<semaphore_mem>>) src(%dma_wait3A_1860 : memref<799872xf32, #tpu.memory_space<hbm>>) dst(%dma_wait3A_1854 : memref<128xf32, #tpu.memory_space<vmem>>)
    %dma_wait3A_1861 = arith.constant 5888 : i32
    %dma_wait3A_1862 = tpu.memref_slice %arg14[%dma_wait3A_1861] : memref<8192xf32, #tpu.memory_space<vmem>> -> memref<128xf32, #tpu.memory_space<vmem>>
    %dma_wait3A_1863 = arith.constant 256 : i32
    %dma_wait3A_1864 = tpu.memref_slice %arg12[%dma_wait3A_1863] : memref<512xi32, #tpu.memory_space<vmem>> -> memref<128xi32, #tpu.memory_space<vmem>>
    %dma_wait3A_1865 = arith.constant 8000896 : i32
    %dma_wait3A_1866 = tpu.memref_slice %arg4[%dma_wait3A_1865] : memref<16001024xf32, #tpu.memory_space<hbm>> -> memref<7999616xf32, #tpu.memory_space<hbm>>
    %dma_wait3A_1867 = arith.constant 0 : i32
    %dma_wait3A_1868 = tpu.memref_slice %dma_wait3A_1866[%dma_wait3A_1867] : memref<7999616xf32, #tpu.memory_space<hbm>> -> memref<7999616xf32, #tpu.memory_space<hbm>>
    tpu.wait_indirect_dma semaphore(%arg20 : memref<!tpu.dma_semaphore, #tpu.memory_space<semaphore_mem>>) src(%dma_wait3A_1868 : memref<7999616xf32, #tpu.memory_space<hbm>>) dst(%dma_wait3A_1862 : memref<128xf32, #tpu.memory_space<vmem>>)
    %dma_wait3A_1869 = arith.constant 5888 : i32
    %dma_wait3A_1870 = tpu.memref_slice %arg15[%dma_wait3A_1869] : memref<8192xf32, #tpu.memory_space<vmem>> -> memref<128xf32, #tpu.memory_space<vmem>>
    %dma_wait3A_1871 = arith.constant 256 : i32
    %dma_wait3A_1872 = tpu.memref_slice %arg13[%dma_wait3A_1871] : memref<512xi32, #tpu.memory_space<vmem>> -> memref<128xi32, #tpu.memory_space<vmem>>
    %dma_wait3A_1873 = arith.constant 801152 : i32
    %dma_wait3A_1874 = tpu.memref_slice %arg5[%dma_wait3A_1873] : memref<1601536xf32, #tpu.memory_space<hbm>> -> memref<799872xf32, #tpu.memory_space<hbm>>
    %dma_wait3A_1875 = arith.constant 0 : i32
    %dma_wait3A_1876 = tpu.memref_slice %dma_wait3A_1874[%dma_wait3A_1875] : memref<799872xf32, #tpu.memory_space<hbm>> -> memref<799872xf32, #tpu.memory_space<hbm>>
    tpu.wait_indirect_dma semaphore(%arg20 : memref<!tpu.dma_semaphore, #tpu.memory_space<semaphore_mem>>) src(%dma_wait3A_1876 : memref<799872xf32, #tpu.memory_space<hbm>>) dst(%dma_wait3A_1870 : memref<128xf32, #tpu.memory_space<vmem>>)
    %dma_wait3A_1877 = arith.constant 6016 : i32
    %dma_wait3A_1878 = tpu.memref_slice %arg14[%dma_wait3A_1877] : memref<8192xf32, #tpu.memory_space<vmem>> -> memref<128xf32, #tpu.memory_space<vmem>>
    %dma_wait3A_1879 = arith.constant 384 : i32
    %dma_wait3A_1880 = tpu.memref_slice %arg12[%dma_wait3A_1879] : memref<512xi32, #tpu.memory_space<vmem>> -> memref<128xi32, #tpu.memory_space<vmem>>
    %dma_wait3A_1881 = arith.constant 8000896 : i32
    %dma_wait3A_1882 = tpu.memref_slice %arg4[%dma_wait3A_1881] : memref<16001024xf32, #tpu.memory_space<hbm>> -> memref<7999616xf32, #tpu.memory_space<hbm>>
    %dma_wait3A_1883 = arith.constant 0 : i32
    %dma_wait3A_1884 = tpu.memref_slice %dma_wait3A_1882[%dma_wait3A_1883] : memref<7999616xf32, #tpu.memory_space<hbm>> -> memref<7999616xf32, #tpu.memory_space<hbm>>
    tpu.wait_indirect_dma semaphore(%arg20 : memref<!tpu.dma_semaphore, #tpu.memory_space<semaphore_mem>>) src(%dma_wait3A_1884 : memref<7999616xf32, #tpu.memory_space<hbm>>) dst(%dma_wait3A_1878 : memref<128xf32, #tpu.memory_space<vmem>>)
    %dma_wait3A_1885 = arith.constant 6016 : i32
    %dma_wait3A_1886 = tpu.memref_slice %arg15[%dma_wait3A_1885] : memref<8192xf32, #tpu.memory_space<vmem>> -> memref<128xf32, #tpu.memory_space<vmem>>
    %dma_wait3A_1887 = arith.constant 384 : i32
    %dma_wait3A_1888 = tpu.memref_slice %arg13[%dma_wait3A_1887] : memref<512xi32, #tpu.memory_space<vmem>> -> memref<128xi32, #tpu.memory_space<vmem>>
    %dma_wait3A_1889 = arith.constant 801152 : i32
    %dma_wait3A_1890 = tpu.memref_slice %arg5[%dma_wait3A_1889] : memref<1601536xf32, #tpu.memory_space<hbm>> -> memref<799872xf32, #tpu.memory_space<hbm>>
    %dma_wait3A_1891 = arith.constant 0 : i32
    %dma_wait3A_1892 = tpu.memref_slice %dma_wait3A_1890[%dma_wait3A_1891] : memref<799872xf32, #tpu.memory_space<hbm>> -> memref<799872xf32, #tpu.memory_space<hbm>>
    tpu.wait_indirect_dma semaphore(%arg20 : memref<!tpu.dma_semaphore, #tpu.memory_space<semaphore_mem>>) src(%dma_wait3A_1892 : memref<799872xf32, #tpu.memory_space<hbm>>) dst(%dma_wait3A_1886 : memref<128xf32, #tpu.memory_space<vmem>>)
    %dma_wait3A_1893 = arith.constant 6144 : i32
    %dma_wait3A_1894 = tpu.memref_slice %arg14[%dma_wait3A_1893] : memref<8192xf32, #tpu.memory_space<vmem>> -> memref<128xf32, #tpu.memory_space<vmem>>
    %dma_wait3A_1895 = arith.constant 0 : i32
    %dma_wait3A_1896 = tpu.memref_slice %arg12[%dma_wait3A_1895] : memref<512xi32, #tpu.memory_space<vmem>> -> memref<128xi32, #tpu.memory_space<vmem>>
    %dma_wait3A_1897 = arith.constant 8001024 : i32
    %dma_wait3A_1898 = tpu.memref_slice %arg4[%dma_wait3A_1897] : memref<16001024xf32, #tpu.memory_space<hbm>> -> memref<7999616xf32, #tpu.memory_space<hbm>>
    %dma_wait3A_1899 = arith.constant 0 : i32
    %dma_wait3A_1900 = tpu.memref_slice %dma_wait3A_1898[%dma_wait3A_1899] : memref<7999616xf32, #tpu.memory_space<hbm>> -> memref<7999616xf32, #tpu.memory_space<hbm>>
    tpu.wait_indirect_dma semaphore(%arg20 : memref<!tpu.dma_semaphore, #tpu.memory_space<semaphore_mem>>) src(%dma_wait3A_1900 : memref<7999616xf32, #tpu.memory_space<hbm>>) dst(%dma_wait3A_1894 : memref<128xf32, #tpu.memory_space<vmem>>)
    %dma_wait3A_1901 = arith.constant 6144 : i32
    %dma_wait3A_1902 = tpu.memref_slice %arg15[%dma_wait3A_1901] : memref<8192xf32, #tpu.memory_space<vmem>> -> memref<128xf32, #tpu.memory_space<vmem>>
    %dma_wait3A_1903 = arith.constant 0 : i32
    %dma_wait3A_1904 = tpu.memref_slice %arg13[%dma_wait3A_1903] : memref<512xi32, #tpu.memory_space<vmem>> -> memref<128xi32, #tpu.memory_space<vmem>>
    %dma_wait3A_1905 = arith.constant 801280 : i32
    %dma_wait3A_1906 = tpu.memref_slice %arg5[%dma_wait3A_1905] : memref<1601536xf32, #tpu.memory_space<hbm>> -> memref<799872xf32, #tpu.memory_space<hbm>>
    %dma_wait3A_1907 = arith.constant 0 : i32
    %dma_wait3A_1908 = tpu.memref_slice %dma_wait3A_1906[%dma_wait3A_1907] : memref<799872xf32, #tpu.memory_space<hbm>> -> memref<799872xf32, #tpu.memory_space<hbm>>
    tpu.wait_indirect_dma semaphore(%arg20 : memref<!tpu.dma_semaphore, #tpu.memory_space<semaphore_mem>>) src(%dma_wait3A_1908 : memref<799872xf32, #tpu.memory_space<hbm>>) dst(%dma_wait3A_1902 : memref<128xf32, #tpu.memory_space<vmem>>)
    %dma_wait3A_1909 = arith.constant 6272 : i32
    %dma_wait3A_1910 = tpu.memref_slice %arg14[%dma_wait3A_1909] : memref<8192xf32, #tpu.memory_space<vmem>> -> memref<128xf32, #tpu.memory_space<vmem>>
    %dma_wait3A_1911 = arith.constant 128 : i32
    %dma_wait3A_1912 = tpu.memref_slice %arg12[%dma_wait3A_1911] : memref<512xi32, #tpu.memory_space<vmem>> -> memref<128xi32, #tpu.memory_space<vmem>>
    %dma_wait3A_1913 = arith.constant 8001024 : i32
    %dma_wait3A_1914 = tpu.memref_slice %arg4[%dma_wait3A_1913] : memref<16001024xf32, #tpu.memory_space<hbm>> -> memref<7999616xf32, #tpu.memory_space<hbm>>
    %dma_wait3A_1915 = arith.constant 0 : i32
    %dma_wait3A_1916 = tpu.memref_slice %dma_wait3A_1914[%dma_wait3A_1915] : memref<7999616xf32, #tpu.memory_space<hbm>> -> memref<7999616xf32, #tpu.memory_space<hbm>>
    tpu.wait_indirect_dma semaphore(%arg20 : memref<!tpu.dma_semaphore, #tpu.memory_space<semaphore_mem>>) src(%dma_wait3A_1916 : memref<7999616xf32, #tpu.memory_space<hbm>>) dst(%dma_wait3A_1910 : memref<128xf32, #tpu.memory_space<vmem>>)
    %dma_wait3A_1917 = arith.constant 6272 : i32
    %dma_wait3A_1918 = tpu.memref_slice %arg15[%dma_wait3A_1917] : memref<8192xf32, #tpu.memory_space<vmem>> -> memref<128xf32, #tpu.memory_space<vmem>>
    %dma_wait3A_1919 = arith.constant 128 : i32
    %dma_wait3A_1920 = tpu.memref_slice %arg13[%dma_wait3A_1919] : memref<512xi32, #tpu.memory_space<vmem>> -> memref<128xi32, #tpu.memory_space<vmem>>
    %dma_wait3A_1921 = arith.constant 801280 : i32
    %dma_wait3A_1922 = tpu.memref_slice %arg5[%dma_wait3A_1921] : memref<1601536xf32, #tpu.memory_space<hbm>> -> memref<799872xf32, #tpu.memory_space<hbm>>
    %dma_wait3A_1923 = arith.constant 0 : i32
    %dma_wait3A_1924 = tpu.memref_slice %dma_wait3A_1922[%dma_wait3A_1923] : memref<799872xf32, #tpu.memory_space<hbm>> -> memref<799872xf32, #tpu.memory_space<hbm>>
    tpu.wait_indirect_dma semaphore(%arg20 : memref<!tpu.dma_semaphore, #tpu.memory_space<semaphore_mem>>) src(%dma_wait3A_1924 : memref<799872xf32, #tpu.memory_space<hbm>>) dst(%dma_wait3A_1918 : memref<128xf32, #tpu.memory_space<vmem>>)
    %dma_wait3A_1925 = arith.constant 6400 : i32
    %dma_wait3A_1926 = tpu.memref_slice %arg14[%dma_wait3A_1925] : memref<8192xf32, #tpu.memory_space<vmem>> -> memref<128xf32, #tpu.memory_space<vmem>>
    %dma_wait3A_1927 = arith.constant 256 : i32
    %dma_wait3A_1928 = tpu.memref_slice %arg12[%dma_wait3A_1927] : memref<512xi32, #tpu.memory_space<vmem>> -> memref<128xi32, #tpu.memory_space<vmem>>
    %dma_wait3A_1929 = arith.constant 8001024 : i32
    %dma_wait3A_1930 = tpu.memref_slice %arg4[%dma_wait3A_1929] : memref<16001024xf32, #tpu.memory_space<hbm>> -> memref<7999616xf32, #tpu.memory_space<hbm>>
    %dma_wait3A_1931 = arith.constant 0 : i32
    %dma_wait3A_1932 = tpu.memref_slice %dma_wait3A_1930[%dma_wait3A_1931] : memref<7999616xf32, #tpu.memory_space<hbm>> -> memref<7999616xf32, #tpu.memory_space<hbm>>
    tpu.wait_indirect_dma semaphore(%arg20 : memref<!tpu.dma_semaphore, #tpu.memory_space<semaphore_mem>>) src(%dma_wait3A_1932 : memref<7999616xf32, #tpu.memory_space<hbm>>) dst(%dma_wait3A_1926 : memref<128xf32, #tpu.memory_space<vmem>>)
    %dma_wait3A_1933 = arith.constant 6400 : i32
    %dma_wait3A_1934 = tpu.memref_slice %arg15[%dma_wait3A_1933] : memref<8192xf32, #tpu.memory_space<vmem>> -> memref<128xf32, #tpu.memory_space<vmem>>
    %dma_wait3A_1935 = arith.constant 256 : i32
    %dma_wait3A_1936 = tpu.memref_slice %arg13[%dma_wait3A_1935] : memref<512xi32, #tpu.memory_space<vmem>> -> memref<128xi32, #tpu.memory_space<vmem>>
    %dma_wait3A_1937 = arith.constant 801280 : i32
    %dma_wait3A_1938 = tpu.memref_slice %arg5[%dma_wait3A_1937] : memref<1601536xf32, #tpu.memory_space<hbm>> -> memref<799872xf32, #tpu.memory_space<hbm>>
    %dma_wait3A_1939 = arith.constant 0 : i32
    %dma_wait3A_1940 = tpu.memref_slice %dma_wait3A_1938[%dma_wait3A_1939] : memref<799872xf32, #tpu.memory_space<hbm>> -> memref<799872xf32, #tpu.memory_space<hbm>>
    tpu.wait_indirect_dma semaphore(%arg20 : memref<!tpu.dma_semaphore, #tpu.memory_space<semaphore_mem>>) src(%dma_wait3A_1940 : memref<799872xf32, #tpu.memory_space<hbm>>) dst(%dma_wait3A_1934 : memref<128xf32, #tpu.memory_space<vmem>>)
    %dma_wait3A_1941 = arith.constant 6528 : i32
    %dma_wait3A_1942 = tpu.memref_slice %arg14[%dma_wait3A_1941] : memref<8192xf32, #tpu.memory_space<vmem>> -> memref<128xf32, #tpu.memory_space<vmem>>
    %dma_wait3A_1943 = arith.constant 384 : i32
    %dma_wait3A_1944 = tpu.memref_slice %arg12[%dma_wait3A_1943] : memref<512xi32, #tpu.memory_space<vmem>> -> memref<128xi32, #tpu.memory_space<vmem>>
    %dma_wait3A_1945 = arith.constant 8001024 : i32
    %dma_wait3A_1946 = tpu.memref_slice %arg4[%dma_wait3A_1945] : memref<16001024xf32, #tpu.memory_space<hbm>> -> memref<7999616xf32, #tpu.memory_space<hbm>>
    %dma_wait3A_1947 = arith.constant 0 : i32
    %dma_wait3A_1948 = tpu.memref_slice %dma_wait3A_1946[%dma_wait3A_1947] : memref<7999616xf32, #tpu.memory_space<hbm>> -> memref<7999616xf32, #tpu.memory_space<hbm>>
    tpu.wait_indirect_dma semaphore(%arg20 : memref<!tpu.dma_semaphore, #tpu.memory_space<semaphore_mem>>) src(%dma_wait3A_1948 : memref<7999616xf32, #tpu.memory_space<hbm>>) dst(%dma_wait3A_1942 : memref<128xf32, #tpu.memory_space<vmem>>)
    %dma_wait3A_1949 = arith.constant 6528 : i32
    %dma_wait3A_1950 = tpu.memref_slice %arg15[%dma_wait3A_1949] : memref<8192xf32, #tpu.memory_space<vmem>> -> memref<128xf32, #tpu.memory_space<vmem>>
    %dma_wait3A_1951 = arith.constant 384 : i32
    %dma_wait3A_1952 = tpu.memref_slice %arg13[%dma_wait3A_1951] : memref<512xi32, #tpu.memory_space<vmem>> -> memref<128xi32, #tpu.memory_space<vmem>>
    %dma_wait3A_1953 = arith.constant 801280 : i32
    %dma_wait3A_1954 = tpu.memref_slice %arg5[%dma_wait3A_1953] : memref<1601536xf32, #tpu.memory_space<hbm>> -> memref<799872xf32, #tpu.memory_space<hbm>>
    %dma_wait3A_1955 = arith.constant 0 : i32
    %dma_wait3A_1956 = tpu.memref_slice %dma_wait3A_1954[%dma_wait3A_1955] : memref<799872xf32, #tpu.memory_space<hbm>> -> memref<799872xf32, #tpu.memory_space<hbm>>
    tpu.wait_indirect_dma semaphore(%arg20 : memref<!tpu.dma_semaphore, #tpu.memory_space<semaphore_mem>>) src(%dma_wait3A_1956 : memref<799872xf32, #tpu.memory_space<hbm>>) dst(%dma_wait3A_1950 : memref<128xf32, #tpu.memory_space<vmem>>)
    %dma_wait3A_1957 = arith.constant 6656 : i32
    %dma_wait3A_1958 = tpu.memref_slice %arg14[%dma_wait3A_1957] : memref<8192xf32, #tpu.memory_space<vmem>> -> memref<128xf32, #tpu.memory_space<vmem>>
    %dma_wait3A_1959 = arith.constant 0 : i32
    %dma_wait3A_1960 = tpu.memref_slice %arg12[%dma_wait3A_1959] : memref<512xi32, #tpu.memory_space<vmem>> -> memref<128xi32, #tpu.memory_space<vmem>>
    %dma_wait3A_1961 = arith.constant 8001152 : i32
    %dma_wait3A_1962 = tpu.memref_slice %arg4[%dma_wait3A_1961] : memref<16001024xf32, #tpu.memory_space<hbm>> -> memref<7999616xf32, #tpu.memory_space<hbm>>
    %dma_wait3A_1963 = arith.constant 0 : i32
    %dma_wait3A_1964 = tpu.memref_slice %dma_wait3A_1962[%dma_wait3A_1963] : memref<7999616xf32, #tpu.memory_space<hbm>> -> memref<7999616xf32, #tpu.memory_space<hbm>>
    tpu.wait_indirect_dma semaphore(%arg20 : memref<!tpu.dma_semaphore, #tpu.memory_space<semaphore_mem>>) src(%dma_wait3A_1964 : memref<7999616xf32, #tpu.memory_space<hbm>>) dst(%dma_wait3A_1958 : memref<128xf32, #tpu.memory_space<vmem>>)
    %dma_wait3A_1965 = arith.constant 6656 : i32
    %dma_wait3A_1966 = tpu.memref_slice %arg15[%dma_wait3A_1965] : memref<8192xf32, #tpu.memory_space<vmem>> -> memref<128xf32, #tpu.memory_space<vmem>>
    %dma_wait3A_1967 = arith.constant 0 : i32
    %dma_wait3A_1968 = tpu.memref_slice %arg13[%dma_wait3A_1967] : memref<512xi32, #tpu.memory_space<vmem>> -> memref<128xi32, #tpu.memory_space<vmem>>
    %dma_wait3A_1969 = arith.constant 801408 : i32
    %dma_wait3A_1970 = tpu.memref_slice %arg5[%dma_wait3A_1969] : memref<1601536xf32, #tpu.memory_space<hbm>> -> memref<799872xf32, #tpu.memory_space<hbm>>
    %dma_wait3A_1971 = arith.constant 0 : i32
    %dma_wait3A_1972 = tpu.memref_slice %dma_wait3A_1970[%dma_wait3A_1971] : memref<799872xf32, #tpu.memory_space<hbm>> -> memref<799872xf32, #tpu.memory_space<hbm>>
    tpu.wait_indirect_dma semaphore(%arg20 : memref<!tpu.dma_semaphore, #tpu.memory_space<semaphore_mem>>) src(%dma_wait3A_1972 : memref<799872xf32, #tpu.memory_space<hbm>>) dst(%dma_wait3A_1966 : memref<128xf32, #tpu.memory_space<vmem>>)
    %dma_wait3A_1973 = arith.constant 6784 : i32
    %dma_wait3A_1974 = tpu.memref_slice %arg14[%dma_wait3A_1973] : memref<8192xf32, #tpu.memory_space<vmem>> -> memref<128xf32, #tpu.memory_space<vmem>>
    %dma_wait3A_1975 = arith.constant 128 : i32
    %dma_wait3A_1976 = tpu.memref_slice %arg12[%dma_wait3A_1975] : memref<512xi32, #tpu.memory_space<vmem>> -> memref<128xi32, #tpu.memory_space<vmem>>
    %dma_wait3A_1977 = arith.constant 8001152 : i32
    %dma_wait3A_1978 = tpu.memref_slice %arg4[%dma_wait3A_1977] : memref<16001024xf32, #tpu.memory_space<hbm>> -> memref<7999616xf32, #tpu.memory_space<hbm>>
    %dma_wait3A_1979 = arith.constant 0 : i32
    %dma_wait3A_1980 = tpu.memref_slice %dma_wait3A_1978[%dma_wait3A_1979] : memref<7999616xf32, #tpu.memory_space<hbm>> -> memref<7999616xf32, #tpu.memory_space<hbm>>
    tpu.wait_indirect_dma semaphore(%arg20 : memref<!tpu.dma_semaphore, #tpu.memory_space<semaphore_mem>>) src(%dma_wait3A_1980 : memref<7999616xf32, #tpu.memory_space<hbm>>) dst(%dma_wait3A_1974 : memref<128xf32, #tpu.memory_space<vmem>>)
    %dma_wait3A_1981 = arith.constant 6784 : i32
    %dma_wait3A_1982 = tpu.memref_slice %arg15[%dma_wait3A_1981] : memref<8192xf32, #tpu.memory_space<vmem>> -> memref<128xf32, #tpu.memory_space<vmem>>
    %dma_wait3A_1983 = arith.constant 128 : i32
    %dma_wait3A_1984 = tpu.memref_slice %arg13[%dma_wait3A_1983] : memref<512xi32, #tpu.memory_space<vmem>> -> memref<128xi32, #tpu.memory_space<vmem>>
    %dma_wait3A_1985 = arith.constant 801408 : i32
    %dma_wait3A_1986 = tpu.memref_slice %arg5[%dma_wait3A_1985] : memref<1601536xf32, #tpu.memory_space<hbm>> -> memref<799872xf32, #tpu.memory_space<hbm>>
    %dma_wait3A_1987 = arith.constant 0 : i32
    %dma_wait3A_1988 = tpu.memref_slice %dma_wait3A_1986[%dma_wait3A_1987] : memref<799872xf32, #tpu.memory_space<hbm>> -> memref<799872xf32, #tpu.memory_space<hbm>>
    tpu.wait_indirect_dma semaphore(%arg20 : memref<!tpu.dma_semaphore, #tpu.memory_space<semaphore_mem>>) src(%dma_wait3A_1988 : memref<799872xf32, #tpu.memory_space<hbm>>) dst(%dma_wait3A_1982 : memref<128xf32, #tpu.memory_space<vmem>>)
    %dma_wait3A_1989 = arith.constant 6912 : i32
    %dma_wait3A_1990 = tpu.memref_slice %arg14[%dma_wait3A_1989] : memref<8192xf32, #tpu.memory_space<vmem>> -> memref<128xf32, #tpu.memory_space<vmem>>
    %dma_wait3A_1991 = arith.constant 256 : i32
    %dma_wait3A_1992 = tpu.memref_slice %arg12[%dma_wait3A_1991] : memref<512xi32, #tpu.memory_space<vmem>> -> memref<128xi32, #tpu.memory_space<vmem>>
    %dma_wait3A_1993 = arith.constant 8001152 : i32
    %dma_wait3A_1994 = tpu.memref_slice %arg4[%dma_wait3A_1993] : memref<16001024xf32, #tpu.memory_space<hbm>> -> memref<7999616xf32, #tpu.memory_space<hbm>>
    %dma_wait3A_1995 = arith.constant 0 : i32
    %dma_wait3A_1996 = tpu.memref_slice %dma_wait3A_1994[%dma_wait3A_1995] : memref<7999616xf32, #tpu.memory_space<hbm>> -> memref<7999616xf32, #tpu.memory_space<hbm>>
    tpu.wait_indirect_dma semaphore(%arg20 : memref<!tpu.dma_semaphore, #tpu.memory_space<semaphore_mem>>) src(%dma_wait3A_1996 : memref<7999616xf32, #tpu.memory_space<hbm>>) dst(%dma_wait3A_1990 : memref<128xf32, #tpu.memory_space<vmem>>)
    %dma_wait3A_1997 = arith.constant 6912 : i32
    %dma_wait3A_1998 = tpu.memref_slice %arg15[%dma_wait3A_1997] : memref<8192xf32, #tpu.memory_space<vmem>> -> memref<128xf32, #tpu.memory_space<vmem>>
    %dma_wait3A_1999 = arith.constant 256 : i32
    %dma_wait3A_2000 = tpu.memref_slice %arg13[%dma_wait3A_1999] : memref<512xi32, #tpu.memory_space<vmem>> -> memref<128xi32, #tpu.memory_space<vmem>>
    %dma_wait3A_2001 = arith.constant 801408 : i32
    %dma_wait3A_2002 = tpu.memref_slice %arg5[%dma_wait3A_2001] : memref<1601536xf32, #tpu.memory_space<hbm>> -> memref<799872xf32, #tpu.memory_space<hbm>>
    %dma_wait3A_2003 = arith.constant 0 : i32
    %dma_wait3A_2004 = tpu.memref_slice %dma_wait3A_2002[%dma_wait3A_2003] : memref<799872xf32, #tpu.memory_space<hbm>> -> memref<799872xf32, #tpu.memory_space<hbm>>
    tpu.wait_indirect_dma semaphore(%arg20 : memref<!tpu.dma_semaphore, #tpu.memory_space<semaphore_mem>>) src(%dma_wait3A_2004 : memref<799872xf32, #tpu.memory_space<hbm>>) dst(%dma_wait3A_1998 : memref<128xf32, #tpu.memory_space<vmem>>)
    %dma_wait3A_2005 = arith.constant 7040 : i32
    %dma_wait3A_2006 = tpu.memref_slice %arg14[%dma_wait3A_2005] : memref<8192xf32, #tpu.memory_space<vmem>> -> memref<128xf32, #tpu.memory_space<vmem>>
    %dma_wait3A_2007 = arith.constant 384 : i32
    %dma_wait3A_2008 = tpu.memref_slice %arg12[%dma_wait3A_2007] : memref<512xi32, #tpu.memory_space<vmem>> -> memref<128xi32, #tpu.memory_space<vmem>>
    %dma_wait3A_2009 = arith.constant 8001152 : i32
    %dma_wait3A_2010 = tpu.memref_slice %arg4[%dma_wait3A_2009] : memref<16001024xf32, #tpu.memory_space<hbm>> -> memref<7999616xf32, #tpu.memory_space<hbm>>
    %dma_wait3A_2011 = arith.constant 0 : i32
    %dma_wait3A_2012 = tpu.memref_slice %dma_wait3A_2010[%dma_wait3A_2011] : memref<7999616xf32, #tpu.memory_space<hbm>> -> memref<7999616xf32, #tpu.memory_space<hbm>>
    tpu.wait_indirect_dma semaphore(%arg20 : memref<!tpu.dma_semaphore, #tpu.memory_space<semaphore_mem>>) src(%dma_wait3A_2012 : memref<7999616xf32, #tpu.memory_space<hbm>>) dst(%dma_wait3A_2006 : memref<128xf32, #tpu.memory_space<vmem>>)
    %dma_wait3A_2013 = arith.constant 7040 : i32
    %dma_wait3A_2014 = tpu.memref_slice %arg15[%dma_wait3A_2013] : memref<8192xf32, #tpu.memory_space<vmem>> -> memref<128xf32, #tpu.memory_space<vmem>>
    %dma_wait3A_2015 = arith.constant 384 : i32
    %dma_wait3A_2016 = tpu.memref_slice %arg13[%dma_wait3A_2015] : memref<512xi32, #tpu.memory_space<vmem>> -> memref<128xi32, #tpu.memory_space<vmem>>
    %dma_wait3A_2017 = arith.constant 801408 : i32
    %dma_wait3A_2018 = tpu.memref_slice %arg5[%dma_wait3A_2017] : memref<1601536xf32, #tpu.memory_space<hbm>> -> memref<799872xf32, #tpu.memory_space<hbm>>
    %dma_wait3A_2019 = arith.constant 0 : i32
    %dma_wait3A_2020 = tpu.memref_slice %dma_wait3A_2018[%dma_wait3A_2019] : memref<799872xf32, #tpu.memory_space<hbm>> -> memref<799872xf32, #tpu.memory_space<hbm>>
    tpu.wait_indirect_dma semaphore(%arg20 : memref<!tpu.dma_semaphore, #tpu.memory_space<semaphore_mem>>) src(%dma_wait3A_2020 : memref<799872xf32, #tpu.memory_space<hbm>>) dst(%dma_wait3A_2014 : memref<128xf32, #tpu.memory_space<vmem>>)
    %dma_wait3A_2021 = arith.constant 7168 : i32
    %dma_wait3A_2022 = tpu.memref_slice %arg14[%dma_wait3A_2021] : memref<8192xf32, #tpu.memory_space<vmem>> -> memref<128xf32, #tpu.memory_space<vmem>>
    %dma_wait3A_2023 = arith.constant 0 : i32
    %dma_wait3A_2024 = tpu.memref_slice %arg12[%dma_wait3A_2023] : memref<512xi32, #tpu.memory_space<vmem>> -> memref<128xi32, #tpu.memory_space<vmem>>
    %dma_wait3A_2025 = arith.constant 8001280 : i32
    %dma_wait3A_2026 = tpu.memref_slice %arg4[%dma_wait3A_2025] : memref<16001024xf32, #tpu.memory_space<hbm>> -> memref<7999616xf32, #tpu.memory_space<hbm>>
    %dma_wait3A_2027 = arith.constant 0 : i32
    %dma_wait3A_2028 = tpu.memref_slice %dma_wait3A_2026[%dma_wait3A_2027] : memref<7999616xf32, #tpu.memory_space<hbm>> -> memref<7999616xf32, #tpu.memory_space<hbm>>
    tpu.wait_indirect_dma semaphore(%arg20 : memref<!tpu.dma_semaphore, #tpu.memory_space<semaphore_mem>>) src(%dma_wait3A_2028 : memref<7999616xf32, #tpu.memory_space<hbm>>) dst(%dma_wait3A_2022 : memref<128xf32, #tpu.memory_space<vmem>>)
    %dma_wait3A_2029 = arith.constant 7168 : i32
    %dma_wait3A_2030 = tpu.memref_slice %arg15[%dma_wait3A_2029] : memref<8192xf32, #tpu.memory_space<vmem>> -> memref<128xf32, #tpu.memory_space<vmem>>
    %dma_wait3A_2031 = arith.constant 0 : i32
    %dma_wait3A_2032 = tpu.memref_slice %arg13[%dma_wait3A_2031] : memref<512xi32, #tpu.memory_space<vmem>> -> memref<128xi32, #tpu.memory_space<vmem>>
    %dma_wait3A_2033 = arith.constant 801536 : i32
    %dma_wait3A_2034 = tpu.memref_slice %arg5[%dma_wait3A_2033] : memref<1601536xf32, #tpu.memory_space<hbm>> -> memref<799872xf32, #tpu.memory_space<hbm>>
    %dma_wait3A_2035 = arith.constant 0 : i32
    %dma_wait3A_2036 = tpu.memref_slice %dma_wait3A_2034[%dma_wait3A_2035] : memref<799872xf32, #tpu.memory_space<hbm>> -> memref<799872xf32, #tpu.memory_space<hbm>>
    tpu.wait_indirect_dma semaphore(%arg20 : memref<!tpu.dma_semaphore, #tpu.memory_space<semaphore_mem>>) src(%dma_wait3A_2036 : memref<799872xf32, #tpu.memory_space<hbm>>) dst(%dma_wait3A_2030 : memref<128xf32, #tpu.memory_space<vmem>>)
    %dma_wait3A_2037 = arith.constant 7296 : i32
    %dma_wait3A_2038 = tpu.memref_slice %arg14[%dma_wait3A_2037] : memref<8192xf32, #tpu.memory_space<vmem>> -> memref<128xf32, #tpu.memory_space<vmem>>
    %dma_wait3A_2039 = arith.constant 128 : i32
    %dma_wait3A_2040 = tpu.memref_slice %arg12[%dma_wait3A_2039] : memref<512xi32, #tpu.memory_space<vmem>> -> memref<128xi32, #tpu.memory_space<vmem>>
    %dma_wait3A_2041 = arith.constant 8001280 : i32
    %dma_wait3A_2042 = tpu.memref_slice %arg4[%dma_wait3A_2041] : memref<16001024xf32, #tpu.memory_space<hbm>> -> memref<7999616xf32, #tpu.memory_space<hbm>>
    %dma_wait3A_2043 = arith.constant 0 : i32
    %dma_wait3A_2044 = tpu.memref_slice %dma_wait3A_2042[%dma_wait3A_2043] : memref<7999616xf32, #tpu.memory_space<hbm>> -> memref<7999616xf32, #tpu.memory_space<hbm>>
    tpu.wait_indirect_dma semaphore(%arg20 : memref<!tpu.dma_semaphore, #tpu.memory_space<semaphore_mem>>) src(%dma_wait3A_2044 : memref<7999616xf32, #tpu.memory_space<hbm>>) dst(%dma_wait3A_2038 : memref<128xf32, #tpu.memory_space<vmem>>)
    %dma_wait3A_2045 = arith.constant 7296 : i32
    %dma_wait3A_2046 = tpu.memref_slice %arg15[%dma_wait3A_2045] : memref<8192xf32, #tpu.memory_space<vmem>> -> memref<128xf32, #tpu.memory_space<vmem>>
    %dma_wait3A_2047 = arith.constant 128 : i32
    %dma_wait3A_2048 = tpu.memref_slice %arg13[%dma_wait3A_2047] : memref<512xi32, #tpu.memory_space<vmem>> -> memref<128xi32, #tpu.memory_space<vmem>>
    %dma_wait3A_2049 = arith.constant 801536 : i32
    %dma_wait3A_2050 = tpu.memref_slice %arg5[%dma_wait3A_2049] : memref<1601536xf32, #tpu.memory_space<hbm>> -> memref<799872xf32, #tpu.memory_space<hbm>>
    %dma_wait3A_2051 = arith.constant 0 : i32
    %dma_wait3A_2052 = tpu.memref_slice %dma_wait3A_2050[%dma_wait3A_2051] : memref<799872xf32, #tpu.memory_space<hbm>> -> memref<799872xf32, #tpu.memory_space<hbm>>
    tpu.wait_indirect_dma semaphore(%arg20 : memref<!tpu.dma_semaphore, #tpu.memory_space<semaphore_mem>>) src(%dma_wait3A_2052 : memref<799872xf32, #tpu.memory_space<hbm>>) dst(%dma_wait3A_2046 : memref<128xf32, #tpu.memory_space<vmem>>)
    %dma_wait3A_2053 = arith.constant 7424 : i32
    %dma_wait3A_2054 = tpu.memref_slice %arg14[%dma_wait3A_2053] : memref<8192xf32, #tpu.memory_space<vmem>> -> memref<128xf32, #tpu.memory_space<vmem>>
    %dma_wait3A_2055 = arith.constant 256 : i32
    %dma_wait3A_2056 = tpu.memref_slice %arg12[%dma_wait3A_2055] : memref<512xi32, #tpu.memory_space<vmem>> -> memref<128xi32, #tpu.memory_space<vmem>>
    %dma_wait3A_2057 = arith.constant 8001280 : i32
    %dma_wait3A_2058 = tpu.memref_slice %arg4[%dma_wait3A_2057] : memref<16001024xf32, #tpu.memory_space<hbm>> -> memref<7999616xf32, #tpu.memory_space<hbm>>
    %dma_wait3A_2059 = arith.constant 0 : i32
    %dma_wait3A_2060 = tpu.memref_slice %dma_wait3A_2058[%dma_wait3A_2059] : memref<7999616xf32, #tpu.memory_space<hbm>> -> memref<7999616xf32, #tpu.memory_space<hbm>>
    tpu.wait_indirect_dma semaphore(%arg20 : memref<!tpu.dma_semaphore, #tpu.memory_space<semaphore_mem>>) src(%dma_wait3A_2060 : memref<7999616xf32, #tpu.memory_space<hbm>>) dst(%dma_wait3A_2054 : memref<128xf32, #tpu.memory_space<vmem>>)
    %dma_wait3A_2061 = arith.constant 7424 : i32
    %dma_wait3A_2062 = tpu.memref_slice %arg15[%dma_wait3A_2061] : memref<8192xf32, #tpu.memory_space<vmem>> -> memref<128xf32, #tpu.memory_space<vmem>>
    %dma_wait3A_2063 = arith.constant 256 : i32
    %dma_wait3A_2064 = tpu.memref_slice %arg13[%dma_wait3A_2063] : memref<512xi32, #tpu.memory_space<vmem>> -> memref<128xi32, #tpu.memory_space<vmem>>
    %dma_wait3A_2065 = arith.constant 801536 : i32
    %dma_wait3A_2066 = tpu.memref_slice %arg5[%dma_wait3A_2065] : memref<1601536xf32, #tpu.memory_space<hbm>> -> memref<799872xf32, #tpu.memory_space<hbm>>
    %dma_wait3A_2067 = arith.constant 0 : i32
    %dma_wait3A_2068 = tpu.memref_slice %dma_wait3A_2066[%dma_wait3A_2067] : memref<799872xf32, #tpu.memory_space<hbm>> -> memref<799872xf32, #tpu.memory_space<hbm>>
    tpu.wait_indirect_dma semaphore(%arg20 : memref<!tpu.dma_semaphore, #tpu.memory_space<semaphore_mem>>) src(%dma_wait3A_2068 : memref<799872xf32, #tpu.memory_space<hbm>>) dst(%dma_wait3A_2062 : memref<128xf32, #tpu.memory_space<vmem>>)
    %dma_wait3A_2069 = arith.constant 7552 : i32
    %dma_wait3A_2070 = tpu.memref_slice %arg14[%dma_wait3A_2069] : memref<8192xf32, #tpu.memory_space<vmem>> -> memref<128xf32, #tpu.memory_space<vmem>>
    %dma_wait3A_2071 = arith.constant 384 : i32
    %dma_wait3A_2072 = tpu.memref_slice %arg12[%dma_wait3A_2071] : memref<512xi32, #tpu.memory_space<vmem>> -> memref<128xi32, #tpu.memory_space<vmem>>
    %dma_wait3A_2073 = arith.constant 8001280 : i32
    %dma_wait3A_2074 = tpu.memref_slice %arg4[%dma_wait3A_2073] : memref<16001024xf32, #tpu.memory_space<hbm>> -> memref<7999616xf32, #tpu.memory_space<hbm>>
    %dma_wait3A_2075 = arith.constant 0 : i32
    %dma_wait3A_2076 = tpu.memref_slice %dma_wait3A_2074[%dma_wait3A_2075] : memref<7999616xf32, #tpu.memory_space<hbm>> -> memref<7999616xf32, #tpu.memory_space<hbm>>
    tpu.wait_indirect_dma semaphore(%arg20 : memref<!tpu.dma_semaphore, #tpu.memory_space<semaphore_mem>>) src(%dma_wait3A_2076 : memref<7999616xf32, #tpu.memory_space<hbm>>) dst(%dma_wait3A_2070 : memref<128xf32, #tpu.memory_space<vmem>>)
    %dma_wait3A_2077 = arith.constant 7552 : i32
    %dma_wait3A_2078 = tpu.memref_slice %arg15[%dma_wait3A_2077] : memref<8192xf32, #tpu.memory_space<vmem>> -> memref<128xf32, #tpu.memory_space<vmem>>
    %dma_wait3A_2079 = arith.constant 384 : i32
    %dma_wait3A_2080 = tpu.memref_slice %arg13[%dma_wait3A_2079] : memref<512xi32, #tpu.memory_space<vmem>> -> memref<128xi32, #tpu.memory_space<vmem>>
    %dma_wait3A_2081 = arith.constant 801536 : i32
    %dma_wait3A_2082 = tpu.memref_slice %arg5[%dma_wait3A_2081] : memref<1601536xf32, #tpu.memory_space<hbm>> -> memref<799872xf32, #tpu.memory_space<hbm>>
    %dma_wait3A_2083 = arith.constant 0 : i32
    %dma_wait3A_2084 = tpu.memref_slice %dma_wait3A_2082[%dma_wait3A_2083] : memref<799872xf32, #tpu.memory_space<hbm>> -> memref<799872xf32, #tpu.memory_space<hbm>>
    tpu.wait_indirect_dma semaphore(%arg20 : memref<!tpu.dma_semaphore, #tpu.memory_space<semaphore_mem>>) src(%dma_wait3A_2084 : memref<799872xf32, #tpu.memory_space<hbm>>) dst(%dma_wait3A_2078 : memref<128xf32, #tpu.memory_space<vmem>>)
    %dma_wait3A_2085 = arith.constant 7680 : i32
    %dma_wait3A_2086 = tpu.memref_slice %arg14[%dma_wait3A_2085] : memref<8192xf32, #tpu.memory_space<vmem>> -> memref<128xf32, #tpu.memory_space<vmem>>
    %dma_wait3A_2087 = arith.constant 0 : i32
    %dma_wait3A_2088 = tpu.memref_slice %arg12[%dma_wait3A_2087] : memref<512xi32, #tpu.memory_space<vmem>> -> memref<128xi32, #tpu.memory_space<vmem>>
    %dma_wait3A_2089 = arith.constant 8001408 : i32
    %dma_wait3A_2090 = tpu.memref_slice %arg4[%dma_wait3A_2089] : memref<16001024xf32, #tpu.memory_space<hbm>> -> memref<7999616xf32, #tpu.memory_space<hbm>>
    %dma_wait3A_2091 = arith.constant 0 : i32
    %dma_wait3A_2092 = tpu.memref_slice %dma_wait3A_2090[%dma_wait3A_2091] : memref<7999616xf32, #tpu.memory_space<hbm>> -> memref<7999616xf32, #tpu.memory_space<hbm>>
    tpu.wait_indirect_dma semaphore(%arg20 : memref<!tpu.dma_semaphore, #tpu.memory_space<semaphore_mem>>) src(%dma_wait3A_2092 : memref<7999616xf32, #tpu.memory_space<hbm>>) dst(%dma_wait3A_2086 : memref<128xf32, #tpu.memory_space<vmem>>)
    %dma_wait3A_2093 = arith.constant 7680 : i32
    %dma_wait3A_2094 = tpu.memref_slice %arg15[%dma_wait3A_2093] : memref<8192xf32, #tpu.memory_space<vmem>> -> memref<128xf32, #tpu.memory_space<vmem>>
    %dma_wait3A_2095 = arith.constant 0 : i32
    %dma_wait3A_2096 = tpu.memref_slice %arg13[%dma_wait3A_2095] : memref<512xi32, #tpu.memory_space<vmem>> -> memref<128xi32, #tpu.memory_space<vmem>>
    %dma_wait3A_2097 = arith.constant 801664 : i32
    %dma_wait3A_2098 = tpu.memref_slice %arg5[%dma_wait3A_2097] : memref<1601536xf32, #tpu.memory_space<hbm>> -> memref<799872xf32, #tpu.memory_space<hbm>>
    %dma_wait3A_2099 = arith.constant 0 : i32
    %dma_wait3A_2100 = tpu.memref_slice %dma_wait3A_2098[%dma_wait3A_2099] : memref<799872xf32, #tpu.memory_space<hbm>> -> memref<799872xf32, #tpu.memory_space<hbm>>
    tpu.wait_indirect_dma semaphore(%arg20 : memref<!tpu.dma_semaphore, #tpu.memory_space<semaphore_mem>>) src(%dma_wait3A_2100 : memref<799872xf32, #tpu.memory_space<hbm>>) dst(%dma_wait3A_2094 : memref<128xf32, #tpu.memory_space<vmem>>)
    %dma_wait3A_2101 = arith.constant 7808 : i32
    %dma_wait3A_2102 = tpu.memref_slice %arg14[%dma_wait3A_2101] : memref<8192xf32, #tpu.memory_space<vmem>> -> memref<128xf32, #tpu.memory_space<vmem>>
    %dma_wait3A_2103 = arith.constant 128 : i32
    %dma_wait3A_2104 = tpu.memref_slice %arg12[%dma_wait3A_2103] : memref<512xi32, #tpu.memory_space<vmem>> -> memref<128xi32, #tpu.memory_space<vmem>>
    %dma_wait3A_2105 = arith.constant 8001408 : i32
    %dma_wait3A_2106 = tpu.memref_slice %arg4[%dma_wait3A_2105] : memref<16001024xf32, #tpu.memory_space<hbm>> -> memref<7999616xf32, #tpu.memory_space<hbm>>
    %dma_wait3A_2107 = arith.constant 0 : i32
    %dma_wait3A_2108 = tpu.memref_slice %dma_wait3A_2106[%dma_wait3A_2107] : memref<7999616xf32, #tpu.memory_space<hbm>> -> memref<7999616xf32, #tpu.memory_space<hbm>>
    tpu.wait_indirect_dma semaphore(%arg20 : memref<!tpu.dma_semaphore, #tpu.memory_space<semaphore_mem>>) src(%dma_wait3A_2108 : memref<7999616xf32, #tpu.memory_space<hbm>>) dst(%dma_wait3A_2102 : memref<128xf32, #tpu.memory_space<vmem>>)
    %dma_wait3A_2109 = arith.constant 7808 : i32
    %dma_wait3A_2110 = tpu.memref_slice %arg15[%dma_wait3A_2109] : memref<8192xf32, #tpu.memory_space<vmem>> -> memref<128xf32, #tpu.memory_space<vmem>>
    %dma_wait3A_2111 = arith.constant 128 : i32
    %dma_wait3A_2112 = tpu.memref_slice %arg13[%dma_wait3A_2111] : memref<512xi32, #tpu.memory_space<vmem>> -> memref<128xi32, #tpu.memory_space<vmem>>
    %dma_wait3A_2113 = arith.constant 801664 : i32
    %dma_wait3A_2114 = tpu.memref_slice %arg5[%dma_wait3A_2113] : memref<1601536xf32, #tpu.memory_space<hbm>> -> memref<799872xf32, #tpu.memory_space<hbm>>
    %dma_wait3A_2115 = arith.constant 0 : i32
    %dma_wait3A_2116 = tpu.memref_slice %dma_wait3A_2114[%dma_wait3A_2115] : memref<799872xf32, #tpu.memory_space<hbm>> -> memref<799872xf32, #tpu.memory_space<hbm>>
    tpu.wait_indirect_dma semaphore(%arg20 : memref<!tpu.dma_semaphore, #tpu.memory_space<semaphore_mem>>) src(%dma_wait3A_2116 : memref<799872xf32, #tpu.memory_space<hbm>>) dst(%dma_wait3A_2110 : memref<128xf32, #tpu.memory_space<vmem>>)
    %dma_wait3A_2117 = arith.constant 7936 : i32
    %dma_wait3A_2118 = tpu.memref_slice %arg14[%dma_wait3A_2117] : memref<8192xf32, #tpu.memory_space<vmem>> -> memref<128xf32, #tpu.memory_space<vmem>>
    %dma_wait3A_2119 = arith.constant 256 : i32
    %dma_wait3A_2120 = tpu.memref_slice %arg12[%dma_wait3A_2119] : memref<512xi32, #tpu.memory_space<vmem>> -> memref<128xi32, #tpu.memory_space<vmem>>
    %dma_wait3A_2121 = arith.constant 8001408 : i32
    %dma_wait3A_2122 = tpu.memref_slice %arg4[%dma_wait3A_2121] : memref<16001024xf32, #tpu.memory_space<hbm>> -> memref<7999616xf32, #tpu.memory_space<hbm>>
    %dma_wait3A_2123 = arith.constant 0 : i32
    %dma_wait3A_2124 = tpu.memref_slice %dma_wait3A_2122[%dma_wait3A_2123] : memref<7999616xf32, #tpu.memory_space<hbm>> -> memref<7999616xf32, #tpu.memory_space<hbm>>
    tpu.wait_indirect_dma semaphore(%arg20 : memref<!tpu.dma_semaphore, #tpu.memory_space<semaphore_mem>>) src(%dma_wait3A_2124 : memref<7999616xf32, #tpu.memory_space<hbm>>) dst(%dma_wait3A_2118 : memref<128xf32, #tpu.memory_space<vmem>>)
    %dma_wait3A_2125 = arith.constant 7936 : i32
    %dma_wait3A_2126 = tpu.memref_slice %arg15[%dma_wait3A_2125] : memref<8192xf32, #tpu.memory_space<vmem>> -> memref<128xf32, #tpu.memory_space<vmem>>
    %dma_wait3A_2127 = arith.constant 256 : i32
    %dma_wait3A_2128 = tpu.memref_slice %arg13[%dma_wait3A_2127] : memref<512xi32, #tpu.memory_space<vmem>> -> memref<128xi32, #tpu.memory_space<vmem>>
    %dma_wait3A_2129 = arith.constant 801664 : i32
    %dma_wait3A_2130 = tpu.memref_slice %arg5[%dma_wait3A_2129] : memref<1601536xf32, #tpu.memory_space<hbm>> -> memref<799872xf32, #tpu.memory_space<hbm>>
    %dma_wait3A_2131 = arith.constant 0 : i32
    %dma_wait3A_2132 = tpu.memref_slice %dma_wait3A_2130[%dma_wait3A_2131] : memref<799872xf32, #tpu.memory_space<hbm>> -> memref<799872xf32, #tpu.memory_space<hbm>>
    tpu.wait_indirect_dma semaphore(%arg20 : memref<!tpu.dma_semaphore, #tpu.memory_space<semaphore_mem>>) src(%dma_wait3A_2132 : memref<799872xf32, #tpu.memory_space<hbm>>) dst(%dma_wait3A_2126 : memref<128xf32, #tpu.memory_space<vmem>>)
    %dma_wait3A_2133 = arith.constant 8064 : i32
    %dma_wait3A_2134 = tpu.memref_slice %arg14[%dma_wait3A_2133] : memref<8192xf32, #tpu.memory_space<vmem>> -> memref<128xf32, #tpu.memory_space<vmem>>
    %dma_wait3A_2135 = arith.constant 384 : i32
    %dma_wait3A_2136 = tpu.memref_slice %arg12[%dma_wait3A_2135] : memref<512xi32, #tpu.memory_space<vmem>> -> memref<128xi32, #tpu.memory_space<vmem>>
    %dma_wait3A_2137 = arith.constant 8001408 : i32
    %dma_wait3A_2138 = tpu.memref_slice %arg4[%dma_wait3A_2137] : memref<16001024xf32, #tpu.memory_space<hbm>> -> memref<7999616xf32, #tpu.memory_space<hbm>>
    %dma_wait3A_2139 = arith.constant 0 : i32
    %dma_wait3A_2140 = tpu.memref_slice %dma_wait3A_2138[%dma_wait3A_2139] : memref<7999616xf32, #tpu.memory_space<hbm>> -> memref<7999616xf32, #tpu.memory_space<hbm>>
    tpu.wait_indirect_dma semaphore(%arg20 : memref<!tpu.dma_semaphore, #tpu.memory_space<semaphore_mem>>) src(%dma_wait3A_2140 : memref<7999616xf32, #tpu.memory_space<hbm>>) dst(%dma_wait3A_2134 : memref<128xf32, #tpu.memory_space<vmem>>)
    %dma_wait3A_2141 = arith.constant 8064 : i32
    %dma_wait3A_2142 = tpu.memref_slice %arg15[%dma_wait3A_2141] : memref<8192xf32, #tpu.memory_space<vmem>> -> memref<128xf32, #tpu.memory_space<vmem>>
    %dma_wait3A_2143 = arith.constant 384 : i32
    %dma_wait3A_2144 = tpu.memref_slice %arg13[%dma_wait3A_2143] : memref<512xi32, #tpu.memory_space<vmem>> -> memref<128xi32, #tpu.memory_space<vmem>>
    %dma_wait3A_2145 = arith.constant 801664 : i32
    %dma_wait3A_2146 = tpu.memref_slice %arg5[%dma_wait3A_2145] : memref<1601536xf32, #tpu.memory_space<hbm>> -> memref<799872xf32, #tpu.memory_space<hbm>>
    %dma_wait3A_2147 = arith.constant 0 : i32
    %dma_wait3A_2148 = tpu.memref_slice %dma_wait3A_2146[%dma_wait3A_2147] : memref<799872xf32, #tpu.memory_space<hbm>> -> memref<799872xf32, #tpu.memory_space<hbm>>
    tpu.wait_indirect_dma semaphore(%arg20 : memref<!tpu.dma_semaphore, #tpu.memory_space<semaphore_mem>>) src(%dma_wait3A_2148 : memref<799872xf32, #tpu.memory_space<hbm>>) dst(%dma_wait3A_2142 : memref<128xf32, #tpu.memory_space<vmem>>)
    %get3A = arith.constant 0 : index
    %get3A_2149 = tpu.vector_load %arg18[%get3A] {strides = array<i32>} : memref<16xf32, #tpu.memory_space<vmem>>, vector<16xf32>,
    %scan3A_2150 = arith.constant 0 : i32
    %scan3A_2151 = arith.constant 0 : i32
    %scan3A_2152 = arith.constant 32 : i32
    %scan3A_2153 = arith.addi %scan3A_2151, %scan3A_2152 : i32
    %scan3A_2154 = arith.constant 1 : i32
    %scan3A_2155 = scf.for %scan3A_2159 = %scan3A_2151 to %scan3A_2153 step %scan3A_2154 iter_args(%scan3A_2160 = %scan3A_2150) -> (i32)  : i32 {
      %mul3A_2161 = arith.constant 16 : i32
      %mul3A_2162 = arith.muli %scan3A_2159, %mul3A_2161 : i32
      %multiple_of3A_2163 = tpu.assume_multiple %mul3A_2162, 16 : i32
      %get3A_2164 = arith.index_cast %multiple_of3A_2163 : i32 to index
      %get3A_2165 = tpu.vector_load %arg16[%get3A_2164] {strides = array<i32>} : memref<512xf32, #tpu.memory_space<vmem>>, vector<16xf32>,
      %get3A_2166 = arith.index_cast %multiple_of3A_2163 : i32 to index
      %get3A_2167 = tpu.vector_load %arg17[%get3A_2166] {strides = array<i32>} : memref<512xf32, #tpu.memory_space<vmem>>, vector<16xf32>,
      %add3A_2168 = arith.addf %get3A_2165, %get3A_2167 : vector<16xf32>
      %add3A_2169 = arith.addf %add3A_2168, %get3A_2149 : vector<16xf32>
      %mul3A_2170 = arith.constant 16 : i32
      %mul3A_2171 = arith.muli %scan3A_2159, %mul3A_2170 : i32
      %add3A_2172 = arith.constant 0 : i32
      %add3A_2173 = arith.addi %add3A_2172, %mul3A_2171 : i32
      %multiple_of3A_2174 = tpu.assume_multiple %add3A_2173, 16 : i32
      %get3A_2175 = arith.index_cast %multiple_of3A_2174 : i32 to index
      %get3A_2176 = tpu.vector_load %arg14[%get3A_2175] {strides = array<i32>} : memref<8192xf32, #tpu.memory_space<vmem>>, vector<16xf32>,
      %mul3A_2177 = arith.constant 16 : i32
      %mul3A_2178 = arith.muli %scan3A_2159, %mul3A_2177 : i32
      %add3A_2179 = arith.constant 0 : i32
      %add3A_2180 = arith.addi %add3A_2179, %mul3A_2178 : i32
      %multiple_of3A_2181 = tpu.assume_multiple %add3A_2180, 16 : i32
      %get3A_2182 = arith.index_cast %multiple_of3A_2181 : i32 to index
      %get3A_2183 = tpu.vector_load %arg15[%get3A_2182] {strides = array<i32>} : memref<8192xf32, #tpu.memory_space<vmem>>, vector<16xf32>,
      %mul3A_2184 = arith.mulf %get3A_2176, %get3A_2183 : vector<16xf32>
      %add3A_2185 = arith.addf %add3A_2169, %mul3A_2184 : vector<16xf32>
      %mul3A_2186 = arith.constant 16 : i32
      %mul3A_2187 = arith.muli %scan3A_2159, %mul3A_2186 : i32
      %add3A_2188 = arith.constant 512 : i32
      %add3A_2189 = arith.addi %add3A_2188, %mul3A_2187 : i32
      %multiple_of3A_2190 = tpu.assume_multiple %add3A_2189, 16 : i32
      %get3A_2191 = arith.index_cast %multiple_of3A_2190 : i32 to index
      %get3A_2192 = tpu.vector_load %arg14[%get3A_2191] {strides = array<i32>} : memref<8192xf32, #tpu.memory_space<vmem>>, vector<16xf32>,
      %mul3A_2193 = arith.constant 16 : i32
      %mul3A_2194 = arith.muli %scan3A_2159, %mul3A_2193 : i32
      %add3A_2195 = arith.constant 512 : i32
      %add3A_2196 = arith.addi %add3A_2195, %mul3A_2194 : i32
      %multiple_of3A_2197 = tpu.assume_multiple %add3A_2196, 16 : i32
      %get3A_2198 = arith.index_cast %multiple_of3A_2197 : i32 to index
      %get3A_2199 = tpu.vector_load %arg15[%get3A_2198] {strides = array<i32>} : memref<8192xf32, #tpu.memory_space<vmem>>, vector<16xf32>,
      %mul3A_2200 = arith.mulf %get3A_2192, %get3A_2199 : vector<16xf32>
      %add3A_2201 = arith.addf %add3A_2185, %mul3A_2200 : vector<16xf32>
      %mul3A_2202 = arith.constant 16 : i32
      %mul3A_2203 = arith.muli %scan3A_2159, %mul3A_2202 : i32
      %add3A_2204 = arith.constant 1024 : i32
      %add3A_2205 = arith.addi %add3A_2204, %mul3A_2203 : i32
      %multiple_of3A_2206 = tpu.assume_multiple %add3A_2205, 16 : i32
      %get3A_2207 = arith.index_cast %multiple_of3A_2206 : i32 to index
      %get3A_2208 = tpu.vector_load %arg14[%get3A_2207] {strides = array<i32>} : memref<8192xf32, #tpu.memory_space<vmem>>, vector<16xf32>,
      %mul3A_2209 = arith.constant 16 : i32
      %mul3A_2210 = arith.muli %scan3A_2159, %mul3A_2209 : i32
      %add3A_2211 = arith.constant 1024 : i32
      %add3A_2212 = arith.addi %add3A_2211, %mul3A_2210 : i32
      %multiple_of3A_2213 = tpu.assume_multiple %add3A_2212, 16 : i32
      %get3A_2214 = arith.index_cast %multiple_of3A_2213 : i32 to index
      %get3A_2215 = tpu.vector_load %arg15[%get3A_2214] {strides = array<i32>} : memref<8192xf32, #tpu.memory_space<vmem>>, vector<16xf32>,
      %mul3A_2216 = arith.mulf %get3A_2208, %get3A_2215 : vector<16xf32>
      %add3A_2217 = arith.addf %add3A_2201, %mul3A_2216 : vector<16xf32>
      %mul3A_2218 = arith.constant 16 : i32
      %mul3A_2219 = arith.muli %scan3A_2159, %mul3A_2218 : i32
      %add3A_2220 = arith.constant 1536 : i32
      %add3A_2221 = arith.addi %add3A_2220, %mul3A_2219 : i32
      %multiple_of3A_2222 = tpu.assume_multiple %add3A_2221, 16 : i32
      %get3A_2223 = arith.index_cast %multiple_of3A_2222 : i32 to index
      %get3A_2224 = tpu.vector_load %arg14[%get3A_2223] {strides = array<i32>} : memref<8192xf32, #tpu.memory_space<vmem>>, vector<16xf32>,
      %mul3A_2225 = arith.constant 16 : i32
      %mul3A_2226 = arith.muli %scan3A_2159, %mul3A_2225 : i32
      %add3A_2227 = arith.constant 1536 : i32
      %add3A_2228 = arith.addi %add3A_2227, %mul3A_2226 : i32
      %multiple_of3A_2229 = tpu.assume_multiple %add3A_2228, 16 : i32
      %get3A_2230 = arith.index_cast %multiple_of3A_2229 : i32 to index
      %get3A_2231 = tpu.vector_load %arg15[%get3A_2230] {strides = array<i32>} : memref<8192xf32, #tpu.memory_space<vmem>>, vector<16xf32>,
      %mul3A_2232 = arith.mulf %get3A_2224, %get3A_2231 : vector<16xf32>
      %add3A_2233 = arith.addf %add3A_2217, %mul3A_2232 : vector<16xf32>
      %mul3A_2234 = arith.constant 16 : i32
      %mul3A_2235 = arith.muli %scan3A_2159, %mul3A_2234 : i32
      %add3A_2236 = arith.constant 2048 : i32
      %add3A_2237 = arith.addi %add3A_2236, %mul3A_2235 : i32
      %multiple_of3A_2238 = tpu.assume_multiple %add3A_2237, 16 : i32
      %get3A_2239 = arith.index_cast %multiple_of3A_2238 : i32 to index
      %get3A_2240 = tpu.vector_load %arg14[%get3A_2239] {strides = array<i32>} : memref<8192xf32, #tpu.memory_space<vmem>>, vector<16xf32>,
      %mul3A_2241 = arith.constant 16 : i32
      %mul3A_2242 = arith.muli %scan3A_2159, %mul3A_2241 : i32
      %add3A_2243 = arith.constant 2048 : i32
      %add3A_2244 = arith.addi %add3A_2243, %mul3A_2242 : i32
      %multiple_of3A_2245 = tpu.assume_multiple %add3A_2244, 16 : i32
      %get3A_2246 = arith.index_cast %multiple_of3A_2245 : i32 to index
      %get3A_2247 = tpu.vector_load %arg15[%get3A_2246] {strides = array<i32>} : memref<8192xf32, #tpu.memory_space<vmem>>, vector<16xf32>,
      %mul3A_2248 = arith.mulf %get3A_2240, %get3A_2247 : vector<16xf32>
      %add3A_2249 = arith.addf %add3A_2233, %mul3A_2248 : vector<16xf32>
      %mul3A_2250 = arith.constant 16 : i32
      %mul3A_2251 = arith.muli %scan3A_2159, %mul3A_2250 : i32
      %add3A_2252 = arith.constant 2560 : i32
      %add3A_2253 = arith.addi %add3A_2252, %mul3A_2251 : i32
      %multiple_of3A_2254 = tpu.assume_multiple %add3A_2253, 16 : i32
      %get3A_2255 = arith.index_cast %multiple_of3A_2254 : i32 to index
      %get3A_2256 = tpu.vector_load %arg14[%get3A_2255] {strides = array<i32>} : memref<8192xf32, #tpu.memory_space<vmem>>, vector<16xf32>,
      %mul3A_2257 = arith.constant 16 : i32
      %mul3A_2258 = arith.muli %scan3A_2159, %mul3A_2257 : i32
      %add3A_2259 = arith.constant 2560 : i32
      %add3A_2260 = arith.addi %add3A_2259, %mul3A_2258 : i32
      %multiple_of3A_2261 = tpu.assume_multiple %add3A_2260, 16 : i32
      %get3A_2262 = arith.index_cast %multiple_of3A_2261 : i32 to index
      %get3A_2263 = tpu.vector_load %arg15[%get3A_2262] {strides = array<i32>} : memref<8192xf32, #tpu.memory_space<vmem>>, vector<16xf32>,
      %mul3A_2264 = arith.mulf %get3A_2256, %get3A_2263 : vector<16xf32>
      %add3A_2265 = arith.addf %add3A_2249, %mul3A_2264 : vector<16xf32>
      %mul3A_2266 = arith.constant 16 : i32
      %mul3A_2267 = arith.muli %scan3A_2159, %mul3A_2266 : i32
      %add3A_2268 = arith.constant 3072 : i32
      %add3A_2269 = arith.addi %add3A_2268, %mul3A_2267 : i32
      %multiple_of3A_2270 = tpu.assume_multiple %add3A_2269, 16 : i32
      %get3A_2271 = arith.index_cast %multiple_of3A_2270 : i32 to index
      %get3A_2272 = tpu.vector_load %arg14[%get3A_2271] {strides = array<i32>} : memref<8192xf32, #tpu.memory_space<vmem>>, vector<16xf32>,
      %mul3A_2273 = arith.constant 16 : i32
      %mul3A_2274 = arith.muli %scan3A_2159, %mul3A_2273 : i32
      %add3A_2275 = arith.constant 3072 : i32
      %add3A_2276 = arith.addi %add3A_2275, %mul3A_2274 : i32
      %multiple_of3A_2277 = tpu.assume_multiple %add3A_2276, 16 : i32
      %get3A_2278 = arith.index_cast %multiple_of3A_2277 : i32 to index
      %get3A_2279 = tpu.vector_load %arg15[%get3A_2278] {strides = array<i32>} : memref<8192xf32, #tpu.memory_space<vmem>>, vector<16xf32>,
      %mul3A_2280 = arith.mulf %get3A_2272, %get3A_2279 : vector<16xf32>
      %add3A_2281 = arith.addf %add3A_2265, %mul3A_2280 : vector<16xf32>
      %mul3A_2282 = arith.constant 16 : i32
      %mul3A_2283 = arith.muli %scan3A_2159, %mul3A_2282 : i32
      %add3A_2284 = arith.constant 3584 : i32
      %add3A_2285 = arith.addi %add3A_2284, %mul3A_2283 : i32
      %multiple_of3A_2286 = tpu.assume_multiple %add3A_2285, 16 : i32
      %get3A_2287 = arith.index_cast %multiple_of3A_2286 : i32 to index
      %get3A_2288 = tpu.vector_load %arg14[%get3A_2287] {strides = array<i32>} : memref<8192xf32, #tpu.memory_space<vmem>>, vector<16xf32>,
      %mul3A_2289 = arith.constant 16 : i32
      %mul3A_2290 = arith.muli %scan3A_2159, %mul3A_2289 : i32
      %add3A_2291 = arith.constant 3584 : i32
      %add3A_2292 = arith.addi %add3A_2291, %mul3A_2290 : i32
      %multiple_of3A_2293 = tpu.assume_multiple %add3A_2292, 16 : i32
      %get3A_2294 = arith.index_cast %multiple_of3A_2293 : i32 to index
      %get3A_2295 = tpu.vector_load %arg15[%get3A_2294] {strides = array<i32>} : memref<8192xf32, #tpu.memory_space<vmem>>, vector<16xf32>,
      %mul3A_2296 = arith.mulf %get3A_2288, %get3A_2295 : vector<16xf32>
      %add3A_2297 = arith.addf %add3A_2281, %mul3A_2296 : vector<16xf32>
      %mul3A_2298 = arith.constant 16 : i32
      %mul3A_2299 = arith.muli %scan3A_2159, %mul3A_2298 : i32
      %add3A_2300 = arith.constant 4096 : i32
      %add3A_2301 = arith.addi %add3A_2300, %mul3A_2299 : i32
      %multiple_of3A_2302 = tpu.assume_multiple %add3A_2301, 16 : i32
      %get3A_2303 = arith.index_cast %multiple_of3A_2302 : i32 to index
      %get3A_2304 = tpu.vector_load %arg14[%get3A_2303] {strides = array<i32>} : memref<8192xf32, #tpu.memory_space<vmem>>, vector<16xf32>,
      %mul3A_2305 = arith.constant 16 : i32
      %mul3A_2306 = arith.muli %scan3A_2159, %mul3A_2305 : i32
      %add3A_2307 = arith.constant 4096 : i32
      %add3A_2308 = arith.addi %add3A_2307, %mul3A_2306 : i32
      %multiple_of3A_2309 = tpu.assume_multiple %add3A_2308, 16 : i32
      %get3A_2310 = arith.index_cast %multiple_of3A_2309 : i32 to index
      %get3A_2311 = tpu.vector_load %arg15[%get3A_2310] {strides = array<i32>} : memref<8192xf32, #tpu.memory_space<vmem>>, vector<16xf32>,
      %mul3A_2312 = arith.mulf %get3A_2304, %get3A_2311 : vector<16xf32>
      %add3A_2313 = arith.addf %add3A_2297, %mul3A_2312 : vector<16xf32>
      %mul3A_2314 = arith.constant 16 : i32
      %mul3A_2315 = arith.muli %scan3A_2159, %mul3A_2314 : i32
      %add3A_2316 = arith.constant 4608 : i32
      %add3A_2317 = arith.addi %add3A_2316, %mul3A_2315 : i32
      %multiple_of3A_2318 = tpu.assume_multiple %add3A_2317, 16 : i32
      %get3A_2319 = arith.index_cast %multiple_of3A_2318 : i32 to index
      %get3A_2320 = tpu.vector_load %arg14[%get3A_2319] {strides = array<i32>} : memref<8192xf32, #tpu.memory_space<vmem>>, vector<16xf32>,
      %mul3A_2321 = arith.constant 16 : i32
      %mul3A_2322 = arith.muli %scan3A_2159, %mul3A_2321 : i32
      %add3A_2323 = arith.constant 4608 : i32
      %add3A_2324 = arith.addi %add3A_2323, %mul3A_2322 : i32
      %multiple_of3A_2325 = tpu.assume_multiple %add3A_2324, 16 : i32
      %get3A_2326 = arith.index_cast %multiple_of3A_2325 : i32 to index
      %get3A_2327 = tpu.vector_load %arg15[%get3A_2326] {strides = array<i32>} : memref<8192xf32, #tpu.memory_space<vmem>>, vector<16xf32>,
      %mul3A_2328 = arith.mulf %get3A_2320, %get3A_2327 : vector<16xf32>
      %add3A_2329 = arith.addf %add3A_2313, %mul3A_2328 : vector<16xf32>
      %mul3A_2330 = arith.constant 16 : i32
      %mul3A_2331 = arith.muli %scan3A_2159, %mul3A_2330 : i32
      %add3A_2332 = arith.constant 5120 : i32
      %add3A_2333 = arith.addi %add3A_2332, %mul3A_2331 : i32
      %multiple_of3A_2334 = tpu.assume_multiple %add3A_2333, 16 : i32
      %get3A_2335 = arith.index_cast %multiple_of3A_2334 : i32 to index
      %get3A_2336 = tpu.vector_load %arg14[%get3A_2335] {strides = array<i32>} : memref<8192xf32, #tpu.memory_space<vmem>>, vector<16xf32>,
      %mul3A_2337 = arith.constant 16 : i32
      %mul3A_2338 = arith.muli %scan3A_2159, %mul3A_2337 : i32
      %add3A_2339 = arith.constant 5120 : i32
      %add3A_2340 = arith.addi %add3A_2339, %mul3A_2338 : i32
      %multiple_of3A_2341 = tpu.assume_multiple %add3A_2340, 16 : i32
      %get3A_2342 = arith.index_cast %multiple_of3A_2341 : i32 to index
      %get3A_2343 = tpu.vector_load %arg15[%get3A_2342] {strides = array<i32>} : memref<8192xf32, #tpu.memory_space<vmem>>, vector<16xf32>,
      %mul3A_2344 = arith.mulf %get3A_2336, %get3A_2343 : vector<16xf32>
      %add3A_2345 = arith.addf %add3A_2329, %mul3A_2344 : vector<16xf32>
      %mul3A_2346 = arith.constant 16 : i32
      %mul3A_2347 = arith.muli %scan3A_2159, %mul3A_2346 : i32
      %add3A_2348 = arith.constant 5632 : i32
      %add3A_2349 = arith.addi %add3A_2348, %mul3A_2347 : i32
      %multiple_of3A_2350 = tpu.assume_multiple %add3A_2349, 16 : i32
      %get3A_2351 = arith.index_cast %multiple_of3A_2350 : i32 to index
      %get3A_2352 = tpu.vector_load %arg14[%get3A_2351] {strides = array<i32>} : memref<8192xf32, #tpu.memory_space<vmem>>, vector<16xf32>,
      %mul3A_2353 = arith.constant 16 : i32
      %mul3A_2354 = arith.muli %scan3A_2159, %mul3A_2353 : i32
      %add3A_2355 = arith.constant 5632 : i32
      %add3A_2356 = arith.addi %add3A_2355, %mul3A_2354 : i32
      %multiple_of3A_2357 = tpu.assume_multiple %add3A_2356, 16 : i32
      %get3A_2358 = arith.index_cast %multiple_of3A_2357 : i32 to index
      %get3A_2359 = tpu.vector_load %arg15[%get3A_2358] {strides = array<i32>} : memref<8192xf32, #tpu.memory_space<vmem>>, vector<16xf32>,
      %mul3A_2360 = arith.mulf %get3A_2352, %get3A_2359 : vector<16xf32>
      %add3A_2361 = arith.addf %add3A_2345, %mul3A_2360 : vector<16xf32>
      %mul3A_2362 = arith.constant 16 : i32
      %mul3A_2363 = arith.muli %scan3A_2159, %mul3A_2362 : i32
      %add3A_2364 = arith.constant 6144 : i32
      %add3A_2365 = arith.addi %add3A_2364, %mul3A_2363 : i32
      %multiple_of3A_2366 = tpu.assume_multiple %add3A_2365, 16 : i32
      %get3A_2367 = arith.index_cast %multiple_of3A_2366 : i32 to index
      %get3A_2368 = tpu.vector_load %arg14[%get3A_2367] {strides = array<i32>} : memref<8192xf32, #tpu.memory_space<vmem>>, vector<16xf32>,
      %mul3A_2369 = arith.constant 16 : i32
      %mul3A_2370 = arith.muli %scan3A_2159, %mul3A_2369 : i32
      %add3A_2371 = arith.constant 6144 : i32
      %add3A_2372 = arith.addi %add3A_2371, %mul3A_2370 : i32
      %multiple_of3A_2373 = tpu.assume_multiple %add3A_2372, 16 : i32
      %get3A_2374 = arith.index_cast %multiple_of3A_2373 : i32 to index
      %get3A_2375 = tpu.vector_load %arg15[%get3A_2374] {strides = array<i32>} : memref<8192xf32, #tpu.memory_space<vmem>>, vector<16xf32>,
      %mul3A_2376 = arith.mulf %get3A_2368, %get3A_2375 : vector<16xf32>
      %add3A_2377 = arith.addf %add3A_2361, %mul3A_2376 : vector<16xf32>
      %mul3A_2378 = arith.constant 16 : i32
      %mul3A_2379 = arith.muli %scan3A_2159, %mul3A_2378 : i32
      %add3A_2380 = arith.constant 6656 : i32
      %add3A_2381 = arith.addi %add3A_2380, %mul3A_2379 : i32
      %multiple_of3A_2382 = tpu.assume_multiple %add3A_2381, 16 : i32
      %get3A_2383 = arith.index_cast %multiple_of3A_2382 : i32 to index
      %get3A_2384 = tpu.vector_load %arg14[%get3A_2383] {strides = array<i32>} : memref<8192xf32, #tpu.memory_space<vmem>>, vector<16xf32>,
      %mul3A_2385 = arith.constant 16 : i32
      %mul3A_2386 = arith.muli %scan3A_2159, %mul3A_2385 : i32
      %add3A_2387 = arith.constant 6656 : i32
      %add3A_2388 = arith.addi %add3A_2387, %mul3A_2386 : i32
      %multiple_of3A_2389 = tpu.assume_multiple %add3A_2388, 16 : i32
      %get3A_2390 = arith.index_cast %multiple_of3A_2389 : i32 to index
      %get3A_2391 = tpu.vector_load %arg15[%get3A_2390] {strides = array<i32>} : memref<8192xf32, #tpu.memory_space<vmem>>, vector<16xf32>,
      %mul3A_2392 = arith.mulf %get3A_2384, %get3A_2391 : vector<16xf32>
      %add3A_2393 = arith.addf %add3A_2377, %mul3A_2392 : vector<16xf32>
      %mul3A_2394 = arith.constant 16 : i32
      %mul3A_2395 = arith.muli %scan3A_2159, %mul3A_2394 : i32
      %add3A_2396 = arith.constant 7168 : i32
      %add3A_2397 = arith.addi %add3A_2396, %mul3A_2395 : i32
      %multiple_of3A_2398 = tpu.assume_multiple %add3A_2397, 16 : i32
      %get3A_2399 = arith.index_cast %multiple_of3A_2398 : i32 to index
      %get3A_2400 = tpu.vector_load %arg14[%get3A_2399] {strides = array<i32>} : memref<8192xf32, #tpu.memory_space<vmem>>, vector<16xf32>,
      %mul3A_2401 = arith.constant 16 : i32
      %mul3A_2402 = arith.muli %scan3A_2159, %mul3A_2401 : i32
      %add3A_2403 = arith.constant 7168 : i32
      %add3A_2404 = arith.addi %add3A_2403, %mul3A_2402 : i32
      %multiple_of3A_2405 = tpu.assume_multiple %add3A_2404, 16 : i32
      %get3A_2406 = arith.index_cast %multiple_of3A_2405 : i32 to index
      %get3A_2407 = tpu.vector_load %arg15[%get3A_2406] {strides = array<i32>} : memref<8192xf32, #tpu.memory_space<vmem>>, vector<16xf32>,
      %mul3A_2408 = arith.mulf %get3A_2400, %get3A_2407 : vector<16xf32>
      %add3A_2409 = arith.addf %add3A_2393, %mul3A_2408 : vector<16xf32>
      %mul3A_2410 = arith.constant 16 : i32
      %mul3A_2411 = arith.muli %scan3A_2159, %mul3A_2410 : i32
      %add3A_2412 = arith.constant 7680 : i32
      %add3A_2413 = arith.addi %add3A_2412, %mul3A_2411 : i32
      %multiple_of3A_2414 = tpu.assume_multiple %add3A_2413, 16 : i32
      %get3A_2415 = arith.index_cast %multiple_of3A_2414 : i32 to index
      %get3A_2416 = tpu.vector_load %arg14[%get3A_2415] {strides = array<i32>} : memref<8192xf32, #tpu.memory_space<vmem>>, vector<16xf32>,
      %mul3A_2417 = arith.constant 16 : i32
      %mul3A_2418 = arith.muli %scan3A_2159, %mul3A_2417 : i32
      %add3A_2419 = arith.constant 7680 : i32
      %add3A_2420 = arith.addi %add3A_2419, %mul3A_2418 : i32
      %multiple_of3A_2421 = tpu.assume_multiple %add3A_2420, 16 : i32
      %get3A_2422 = arith.index_cast %multiple_of3A_2421 : i32 to index
      %get3A_2423 = tpu.vector_load %arg15[%get3A_2422] {strides = array<i32>} : memref<8192xf32, #tpu.memory_space<vmem>>, vector<16xf32>,
      %mul3A_2424 = arith.mulf %get3A_2416, %get3A_2423 : vector<16xf32>
      %add3A_2425 = arith.addf %add3A_2409, %mul3A_2424 : vector<16xf32>
      %neg3A = arith.constant 0.000000e+00 : f32
      %neg3A_2426 = vector.broadcast %neg3A : f32 to vector<16xf32>
      %neg3A_2427 = arith.subf %neg3A_2426, %add3A_2425 : vector<16xf32>
      %exp3A = math.exp %neg3A_2427 : vector<16xf32>
      %add3A_2428 = arith.constant 1.000000e+00 : f32
      %add3A_2429 = vector.broadcast %add3A_2428 : f32 to vector<16xf32>
      %add3A_2430 = arith.addf %add3A_2429, %exp3A : vector<16xf32>
      %div3A = arith.constant 1.000000e+00 : f32
      %div3A_2431 = vector.broadcast %div3A : f32 to vector<16xf32>
      %div3A_2432 = arith.divf %div3A_2431, %add3A_2430 : vector<16xf32>
      %swap3A = arith.index_cast %multiple_of3A_2163 : i32 to index
      %swap3A_2433 = tpu.vector_load %arg19[%swap3A] {strides = array<i32>} : memref<512xf32, #tpu.memory_space<vmem>>, vector<16xf32>,
      tpu.vector_store %arg19[%swap3A], %div3A_2432 {strides = array<i32>} : memref<512xf32, #tpu.memory_space<vmem>>, vector<16xf32>,
      %scan3A_2434 = arith.constant 0 : i32
      scf.yield %scan3A_2434 : i32
    }
    %scan3A_2156 = arith.constant 32 : i32
    %mul3A_2157 = arith.constant 512 : i32
    %mul3A_2158 = arith.muli %add3A, %mul3A_2157 : i32
    %multiple_of3A = tpu.assume_multiple %mul3A_2158, 512 : i32
    "tpu.region"() ({
      %run_scoped3A = tpu.sem_alloc : memref<!tpu.dma_semaphore, #tpu.memory_space<semaphore_mem>>
      %dma_start3A_2159 = tpu.memref_slice %arg9[%multiple_of3A] : memref<16384xf32, #tpu.memory_space<hbm>> -> memref<512xf32, #tpu.memory_space<hbm>>
      %dma_start3A_2160 = tpu.memref_slice %arg9[%multiple_of3A] : memref<16384xf32, #tpu.memory_space<hbm>> -> memref<512xf32, #tpu.memory_space<hbm>>
      tpu.enqueue_dma source(%arg19 : memref<512xf32, #tpu.memory_space<vmem>>) target(%dma_start3A_2160 : memref<512xf32, #tpu.memory_space<hbm>>) target_semaphore(%run_scoped3A : memref<!tpu.dma_semaphore, #tpu.memory_space<semaphore_mem>>)
      %dma_wait3A_2161 = tpu.memref_slice %arg9[%multiple_of3A] : memref<16384xf32, #tpu.memory_space<hbm>> -> memref<512xf32, #tpu.memory_space<hbm>>
      %dma_wait3A_2162 = tpu.memref_slice %arg9[%multiple_of3A] : memref<16384xf32, #tpu.memory_space<hbm>> -> memref<512xf32, #tpu.memory_space<hbm>>
      tpu.wait_dma2 semaphore(%run_scoped3A : memref<!tpu.dma_semaphore, #tpu.memory_space<semaphore_mem>>) src(%arg19 : memref<512xf32, #tpu.memory_space<vmem>>) dst(%dma_wait3A_2162 : memref<512xf32, #tpu.memory_space<hbm>>)
      tpu.yield
    }) : () -> ()
    return
  }
}

</mosaic_0001>

<sc_bundles>
// kernel: kernel.3.cloned.1.call-start
scs
__scs_entry_jumppad:
0x0: {  	(pc) =	sbr.rel $0x88, $3  }
0x1: {  	(tag) =	ssettag $0x0;
	lr =	simm.s32 $0x1  }
0x2: {  	[smem:$0x3F9A] =	sst lr;
	_ =	strace $0xD0000000  }
0x3: {  	_ = 	snop  }
0x4: {  	_ = 	snop  }
0x5: {  	_ = 	snop  }
0x6: {  	_ = 	snop  }
0x7: {  	_ = 	snop  }
__scs_overlays_trampoline_lowered:
0x8: {  	[smem:$0x3FA9] =	sst s0  }
0x9: {  	[smem:$0x3FAA] =	sst s1  }
0xa: {  	[smem:$0x3FAB] =	sst s2  }
0xb: {  	[smem:$0x3FAC] =	sst s3  }
0xc: {  	[smem:$0x3FAD] =	sst s4  }
0xd: {  	[smem:$0x3FAE] =	sst s5  }
0xe: {  	[smem:$0x3FAF] =	sst s6  }
0xf: {  	[smem:$0x3FB0] =	sst s7  }
0x10: {  	[smem:$0x3FB1] =	sst s8  }
0x11: {  	[smem:$0x3FB2] =	sst s9;
	s0 =	simm.s32 @!p0 $0x0  }
0x12: {  	s1 =	sld [smem:$0x3F98];
	s0 =	simm.s32 @p0 $0x1  }
0x13: {  	[smem:$0x3FB3] =	sst s0;
	s0 =	simm.s32 @!p1 $0x0  }
0x14: {  	s2 =	sld [smem:$0x3F97];
	s0 =	simm.s32 @p1 $0x1  }
0x15: {  	[smem:$0x3FB4] =	sst s0;
	s0 =	simm.s32 @!p2 $0x0  }
0x16: {  	s3 =	sld [smem:$0x3FDB];
	s0 =	simm.s32 @p2 $0x1  }
0x17: {  	s4 =	simm.s32 $0x1BF5;
	[smem:$0x3FB6] =	sst s0  }
0x18: {  	s0 =	sld [smem:$0x3F99];
	_ =	swait.ge [sflag:s4], $0x0  }
0x19: {  	s7 =	sld [smem:$0x3F9A]  }
0x1a: {  	s8 =	sadd.s32 $0xFFFFE003, lr  }
0x1b: {  	s9 =	sadd.s32 $0xFFFFFEF7, lr;
	s5 =	simm.s32 $0xFFFFFFFF;
	p2 =	slt.u32 s8, $0xFFFFF086  }
0x1c: {  	p1 =	slt.u32 s9, $0xF7A;
	s5 =	simm.s32 @!p2 $0x0  }
0x1d: {  	s5 =	simm.s32 @p1 $0x1;
	p0 =	seq.s32 s7, s2  }
0x1e: {  	s7 =	smul.u32 @!p0 $0xF7A, s2;
	p2 =	seq.s32 @!p0 s5, $0x0  }
0x1f: {  	s9 =	smul.u32 $0xF7A, s1;
	s8 =	simm.s32 @!p0 $0x1BF5;
	p2 =	por !p2, p0  }
0x20: {  	[sflag:s8] =	ssyncset.s32 @!p0 $0xFFFFF086;
	s6 =	sadd.s32 @!p0 s3, s7;
	s7 =	simm.s32 @!p0 $0x108  }
0x21: {  	s3 =	sadd.s32 s3, s9;
	s6 =	sadd.s32 @!p0 $0x88, s6;
	s7 =	simm.s32 @p2 $0x1082  }
0x22: {  	[simem:s7], [sflag:s8] =	dma.local @!p0 [hbm:s6], $0xF7A  }
0x23: {  	s9 =	sor.u32 $0xD0000000, s2;
	s6 =	simm.s32 $0x108;
	_ =	swait.ge @!p0 [sflag:s8], $0x0  }
0x24: {  	s3 =	sadd.s32 $0x88, s3;
	s6 =	simm.s32 @!p1 $0x1082;
	[sflag:s4] =	ssyncset.s32 $0xFFFFF086  }
0x25: {  	[simem:s6], [sflag:s4] =	dma.local [hbm:s3], $0xF7A  }
0x26: {  	[smem:$0x3F9A] =	sst s1;
	(tag) =	ssettag s2;
	_ =	strace s9  }
0x27: {  	s1 =	sld [smem:$0x3FAA]  }
0x28: {  	s2 =	sld [smem:$0x3FAB]  }
0x29: {  	s4 =	sld [smem:$0x3FAD]  }
0x2a: {  	p0 =	seq.s32 s5, $0x0;
	s5 =	sld [smem:$0x3FAE]  }
0x2b: {  	s6 =	sld [smem:$0x3FAF]  }
0x2c: {  	s7 =	sld [smem:$0x3FB0]  }
0x2d: {  	s3 =	simm.s32 $0x108;
	s8 =	sld [smem:$0x3FB1]  }
0x2e: {  	s3 =	simm.s32 @!p0 $0x1082;
	s9 =	sld [smem:$0x3FB2]  }
0x2f: {  	lr =	sadd.s32 s0, s3;
	s0 =	sld [smem:$0x3FA9]  }
0x30: {  	s3 =	sld [smem:$0x3FAC]  }
0x31: {  	[smem:$0x3FB5] =	sst s10  }
0x32: {  	s10 =	sld [smem:$0x3FB3];
	_ =	sdelay $0x3  }
0x33: {  	p0 =	seq.s32 s10, $0x1;
	s10 =	sld [smem:$0x3FB5];
	_ =	sdelay $0x3  }
0x34: {  	[smem:$0x3FB5] =	sst s10  }
0x35: {  	s10 =	sld [smem:$0x3FB4];
	_ =	sdelay $0x3  }
0x36: {  	p1 =	seq.s32 s10, $0x1;
	s10 =	sld [smem:$0x3FB5];
	_ =	sdelay $0x3  }
0x37: {  	[smem:$0x3FB5] =	sst s10  }
0x38: {  	s10 =	sld [smem:$0x3FB6]  }
0x39: {  	_ = 	snop;
	(pc) =	sbr.ind lr, $3  }
0x3a: {  	_ = 	snop  }
0x3b: {  	_ = 	snop  }
0x3c: {  	p2 =	seq.s32 s10, $0x1;
	s10 =	sld [smem:$0x3FB5]  }
0x3d: {  	_ =	shalt  }
0x3e: {  	_ =	shalt  }
0x3f: {  	_ =	shalt  }
0x40: {  	_ =	shalt  }
0x41: {  	_ =	shalt  }
0x42: {  	_ =	shalt  }
0x43: {  	_ =	shalt  }
0x44: {  	_ =	shalt  }
0x45: {  	_ =	shalt  }
0x46: {  	_ =	shalt  }
0x47: {  	_ =	shalt  }
0x48: {  	_ =	shalt  }
0x49: {  	_ =	shalt  }
0x4a: {  	_ =	shalt  }
0x4b: {  	_ =	shalt  }
0x4c: {  	_ =	shalt  }
0x4d: {  	_ =	shalt  }
0x4e: {  	_ =	shalt  }
0x4f: {  	_ =	shalt  }
0x50: {  	_ =	shalt  }
0x51: {  	_ =	shalt  }
0x52: {  	_ =	shalt  }
0x53: {  	_ =	shalt  }
0x54: {  	_ =	shalt  }
0x55: {  	_ =	shalt  }
0x56: {  	_ =	shalt  }
0x57: {  	_ =	shalt  }
0x58: {  	_ =	shalt  }
0x59: {  	_ =	shalt  }
0x5a: {  	_ =	shalt  }
0x5b: {  	_ =	shalt  }
0x5c: {  	_ =	shalt  }
0x5d: {  	_ =	shalt  }
0x5e: {  	_ =	shalt  }
0x5f: {  	_ =	shalt  }
0x60: {  	_ =	shalt  }
0x61: {  	_ =	shalt  }
0x62: {  	_ =	shalt  }
0x63: {  	_ =	shalt  }
0x64: {  	_ =	shalt  }
0x65: {  	_ =	shalt  }
0x66: {  	_ =	shalt  }
0x67: {  	_ =	shalt  }
0x68: {  	_ =	shalt  }
0x69: {  	_ =	shalt  }
0x6a: {  	_ =	shalt  }
0x6b: {  	_ =	shalt  }
0x6c: {  	_ =	shalt  }
0x6d: {  	_ =	shalt  }
0x6e: {  	_ =	shalt  }
0x6f: {  	_ =	shalt  }
0x70: {  	_ =	shalt  }
0x71: {  	_ =	shalt  }
0x72: {  	_ =	shalt  }
0x73: {  	_ =	shalt  }
0x74: {  	_ =	shalt  }
0x75: {  	_ =	shalt  }
0x76: {  	_ =	shalt  }
0x77: {  	_ =	shalt  }
0x78: {  	_ =	shalt  }
0x79: {  	_ =	shalt  }
0x7a: {  	_ =	shalt  }
0x7b: {  	_ =	shalt  }
0x7c: {  	_ =	shalt  }
0x7d: {  	_ =	shalt  }
0x7e: {  	_ =	shalt  }
0x7f: {  	_ =	shalt  }
0x80: {  	_ =	shalt  }
0x81: {  	_ =	shalt  }
0x82: {  	_ =	shalt  }
0x83: {  	_ =	shalt  }
0x84: {  	_ =	shalt  }
0x85: {  	_ =	shalt  }
0x86: {  	_ =	shalt  }
0x87: {  	_ =	shalt  }
.Lfunc_end0:
.L_simem_size_0:
called_computation_lowered:
.L_overlay_start_0:
0x88: {  	s2 =	sld [smem:$0x3FD9]  }
0x89: {  	s3 =	sld [smem:$0x3FFE];
	_ =	sdelay $0x1  }
0x8a: {  	s1 =	srdreg.scid  }
0x8b: {  	s0 =	sand.u32 $0x1, s1  }
0x8c: {  	s17 =	sshll.u32 s0, $0xA;
	s2 =	sadd.s32 s3, s2  }
0x8d: {  	s2 =	sadd.s32 s2, s17  }
0x8e: {  	[smem:$0x3FC1] =	sst s2  }
0x8f: {  	_ = 	snop  }
0x90: {  	s2 =	sld [smem:$0x3FC9]  }
0x91: {  	s18 =	sld [smem:$0x3FC8]  }
0x92: {  	s4 =	sld [smem:$0x3FD0];
	(tm) =	ssettm $0x1  }
0x93: {  	s5 =	sld [smem:$0x3FFB];
	_ =	sdelay $0x3  }
0x94: {  	_ =	strace s5  }
0x95: {  	s5 =	sld [smem:$0x3FFC];
	_ =	sdelay $0x3  }
0x96: {  	_ =	strace s5  }
0x97: {  	s5 =	sld [smem:$0x3FFD];
	_ =	sdelay $0x3  }
0x98: {  	_ =	strace s5  }
0x99: {  	_ =	strace $0x8FFFFFFF  }
0x9a: {  	s19 =	sld [smem:$0x3FDB];
	_ =	sdelay $0x1  }
0x9b: {  	s6 =	simm.s32 $_scs_section_size  }
0x9c: {  	s7 =	simm.s32 $_size__tile_overlayer_lowered;
	s8 =	simm.s32 $_tile_overlayer_lowered  }
0x9d: {  	s22 =	simm.s32 $0x1BFF;
	s21 =	sshll.u32 s8, $0x1;
	s5 =	sadd.s32 s6, s19  }
0x9e: {  	s9 =	simm.s32 $0x0;
	s20 =	sshll.u32 s7, $0x1;
	s7 =	sadd.s32 s21, s5  }
0x9f: {  	[timem:s9], [sflag:s22] =	dma.local [hbm:s7], s20  }
0xa0: {  	_ =	swait.ge [sflag:s22], s20  }
0xa1: {  	s6 =	ssub.s32 $0x0, s20;
	[sflag:s22] =	ssyncset.done $0x0  }
0xa2: {  	[sflag:s22] =	ssyncadd.s32 s6;
	_ =	sdelay $0x1  }
0xa3: {  	s23 =	simm.s32 $0x1B8B  }
0xa4: {  	_ =	swait.ge [sflag:s23], $0x1  }
0xa5: {  	[sflag:s23] =	ssyncset.done $0x0  }
0xa6: {  	s25 =	simm.s32 $0x1B8E;
	s24 =	sld [smem:$0x3FFE];
	[sflag:s23] =	ssyncadd.s32 $0xFFFFFFFF  }
0xa7: {  	s26 =	simm.s32 $execute0_lowered;
	[smem:$0x3FD2] =	sst s25  }
0xa8: {  	s7 =	sshll.u32 s26, $0x1;
	_ =	strace $0x80000046;
	[dreg:$0x1] =	wrdreg $0xFFFFFFFF  }
0xa9: {  	s28 =	simm.s32 $_size_execute0_lowered;
	s5 =	sadd.s32 s5, s7;
	[dreg:$0x0] =	wrdreg $0x0  }
0xaa: {  	s7 =	sshll.u32 s28, $0x1;
	[dreg:$0x2] =	wrdreg s5  }
0xab: {  	[dreg:$0x3] =	wrdreg s7  }
0xac: {  	[dreg:$0x4] =	wrdreg $0xC0  }
0xad: {  	_ =	task [dreg:s9], $0x5FFFF  }
0xae: {  	[dreg:$0x1] =	wrdreg $0xFFFFFFFF  }
0xaf: {  	[dreg:$0x0] =	wrdreg $0x60  }
0xb0: {  	[dreg:$0x2] =	wrdreg s2  }
0xb1: {  	[dreg:$0x3] =	wrdreg s18  }
0xb2: {  	[dreg:$0x4] =	wrdreg s24  }
0xb3: {  	[dreg:$0x5] =	wrdreg s4  }
0xb4: {  	[dreg:$0x6] =	wrdreg $0x9  }
0xb5: {  	_ =	task.clear_ibuf [dreg:s9], $0x7FFFF;
	_ =	strace $0x90000046  }
0xb6: {  	s29 =	simm.s32 $0x9;
	_ =	strace $0x80000048  }
0xb7: {  	_ =	swait.ge [sflag:s29], $0x1  }
0xb8: {  	[sflag:s29] =	ssyncadd.s32 $0xFFFFFFFF  }
0xb9: {  	_ =	strace $0x90000048  }
0xba: {  	_ =	sfence  }
0xbb: {  	s30 =	sld [smem:$0x0];
	_ =	sdelay $0x2  }
0xbc: {  	s31 =	sshll.u32 s1, $0xD;
	s1 =	sshrl.u32 s1, $0x2  }
0xbd: {  	s3 =	sand.u32 $0x4000, s31;
	s1 =	sadd.s32 s1, s30  }
0xbe: {  	s0 =	sor.u32 s3, s0;
	s1 =	sshll.u32 s1, $0x11  }
0xbf: {  	s0 =	sor.u32 s1, s0  }
0xc0: {  	s0 =	sadd.s32 $0x8F2B, s0  }
0xc1: {  	[sflag:s0] =	ssyncadd.remote.s32 $0x1  }
0xc2: {  	_ =	sfence.sel $0xFFFF  }
0xc3: {  	[dreg:$0x0] =	wrdreg $0xFFFFFFFF;
	(pc) =	sbr.abs _section_cstart, $3  }
0xc4: {  	[dreg:$0x1] =	wrdreg $0xFFFFFFFF  }
0xc5: {  	_ =	task.clear_ibuf [dreg:s9], $0x2FFFF;
	_ =	strace $0x9FFFFFFF  }
0xc6: {  	(tm) =	ssettm $0x7FFFFFFF  }
0xc7: {  	_ =	shalt  }
tec
execute0_lowered:
.L_overlay_start_1:
0x0: {  	(tag) =	ssettag $0x1  }
0x1: {  	s0 =	rddreg [dreg:$0x0]  }
0x2: {  	s1 =	rddreg [dreg:$0x1]  }
0x3: {  	s5 =	rddreg [dreg:$0x2]  }
0x4: {  	s2 =	rddreg [dreg:$0x3];
	s21 =	simm.s32 $0x0  }
0x5: {  	[smem:$0x7FF] =	sst s21;
	s3 =	sadd.s32 $0x53000, s5  }
0x6: {  	s22 =	sadd.s32 $0x22200, s5;
	_ =	strace $0x80000047;
	[dreg:$0x5] =	wrdreg s3  }
0x7: {  	s4 =	sadd.s32 $0x3800, s5;
	[dreg:$0x6] =	wrdreg s22  }
0x8: {  	s7 =	sadd.s32 $0x600, s5;
	[dreg:$0x7] =	wrdreg s4  }
0x9: {  	s26 =	sadd.s32 $0x23B600, s5;
	[dreg:$0x8] =	wrdreg s7  }
0xa: {  	s8 =	sadd.s32 $0x53010, s5;
	[dreg:$0x9] =	wrdreg s26  }
0xb: {  	s9 =	sadd.s32 $0x22210, s5;
	[dreg:$0xc] =	wrdreg s8  }
0xc: {  	s10 =	sadd.s32 $0x53020, s5;
	[dreg:$0xd] =	wrdreg s9  }
0xd: {  	s11 =	sadd.s32 $0x22220, s5;
	[dreg:$0xe] =	wrdreg s10  }
0xe: {  	s12 =	sadd.s32 $0x53030, s5;
	[dreg:$0xf] =	wrdreg s11  }
0xf: {  	s23 =	srdreg.scid;
	s13 =	sadd.s32 $0x22230, s5;
	[dreg:$0x10] =	wrdreg s12  }
0x10: {  	s6 =	stileid.u32;
	s14 =	sadd.s32 $0x53040, s5;
	[dreg:$0x11] =	wrdreg s13  }
0x11: {  	s6 =	sshll.u32 s6, $0x7;
	s15 =	sadd.s32 $0x22240, s5;
	[dreg:$0x12] =	wrdreg s14  }
0x12: {  	s16 =	sadd.s32 $0x53050, s5;
	s17 =	sadd.s32 $0x22250, s5;
	[dreg:$0x13] =	wrdreg s15  }
0x13: {  	s18 =	sadd.s32 $0x53060, s5;
	s19 =	sadd.s32 $0x22260, s5;
	[dreg:$0x14] =	wrdreg s16  }
0x14: {  	s20 =	sadd.s32 $0x53070, s5;
	s28 =	sadd.s32 $0x3A910, s5;
	[dreg:$0x15] =	wrdreg s17  }
0x15: {  	s29 =	sadd.s32 $0x1472A0, s5;
	s30 =	sadd.s32 $0x3A920, s5;
	[dreg:$0x16] =	wrdreg s18  }
0x16: {  	s31 =	sadd.s32 $0x3A950, s5;
	s3 =	sand.u32 $0x1, s23;
	[dreg:$0x17] =	wrdreg s19  }
0x17: {  	[dreg:$0x18] =	wrdreg s20;
	s22 =	sadd.s32 $0x147280, s5;
	s26 =	sadd.s32 $0x147290, s5  }
0x18: {  	s23 =	sadd.s32 $0x22270, s5;
	s8 =	sadd.s32 $0x3A940, s5;
	s9 =	sadd.s32 $0x1472D0, s5  }
0x19: {  	s4 =	sadd.s32 $0x1472F0, s5;
	s10 =	simm.s32 $0x80;
	s11 =	simm.s32 $0x400  }
0x1a: {  	s12 =	simm.s32 $0x600;
	s13 =	simm.s32 $0x480;
	s14 =	simm.s32 $0x680  }
0x1b: {  	s15 =	simm.s32 $0x500;
	s16 =	simm.s32 $0x700;
	s17 =	simm.s32 $0x580  }
0x1c: {  	s18 =	simm.s32 $0x780;
	s19 =	simm.s32 $0x1;
	s20 =	simm.s32 $0x0  }
0x1d: {  	s24 =	ssub.s32 $0x2, s3;
	s3 =	sshll.u32 s3, $0x6;
	[dreg:$0x19] =	wrdreg s22  }
0x1e: {  	[dreg:$0x1a] =	wrdreg s23;
	s25 =	sshrl.u32 s24, $0x1;
	s3 =	sor.u32 s3, s6  }
0x1f: {  	s6 =	ssub.s32 s24, s25;
	s0 =	sadd.s32 s0, s3;
	s7 =	sadd.s32 s1, s3  }
0x20: {  	s25 =	sadd.s32 $0x3A900, s5;
	s24 =	sadd.s32 s2, s3;
	[dreg:$0xa] =	wrdreg s0  }
0x21: {  	s2 =	sadd.s32 $0x1472C0, s5;
	s1 =	sadd.s32 $0x1472E0, s5;
	[dreg:$0xb] =	wrdreg s7  }
0x22: {  	s3 =	sadd.s32 $0x3A960, s5;
	[dreg:$0x1b] =	wrdreg s24;
	s0 =	sadd.s32 $0x1472B0, s5  }
0x23: {  	s7 =	sadd.s32 $0x3A930, s5;
	s5 =	sadd.s32 $0x3A970, s5;
	s6 =	smax.u32 s6, $0x1  }
0x24: {  	s24 =	simm.s32 $0x200;
	[dreg:$0x1c] =	wrdreg s6;
	s6 =	simm.s32 $0x2  }
.LBB2_1:
0x25: {  	s22 =	rddreg [dreg:$0xa]  }
0x26: {  	[tilespmem:s21], [sflag:$0x2] =	stream.linear.gather [hbm4b:s22+s21], $0x200, $0x38;
	[tilespmem:$0x4E10] =	vst v63  }
0x27: {  	_ =	swait.ge [sflag:s6], $0x200  }
0x28: {  	[sflag:s6] =	ssyncset.done $0x0  }
0x29: {  	s23 =	rddreg [dreg:$0xb];
	[sflag:s6] =	ssyncadd.s32 $0xFFFFFE00  }
0x2a: {  	[tilespmem:s24], [sflag:$0x2] =	stream.linear.gather [hbm4b:s23+s21], $0x200, $0x38;
	[tilespmem:$0x4E10] =	vst v63  }
0x2b: {  	_ =	swait.ge [sflag:s6], $0x200  }
0x2c: {  	[sflag:s6] =	ssyncset.done $0x0  }
0x2d: {  	s23 =	simm.s32 $0x4C00;
	s22 =	rddreg [dreg:$0x9];
	[sflag:s6] =	ssyncadd.s32 $0xFFFFFE00  }
0x2e: {  	[tilespmem:s23], [sflag:$0x2] =	stream.linear.gather [hbm4b:s22+s21], $0x10, $0x38;
	[tilespmem:$0x4E10] =	vst v63  }
0x2f: {  	_ =	swait.ge [sflag:s6], $0x10  }
0x30: {  	[sflag:s6] =	ssyncset.done $0x0  }
0x31: {  	s21 =	simm.s32 $0x0;
	[sflag:s6] =	ssyncadd.s32 $0xFFFFFFF0  }
0x32: {  	v0 =	vld [tilespmem:s21+$0x200]  }
0x33: {  	v1 =	vld [tilespmem:s21+$0x0];
	_ =	sdelay $0x1  }
0x34: {  	s22 =	simm.s32 $0x40  }
.LBB2_2:
0x35: {  	p0 =	sne.s32 s22, $0x7C0  }
.Ltmp0:
0x36: {  	s23 =	sshra.s32 s22, $0x2;
	s22 =	sadd.s32 $0x40, s22;
	v2 =	vshll.u32 v0, $0x3;
	(pc) =	sbr.rel @p0 .LBB2_2-.Ltmp0, $4  }
0x37: {  	v4 =	vand.u32 $0x7F, v0;
	v3 =	vshll.u32 v1, $0x3;
	v2 =	vand.u32 $0xFFFFFC00, v2;
	v0 =	vld [tilespmem:s23+$0x200]  }
0x38: {  	v5 =	vand.u32 $0x7F, v1;
	v3 =	vand.u32 $0xFFFFFC00, v3;
	v1 =	vld [tilespmem:s23+$0x0];
	v2 =	vor.u32 v4, v2  }
0x39: {  	v3 =	vor.u32 v5, v3;
	[tilespmem:s21+$0x600] =	vst v2  }
0x3a: {  	[tilespmem:s21+$0x400] =	vst v3;
	s21 =	smov.u32 s23  }
0x3b: {  	_ = 	snop  }
0x3c: {  	v2 =	vshll.u32 v0, $0x3  }
0x3d: {  	v0 =	vand.u32 $0x7F, v0;
	v3 =	vshll.u32 v1, $0x3;
	v2 =	vand.u32 $0xFFFFFC00, v2  }
0x3e: {  	v1 =	vand.u32 $0x7F, v1;
	v3 =	vand.u32 $0xFFFFFC00, v3;
	v0 =	vor.u32 v0, v2  }
0x3f: {  	v1 =	vor.u32 v1, v3;
	[tilespmem:s21+$0x600] =	vst v0  }
0x40: {  	s22 =	rddreg [dreg:$0x7];
	s23 =	simm.s32 $0x4800;
	[tilespmem:s21+$0x400] =	vst v1;
	s21 =	simm.s32 $0x0  }
0x41: {  	[tilespmem:s23], [sflag:$0x1] =	stream.indirect.gather [hbm4b:s22+s10], $0x1, s21, s10, $0xb8;
	[tilespmem:$0x4E10] =	vst v63  }
0x42: {  	s21 =	rddreg [dreg:$0x8];
	s23 =	simm.s32 $0x4A00  }
0x43: {  	[tilespmem:s23], [sflag:$0x1] =	stream.indirect.gather [hbm4b:s21+s10], $0x1, s24, s10, $0xb8;
	[tilespmem:$0x4E10] =	vst v63  }
0x44: {  	s24 =	simm.s32 $0x4880  }
0x45: {  	[tilespmem:s24], [sflag:$0x1] =	stream.indirect.gather [hbm4b:s22+s10], $0x1, s10, s10, $0xb8;
	[tilespmem:$0x4E10] =	vst v63  }
0x46: {  	s23 =	simm.s32 $0x280;
	s24 =	simm.s32 $0x4A80  }
0x47: {  	[tilespmem:s24], [sflag:$0x1] =	stream.indirect.gather [hbm4b:s21+s10], $0x1, s23, s10, $0xb8;
	[tilespmem:$0x4E10] =	vst v63  }
0x48: {  	s23 =	simm.s32 $0x100;
	s24 =	simm.s32 $0x4900  }
0x49: {  	[tilespmem:s24], [sflag:$0x1] =	stream.indirect.gather [hbm4b:s22+s10], $0x1, s23, s10, $0xb8;
	[tilespmem:$0x4E10] =	vst v63  }
0x4a: {  	s23 =	simm.s32 $0x300;
	s24 =	simm.s32 $0x4B00  }
0x4b: {  	[tilespmem:s24], [sflag:$0x1] =	stream.indirect.gather [hbm4b:s21+s10], $0x1, s23, s10, $0xb8;
	[tilespmem:$0x4E10] =	vst v63  }
0x4c: {  	s23 =	simm.s32 $0x180;
	s24 =	simm.s32 $0x4980  }
0x4d: {  	[tilespmem:s24], [sflag:$0x1] =	stream.indirect.gather [hbm4b:s22+s10], $0x1, s23, s10, $0xb8;
	[tilespmem:$0x4E10] =	vst v63  }
0x4e: {  	s23 =	simm.s32 $0x380;
	s24 =	simm.s32 $0x4B80  }
0x4f: {  	[tilespmem:s24], [sflag:$0x1] =	stream.indirect.gather [hbm4b:s21+s10], $0x1, s23, s10, $0xb8;
	[tilespmem:$0x4E10] =	vst v63  }
0x50: {  	s21 =	rddreg [dreg:$0x5];
	s23 =	simm.s32 $0x800  }
0x51: {  	[tilespmem:s23], [sflag:$0x1] =	stream.indirect.gather [hbm4b:s21+s10], $0x1, s11, s10, $0xb8;
	[tilespmem:$0x4E10] =	vst v63  }
0x52: {  	s22 =	rddreg [dreg:$0x6];
	s24 =	simm.s32 $0x2800  }
0x53: {  	[tilespmem:s24], [sflag:$0x1] =	stream.indirect.gather [hbm4b:s22+s10], $0x1, s12, s10, $0xb8;
	[tilespmem:$0x4E10] =	vst v63  }
0x54: {  	s24 =	simm.s32 $0x880  }
0x55: {  	[tilespmem:s24], [sflag:$0x1] =	stream.indirect.gather [hbm4b:s21+s10], $0x1, s13, s10, $0xb8;
	[tilespmem:$0x4E10] =	vst v63  }
0x56: {  	s24 =	simm.s32 $0x2880  }
0x57: {  	[tilespmem:s24], [sflag:$0x1] =	stream.indirect.gather [hbm4b:s22+s10], $0x1, s14, s10, $0xb8;
	[tilespmem:$0x4E10] =	vst v63  }
0x58: {  	s24 =	simm.s32 $0x900  }
0x59: {  	[tilespmem:s24], [sflag:$0x1] =	stream.indirect.gather [hbm4b:s21+s10], $0x1, s15, s10, $0xb8;
	[tilespmem:$0x4E10] =	vst v63  }
0x5a: {  	s24 =	simm.s32 $0x2900  }
0x5b: {  	[tilespmem:s24], [sflag:$0x1] =	stream.indirect.gather [hbm4b:s22+s10], $0x1, s16, s10, $0xb8;
	[tilespmem:$0x4E10] =	vst v63  }
0x5c: {  	s24 =	simm.s32 $0x980  }
0x5d: {  	[tilespmem:s24], [sflag:$0x1] =	stream.indirect.gather [hbm4b:s21+s10], $0x1, s17, s10, $0xb8;
	[tilespmem:$0x4E10] =	vst v63  }
0x5e: {  	s24 =	simm.s32 $0x2980  }
0x5f: {  	[tilespmem:s24], [sflag:$0x1] =	stream.indirect.gather [hbm4b:s22+s10], $0x1, s18, s10, $0xb8;
	[tilespmem:$0x4E10] =	vst v63  }
0x60: {  	s23 =	simm.s32 $0xA00;
	s21 =	rddreg [dreg:$0xc]  }
0x61: {  	[tilespmem:s23], [sflag:$0x1] =	stream.indirect.gather [hbm4b:s21+s10], $0x1, s11, s10, $0xb8;
	[tilespmem:$0x4E10] =	vst v63  }
0x62: {  	s22 =	rddreg [dreg:$0xd];
	s24 =	simm.s32 $0x2A00  }
0x63: {  	[tilespmem:s24], [sflag:$0x1] =	stream.indirect.gather [hbm4b:s22+s10], $0x1, s12, s10, $0xb8;
	[tilespmem:$0x4E10] =	vst v63  }
0x64: {  	s24 =	simm.s32 $0xA80  }
0x65: {  	[tilespmem:s24], [sflag:$0x1] =	stream.indirect.gather [hbm4b:s21+s10], $0x1, s13, s10, $0xb8;
	[tilespmem:$0x4E10] =	vst v63  }
0x66: {  	s24 =	simm.s32 $0x2A80  }
0x67: {  	[tilespmem:s24], [sflag:$0x1] =	stream.indirect.gather [hbm4b:s22+s10], $0x1, s14, s10, $0xb8;
	[tilespmem:$0x4E10] =	vst v63  }
0x68: {  	s24 =	simm.s32 $0xB00  }
0x69: {  	[tilespmem:s24], [sflag:$0x1] =	stream.indirect.gather [hbm4b:s21+s10], $0x1, s15, s10, $0xb8;
	[tilespmem:$0x4E10] =	vst v63  }
0x6a: {  	s24 =	simm.s32 $0x2B00  }
0x6b: {  	[tilespmem:s24], [sflag:$0x1] =	stream.indirect.gather [hbm4b:s22+s10], $0x1, s16, s10, $0xb8;
	[tilespmem:$0x4E10] =	vst v63  }
0x6c: {  	s24 =	simm.s32 $0xB80  }
0x6d: {  	[tilespmem:s24], [sflag:$0x1] =	stream.indirect.gather [hbm4b:s21+s10], $0x1, s17, s10, $0xb8;
	[tilespmem:$0x4E10] =	vst v63  }
0x6e: {  	s24 =	simm.s32 $0x2B80  }
0x6f: {  	[tilespmem:s24], [sflag:$0x1] =	stream.indirect.gather [hbm4b:s22+s10], $0x1, s18, s10, $0xb8;
	[tilespmem:$0x4E10] =	vst v63  }
0x70: {  	s23 =	simm.s32 $0xC00;
	s21 =	rddreg [dreg:$0xe]  }
0x71: {  	[tilespmem:s23], [sflag:$0x1] =	stream.indirect.gather [hbm4b:s21+s10], $0x1, s11, s10, $0xb8;
	[tilespmem:$0x4E10] =	vst v63  }
0x72: {  	s22 =	rddreg [dreg:$0xf];
	s24 =	simm.s32 $0x2C00  }
0x73: {  	[tilespmem:s24], [sflag:$0x1] =	stream.indirect.gather [hbm4b:s22+s10], $0x1, s12, s10, $0xb8;
	[tilespmem:$0x4E10] =	vst v63  }
0x74: {  	s24 =	simm.s32 $0xC80  }
0x75: {  	[tilespmem:s24], [sflag:$0x1] =	stream.indirect.gather [hbm4b:s21+s10], $0x1, s13, s10, $0xb8;
	[tilespmem:$0x4E10] =	vst v63  }
0x76: {  	s24 =	simm.s32 $0x2C80  }
0x77: {  	[tilespmem:s24], [sflag:$0x1] =	stream.indirect.gather [hbm4b:s22+s10], $0x1, s14, s10, $0xb8;
	[tilespmem:$0x4E10] =	vst v63  }
0x78: {  	s24 =	simm.s32 $0xD00  }
0x79: {  	[tilespmem:s24], [sflag:$0x1] =	stream.indirect.gather [hbm4b:s21+s10], $0x1, s15, s10, $0xb8;
	[tilespmem:$0x4E10] =	vst v63  }
0x7a: {  	s24 =	simm.s32 $0x2D00  }
0x7b: {  	[tilespmem:s24], [sflag:$0x1] =	stream.indirect.gather [hbm4b:s22+s10], $0x1, s16, s10, $0xb8;
	[tilespmem:$0x4E10] =	vst v63  }
0x7c: {  	s24 =	simm.s32 $0xD80  }
0x7d: {  	[tilespmem:s24], [sflag:$0x1] =	stream.indirect.gather [hbm4b:s21+s10], $0x1, s17, s10, $0xb8;
	[tilespmem:$0x4E10] =	vst v63  }
0x7e: {  	s24 =	simm.s32 $0x2D80  }
0x7f: {  	[tilespmem:s24], [sflag:$0x1] =	stream.indirect.gather [hbm4b:s22+s10], $0x1, s18, s10, $0xb8;
	[tilespmem:$0x4E10] =	vst v63  }
0x80: {  	s23 =	simm.s32 $0xE00;
	s21 =	rddreg [dreg:$0x10]  }
0x81: {  	[tilespmem:s23], [sflag:$0x1] =	stream.indirect.gather [hbm4b:s21+s10], $0x1, s11, s10, $0xb8;
	[tilespmem:$0x4E10] =	vst v63  }
0x82: {  	s22 =	rddreg [dreg:$0x11];
	s24 =	simm.s32 $0x2E00  }
0x83: {  	[tilespmem:s24], [sflag:$0x1] =	stream.indirect.gather [hbm4b:s22+s10], $0x1, s12, s10, $0xb8;
	[tilespmem:$0x4E10] =	vst v63  }
0x84: {  	s24 =	simm.s32 $0xE80  }
0x85: {  	[tilespmem:s24], [sflag:$0x1] =	stream.indirect.gather [hbm4b:s21+s10], $0x1, s13, s10, $0xb8;
	[tilespmem:$0x4E10] =	vst v63  }
0x86: {  	s24 =	simm.s32 $0x2E80  }
0x87: {  	[tilespmem:s24], [sflag:$0x1] =	stream.indirect.gather [hbm4b:s22+s10], $0x1, s14, s10, $0xb8;
	[tilespmem:$0x4E10] =	vst v63  }
0x88: {  	s24 =	simm.s32 $0xF00  }
0x89: {  	[tilespmem:s24], [sflag:$0x1] =	stream.indirect.gather [hbm4b:s21+s10], $0x1, s15, s10, $0xb8;
	[tilespmem:$0x4E10] =	vst v63  }
0x8a: {  	s24 =	simm.s32 $0x2F00  }
0x8b: {  	[tilespmem:s24], [sflag:$0x1] =	stream.indirect.gather [hbm4b:s22+s10], $0x1, s16, s10, $0xb8;
	[tilespmem:$0x4E10] =	vst v63  }
0x8c: {  	s24 =	simm.s32 $0xF80  }
0x8d: {  	[tilespmem:s24], [sflag:$0x1] =	stream.indirect.gather [hbm4b:s21+s10], $0x1, s17, s10, $0xb8;
	[tilespmem:$0x4E10] =	vst v63  }
0x8e: {  	s24 =	simm.s32 $0x2F80  }
0x8f: {  	[tilespmem:s24], [sflag:$0x1] =	stream.indirect.gather [hbm4b:s22+s10], $0x1, s18, s10, $0xb8;
	[tilespmem:$0x4E10] =	vst v63  }
0x90: {  	s23 =	simm.s32 $0x1000;
	s21 =	rddreg [dreg:$0x12]  }
0x91: {  	[tilespmem:s23], [sflag:$0x1] =	stream.indirect.gather [hbm4b:s21+s10], $0x1, s11, s10, $0xb8;
	[tilespmem:$0x4E10] =	vst v63  }
0x92: {  	s22 =	rddreg [dreg:$0x13];
	s24 =	simm.s32 $0x3000  }
0x93: {  	[tilespmem:s24], [sflag:$0x1] =	stream.indirect.gather [hbm4b:s22+s10], $0x1, s12, s10, $0xb8;
	[tilespmem:$0x4E10] =	vst v63  }
0x94: {  	s24 =	simm.s32 $0x1080  }
0x95: {  	[tilespmem:s24], [sflag:$0x1] =	stream.indirect.gather [hbm4b:s21+s10], $0x1, s13, s10, $0xb8;
	[tilespmem:$0x4E10] =	vst v63  }
0x96: {  	s24 =	simm.s32 $0x3080  }
0x97: {  	[tilespmem:s24], [sflag:$0x1] =	stream.indirect.gather [hbm4b:s22+s10], $0x1, s14, s10, $0xb8;
	[tilespmem:$0x4E10] =	vst v63  }
0x98: {  	s24 =	simm.s32 $0x1100  }
0x99: {  	[tilespmem:s24], [sflag:$0x1] =	stream.indirect.gather [hbm4b:s21+s10], $0x1, s15, s10, $0xb8;
	[tilespmem:$0x4E10] =	vst v63  }
0x9a: {  	s24 =	simm.s32 $0x3100  }
0x9b: {  	[tilespmem:s24], [sflag:$0x1] =	stream.indirect.gather [hbm4b:s22+s10], $0x1, s16, s10, $0xb8;
	[tilespmem:$0x4E10] =	vst v63  }
0x9c: {  	s24 =	simm.s32 $0x1180  }
0x9d: {  	[tilespmem:s24], [sflag:$0x1] =	stream.indirect.gather [hbm4b:s21+s10], $0x1, s17, s10, $0xb8;
	[tilespmem:$0x4E10] =	vst v63  }
0x9e: {  	s24 =	simm.s32 $0x3180  }
0x9f: {  	[tilespmem:s24], [sflag:$0x1] =	stream.indirect.gather [hbm4b:s22+s10], $0x1, s18, s10, $0xb8;
	[tilespmem:$0x4E10] =	vst v63  }
0xa0: {  	s23 =	simm.s32 $0x1200;
	s21 =	rddreg [dreg:$0x14]  }
0xa1: {  	[tilespmem:s23], [sflag:$0x1] =	stream.indirect.gather [hbm4b:s21+s10], $0x1, s11, s10, $0xb8;
	[tilespmem:$0x4E10] =	vst v63  }
0xa2: {  	s22 =	rddreg [dreg:$0x15];
	s24 =	simm.s32 $0x3200  }
0xa3: {  	[tilespmem:s24], [sflag:$0x1] =	stream.indirect.gather [hbm4b:s22+s10], $0x1, s12, s10, $0xb8;
	[tilespmem:$0x4E10] =	vst v63  }
0xa4: {  	s24 =	simm.s32 $0x1280  }
0xa5: {  	[tilespmem:s24], [sflag:$0x1] =	stream.indirect.gather [hbm4b:s21+s10], $0x1, s13, s10, $0xb8;
	[tilespmem:$0x4E10] =	vst v63  }
0xa6: {  	s24 =	simm.s32 $0x3280  }
0xa7: {  	[tilespmem:s24], [sflag:$0x1] =	stream.indirect.gather [hbm4b:s22+s10], $0x1, s14, s10, $0xb8;
	[tilespmem:$0x4E10] =	vst v63  }
0xa8: {  	s24 =	simm.s32 $0x1300  }
0xa9: {  	[tilespmem:s24], [sflag:$0x1] =	stream.indirect.gather [hbm4b:s21+s10], $0x1, s15, s10, $0xb8;
	[tilespmem:$0x4E10] =	vst v63  }
0xaa: {  	s24 =	simm.s32 $0x3300  }
0xab: {  	[tilespmem:s24], [sflag:$0x1] =	stream.indirect.gather [hbm4b:s22+s10], $0x1, s16, s10, $0xb8;
	[tilespmem:$0x4E10] =	vst v63  }
0xac: {  	s24 =	simm.s32 $0x1380  }
0xad: {  	[tilespmem:s24], [sflag:$0x1] =	stream.indirect.gather [hbm4b:s21+s10], $0x1, s17, s10, $0xb8;
	[tilespmem:$0x4E10] =	vst v63  }
0xae: {  	s24 =	simm.s32 $0x3380  }
0xaf: {  	[tilespmem:s24], [sflag:$0x1] =	stream.indirect.gather [hbm4b:s22+s10], $0x1, s18, s10, $0xb8;
	[tilespmem:$0x4E10] =	vst v63  }
0xb0: {  	s23 =	simm.s32 $0x1400;
	s21 =	rddreg [dreg:$0x16]  }
0xb1: {  	[tilespmem:s23], [sflag:$0x1] =	stream.indirect.gather [hbm4b:s21+s10], $0x1, s11, s10, $0xb8;
	[tilespmem:$0x4E10] =	vst v63  }
0xb2: {  	s22 =	rddreg [dreg:$0x17];
	s24 =	simm.s32 $0x3400  }
0xb3: {  	[tilespmem:s24], [sflag:$0x1] =	stream.indirect.gather [hbm4b:s22+s10], $0x1, s12, s10, $0xb8;
	[tilespmem:$0x4E10] =	vst v63  }
0xb4: {  	s24 =	simm.s32 $0x1480  }
0xb5: {  	[tilespmem:s24], [sflag:$0x1] =	stream.indirect.gather [hbm4b:s21+s10], $0x1, s13, s10, $0xb8;
	[tilespmem:$0x4E10] =	vst v63  }
0xb6: {  	s24 =	simm.s32 $0x3480  }
0xb7: {  	[tilespmem:s24], [sflag:$0x1] =	stream.indirect.gather [hbm4b:s22+s10], $0x1, s14, s10, $0xb8;
	[tilespmem:$0x4E10] =	vst v63  }
0xb8: {  	s24 =	simm.s32 $0x1500  }
0xb9: {  	[tilespmem:s24], [sflag:$0x1] =	stream.indirect.gather [hbm4b:s21+s10], $0x1, s15, s10, $0xb8;
	[tilespmem:$0x4E10] =	vst v63  }
0xba: {  	s24 =	simm.s32 $0x3500  }
0xbb: {  	[tilespmem:s24], [sflag:$0x1] =	stream.indirect.gather [hbm4b:s22+s10], $0x1, s16, s10, $0xb8;
	[tilespmem:$0x4E10] =	vst v63  }
0xbc: {  	s24 =	simm.s32 $0x1580  }
0xbd: {  	[tilespmem:s24], [sflag:$0x1] =	stream.indirect.gather [hbm4b:s21+s10], $0x1, s17, s10, $0xb8;
	[tilespmem:$0x4E10] =	vst v63  }
0xbe: {  	s24 =	simm.s32 $0x3580  }
0xbf: {  	[tilespmem:s24], [sflag:$0x1] =	stream.indirect.gather [hbm4b:s22+s10], $0x1, s18, s10, $0xb8;
	[tilespmem:$0x4E10] =	vst v63  }
0xc0: {  	s23 =	simm.s32 $0x1600;
	s21 =	rddreg [dreg:$0x18]  }
0xc1: {  	[tilespmem:s23], [sflag:$0x1] =	stream.indirect.gather [hbm4b:s21+s10], $0x1, s11, s10, $0xb8;
	[tilespmem:$0x4E10] =	vst v63  }
0xc2: {  	s22 =	rddreg [dreg:$0x1a];
	s24 =	simm.s32 $0x3600  }
0xc3: {  	[tilespmem:s24], [sflag:$0x1] =	stream.indirect.gather [hbm4b:s22+s10], $0x1, s12, s10, $0xb8;
	[tilespmem:$0x4E10] =	vst v63  }
0xc4: {  	s24 =	simm.s32 $0x1680  }
0xc5: {  	[tilespmem:s24], [sflag:$0x1] =	stream.indirect.gather [hbm4b:s21+s10], $0x1, s13, s10, $0xb8;
	[tilespmem:$0x4E10] =	vst v63  }
0xc6: {  	s24 =	simm.s32 $0x3680  }
0xc7: {  	[tilespmem:s24], [sflag:$0x1] =	stream.indirect.gather [hbm4b:s22+s10], $0x1, s14, s10, $0xb8;
	[tilespmem:$0x4E10] =	vst v63  }
0xc8: {  	s24 =	simm.s32 $0x1700  }
0xc9: {  	[tilespmem:s24], [sflag:$0x1] =	stream.indirect.gather [hbm4b:s21+s10], $0x1, s15, s10, $0xb8;
	[tilespmem:$0x4E10] =	vst v63  }
0xca: {  	s24 =	simm.s32 $0x3700  }
0xcb: {  	[tilespmem:s24], [sflag:$0x1] =	stream.indirect.gather [hbm4b:s22+s10], $0x1, s16, s10, $0xb8;
	[tilespmem:$0x4E10] =	vst v63  }
0xcc: {  	s24 =	simm.s32 $0x1780  }
0xcd: {  	[tilespmem:s24], [sflag:$0x1] =	stream.indirect.gather [hbm4b:s21+s10], $0x1, s17, s10, $0xb8;
	[tilespmem:$0x4E10] =	vst v63  }
0xce: {  	s23 =	simm.s32 $0x3780  }
0xcf: {  	[tilespmem:s23], [sflag:$0x1] =	stream.indirect.gather [hbm4b:s22+s10], $0x1, s18, s10, $0xb8;
	[tilespmem:$0x4E10] =	vst v63  }
0xd0: {  	s21 =	rddreg [dreg:$0x19];
	s24 =	simm.s32 $0x1800  }
0xd1: {  	[tilespmem:s24], [sflag:$0x1] =	stream.indirect.gather [hbm4b:s21+s10], $0x1, s11, s10, $0xb8;
	[tilespmem:$0x4E10] =	vst v63  }
0xd2: {  	s23 =	simm.s32 $0x3800  }
0xd3: {  	[tilespmem:s23], [sflag:$0x1] =	stream.indirect.gather [hbm4b:s25+s10], $0x1, s12, s10, $0xb8;
	[tilespmem:$0x4E10] =	vst v63  }
0xd4: {  	s24 =	simm.s32 $0x1880  }
0xd5: {  	[tilespmem:s24], [sflag:$0x1] =	stream.indirect.gather [hbm4b:s21+s10], $0x1, s13, s10, $0xb8;
	[tilespmem:$0x4E10] =	vst v63  }
0xd6: {  	s23 =	simm.s32 $0x3880  }
0xd7: {  	[tilespmem:s23], [sflag:$0x1] =	stream.indirect.gather [hbm4b:s25+s10], $0x1, s14, s10, $0xb8;
	[tilespmem:$0x4E10] =	vst v63  }
0xd8: {  	s24 =	simm.s32 $0x1900  }
0xd9: {  	[tilespmem:s24], [sflag:$0x1] =	stream.indirect.gather [hbm4b:s21+s10], $0x1, s15, s10, $0xb8;
	[tilespmem:$0x4E10] =	vst v63  }
0xda: {  	s23 =	simm.s32 $0x3900  }
0xdb: {  	[tilespmem:s23], [sflag:$0x1] =	stream.indirect.gather [hbm4b:s25+s10], $0x1, s16, s10, $0xb8;
	[tilespmem:$0x4E10] =	vst v63  }
0xdc: {  	s24 =	simm.s32 $0x1980  }
0xdd: {  	[tilespmem:s24], [sflag:$0x1] =	stream.indirect.gather [hbm4b:s21+s10], $0x1, s17, s10, $0xb8;
	[tilespmem:$0x4E10] =	vst v63  }
0xde: {  	s22 =	simm.s32 $0x3980  }
0xdf: {  	[tilespmem:s22], [sflag:$0x1] =	stream.indirect.gather [hbm4b:s25+s10], $0x1, s18, s10, $0xb8;
	[tilespmem:$0x4E10] =	vst v63  }
0xe0: {  	s23 =	simm.s32 $0x1A00  }
0xe1: {  	[tilespmem:s23], [sflag:$0x1] =	stream.indirect.gather [hbm4b:s26+s10], $0x1, s11, s10, $0xb8;
	[tilespmem:$0x4E10] =	vst v63  }
0xe2: {  	s24 =	simm.s32 $0x3A00  }
0xe3: {  	[tilespmem:s24], [sflag:$0x1] =	stream.indirect.gather [hbm4b:s28+s10], $0x1, s12, s10, $0xb8;
	[tilespmem:$0x4E10] =	vst v63  }
0xe4: {  	s22 =	simm.s32 $0x1A80  }
0xe5: {  	[tilespmem:s22], [sflag:$0x1] =	stream.indirect.gather [hbm4b:s26+s10], $0x1, s13, s10, $0xb8;
	[tilespmem:$0x4E10] =	vst v63  }
0xe6: {  	s23 =	simm.s32 $0x3A80  }
0xe7: {  	[tilespmem:s23], [sflag:$0x1] =	stream.indirect.gather [hbm4b:s28+s10], $0x1, s14, s10, $0xb8;
	[tilespmem:$0x4E10] =	vst v63  }
0xe8: {  	s24 =	simm.s32 $0x1B00  }
0xe9: {  	[tilespmem:s24], [sflag:$0x1] =	stream.indirect.gather [hbm4b:s26+s10], $0x1, s15, s10, $0xb8;
	[tilespmem:$0x4E10] =	vst v63  }
0xea: {  	s22 =	simm.s32 $0x3B00  }
0xeb: {  	[tilespmem:s22], [sflag:$0x1] =	stream.indirect.gather [hbm4b:s28+s10], $0x1, s16, s10, $0xb8;
	[tilespmem:$0x4E10] =	vst v63  }
0xec: {  	s23 =	simm.s32 $0x1B80  }
0xed: {  	[tilespmem:s23], [sflag:$0x1] =	stream.indirect.gather [hbm4b:s26+s10], $0x1, s17, s10, $0xb8;
	[tilespmem:$0x4E10] =	vst v63  }
0xee: {  	s24 =	simm.s32 $0x3B80  }
0xef: {  	[tilespmem:s24], [sflag:$0x1] =	stream.indirect.gather [hbm4b:s28+s10], $0x1, s18, s10, $0xb8;
	[tilespmem:$0x4E10] =	vst v63  }
0xf0: {  	s22 =	simm.s32 $0x1C00  }
0xf1: {  	[tilespmem:s22], [sflag:$0x1] =	stream.indirect.gather [hbm4b:s29+s10], $0x1, s11, s10, $0xb8;
	[tilespmem:$0x4E10] =	vst v63  }
0xf2: {  	s23 =	simm.s32 $0x3C00  }
0xf3: {  	[tilespmem:s23], [sflag:$0x1] =	stream.indirect.gather [hbm4b:s30+s10], $0x1, s12, s10, $0xb8;
	[tilespmem:$0x4E10] =	vst v63  }
0xf4: {  	s24 =	simm.s32 $0x1C80  }
0xf5: {  	[tilespmem:s24], [sflag:$0x1] =	stream.indirect.gather [hbm4b:s29+s10], $0x1, s13, s10, $0xb8;
	[tilespmem:$0x4E10] =	vst v63  }
0xf6: {  	s22 =	simm.s32 $0x3C80  }
0xf7: {  	[tilespmem:s22], [sflag:$0x1] =	stream.indirect.gather [hbm4b:s30+s10], $0x1, s14, s10, $0xb8;
	[tilespmem:$0x4E10] =	vst v63  }
0xf8: {  	s23 =	simm.s32 $0x1D00  }
0xf9: {  	[tilespmem:s23], [sflag:$0x1] =	stream.indirect.gather [hbm4b:s29+s10], $0x1, s15, s10, $0xb8;
	[tilespmem:$0x4E10] =	vst v63  }
0xfa: {  	s24 =	simm.s32 $0x3D00  }
0xfb: {  	[tilespmem:s24], [sflag:$0x1] =	stream.indirect.gather [hbm4b:s30+s10], $0x1, s16, s10, $0xb8;
	[tilespmem:$0x4E10] =	vst v63  }
0xfc: {  	s22 =	simm.s32 $0x1D80  }
0xfd: {  	[tilespmem:s22], [sflag:$0x1] =	stream.indirect.gather [hbm4b:s29+s10], $0x1, s17, s10, $0xb8;
	[tilespmem:$0x4E10] =	vst v63  }
0xfe: {  	s23 =	simm.s32 $0x3D80  }
0xff: {  	[tilespmem:s23], [sflag:$0x1] =	stream.indirect.gather [hbm4b:s30+s10], $0x1, s18, s10, $0xb8;
	[tilespmem:$0x4E10] =	vst v63  }
0x100: {  	s24 =	simm.s32 $0x1E00  }
0x101: {  	[tilespmem:s24], [sflag:$0x1] =	stream.indirect.gather [hbm4b:s0+s10], $0x1, s11, s10, $0xb8;
	[tilespmem:$0x4E10] =	vst v63  }
0x102: {  	s22 =	simm.s32 $0x3E00  }
0x103: {  	[tilespmem:s22], [sflag:$0x1] =	stream.indirect.gather [hbm4b:s7+s10], $0x1, s12, s10, $0xb8;
	[tilespmem:$0x4E10] =	vst v63  }
0x104: {  	s23 =	simm.s32 $0x1E80  }
0x105: {  	[tilespmem:s23], [sflag:$0x1] =	stream.indirect.gather [hbm4b:s0+s10], $0x1, s13, s10, $0xb8;
	[tilespmem:$0x4E10] =	vst v63  }
0x106: {  	s24 =	simm.s32 $0x3E80  }
0x107: {  	[tilespmem:s24], [sflag:$0x1] =	stream.indirect.gather [hbm4b:s7+s10], $0x1, s14, s10, $0xb8;
	[tilespmem:$0x4E10] =	vst v63  }
0x108: {  	s22 =	simm.s32 $0x1F00  }
0x109: {  	[tilespmem:s22], [sflag:$0x1] =	stream.indirect.gather [hbm4b:s0+s10], $0x1, s15, s10, $0xb8;
	[tilespmem:$0x4E10] =	vst v63  }
0x10a: {  	s23 =	simm.s32 $0x3F00  }
0x10b: {  	[tilespmem:s23], [sflag:$0x1] =	stream.indirect.gather [hbm4b:s7+s10], $0x1, s16, s10, $0xb8;
	[tilespmem:$0x4E10] =	vst v63  }
0x10c: {  	s24 =	simm.s32 $0x1F80  }
0x10d: {  	[tilespmem:s24], [sflag:$0x1] =	stream.indirect.gather [hbm4b:s0+s10], $0x1, s17, s10, $0xb8;
	[tilespmem:$0x4E10] =	vst v63  }
0x10e: {  	s22 =	simm.s32 $0x3F80  }
0x10f: {  	[tilespmem:s22], [sflag:$0x1] =	stream.indirect.gather [hbm4b:s7+s10], $0x1, s18, s10, $0xb8;
	[tilespmem:$0x4E10] =	vst v63  }
0x110: {  	s23 =	simm.s32 $0x2000  }
0x111: {  	[tilespmem:s23], [sflag:$0x1] =	stream.indirect.gather [hbm4b:s2+s10], $0x1, s11, s10, $0xb8;
	[tilespmem:$0x4E10] =	vst v63  }
0x112: {  	s24 =	simm.s32 $0x4000  }
0x113: {  	[tilespmem:s24], [sflag:$0x1] =	stream.indirect.gather [hbm4b:s8+s10], $0x1, s12, s10, $0xb8;
	[tilespmem:$0x4E10] =	vst v63  }
0x114: {  	s22 =	simm.s32 $0x2080  }
0x115: {  	[tilespmem:s22], [sflag:$0x1] =	stream.indirect.gather [hbm4b:s2+s10], $0x1, s13, s10, $0xb8;
	[tilespmem:$0x4E10] =	vst v63  }
0x116: {  	s23 =	simm.s32 $0x4080  }
0x117: {  	[tilespmem:s23], [sflag:$0x1] =	stream.indirect.gather [hbm4b:s8+s10], $0x1, s14, s10, $0xb8;
	[tilespmem:$0x4E10] =	vst v63  }
0x118: {  	s24 =	simm.s32 $0x2100  }
0x119: {  	[tilespmem:s24], [sflag:$0x1] =	stream.indirect.gather [hbm4b:s2+s10], $0x1, s15, s10, $0xb8;
	[tilespmem:$0x4E10] =	vst v63  }
0x11a: {  	s22 =	simm.s32 $0x4100  }
0x11b: {  	[tilespmem:s22], [sflag:$0x1] =	stream.indirect.gather [hbm4b:s8+s10], $0x1, s16, s10, $0xb8;
	[tilespmem:$0x4E10] =	vst v63  }
0x11c: {  	s23 =	simm.s32 $0x2180  }
0x11d: {  	[tilespmem:s23], [sflag:$0x1] =	stream.indirect.gather [hbm4b:s2+s10], $0x1, s17, s10, $0xb8;
	[tilespmem:$0x4E10] =	vst v63  }
0x11e: {  	s24 =	simm.s32 $0x4180  }
0x11f: {  	[tilespmem:s24], [sflag:$0x1] =	stream.indirect.gather [hbm4b:s8+s10], $0x1, s18, s10, $0xb8;
	[tilespmem:$0x4E10] =	vst v63  }
0x120: {  	s22 =	simm.s32 $0x2200  }
0x121: {  	[tilespmem:s22], [sflag:$0x1] =	stream.indirect.gather [hbm4b:s9+s10], $0x1, s11, s10, $0xb8;
	[tilespmem:$0x4E10] =	vst v63  }
0x122: {  	s23 =	simm.s32 $0x4200  }
0x123: {  	[tilespmem:s23], [sflag:$0x1] =	stream.indirect.gather [hbm4b:s31+s10], $0x1, s12, s10, $0xb8;
	[tilespmem:$0x4E10] =	vst v63  }
0x124: {  	s24 =	simm.s32 $0x2280  }
0x125: {  	[tilespmem:s24], [sflag:$0x1] =	stream.indirect.gather [hbm4b:s9+s10], $0x1, s13, s10, $0xb8;
	[tilespmem:$0x4E10] =	vst v63  }
0x126: {  	s22 =	simm.s32 $0x4280  }
0x127: {  	[tilespmem:s22], [sflag:$0x1] =	stream.indirect.gather [hbm4b:s31+s10], $0x1, s14, s10, $0xb8;
	[tilespmem:$0x4E10] =	vst v63  }
0x128: {  	s23 =	simm.s32 $0x2300  }
0x129: {  	[tilespmem:s23], [sflag:$0x1] =	stream.indirect.gather [hbm4b:s9+s10], $0x1, s15, s10, $0xb8;
	[tilespmem:$0x4E10] =	vst v63  }
0x12a: {  	s24 =	simm.s32 $0x4300  }
0x12b: {  	[tilespmem:s24], [sflag:$0x1] =	stream.indirect.gather [hbm4b:s31+s10], $0x1, s16, s10, $0xb8;
	[tilespmem:$0x4E10] =	vst v63  }
0x12c: {  	s22 =	simm.s32 $0x2380  }
0x12d: {  	[tilespmem:s22], [sflag:$0x1] =	stream.indirect.gather [hbm4b:s9+s10], $0x1, s17, s10, $0xb8;
	[tilespmem:$0x4E10] =	vst v63  }
0x12e: {  	s23 =	simm.s32 $0x4380  }
0x12f: {  	[tilespmem:s23], [sflag:$0x1] =	stream.indirect.gather [hbm4b:s31+s10], $0x1, s18, s10, $0xb8;
	[tilespmem:$0x4E10] =	vst v63  }
0x130: {  	s24 =	simm.s32 $0x2400  }
0x131: {  	[tilespmem:s24], [sflag:$0x1] =	stream.indirect.gather [hbm4b:s1+s10], $0x1, s11, s10, $0xb8;
	[tilespmem:$0x4E10] =	vst v63  }
0x132: {  	s22 =	simm.s32 $0x4400  }
0x133: {  	[tilespmem:s22], [sflag:$0x1] =	stream.indirect.gather [hbm4b:s3+s10], $0x1, s12, s10, $0xb8;
	[tilespmem:$0x4E10] =	vst v63  }
0x134: {  	s23 =	simm.s32 $0x2480  }
0x135: {  	[tilespmem:s23], [sflag:$0x1] =	stream.indirect.gather [hbm4b:s1+s10], $0x1, s13, s10, $0xb8;
	[tilespmem:$0x4E10] =	vst v63  }
0x136: {  	s24 =	simm.s32 $0x4480  }
0x137: {  	[tilespmem:s24], [sflag:$0x1] =	stream.indirect.gather [hbm4b:s3+s10], $0x1, s14, s10, $0xb8;
	[tilespmem:$0x4E10] =	vst v63  }
0x138: {  	s22 =	simm.s32 $0x2500  }
0x139: {  	[tilespmem:s22], [sflag:$0x1] =	stream.indirect.gather [hbm4b:s1+s10], $0x1, s15, s10, $0xb8;
	[tilespmem:$0x4E10] =	vst v63  }
0x13a: {  	s23 =	simm.s32 $0x4500  }
0x13b: {  	[tilespmem:s23], [sflag:$0x1] =	stream.indirect.gather [hbm4b:s3+s10], $0x1, s16, s10, $0xb8;
	[tilespmem:$0x4E10] =	vst v63  }
0x13c: {  	s24 =	simm.s32 $0x2580  }
0x13d: {  	[tilespmem:s24], [sflag:$0x1] =	stream.indirect.gather [hbm4b:s1+s10], $0x1, s17, s10, $0xb8;
	[tilespmem:$0x4E10] =	vst v63  }
0x13e: {  	s22 =	simm.s32 $0x4580  }
0x13f: {  	[tilespmem:s22], [sflag:$0x1] =	stream.indirect.gather [hbm4b:s3+s10], $0x1, s18, s10, $0xb8;
	[tilespmem:$0x4E10] =	vst v63  }
0x140: {  	s23 =	simm.s32 $0x2600  }
0x141: {  	[tilespmem:s23], [sflag:$0x1] =	stream.indirect.gather [hbm4b:s4+s10], $0x1, s11, s10, $0xb8;
	[tilespmem:$0x4E10] =	vst v63  }
0x142: {  	s24 =	simm.s32 $0x4600  }
0x143: {  	[tilespmem:s24], [sflag:$0x1] =	stream.indirect.gather [hbm4b:s5+s10], $0x1, s12, s10, $0xb8;
	[tilespmem:$0x4E10] =	vst v63  }
0x144: {  	s22 =	simm.s32 $0x2680  }
0x145: {  	[tilespmem:s22], [sflag:$0x1] =	stream.indirect.gather [hbm4b:s4+s10], $0x1, s13, s10, $0xb8;
	[tilespmem:$0x4E10] =	vst v63  }
0x146: {  	s23 =	simm.s32 $0x4680  }
0x147: {  	[tilespmem:s23], [sflag:$0x1] =	stream.indirect.gather [hbm4b:s5+s10], $0x1, s14, s10, $0xb8;
	[tilespmem:$0x4E10] =	vst v63  }
0x148: {  	s24 =	simm.s32 $0x2700  }
0x149: {  	[tilespmem:s24], [sflag:$0x1] =	stream.indirect.gather [hbm4b:s4+s10], $0x1, s15, s10, $0xb8;
	[tilespmem:$0x4E10] =	vst v63  }
0x14a: {  	s22 =	simm.s32 $0x4700  }
0x14b: {  	[tilespmem:s22], [sflag:$0x1] =	stream.indirect.gather [hbm4b:s5+s10], $0x1, s16, s10, $0xb8;
	[tilespmem:$0x4E10] =	vst v63  }
0x14c: {  	s23 =	simm.s32 $0x2780  }
0x14d: {  	[tilespmem:s23], [sflag:$0x1] =	stream.indirect.gather [hbm4b:s4+s10], $0x1, s17, s10, $0xb8;
	[tilespmem:$0x4E10] =	vst v63  }
0x14e: {  	s24 =	simm.s32 $0x4780  }
0x14f: {  	[tilespmem:s24], [sflag:$0x1] =	stream.indirect.gather [hbm4b:s5+s10], $0x1, s18, s10, $0xb8;
	[tilespmem:$0x4E10] =	vst v63  }
0x150: {  	_ =	swait.ge [sflag:s19], $0x80  }
0x151: {  	[sflag:s19] =	ssyncset.done $0x0  }
0x152: {  	[sflag:s19] =	ssyncadd.s32 $0xFFFFFF80  }
0x153: {  	_ =	swait.ge [sflag:s19], $0x80  }
0x154: {  	[sflag:s19] =	ssyncset.done $0x0  }
0x155: {  	[sflag:s19] =	ssyncadd.s32 $0xFFFFFF80  }
0x156: {  	_ =	swait.ge [sflag:s19], $0x80  }
0x157: {  	[sflag:s19] =	ssyncset.done $0x0  }
0x158: {  	[sflag:s19] =	ssyncadd.s32 $0xFFFFFF80  }
0x159: {  	_ =	swait.ge [sflag:s19], $0x80  }
0x15a: {  	[sflag:s19] =	ssyncset.done $0x0  }
0x15b: {  	[sflag:s19] =	ssyncadd.s32 $0xFFFFFF80  }
0x15c: {  	_ =	swait.ge [sflag:s19], $0x80  }
0x15d: {  	[sflag:s19] =	ssyncset.done $0x0  }
0x15e: {  	[sflag:s19] =	ssyncadd.s32 $0xFFFFFF80  }
0x15f: {  	_ =	swait.ge [sflag:s19], $0x80  }
0x160: {  	[sflag:s19] =	ssyncset.done $0x0  }
0x161: {  	[sflag:s19] =	ssyncadd.s32 $0xFFFFFF80  }
0x162: {  	_ =	swait.ge [sflag:s19], $0x80  }
0x163: {  	[sflag:s19] =	ssyncset.done $0x0  }
0x164: {  	[sflag:s19] =	ssyncadd.s32 $0xFFFFFF80  }
0x165: {  	_ =	swait.ge [sflag:s19], $0x80  }
0x166: {  	[sflag:s19] =	ssyncset.done $0x0  }
0x167: {  	[sflag:s19] =	ssyncadd.s32 $0xFFFFFF80  }
0x168: {  	_ =	swait.ge [sflag:s19], $0x80  }
0x169: {  	[sflag:s19] =	ssyncset.done $0x0  }
0x16a: {  	[sflag:s19] =	ssyncadd.s32 $0xFFFFFF80  }
0x16b: {  	_ =	swait.ge [sflag:s19], $0x80  }
0x16c: {  	[sflag:s19] =	ssyncset.done $0x0  }
0x16d: {  	[sflag:s19] =	ssyncadd.s32 $0xFFFFFF80  }
0x16e: {  	_ =	swait.ge [sflag:s19], $0x80  }
0x16f: {  	[sflag:s19] =	ssyncset.done $0x0  }
0x170: {  	[sflag:s19] =	ssyncadd.s32 $0xFFFFFF80  }
0x171: {  	_ =	swait.ge [sflag:s19], $0x80  }
0x172: {  	[sflag:s19] =	ssyncset.done $0x0  }
0x173: {  	[sflag:s19] =	ssyncadd.s32 $0xFFFFFF80  }
0x174: {  	_ =	swait.ge [sflag:s19], $0x80  }
0x175: {  	[sflag:s19] =	ssyncset.done $0x0  }
0x176: {  	[sflag:s19] =	ssyncadd.s32 $0xFFFFFF80  }
0x177: {  	_ =	swait.ge [sflag:s19], $0x80  }
0x178: {  	[sflag:s19] =	ssyncset.done $0x0  }
0x179: {  	[sflag:s19] =	ssyncadd.s32 $0xFFFFFF80  }
0x17a: {  	_ =	swait.ge [sflag:s19], $0x80  }
0x17b: {  	[sflag:s19] =	ssyncset.done $0x0  }
0x17c: {  	[sflag:s19] =	ssyncadd.s32 $0xFFFFFF80  }
0x17d: {  	_ =	swait.ge [sflag:s19], $0x80  }
0x17e: {  	[sflag:s19] =	ssyncset.done $0x0  }
0x17f: {  	[sflag:s19] =	ssyncadd.s32 $0xFFFFFF80  }
0x180: {  	_ =	swait.ge [sflag:s19], $0x80  }
0x181: {  	[sflag:s19] =	ssyncset.done $0x0  }
0x182: {  	[sflag:s19] =	ssyncadd.s32 $0xFFFFFF80  }
0x183: {  	_ =	swait.ge [sflag:s19], $0x80  }
0x184: {  	[sflag:s19] =	ssyncset.done $0x0  }
0x185: {  	[sflag:s19] =	ssyncadd.s32 $0xFFFFFF80  }
0x186: {  	_ =	swait.ge [sflag:s19], $0x80  }
0x187: {  	[sflag:s19] =	ssyncset.done $0x0  }
0x188: {  	[sflag:s19] =	ssyncadd.s32 $0xFFFFFF80  }
0x189: {  	_ =	swait.ge [sflag:s19], $0x80  }
0x18a: {  	[sflag:s19] =	ssyncset.done $0x0  }
0x18b: {  	[sflag:s19] =	ssyncadd.s32 $0xFFFFFF80  }
0x18c: {  	_ =	swait.ge [sflag:s19], $0x80  }
0x18d: {  	[sflag:s19] =	ssyncset.done $0x0  }
0x18e: {  	[sflag:s19] =	ssyncadd.s32 $0xFFFFFF80  }
0x18f: {  	_ =	swait.ge [sflag:s19], $0x80  }
0x190: {  	[sflag:s19] =	ssyncset.done $0x0  }
0x191: {  	[sflag:s19] =	ssyncadd.s32 $0xFFFFFF80  }
0x192: {  	_ =	swait.ge [sflag:s19], $0x80  }
0x193: {  	[sflag:s19] =	ssyncset.done $0x0  }
0x194: {  	[sflag:s19] =	ssyncadd.s32 $0xFFFFFF80  }
0x195: {  	_ =	swait.ge [sflag:s19], $0x80  }
0x196: {  	[sflag:s19] =	ssyncset.done $0x0  }
0x197: {  	[sflag:s19] =	ssyncadd.s32 $0xFFFFFF80  }
0x198: {  	_ =	swait.ge [sflag:s19], $0x80  }
0x199: {  	[sflag:s19] =	ssyncset.done $0x0  }
0x19a: {  	[sflag:s19] =	ssyncadd.s32 $0xFFFFFF80  }
0x19b: {  	_ =	swait.ge [sflag:s19], $0x80  }
0x19c: {  	[sflag:s19] =	ssyncset.done $0x0  }
0x19d: {  	[sflag:s19] =	ssyncadd.s32 $0xFFFFFF80  }
0x19e: {  	_ =	swait.ge [sflag:s19], $0x80  }
0x19f: {  	[sflag:s19] =	ssyncset.done $0x0  }
0x1a0: {  	[sflag:s19] =	ssyncadd.s32 $0xFFFFFF80  }
0x1a1: {  	_ =	swait.ge [sflag:s19], $0x80  }
0x1a2: {  	[sflag:s19] =	ssyncset.done $0x0  }
0x1a3: {  	[sflag:s19] =	ssyncadd.s32 $0xFFFFFF80  }
0x1a4: {  	_ =	swait.ge [sflag:s19], $0x80  }
0x1a5: {  	[sflag:s19] =	ssyncset.done $0x0  }
0x1a6: {  	[sflag:s19] =	ssyncadd.s32 $0xFFFFFF80  }
0x1a7: {  	_ =	swait.ge [sflag:s19], $0x80  }
0x1a8: {  	[sflag:s19] =	ssyncset.done $0x0  }
0x1a9: {  	[sflag:s19] =	ssyncadd.s32 $0xFFFFFF80  }
0x1aa: {  	_ =	swait.ge [sflag:s19], $0x80  }
0x1ab: {  	[sflag:s19] =	ssyncset.done $0x0  }
0x1ac: {  	[sflag:s19] =	ssyncadd.s32 $0xFFFFFF80  }
0x1ad: {  	_ =	swait.ge [sflag:s19], $0x80  }
0x1ae: {  	[sflag:s19] =	ssyncset.done $0x0  }
0x1af: {  	[sflag:s19] =	ssyncadd.s32 $0xFFFFFF80  }
0x1b0: {  	_ =	swait.ge [sflag:s19], $0x80  }
0x1b1: {  	[sflag:s19] =	ssyncset.done $0x0  }
0x1b2: {  	[sflag:s19] =	ssyncadd.s32 $0xFFFFFF80  }
0x1b3: {  	_ =	swait.ge [sflag:s19], $0x80  }
0x1b4: {  	[sflag:s19] =	ssyncset.done $0x0  }
0x1b5: {  	[sflag:s19] =	ssyncadd.s32 $0xFFFFFF80  }
0x1b6: {  	_ =	swait.ge [sflag:s19], $0x80  }
0x1b7: {  	[sflag:s19] =	ssyncset.done $0x0  }
0x1b8: {  	[sflag:s19] =	ssyncadd.s32 $0xFFFFFF80  }
0x1b9: {  	_ =	swait.ge [sflag:s19], $0x80  }
0x1ba: {  	[sflag:s19] =	ssyncset.done $0x0  }
0x1bb: {  	[sflag:s19] =	ssyncadd.s32 $0xFFFFFF80  }
0x1bc: {  	_ =	swait.ge [sflag:s19], $0x80  }
0x1bd: {  	[sflag:s19] =	ssyncset.done $0x0  }
0x1be: {  	[sflag:s19] =	ssyncadd.s32 $0xFFFFFF80  }
0x1bf: {  	_ =	swait.ge [sflag:s19], $0x80  }
0x1c0: {  	[sflag:s19] =	ssyncset.done $0x0  }
0x1c1: {  	[sflag:s19] =	ssyncadd.s32 $0xFFFFFF80  }
0x1c2: {  	_ =	swait.ge [sflag:s19], $0x80  }
0x1c3: {  	[sflag:s19] =	ssyncset.done $0x0  }
0x1c4: {  	[sflag:s19] =	ssyncadd.s32 $0xFFFFFF80  }
0x1c5: {  	_ =	swait.ge [sflag:s19], $0x80  }
0x1c6: {  	[sflag:s19] =	ssyncset.done $0x0  }
0x1c7: {  	[sflag:s19] =	ssyncadd.s32 $0xFFFFFF80  }
0x1c8: {  	_ =	swait.ge [sflag:s19], $0x80  }
0x1c9: {  	[sflag:s19] =	ssyncset.done $0x0  }
0x1ca: {  	[sflag:s19] =	ssyncadd.s32 $0xFFFFFF80  }
0x1cb: {  	_ =	swait.ge [sflag:s19], $0x80  }
0x1cc: {  	[sflag:s19] =	ssyncset.done $0x0  }
0x1cd: {  	[sflag:s19] =	ssyncadd.s32 $0xFFFFFF80  }
0x1ce: {  	_ =	swait.ge [sflag:s19], $0x80  }
0x1cf: {  	[sflag:s19] =	ssyncset.done $0x0  }
0x1d0: {  	[sflag:s19] =	ssyncadd.s32 $0xFFFFFF80  }
0x1d1: {  	_ =	swait.ge [sflag:s19], $0x80  }
0x1d2: {  	[sflag:s19] =	ssyncset.done $0x0  }
0x1d3: {  	[sflag:s19] =	ssyncadd.s32 $0xFFFFFF80  }
0x1d4: {  	_ =	swait.ge [sflag:s19], $0x80  }
0x1d5: {  	[sflag:s19] =	ssyncset.done $0x0  }
0x1d6: {  	[sflag:s19] =	ssyncadd.s32 $0xFFFFFF80  }
0x1d7: {  	_ =	swait.ge [sflag:s19], $0x80  }
0x1d8: {  	[sflag:s19] =	ssyncset.done $0x0  }
0x1d9: {  	[sflag:s19] =	ssyncadd.s32 $0xFFFFFF80  }
0x1da: {  	_ =	swait.ge [sflag:s19], $0x80  }
0x1db: {  	[sflag:s19] =	ssyncset.done $0x0  }
0x1dc: {  	[sflag:s19] =	ssyncadd.s32 $0xFFFFFF80  }
0x1dd: {  	_ =	swait.ge [sflag:s19], $0x80  }
0x1de: {  	[sflag:s19] =	ssyncset.done $0x0  }
0x1df: {  	[sflag:s19] =	ssyncadd.s32 $0xFFFFFF80  }
0x1e0: {  	_ =	swait.ge [sflag:s19], $0x80  }
0x1e1: {  	[sflag:s19] =	ssyncset.done $0x0  }
0x1e2: {  	[sflag:s19] =	ssyncadd.s32 $0xFFFFFF80  }
0x1e3: {  	_ =	swait.ge [sflag:s19], $0x80  }
0x1e4: {  	[sflag:s19] =	ssyncset.done $0x0  }
0x1e5: {  	[sflag:s19] =	ssyncadd.s32 $0xFFFFFF80  }
0x1e6: {  	_ =	swait.ge [sflag:s19], $0x80  }
0x1e7: {  	[sflag:s19] =	ssyncset.done $0x0  }
0x1e8: {  	[sflag:s19] =	ssyncadd.s32 $0xFFFFFF80  }
0x1e9: {  	_ =	swait.ge [sflag:s19], $0x80  }
0x1ea: {  	[sflag:s19] =	ssyncset.done $0x0  }
0x1eb: {  	[sflag:s19] =	ssyncadd.s32 $0xFFFFFF80  }
0x1ec: {  	_ =	swait.ge [sflag:s19], $0x80  }
0x1ed: {  	[sflag:s19] =	ssyncset.done $0x0  }
0x1ee: {  	[sflag:s19] =	ssyncadd.s32 $0xFFFFFF80  }
0x1ef: {  	_ =	swait.ge [sflag:s19], $0x80  }
0x1f0: {  	[sflag:s19] =	ssyncset.done $0x0  }
0x1f1: {  	[sflag:s19] =	ssyncadd.s32 $0xFFFFFF80  }
0x1f2: {  	_ =	swait.ge [sflag:s19], $0x80  }
0x1f3: {  	[sflag:s19] =	ssyncset.done $0x0  }
0x1f4: {  	[sflag:s19] =	ssyncadd.s32 $0xFFFFFF80  }
0x1f5: {  	_ =	swait.ge [sflag:s19], $0x80  }
0x1f6: {  	[sflag:s19] =	ssyncset.done $0x0  }
0x1f7: {  	[sflag:s19] =	ssyncadd.s32 $0xFFFFFF80  }
0x1f8: {  	_ =	swait.ge [sflag:s19], $0x80  }
0x1f9: {  	[sflag:s19] =	ssyncset.done $0x0  }
0x1fa: {  	[sflag:s19] =	ssyncadd.s32 $0xFFFFFF80  }
0x1fb: {  	_ =	swait.ge [sflag:s19], $0x80  }
0x1fc: {  	[sflag:s19] =	ssyncset.done $0x0  }
0x1fd: {  	[sflag:s19] =	ssyncadd.s32 $0xFFFFFF80  }
0x1fe: {  	_ =	swait.ge [sflag:s19], $0x80  }
0x1ff: {  	[sflag:s19] =	ssyncset.done $0x0  }
0x200: {  	[sflag:s19] =	ssyncadd.s32 $0xFFFFFF80  }
0x201: {  	_ =	swait.ge [sflag:s19], $0x80  }
0x202: {  	[sflag:s19] =	ssyncset.done $0x0  }
0x203: {  	[sflag:s19] =	ssyncadd.s32 $0xFFFFFF80  }
0x204: {  	_ =	swait.ge [sflag:s19], $0x80  }
0x205: {  	[sflag:s19] =	ssyncset.done $0x0  }
0x206: {  	[sflag:s19] =	ssyncadd.s32 $0xFFFFFF80  }
0x207: {  	_ =	swait.ge [sflag:s19], $0x80  }
0x208: {  	[sflag:s19] =	ssyncset.done $0x0  }
0x209: {  	[sflag:s19] =	ssyncadd.s32 $0xFFFFFF80  }
0x20a: {  	_ =	swait.ge [sflag:s19], $0x80  }
0x20b: {  	[sflag:s19] =	ssyncset.done $0x0  }
0x20c: {  	[sflag:s19] =	ssyncadd.s32 $0xFFFFFF80  }
0x20d: {  	_ =	swait.ge [sflag:s19], $0x80  }
0x20e: {  	[sflag:s19] =	ssyncset.done $0x0  }
0x20f: {  	[sflag:s19] =	ssyncadd.s32 $0xFFFFFF80  }
0x210: {  	_ =	swait.ge [sflag:s19], $0x80  }
0x211: {  	[sflag:s19] =	ssyncset.done $0x0  }
0x212: {  	[sflag:s19] =	ssyncadd.s32 $0xFFFFFF80  }
0x213: {  	_ =	swait.ge [sflag:s19], $0x80  }
0x214: {  	[sflag:s19] =	ssyncset.done $0x0  }
0x215: {  	[sflag:s19] =	ssyncadd.s32 $0xFFFFFF80  }
0x216: {  	_ =	swait.ge [sflag:s19], $0x80  }
0x217: {  	[sflag:s19] =	ssyncset.done $0x0  }
0x218: {  	[sflag:s19] =	ssyncadd.s32 $0xFFFFFF80  }
0x219: {  	_ =	swait.ge [sflag:s19], $0x80  }
0x21a: {  	[sflag:s19] =	ssyncset.done $0x0  }
0x21b: {  	[sflag:s19] =	ssyncadd.s32 $0xFFFFFF80  }
0x21c: {  	_ =	swait.ge [sflag:s19], $0x80  }
0x21d: {  	[sflag:s19] =	ssyncset.done $0x0  }
0x21e: {  	[sflag:s19] =	ssyncadd.s32 $0xFFFFFF80  }
0x21f: {  	_ =	swait.ge [sflag:s19], $0x80  }
0x220: {  	[sflag:s19] =	ssyncset.done $0x0  }
0x221: {  	[sflag:s19] =	ssyncadd.s32 $0xFFFFFF80  }
0x222: {  	_ =	swait.ge [sflag:s19], $0x80  }
0x223: {  	[sflag:s19] =	ssyncset.done $0x0  }
0x224: {  	[sflag:s19] =	ssyncadd.s32 $0xFFFFFF80  }
0x225: {  	_ =	swait.ge [sflag:s19], $0x80  }
0x226: {  	[sflag:s19] =	ssyncset.done $0x0  }
0x227: {  	[sflag:s19] =	ssyncadd.s32 $0xFFFFFF80  }
0x228: {  	_ =	swait.ge [sflag:s19], $0x80  }
0x229: {  	[sflag:s19] =	ssyncset.done $0x0  }
0x22a: {  	[sflag:s19] =	ssyncadd.s32 $0xFFFFFF80  }
0x22b: {  	_ =	swait.ge [sflag:s19], $0x80  }
0x22c: {  	[sflag:s19] =	ssyncset.done $0x0  }
0x22d: {  	[sflag:s19] =	ssyncadd.s32 $0xFFFFFF80  }
0x22e: {  	_ =	swait.ge [sflag:s19], $0x80  }
0x22f: {  	[sflag:s19] =	ssyncset.done $0x0  }
0x230: {  	[sflag:s19] =	ssyncadd.s32 $0xFFFFFF80  }
0x231: {  	_ =	swait.ge [sflag:s19], $0x80  }
0x232: {  	[sflag:s19] =	ssyncset.done $0x0  }
0x233: {  	[sflag:s19] =	ssyncadd.s32 $0xFFFFFF80  }
0x234: {  	_ =	swait.ge [sflag:s19], $0x80  }
0x235: {  	[sflag:s19] =	ssyncset.done $0x0  }
0x236: {  	[sflag:s19] =	ssyncadd.s32 $0xFFFFFF80  }
0x237: {  	_ =	swait.ge [sflag:s19], $0x80  }
0x238: {  	[sflag:s19] =	ssyncset.done $0x0  }
0x239: {  	[sflag:s19] =	ssyncadd.s32 $0xFFFFFF80  }
0x23a: {  	_ =	swait.ge [sflag:s19], $0x80  }
0x23b: {  	[sflag:s19] =	ssyncset.done $0x0  }
0x23c: {  	[sflag:s19] =	ssyncadd.s32 $0xFFFFFF80  }
0x23d: {  	_ =	swait.ge [sflag:s19], $0x80  }
0x23e: {  	[sflag:s19] =	ssyncset.done $0x0  }
0x23f: {  	[sflag:s19] =	ssyncadd.s32 $0xFFFFFF80  }
0x240: {  	_ =	swait.ge [sflag:s19], $0x80  }
0x241: {  	[sflag:s19] =	ssyncset.done $0x0  }
0x242: {  	[sflag:s19] =	ssyncadd.s32 $0xFFFFFF80  }
0x243: {  	_ =	swait.ge [sflag:s19], $0x80  }
0x244: {  	[sflag:s19] =	ssyncset.done $0x0  }
0x245: {  	[sflag:s19] =	ssyncadd.s32 $0xFFFFFF80  }
0x246: {  	_ =	swait.ge [sflag:s19], $0x80  }
0x247: {  	[sflag:s19] =	ssyncset.done $0x0  }
0x248: {  	[sflag:s19] =	ssyncadd.s32 $0xFFFFFF80  }
0x249: {  	_ =	swait.ge [sflag:s19], $0x80  }
0x24a: {  	[sflag:s19] =	ssyncset.done $0x0  }
0x24b: {  	[sflag:s19] =	ssyncadd.s32 $0xFFFFFF80  }
0x24c: {  	_ =	swait.ge [sflag:s19], $0x80  }
0x24d: {  	[sflag:s19] =	ssyncset.done $0x0  }
0x24e: {  	[sflag:s19] =	ssyncadd.s32 $0xFFFFFF80  }
0x24f: {  	_ =	swait.ge [sflag:s19], $0x80  }
0x250: {  	[sflag:s19] =	ssyncset.done $0x0  }
0x251: {  	[sflag:s19] =	ssyncadd.s32 $0xFFFFFF80  }
0x252: {  	_ =	swait.ge [sflag:s19], $0x80  }
0x253: {  	[sflag:s19] =	ssyncset.done $0x0  }
0x254: {  	[sflag:s19] =	ssyncadd.s32 $0xFFFFFF80  }
0x255: {  	_ =	swait.ge [sflag:s19], $0x80  }
0x256: {  	[sflag:s19] =	ssyncset.done $0x0  }
0x257: {  	[sflag:s19] =	ssyncadd.s32 $0xFFFFFF80  }
0x258: {  	_ =	swait.ge [sflag:s19], $0x80  }
0x259: {  	[sflag:s19] =	ssyncset.done $0x0  }
0x25a: {  	[sflag:s19] =	ssyncadd.s32 $0xFFFFFF80  }
0x25b: {  	_ =	swait.ge [sflag:s19], $0x80  }
0x25c: {  	[sflag:s19] =	ssyncset.done $0x0  }
0x25d: {  	[sflag:s19] =	ssyncadd.s32 $0xFFFFFF80  }
0x25e: {  	_ =	swait.ge [sflag:s19], $0x80  }
0x25f: {  	[sflag:s19] =	ssyncset.done $0x0  }
0x260: {  	[sflag:s19] =	ssyncadd.s32 $0xFFFFFF80  }
0x261: {  	_ =	swait.ge [sflag:s19], $0x80  }
0x262: {  	[sflag:s19] =	ssyncset.done $0x0  }
0x263: {  	[sflag:s19] =	ssyncadd.s32 $0xFFFFFF80  }
0x264: {  	_ =	swait.ge [sflag:s19], $0x80  }
0x265: {  	[sflag:s19] =	ssyncset.done $0x0  }
0x266: {  	[sflag:s19] =	ssyncadd.s32 $0xFFFFFF80  }
0x267: {  	_ =	swait.ge [sflag:s19], $0x80  }
0x268: {  	[sflag:s19] =	ssyncset.done $0x0  }
0x269: {  	[sflag:s19] =	ssyncadd.s32 $0xFFFFFF80  }
0x26a: {  	_ =	swait.ge [sflag:s19], $0x80  }
0x26b: {  	[sflag:s19] =	ssyncset.done $0x0  }
0x26c: {  	[sflag:s19] =	ssyncadd.s32 $0xFFFFFF80  }
0x26d: {  	_ =	swait.ge [sflag:s19], $0x80  }
0x26e: {  	[sflag:s19] =	ssyncset.done $0x0  }
0x26f: {  	[sflag:s19] =	ssyncadd.s32 $0xFFFFFF80  }
0x270: {  	_ =	swait.ge [sflag:s19], $0x80  }
0x271: {  	[sflag:s19] =	ssyncset.done $0x0  }
0x272: {  	[sflag:s19] =	ssyncadd.s32 $0xFFFFFF80  }
0x273: {  	_ =	swait.ge [sflag:s19], $0x80  }
0x274: {  	[sflag:s19] =	ssyncset.done $0x0  }
0x275: {  	[sflag:s19] =	ssyncadd.s32 $0xFFFFFF80  }
0x276: {  	_ =	swait.ge [sflag:s19], $0x80  }
0x277: {  	[sflag:s19] =	ssyncset.done $0x0  }
0x278: {  	[sflag:s19] =	ssyncadd.s32 $0xFFFFFF80  }
0x279: {  	_ =	swait.ge [sflag:s19], $0x80  }
0x27a: {  	[sflag:s19] =	ssyncset.done $0x0  }
0x27b: {  	[sflag:s19] =	ssyncadd.s32 $0xFFFFFF80  }
0x27c: {  	_ =	swait.ge [sflag:s19], $0x80  }
0x27d: {  	[sflag:s19] =	ssyncset.done $0x0  }
0x27e: {  	[sflag:s19] =	ssyncadd.s32 $0xFFFFFF80  }
0x27f: {  	_ =	swait.ge [sflag:s19], $0x80  }
0x280: {  	[sflag:s19] =	ssyncset.done $0x0  }
0x281: {  	[sflag:s19] =	ssyncadd.s32 $0xFFFFFF80  }
0x282: {  	_ =	swait.ge [sflag:s19], $0x80  }
0x283: {  	[sflag:s19] =	ssyncset.done $0x0  }
0x284: {  	[sflag:s19] =	ssyncadd.s32 $0xFFFFFF80  }
0x285: {  	_ =	swait.ge [sflag:s19], $0x80  }
0x286: {  	[sflag:s19] =	ssyncset.done $0x0  }
0x287: {  	[sflag:s19] =	ssyncadd.s32 $0xFFFFFF80  }
0x288: {  	_ =	swait.ge [sflag:s19], $0x80  }
0x289: {  	[sflag:s19] =	ssyncset.done $0x0  }
0x28a: {  	[sflag:s19] =	ssyncadd.s32 $0xFFFFFF80  }
0x28b: {  	_ =	swait.ge [sflag:s19], $0x80  }
0x28c: {  	[sflag:s19] =	ssyncset.done $0x0  }
0x28d: {  	[sflag:s19] =	ssyncadd.s32 $0xFFFFFF80  }
0x28e: {  	_ =	swait.ge [sflag:s19], $0x80  }
0x28f: {  	[sflag:s19] =	ssyncset.done $0x0  }
0x290: {  	[sflag:s19] =	ssyncadd.s32 $0xFFFFFF80  }
0x291: {  	_ =	swait.ge [sflag:s19], $0x80  }
0x292: {  	[sflag:s19] =	ssyncset.done $0x0  }
0x293: {  	[sflag:s19] =	ssyncadd.s32 $0xFFFFFF80  }
0x294: {  	_ =	swait.ge [sflag:s19], $0x80  }
0x295: {  	[sflag:s19] =	ssyncset.done $0x0  }
0x296: {  	[sflag:s19] =	ssyncadd.s32 $0xFFFFFF80  }
0x297: {  	_ =	swait.ge [sflag:s19], $0x80  }
0x298: {  	[sflag:s19] =	ssyncset.done $0x0  }
0x299: {  	[sflag:s19] =	ssyncadd.s32 $0xFFFFFF80  }
0x29a: {  	_ =	swait.ge [sflag:s19], $0x80  }
0x29b: {  	[sflag:s19] =	ssyncset.done $0x0  }
0x29c: {  	[sflag:s19] =	ssyncadd.s32 $0xFFFFFF80  }
0x29d: {  	_ =	swait.ge [sflag:s19], $0x80  }
0x29e: {  	[sflag:s19] =	ssyncset.done $0x0  }
0x29f: {  	[sflag:s19] =	ssyncadd.s32 $0xFFFFFF80  }
0x2a0: {  	_ =	swait.ge [sflag:s19], $0x80  }
0x2a1: {  	[sflag:s19] =	ssyncset.done $0x0  }
0x2a2: {  	[sflag:s19] =	ssyncadd.s32 $0xFFFFFF80  }
0x2a3: {  	_ =	swait.ge [sflag:s19], $0x80  }
0x2a4: {  	[sflag:s19] =	ssyncset.done $0x0  }
0x2a5: {  	[sflag:s19] =	ssyncadd.s32 $0xFFFFFF80  }
0x2a6: {  	_ =	swait.ge [sflag:s19], $0x80  }
0x2a7: {  	[sflag:s19] =	ssyncset.done $0x0  }
0x2a8: {  	[sflag:s19] =	ssyncadd.s32 $0xFFFFFF80  }
0x2a9: {  	_ =	swait.ge [sflag:s19], $0x80  }
0x2aa: {  	[sflag:s19] =	ssyncset.done $0x0  }
0x2ab: {  	[sflag:s19] =	ssyncadd.s32 $0xFFFFFF80  }
0x2ac: {  	_ =	swait.ge [sflag:s19], $0x80  }
0x2ad: {  	[sflag:s19] =	ssyncset.done $0x0  }
0x2ae: {  	[sflag:s19] =	ssyncadd.s32 $0xFFFFFF80  }
0x2af: {  	_ =	swait.ge [sflag:s19], $0x80  }
0x2b0: {  	[sflag:s19] =	ssyncset.done $0x0  }
0x2b1: {  	[sflag:s19] =	ssyncadd.s32 $0xFFFFFF80  }
0x2b2: {  	_ =	swait.ge [sflag:s19], $0x80  }
0x2b3: {  	[sflag:s19] =	ssyncset.done $0x0  }
0x2b4: {  	[sflag:s19] =	ssyncadd.s32 $0xFFFFFF80  }
0x2b5: {  	_ =	swait.ge [sflag:s19], $0x80  }
0x2b6: {  	[sflag:s19] =	ssyncset.done $0x0  }
0x2b7: {  	[sflag:s19] =	ssyncadd.s32 $0xFFFFFF80  }
0x2b8: {  	_ =	swait.ge [sflag:s19], $0x80  }
0x2b9: {  	[sflag:s19] =	ssyncset.done $0x0  }
0x2ba: {  	[sflag:s19] =	ssyncadd.s32 $0xFFFFFF80  }
0x2bb: {  	_ =	swait.ge [sflag:s19], $0x80  }
0x2bc: {  	[sflag:s19] =	ssyncset.done $0x0  }
0x2bd: {  	[sflag:s19] =	ssyncadd.s32 $0xFFFFFF80  }
0x2be: {  	_ =	swait.ge [sflag:s19], $0x80  }
0x2bf: {  	[sflag:s19] =	ssyncset.done $0x0  }
0x2c0: {  	[sflag:s19] =	ssyncadd.s32 $0xFFFFFF80  }
0x2c1: {  	_ =	swait.ge [sflag:s19], $0x80  }
0x2c2: {  	[sflag:s19] =	ssyncset.done $0x0  }
0x2c3: {  	[sflag:s19] =	ssyncadd.s32 $0xFFFFFF80  }
0x2c4: {  	_ =	swait.ge [sflag:s19], $0x80  }
0x2c5: {  	[sflag:s19] =	ssyncset.done $0x0  }
0x2c6: {  	[sflag:s19] =	ssyncadd.s32 $0xFFFFFF80  }
0x2c7: {  	_ =	swait.ge [sflag:s19], $0x80  }
0x2c8: {  	[sflag:s19] =	ssyncset.done $0x0  }
0x2c9: {  	[sflag:s19] =	ssyncadd.s32 $0xFFFFFF80  }
0x2ca: {  	_ =	swait.ge [sflag:s19], $0x80  }
0x2cb: {  	[sflag:s19] =	ssyncset.done $0x0  }
0x2cc: {  	[sflag:s19] =	ssyncadd.s32 $0xFFFFFF80  }
0x2cd: {  	_ =	swait.ge [sflag:s19], $0x80  }
0x2ce: {  	[sflag:s19] =	ssyncset.done $0x0  }
0x2cf: {  	[sflag:s19] =	ssyncadd.s32 $0xFFFFFF80  }
0x2d0: {  	_ =	swait.ge [sflag:s19], $0x80  }
0x2d1: {  	[sflag:s19] =	ssyncset.done $0x0  }
0x2d2: {  	[sflag:s19] =	ssyncadd.s32 $0xFFFFFF80  }
0x2d3: {  	_ =	swait.ge [sflag:s19], $0x80  }
0x2d4: {  	[sflag:s19] =	ssyncset.done $0x0  }
0x2d5: {  	[sflag:s19] =	ssyncadd.s32 $0xFFFFFF80  }
0x2d6: {  	_ =	swait.ge [sflag:s19], $0x80  }
0x2d7: {  	[sflag:s19] =	ssyncset.done $0x0  }
0x2d8: {  	[sflag:s19] =	ssyncadd.s32 $0xFFFFFF80  }
0x2d9: {  	_ =	swait.ge [sflag:s19], $0x80  }
0x2da: {  	[sflag:s19] =	ssyncset.done $0x0  }
0x2db: {  	[sflag:s19] =	ssyncadd.s32 $0xFFFFFF80  }
0x2dc: {  	_ =	swait.ge [sflag:s19], $0x80  }
0x2dd: {  	[sflag:s19] =	ssyncset.done $0x0  }
0x2de: {  	[sflag:s19] =	ssyncadd.s32 $0xFFFFFF80  }
0x2df: {  	_ =	swait.ge [sflag:s19], $0x80  }
0x2e0: {  	[sflag:s19] =	ssyncset.done $0x0  }
0x2e1: {  	[sflag:s19] =	ssyncadd.s32 $0xFFFFFF80  }
0x2e2: {  	_ =	swait.ge [sflag:s19], $0x80  }
0x2e3: {  	[sflag:s19] =	ssyncset.done $0x0  }
0x2e4: {  	[sflag:s19] =	ssyncadd.s32 $0xFFFFFF80  }
0x2e5: {  	_ =	swait.ge [sflag:s19], $0x80  }
0x2e6: {  	[sflag:s19] =	ssyncset.done $0x0  }
0x2e7: {  	[sflag:s19] =	ssyncadd.s32 $0xFFFFFF80  }
0x2e8: {  	s21 =	simm.s32 $0x0;
	v0 =	vld [tilespmem:$0x4C00]  }
0x2e9: {  	v1 =	vld [tilespmem:s21+$0x4800]  }
0x2ea: {  	v2 =	vld [tilespmem:s21+$0x4A00]  }
0x2eb: {  	v3 =	vld [tilespmem:s21+$0x800]  }
0x2ec: {  	v4 =	vld [tilespmem:s21+$0x2800]  }
0x2ed: {  	v5 =	vld [tilespmem:s21+$0xA00]  }
0x2ee: {  	v6 =	vld [tilespmem:s21+$0x2A00]  }
0x2ef: {  	v7 =	vld [tilespmem:s21+$0x2C00];
	v1 =	vadd.f32 v2, v1  }
0x2f0: {  	v2 =	vld [tilespmem:s21+$0xC00]  }
0x2f1: {  	v8 =	vld [tilespmem:s21+$0x2E00];
	v3 =	vmul.f32 v4, v3;
	v1 =	vadd.f32 v1, v0  }
0x2f2: {  	v4 =	vld [tilespmem:s21+$0xE00]  }
0x2f3: {  	v1 =	vadd.f32 v3, v1;
	v3 =	vmul.f32 v6, v5;
	v5 =	vld [tilespmem:s21+$0x1000]  }
0x2f4: {  	v6 =	vld [tilespmem:s21+$0x3000]  }
0x2f5: {  	v2 =	vmul.f32 v7, v2;
	v7 =	vld [tilespmem:s21+$0x3200];
	v1 =	vadd.f32 v3, v1  }
0x2f6: {  	v3 =	vld [tilespmem:s21+$0x1200]  }
0x2f7: {  	v1 =	vadd.f32 v2, v1;
	v2 =	vmul.f32 v8, v4;
	v4 =	vld [tilespmem:s21+$0x1400]  }
0x2f8: {  	v8 =	vld [tilespmem:s21+$0x3400]  }
0x2f9: {  	v1 =	vadd.f32 v2, v1;
	v2 =	vmul.f32 v6, v5;
	v5 =	vld [tilespmem:s21+$0x1600]  }
0x2fa: {  	v6 =	vld [tilespmem:s21+$0x3600]  }
0x2fb: {  	v1 =	vadd.f32 v2, v1;
	v2 =	vmul.f32 v7, v3;
	v3 =	vld [tilespmem:s21+$0x1800]  }
0x2fc: {  	v7 =	vld [tilespmem:s21+$0x3800]  }
0x2fd: {  	v1 =	vadd.f32 v2, v1;
	v2 =	vmul.f32 v8, v4;
	v4 =	vld [tilespmem:s21+$0x1A00]  }
0x2fe: {  	v8 =	vld [tilespmem:s21+$0x3A00]  }
0x2ff: {  	v1 =	vadd.f32 v2, v1;
	v2 =	vmul.f32 v6, v5;
	v5 =	vld [tilespmem:s21+$0x1C00]  }
0x300: {  	v6 =	vld [tilespmem:s21+$0x3C00]  }
0x301: {  	v1 =	vadd.f32 v2, v1;
	v2 =	vmul.f32 v7, v3;
	v3 =	vld [tilespmem:s21+$0x1E00]  }
0x302: {  	v7 =	vld [tilespmem:s21+$0x3E00]  }
0x303: {  	v1 =	vadd.f32 v2, v1;
	v2 =	vmul.f32 v8, v4;
	v4 =	vld [tilespmem:s21+$0x2000]  }
0x304: {  	v8 =	vld [tilespmem:s21+$0x4000]  }
0x305: {  	v9 =	vld [tilespmem:s21+$0x4200];
	v1 =	vadd.f32 v2, v1;
	v2 =	vmul.f32 v6, v5  }
0x306: {  	v6 =	vld [tilespmem:s21+$0x2200]  }
0x307: {  	v5 =	vmul.f32 v7, v3;
	v3 =	vld [tilespmem:s21+$0x4400];
	v1 =	vadd.f32 v2, v1  }
0x308: {  	v2 =	vld [tilespmem:s21+$0x2400]  }
0x309: {  	v8 =	vmul.f32 v8, v4;
	v4 =	vld [tilespmem:s21+$0x4600];
	v5 =	vadd.f32 v5, v1  }
0x30a: {  	s22 =	simm.s32 $0x10;
	v1 =	vld [tilespmem:s21+$0x2600]  }
0x30b: {  	s23 =	simm.s32 $0x80;
	v7 =	vld [tilespmem:s22+$0x4800];
	v6 =	vmul.f32 v9, v6;
	v5 =	vadd.f32 v8, v5  }
.LBB2_4:
0x30c: {  	p0 =	sne.s32 s23, $0x7C0;
	v8 =	vld [tilespmem:s22+$0x4A00]  }
0x30d: {  	v9 =	vld [tilespmem:s22+$0x800];
	v5 =	vadd.f32 v6, v5;
	v2 =	vmul.f32 v3, v2  }
0x30e: {  	v3 =	vld [tilespmem:s22+$0x2800]  }
0x30f: {  	v6 =	vld [tilespmem:s22+$0xA00];
	v2 =	vadd.f32 v2, v5;
	v1 =	vmul.f32 v4, v1  }
0x310: {  	v4 =	vld [tilespmem:s22+$0x2A00]  }
0x311: {  	v5 =	vadd.f32 v8, v7;
	v7 =	vld [tilespmem:s22+$0xC00];
	v1 =	vadd.f32 v1, v2  }
0x312: {  	v2 =	vld [tilespmem:s22+$0x2C00]  }
0x313: {  	v5 =	vadd.f32 v5, v0;
	v3 =	vmul.f32 v3, v9;
	v8 =	vld [tilespmem:s22+$0xE00];
	v1 =	vsub.f32 $0.0e+00, v1  }
0x314: {  	v9 =	vld [tilespmem:s22+$0x2E00]  }
0x315: {  	v3 =	vadd.f32 v3, v5;
	v4 =	vmul.f32 v4, v6;
	v5 =	vld [tilespmem:s22+$0x1000];
	v1 =	vmul.f32 $1.442695020e+00, v1  }
0x316: {  	v6 =	vld [tilespmem:s22+$0x3000]  }
0x317: {  	v3 =	vadd.f32 v4, v3;
	v2 =	vmul.f32 v2, v7;
	v4 =	vld [tilespmem:s22+$0x1200];
	(erf) = vpow2.f32 v1  }
0x318: {  	v1 =	vld [tilespmem:s22+$0x3200]  }
0x319: {  	v2 =	vadd.f32 v2, v3;
	v3 =	vmul.f32 v9, v8;
	v7 =	vld [tilespmem:s22+$0x1400]  }
0x31a: {  	v8 =	vld [tilespmem:s22+$0x3400]  }
0x31b: {  	v2 =	vadd.f32 v3, v2;
	v3 =	vmul.f32 v6, v5;
	v5 =	vld [tilespmem:s22+$0x1600]  }
0x31c: {  	v6 =	vld [tilespmem:s22+$0x3600]  }
0x31d: {  	v2 =	vadd.f32 v3, v2;
	v1 =	vmul.f32 v1, v4;
	v3 =	vld [tilespmem:s22+$0x1800]  }
0x31e: {  	v4 =	vld [tilespmem:s22+$0x3800]  }
0x31f: {  	v1 =	vadd.f32 v1, v2;
	v2 =	vmul.f32 v8, v7;
	v7 =	vld [tilespmem:s22+$0x1A00]  }
0x320: {  	v8 =	vld [tilespmem:s22+$0x3A00];
	v9 =	vpop (erf)  }
0x321: {  	v1 =	vadd.f32 v2, v1;
	v2 =	vmul.f32 v6, v5;
	v5 =	vld [tilespmem:s22+$0x1C00];
	v6 =	vadd.f32 $1.000000000e+00, v9  }
0x322: {  	v9 =	vld [tilespmem:s22+$0x3C00]  }
0x323: {  	v1 =	vadd.f32 v2, v1;
	v2 =	vmul.f32 v4, v3;
	v3 =	vld [tilespmem:s22+$0x1E00];
	(erf) = vrcp.f32 v6  }
0x324: {  	v4 =	vld [tilespmem:s22+$0x3E00]  }
0x325: {  	v1 =	vadd.f32 v2, v1;
	v2 =	vmul.f32 v8, v7;
	v6 =	vld [tilespmem:s22+$0x2000]  }
0x326: {  	v7 =	vld [tilespmem:s22+$0x4000]  }
0x327: {  	v1 =	vadd.f32 v2, v1;
	v2 =	vmul.f32 v9, v5;
	v8 =	vld [tilespmem:s22+$0x2200]  }
0x328: {  	v9 =	vld [tilespmem:s22+$0x4200]  }
.Ltmp1:
0x329: {  	v1 =	vadd.f32 v2, v1;
	v4 =	vmul.f32 v4, v3;
	v2 =	vld [tilespmem:s22+$0x2400];
	(pc) =	sbr.rel @p0 .LBB2_4-.Ltmp1, $4  }
0x32a: {  	v3 =	vld [tilespmem:s22+$0x4400]  }
0x32b: {  	v5 =	vadd.f32 v4, v1;
	v6 =	vmul.f32 v7, v6;
	v1 =	vld [tilespmem:s22+$0x2600]  }
0x32c: {  	s24 =	sshra.s32 s23, $0x2;
	v4 =	vld [tilespmem:s22+$0x4600];
	v10 =	vpop (erf)  }
0x32d: {  	s23 =	sadd.s32 $0x40, s23;
	v7 =	vld [tilespmem:s24+$0x4800];
	v5 =	vadd.f32 v6, v5;
	v6 =	vmul.f32 v9, v8;
	[tilespmem:s21+$0x4C10] =	vst v10;
	s21 =	smov.u32 s22;
	s22 =	smov.u32 s24  }
0x32e: {  	v8 =	vld [tilespmem:s22+$0x4A00]  }
0x32f: {  	v9 =	vld [tilespmem:s22+$0x800]  }
0x330: {  	v10 =	vld [tilespmem:s22+$0x2800]  }
0x331: {  	v11 =	vld [tilespmem:s22+$0xA00]  }
0x332: {  	v12 =	vld [tilespmem:s22+$0x2A00]  }
0x333: {  	v20 =	vld [tilespmem:s22+$0xC00];
	v7 =	vadd.f32 v8, v7  }
0x334: {  	v13 =	vld [tilespmem:s22+$0x2C00]  }
0x335: {  	v22 =	vld [tilespmem:s22+$0xE00];
	v21 =	vmul.f32 v10, v9;
	v0 =	vadd.f32 v7, v0  }
0x336: {  	v23 =	vld [tilespmem:s22+$0x2E00]  }
0x337: {  	v25 =	vld [tilespmem:s22+$0x1000];
	v24 =	vmul.f32 v12, v11;
	v0 =	vadd.f32 v21, v0  }
0x338: {  	v26 =	vld [tilespmem:s22+$0x3000]  }
0x339: {  	v28 =	vld [tilespmem:s22+$0x1200];
	v27 =	vmul.f32 v13, v20;
	v0 =	vadd.f32 v24, v0  }
0x33a: {  	v29 =	vld [tilespmem:s22+$0x3200]  }
0x33b: {  	v31 =	vld [tilespmem:s22+$0x1400];
	v30 =	vmul.f32 v23, v22;
	v0 =	vadd.f32 v27, v0  }
0x33c: {  	v32 =	vld [tilespmem:s22+$0x3400]  }
0x33d: {  	v34 =	vld [tilespmem:s22+$0x1600];
	v33 =	vmul.f32 v26, v25;
	v0 =	vadd.f32 v30, v0  }
0x33e: {  	v35 =	vld [tilespmem:s22+$0x3600]  }
0x33f: {  	v37 =	vld [tilespmem:s22+$0x1800];
	v36 =	vmul.f32 v29, v28;
	v0 =	vadd.f32 v33, v0  }
0x340: {  	v38 =	vld [tilespmem:s22+$0x3800]  }
0x341: {  	v40 =	vld [tilespmem:s22+$0x1A00];
	v39 =	vmul.f32 v32, v31;
	v0 =	vadd.f32 v36, v0  }
0x342: {  	v41 =	vld [tilespmem:s22+$0x3A00]  }
0x343: {  	v43 =	vld [tilespmem:s22+$0x1C00];
	v42 =	vmul.f32 v35, v34;
	v0 =	vadd.f32 v39, v0  }
0x344: {  	v44 =	vld [tilespmem:s22+$0x3C00];
	v5 =	vadd.f32 v6, v5;
	v2 =	vmul.f32 v3, v2  }
0x345: {  	v46 =	vld [tilespmem:s22+$0x1E00];
	v45 =	vmul.f32 v38, v37;
	v0 =	vadd.f32 v42, v0  }
0x346: {  	v47 =	vld [tilespmem:s22+$0x3E00];
	v2 =	vadd.f32 v2, v5;
	v1 =	vmul.f32 v4, v1  }
0x347: {  	v49 =	vld [tilespmem:s22+$0x2000];
	v48 =	vmul.f32 v41, v40;
	v0 =	vadd.f32 v45, v0  }
0x348: {  	v50 =	vld [tilespmem:s22+$0x4000];
	v1 =	vadd.f32 v1, v2  }
0x349: {  	v51 =	vld [tilespmem:s22+$0x2200];
	v3 =	vmul.f32 v44, v43;
	v0 =	vadd.f32 v48, v0  }
0x34a: {  	v52 =	vld [tilespmem:s22+$0x4200];
	v1 =	vsub.f32 $0.0e+00, v1  }
0x34b: {  	v54 =	vld [tilespmem:s22+$0x2400];
	v53 =	vmul.f32 v47, v46;
	v0 =	vadd.f32 v3, v0  }
0x34c: {  	v55 =	vld [tilespmem:s22+$0x4400];
	v1 =	vmul.f32 $1.442695020e+00, v1  }
0x34d: {  	v56 =	vld [tilespmem:s22+$0x2600];
	v2 =	vmul.f32 v50, v49;
	v0 =	vadd.f32 v53, v0  }
0x34e: {  	v57 =	vld [tilespmem:s22+$0x4600];
	(erf) = vpow2.f32 v1  }
0x34f: {  	v58 =	vmul.f32 v52, v51;
	v0 =	vadd.f32 v2, v0;
	_ =	sdelay $0x1  }
0x350: {  	v59 =	vmul.f32 v55, v54;
	v0 =	vadd.f32 v58, v0;
	_ =	sdelay $0x1  }
0x351: {  	v1 =	vmul.f32 v57, v56;
	v0 =	vadd.f32 v59, v0;
	_ =	sdelay $0x1  }
0x352: {  	v0 =	vadd.f32 v1, v0;
	_ =	sdelay $0x1  }
0x353: {  	v60 =	vpop (erf);
	v0 =	vsub.f32 $0.0e+00, v0  }
0x354: {  	v1 =	vadd.f32 $1.000000000e+00, v60  }
0x355: {  	v0 =	vmul.f32 $1.442695020e+00, v0  }
0x356: {  	(erf) = vrcp.f32 v1  }
0x357: {  	(erf) = vpow2.f32 v0;
	_ =	sdelay $0x7  }
0x358: {  	v61 =	vpop (erf)  }
0x359: {  	v62 =	vpop (erf)  }
0x35a: {  	v1 =	vadd.f32 $1.000000000e+00, v62;
	_ =	sdelay $0x1  }
0x35b: {  	(erf) = vrcp.f32 v1;
	_ =	sdelay $0x8  }
0x35c: {  	[tilespmem:s21+$0x4C10] =	vst v61;
	v63 =	vpop (erf)  }
0x35d: {  	s24 =	rddreg [dreg:$0x1b];
	s23 =	simm.s32 $0x4C10;
	s21 =	simm.s32 $0x0;
	[tilespmem:s22+$0x4C10] =	vst v63  }
0x35e: {  	[hbm4b:s24+s21] =	stream.linear.scatter [tilespmem:s23], [sflag:$0x2], $0x200, $0x38;
	[tilespmem:$0x4E10] =	vst v63  }
0x35f: {  	_ =	swait.ge [sflag:s6], $0x200  }
0x360: {  	s20 =	sadd.s32 $0x1, s20;
	s24 =	rddreg [dreg:$0x1c]  }
0x361: {  	p0 =	sne.s32 s20, s24  }
.Ltmp2:
0x362: {  	_ = 	snop;
	(pc) =	sbr.rel @p0 .LBB2_1-.Ltmp2, $3  }
0x363: {  	_ =	sdelay $0x1  }
0x364: {  	[sflag:s6] =	ssyncset.done $0x0  }
0x365: {  	[sflag:s6] =	ssyncadd.s32 $0xFFFFFE00;
	s24 =	simm.s32 $0x200  }
0x366: {  	_ =	sfence.sel $0x180000  }
0x367: {  	[bflag:$0x0] =	sbarrier.arrive $0xFFFF  }
0x368: {  	_ =	strace $0x90000047  }
0x369: {  	s0 =	stileid.u32;
	[bflag:$0x2] =	sbarrier.arrive $0xFFFF  }
0x36a: {  	p0 =	sne.s32 s0, $0x0;
	s0 =	rddreg [dreg:$0x4]  }
0x36b: {  	s0 =	sadd.s32 @!p0 $0x100000, s0  }
0x36c: {  	[sflag:s0] =	ssyncadd.tile.s32 @!p0 $0x1;
	_ =	shalt  }
.Lfunc_end2:
_tile_overlayer_lowered:
.L_overlay_start_2:
0x36d: {  	(tag) =	ssettag $0x2  }
0x36e: {  	s0 =	rddreg [dreg:$0x0];
	s2 =	stileid.u32  }
0x36f: {  	s1 =	rddreg [dreg:$0x1];
	p0 =	sne.s32 s2, $0x0  }
0x370: {  	s3 =	rddreg [dreg:$0x2];
	[bflag:$0x3] =	sbarrier.arrive $0xFFFF;
	s2 =	simm.s32 @!p0 $0x1C02  }
0x371: {  	[timem:s3], [sflag:s2] =	dma.local @!p0 [hbm:s0], s1  }
0x372: {  	s0 =	simm.s32 @!p0 $0x2  }
0x373: {  	_ =	swait.ge @!p0 [sflag:s0], s1  }
0x374: {  	s1 =	ssub.s32 @!p0 $0x0, s1;
	[sflag:s0] =	ssyncset.done @!p0 $0x0  }
0x375: {  	[sflag:s0] =	ssyncadd.s32 @!p0 s1  }
0x376: {  	[bflag:$0x3] =	sbarrier.arrive $0xFFFF  }
0x377: {  	_ =	shalt  }

</sc_bundles>
